<compile_context>
chip_gen: v7x
topology: tpu7x:2x2x1
jax: 0.10.2.dev20260603
libtpu: 0.0.44.dev20260713+nightly
codegen_flags: <defaults>
</compile_context>

<pallas_src>
import functools

import jax
import jax.numpy as jnp
from jax import lax
from jax.experimental import pallas as pl
from jax.experimental.pallas import tpu as pltpu
from jax.experimental.pallas import tpu_sc as plsc

NUM_CHAR_TYPES = 1000
E = 32
D = 128
LOC = 4
NMASK = 8
N = 1024 * 4 * 50

NC, NS, L = 2, 16, 16
NW = NC * NS
RPW = N // NW
C = 128
NCHUNK = RPW // C
GCH = 10
NG = NCHUNK // GCH
GROUP_C = GCH * C
GROUP_M = GROUP_C * NMASK


def _project_body(emb_ref, w_ref, b_ref, out_ref):
    part = jnp.dot(emb_ref[...], w_ref[...], preferred_element_type=jnp.float32)
    sel = jnp.where(pl.program_id(0) == 0, 1.0, 0.0)
    out_ref[...] = part + sel * b_ref[...]


def _project_tables(emb_table, We, b2):
    return pl.pallas_call(
        _project_body,
        grid=(LOC,),
        in_specs=[
            pl.BlockSpec((NUM_CHAR_TYPES, E), lambda l: (0, 0)),
            pl.BlockSpec((E, D), lambda l: (l, 0)),
            pl.BlockSpec((1, D), lambda l: (0, 0)),
        ],
        out_specs=pl.BlockSpec((NUM_CHAR_TYPES, D), lambda l: (l, 0)),
        out_shape=jax.ShapeDtypeStruct((LOC * NUM_CHAR_TYPES, D),
                                       jnp.float32),
    )(emb_table, We, b2)


def _sc_body(p_hbm, charst_hbm, masks_hbm, wm_hbm, out_hbm,
             idxg, maskg, gbuf, wm_v, sg0, sg1, ss0, ss1):
    wid = lax.axis_index("s") * NC + lax.axis_index("c")
    wbase = wid * RPW
    sem_g = (sg0, sg1)
    sem_s = (ss0, ss1)

    pltpu.sync_copy(wm_hbm, wm_v)

    def load_group(g):
        gb = g % 2
        for l in range(LOC):
            pltpu.sync_copy(
                charst_hbm.at[pl.ds(l * N + wbase + g * GROUP_C, GROUP_C)],
                idxg.at[gb, pl.ds(l * GROUP_C, GROUP_C)])
        pltpu.sync_copy(masks_hbm.at[pl.ds(wbase * NMASK + g * GROUP_M,
                                           GROUP_M)], maskg.at[gb])
        for l in range(LOC):
            if l == 0:
                continue
            off = jnp.full((L,), l * NUM_CHAR_TYPES, jnp.int32)

            @plsc.parallel_loop(0, GROUP_C // L, 1, unroll=8)
            def _(i, l=l, off=off):
                sl = pl.ds(l * GROUP_C + i * L, L)
                idxg[gb, sl] = idxg[gb, sl] + off

    def fire_gather_adds(ci, b):
        gb = (ci // GCH) % 2
        coff = (ci % GCH) * C
        for l in range(LOC):
            pltpu.async_copy(
                p_hbm.at[idxg.at[gb, pl.ds(l * GROUP_C + coff, C)]],
                gbuf.at[b], sem_g[b], add=True)

    def wait_gather_adds(ci, b):
        gb = (ci // GCH) % 2
        coff = (ci % GCH) * C
        for l in range(LOC):
            pltpu.make_async_copy(
                p_hbm.at[idxg.at[gb, pl.ds(l * GROUP_C + coff, C)]],
                gbuf.at[b], sem_g[b]).wait()

    def wait_store(b):
        pltpu.make_async_copy(gbuf.at[b], out_hbm.at[0], sem_s[b]).wait()

    def mask_term(ci, b):
        gb = (ci // GCH) % 2
        moff = (ci % GCH) * (C * NMASK)
        for half in range(2):
            wv = [[wm_v[j, pl.ds(half * 64 + k * L, L)] for k in range(4)]
                  for j in range(NMASK)]

            @plsc.parallel_loop(0, C // 2, 1, unroll=2)
            def row_body(r2, wv=wv, half=half):
                mv = maskg[gb, pl.ds(moff + r2 * (2 * NMASK), 2 * NMASK)]
                for rr in range(2):
                    r = r2 * 2 + rr
                    msp = [jnp.full((L,), mv[rr * NMASK + j], jnp.float32)
                           for j in range(NMASK)]
                    for k in range(4):
                        sl = pl.ds(half * 64 + k * L, L)
                        t = [msp[j] * wv[j][k] for j in range(NMASK)]
                        s0 = (t[0] + t[1]) + (t[2] + t[3])
                        s1 = (t[4] + t[5]) + (t[6] + t[7])
                        gbuf[b, r, sl] = s0 + s1

    load_group(0)

    def pair_body(cp, _):
        for b in range(2):
            ci = cp * 2 + b

            @pl.when(jnp.logical_and(ci % GCH == 0, ci > 0))
            def _():
                load_group(ci // GCH)

            @pl.when(ci >= 2)
            def _():
                wait_store(b)

            mask_term(ci, b)
            fire_gather_adds(ci, b)

            @pl.when(ci >= 1)
            def _():
                wait_gather_adds(ci - 1, 1 - b)
                pltpu.async_copy(gbuf.at[1 - b],
                                 out_hbm.at[wid * NCHUNK + ci - 1],
                                 sem_s[1 - b])
        return 0

    lax.fori_loop(0, NCHUNK // 2, pair_body, 0)
    wait_gather_adds(NCHUNK - 1, 1)
    pltpu.async_copy(gbuf.at[1], out_hbm.at[wid * NCHUNK + NCHUNK - 1],
                     sem_s[1])
    wait_store(0)
    wait_store(1)


@jax.jit
def _sc_encode(P, charst, masksf, Wm):
    mesh = plsc.VectorSubcoreMesh(core_axis_name="c", subcore_axis_name="s",
                                  num_cores=NC, num_subcores=NS)
    run = functools.partial(
        pl.kernel,
        out_type=jax.ShapeDtypeStruct((N // C, C, D), jnp.float32),
        mesh=mesh,
        compiler_params=pltpu.CompilerParams(needs_layout_passes=False),
        scratch_types=[
            pltpu.VMEM((2, LOC * GROUP_C), jnp.int32),
            pltpu.VMEM((2, GROUP_M), jnp.float32),
            pltpu.VMEM((2, C, D), jnp.float32),
            pltpu.VMEM((NMASK, D), jnp.float32),
            pltpu.SemaphoreType.DMA,
            pltpu.SemaphoreType.DMA,
            pltpu.SemaphoreType.DMA,
            pltpu.SemaphoreType.DMA,
        ],
    )(_sc_body)
    return run(P, charst, masksf, Wm)


def kernel(chars, masks, emb_table, W, b):
    B, EX, S, _ = chars.shape
    P = _project_tables(emb_table, W[: LOC * E], b.reshape(1, D))
    charst = chars.reshape(N, LOC).T.reshape(N * LOC).astype(jnp.int32)
    masksf = masks.reshape(N * NMASK)
    Wm = W[LOC * E:]
    out = _sc_encode(P, charst, masksf, Wm)
    return out.reshape(B, EX, S, D)

# --- scband reference (transcript-rebuilt; emitter-appended) ---
"""Pipeline reference for scband-encoder-60739427500329 (READ-ONLY COPY).

The authoritative reference and input builder live on the scoring server;
editing this copy changes nothing except your own understanding.
"""

import jax, jax.numpy as jnp
import numpy as np

NUM_CHAR_TYPES = 1000
CHAR_EMBED_DIM = 32
COLUMN_ENCODING_DIM = 128
B, EX, S, LOC = 1024, 4, 50, 4
IN_FEATURES = 4 * CHAR_EMBED_DIM + 8


def setup_inputs(seed: int = 0) -> dict:
    key = jax.random.key(seed)
    k1, k2, k3, k4 = jax.random.split(key, 4)
    chars = jax.random.randint(k1, (B, EX, S, LOC), 0, NUM_CHAR_TYPES, dtype=jnp.int64 if jax.config.jax_enable_x64 else jnp.int32)
    masks = jax.random.uniform(k2, (B, EX, S, 8), dtype=jnp.float32)
    emb_table = jax.random.normal(k3, (NUM_CHAR_TYPES, CHAR_EMBED_DIM), dtype=jnp.float32) * 0.02
    W = jax.random.normal(k4, (IN_FEATURES, COLUMN_ENCODING_DIM), dtype=jnp.float32) * (1.0 / np.sqrt(IN_FEATURES))
    b = jnp.zeros((COLUMN_ENCODING_DIM,), dtype=jnp.float32)
    return {"chars": chars, "masks": masks, "emb_table": emb_table, "W": W, "b": b}


def reference(chars, masks, emb_table, W, b):
    # char embedding lookup: [B, Ex, S, stateLoc] -> [B, Ex, S, stateLoc, charEmb]
    charEmb = jnp.take(emb_table, chars, axis=0)
    # stack inFeatures=('charEmb','stateLoc'): flatten last two dims -> 4*char_embed_dim
    charEmb = charEmb.reshape(B, EX, S, LOC * CHAR_EMBED_DIM)
    # cat with masks along inFeatures -> 4*E + 8
    x = jnp.concatenate([charEmb, masks], axis=-1)
    # column_encoding linear: inFeatures -> E
    e = jnp.dot(x, W) + b
    return e

if __name__ == "__main__":
    import jax
    _d = setup_inputs()
    print(jax.jit(kernel)(*tuple(_d.values())))

</pallas_src>

<mosaic_0001>
#map = affine_map<(d0, d1) -> (0, 0)>
#map1 = affine_map<(d0, d1) -> (0)>
#map2 = affine_map<(d0, d1) -> (0, 0, 0)>
module attributes {stable_mosaic.version = 14 : i64} {
  func.func @_sc_body(%arg0: i32, %arg1: i32, %arg2: memref<4000x128xf32, #tpu.memory_space<hbm>>, %arg3: memref<819200xi32, #tpu.memory_space<hbm>>, %arg4: memref<1638400xf32, #tpu.memory_space<hbm>>, %arg5: memref<8x128xf32, #tpu.memory_space<hbm>>, %arg6: memref<1600x128x128xf32, #tpu.memory_space<hbm>>, %arg7: memref<2x5120xi32, #tpu.memory_space<vmem>>, %arg8: memref<2x10240xf32, #tpu.memory_space<vmem>>, %arg9: memref<2x128x128xf32, #tpu.memory_space<vmem>>, %arg10: memref<8x128xf32, #tpu.memory_space<vmem>>, %arg11: memref<!tpu.dma_semaphore, #tpu.memory_space<semaphore_mem>>, %arg12: memref<!tpu.dma_semaphore, #tpu.memory_space<semaphore_mem>>, %arg13: memref<!tpu.dma_semaphore, #tpu.memory_space<semaphore_mem>>, %arg14: memref<!tpu.dma_semaphore, #tpu.memory_space<semaphore_mem>>) attributes {dimension_semantics = [#tpu.dimension_semantics<core_parallel>, #tpu.dimension_semantics<subcore_parallel>], iteration_bounds = array<i64: 2, 16>, scalar_prefetch = 0 : i64, scratch_operands = 8 : i64, tpu.core_type = #tpu.core_type<sc_vector_subcore>, window_params = [{transform_indices = #map}, {transform_indices = #map1}, {transform_indices = #map1}, {transform_indices = #map}, {transform_indices = #map2}]} {
    %mul3A = arith.constant 2 : i32
    %mul3A_0 = arith.muli %arg1, %mul3A : i32
    %add3A = arith.addi %mul3A_0, %arg0 : i32
    %mul3A_1 = arith.constant 6400 : i32
    %mul3A_2 = arith.muli %add3A, %mul3A_1 : i32
    "tpu.region"() ({
      %run_scoped3A_150 = tpu.sem_alloc : memref<!tpu.dma_semaphore, #tpu.memory_space<semaphore_mem>>
      tpu.enqueue_dma source(%arg5 : memref<8x128xf32, #tpu.memory_space<hbm>>) target(%arg10 : memref<8x128xf32, #tpu.memory_space<vmem>>) target_semaphore(%run_scoped3A_150 : memref<!tpu.dma_semaphore, #tpu.memory_space<semaphore_mem>>)
      tpu.wait_dma2 semaphore(%run_scoped3A_150 : memref<!tpu.dma_semaphore, #tpu.memory_space<semaphore_mem>>) src(%arg5 : memref<8x128xf32, #tpu.memory_space<hbm>>) dst(%arg10 : memref<8x128xf32, #tpu.memory_space<vmem>>)
      tpu.yield
    }) : () -> ()
    %add3A_3 = arith.constant 0 : i32
    %add3A_4 = arith.addi %add3A_3, %mul3A_2 : i32
    %add3A_5 = arith.constant 0 : i32
    %add3A_6 = arith.addi %add3A_4, %add3A_5 : i32
    %run_scoped3A = arith.constant 0 : i32
    "tpu.region"() ({
      %run_scoped3A_150 = tpu.sem_alloc : memref<!tpu.dma_semaphore, #tpu.memory_space<semaphore_mem>>
      %dma_start3A_151 = arith.constant 0 : i32
      %dma_start3A_152 = tpu.memref_slice %arg7[%run_scoped3A, %dma_start3A_151] : memref<2x5120xi32, #tpu.memory_space<vmem>> -> memref<1x1280xi32, #tpu.memory_space<vmem>>
      %dma_start3A_153 = tpu.memref_squeeze %dma_start3A_152 : memref<1x1280xi32, #tpu.memory_space<vmem>> -> memref<1280xi32, #tpu.memory_space<vmem>>
      %dma_start3A_154 = tpu.memref_slice %arg3[%add3A_6] : memref<819200xi32, #tpu.memory_space<hbm>> -> memref<1280xi32, #tpu.memory_space<hbm>>
      %dma_start3A_155 = arith.constant 0 : i32
      %dma_start3A_156 = tpu.memref_slice %arg7[%run_scoped3A, %dma_start3A_155] : memref<2x5120xi32, #tpu.memory_space<vmem>> -> memref<1x1280xi32, #tpu.memory_space<vmem>>
      %dma_start3A_157 = tpu.memref_squeeze %dma_start3A_156 : memref<1x1280xi32, #tpu.memory_space<vmem>> -> memref<1280xi32, #tpu.memory_space<vmem>>
      %dma_start3A_158 = tpu.memref_slice %arg3[%add3A_6] : memref<819200xi32, #tpu.memory_space<hbm>> -> memref<1280xi32, #tpu.memory_space<hbm>>
      tpu.enqueue_dma source(%dma_start3A_158 : memref<1280xi32, #tpu.memory_space<hbm>>) target(%dma_start3A_157 : memref<1280xi32, #tpu.memory_space<vmem>>) target_semaphore(%run_scoped3A_150 : memref<!tpu.dma_semaphore, #tpu.memory_space<semaphore_mem>>)
      %dma_wait3A_159 = arith.constant 0 : i32
      %dma_wait3A_160 = tpu.memref_slice %arg7[%run_scoped3A, %dma_wait3A_159] : memref<2x5120xi32, #tpu.memory_space<vmem>> -> memref<1x1280xi32, #tpu.memory_space<vmem>>
      %dma_wait3A_161 = tpu.memref_squeeze %dma_wait3A_160 : memref<1x1280xi32, #tpu.memory_space<vmem>> -> memref<1280xi32, #tpu.memory_space<vmem>>
      %dma_wait3A_162 = tpu.memref_slice %arg3[%add3A_6] : memref<819200xi32, #tpu.memory_space<hbm>> -> memref<1280xi32, #tpu.memory_space<hbm>>
      %dma_wait3A_163 = arith.constant 0 : i32
      %dma_wait3A_164 = tpu.memref_slice %arg7[%run_scoped3A, %dma_wait3A_163] : memref<2x5120xi32, #tpu.memory_space<vmem>> -> memref<1x1280xi32, #tpu.memory_space<vmem>>
      %dma_wait3A_165 = tpu.memref_squeeze %dma_wait3A_164 : memref<1x1280xi32, #tpu.memory_space<vmem>> -> memref<1280xi32, #tpu.memory_space<vmem>>
      %dma_wait3A_166 = tpu.memref_slice %arg3[%add3A_6] : memref<819200xi32, #tpu.memory_space<hbm>> -> memref<1280xi32, #tpu.memory_space<hbm>>
      tpu.wait_dma2 semaphore(%run_scoped3A_150 : memref<!tpu.dma_semaphore, #tpu.memory_space<semaphore_mem>>) src(%dma_wait3A_166 : memref<1280xi32, #tpu.memory_space<hbm>>) dst(%dma_wait3A_165 : memref<1280xi32, #tpu.memory_space<vmem>>)
      tpu.yield
    }) : () -> ()
    %add3A_7 = arith.constant 204800 : i32
    %add3A_8 = arith.addi %add3A_7, %mul3A_2 : i32
    %add3A_9 = arith.constant 0 : i32
    %add3A_10 = arith.addi %add3A_8, %add3A_9 : i32
    %run_scoped3A_11 = arith.constant 0 : i32
    "tpu.region"() ({
      %run_scoped3A_150 = tpu.sem_alloc : memref<!tpu.dma_semaphore, #tpu.memory_space<semaphore_mem>>
      %dma_start3A_151 = arith.constant 1280 : i32
      %dma_start3A_152 = tpu.memref_slice %arg7[%run_scoped3A_11, %dma_start3A_151] : memref<2x5120xi32, #tpu.memory_space<vmem>> -> memref<1x1280xi32, #tpu.memory_space<vmem>>
      %dma_start3A_153 = tpu.memref_squeeze %dma_start3A_152 : memref<1x1280xi32, #tpu.memory_space<vmem>> -> memref<1280xi32, #tpu.memory_space<vmem>>
      %dma_start3A_154 = tpu.memref_slice %arg3[%add3A_10] : memref<819200xi32, #tpu.memory_space<hbm>> -> memref<1280xi32, #tpu.memory_space<hbm>>
      %dma_start3A_155 = arith.constant 1280 : i32
      %dma_start3A_156 = tpu.memref_slice %arg7[%run_scoped3A_11, %dma_start3A_155] : memref<2x5120xi32, #tpu.memory_space<vmem>> -> memref<1x1280xi32, #tpu.memory_space<vmem>>
      %dma_start3A_157 = tpu.memref_squeeze %dma_start3A_156 : memref<1x1280xi32, #tpu.memory_space<vmem>> -> memref<1280xi32, #tpu.memory_space<vmem>>
      %dma_start3A_158 = tpu.memref_slice %arg3[%add3A_10] : memref<819200xi32, #tpu.memory_space<hbm>> -> memref<1280xi32, #tpu.memory_space<hbm>>
      tpu.enqueue_dma source(%dma_start3A_158 : memref<1280xi32, #tpu.memory_space<hbm>>) target(%dma_start3A_157 : memref<1280xi32, #tpu.memory_space<vmem>>) target_semaphore(%run_scoped3A_150 : memref<!tpu.dma_semaphore, #tpu.memory_space<semaphore_mem>>)
      %dma_wait3A_159 = arith.constant 1280 : i32
      %dma_wait3A_160 = tpu.memref_slice %arg7[%run_scoped3A_11, %dma_wait3A_159] : memref<2x5120xi32, #tpu.memory_space<vmem>> -> memref<1x1280xi32, #tpu.memory_space<vmem>>
      %dma_wait3A_161 = tpu.memref_squeeze %dma_wait3A_160 : memref<1x1280xi32, #tpu.memory_space<vmem>> -> memref<1280xi32, #tpu.memory_space<vmem>>
      %dma_wait3A_162 = tpu.memref_slice %arg3[%add3A_10] : memref<819200xi32, #tpu.memory_space<hbm>> -> memref<1280xi32, #tpu.memory_space<hbm>>
      %dma_wait3A_163 = arith.constant 1280 : i32
      %dma_wait3A_164 = tpu.memref_slice %arg7[%run_scoped3A_11, %dma_wait3A_163] : memref<2x5120xi32, #tpu.memory_space<vmem>> -> memref<1x1280xi32, #tpu.memory_space<vmem>>
      %dma_wait3A_165 = tpu.memref_squeeze %dma_wait3A_164 : memref<1x1280xi32, #tpu.memory_space<vmem>> -> memref<1280xi32, #tpu.memory_space<vmem>>
      %dma_wait3A_166 = tpu.memref_slice %arg3[%add3A_10] : memref<819200xi32, #tpu.memory_space<hbm>> -> memref<1280xi32, #tpu.memory_space<hbm>>
      tpu.wait_dma2 semaphore(%run_scoped3A_150 : memref<!tpu.dma_semaphore, #tpu.memory_space<semaphore_mem>>) src(%dma_wait3A_166 : memref<1280xi32, #tpu.memory_space<hbm>>) dst(%dma_wait3A_165 : memref<1280xi32, #tpu.memory_space<vmem>>)
      tpu.yield
    }) : () -> ()
    %add3A_12 = arith.constant 409600 : i32
    %add3A_13 = arith.addi %add3A_12, %mul3A_2 : i32
    %add3A_14 = arith.constant 0 : i32
    %add3A_15 = arith.addi %add3A_13, %add3A_14 : i32
    %run_scoped3A_16 = arith.constant 0 : i32
    "tpu.region"() ({
      %run_scoped3A_150 = tpu.sem_alloc : memref<!tpu.dma_semaphore, #tpu.memory_space<semaphore_mem>>
      %dma_start3A_151 = arith.constant 2560 : i32
      %dma_start3A_152 = tpu.memref_slice %arg7[%run_scoped3A_16, %dma_start3A_151] : memref<2x5120xi32, #tpu.memory_space<vmem>> -> memref<1x1280xi32, #tpu.memory_space<vmem>>
      %dma_start3A_153 = tpu.memref_squeeze %dma_start3A_152 : memref<1x1280xi32, #tpu.memory_space<vmem>> -> memref<1280xi32, #tpu.memory_space<vmem>>
      %dma_start3A_154 = tpu.memref_slice %arg3[%add3A_15] : memref<819200xi32, #tpu.memory_space<hbm>> -> memref<1280xi32, #tpu.memory_space<hbm>>
      %dma_start3A_155 = arith.constant 2560 : i32
      %dma_start3A_156 = tpu.memref_slice %arg7[%run_scoped3A_16, %dma_start3A_155] : memref<2x5120xi32, #tpu.memory_space<vmem>> -> memref<1x1280xi32, #tpu.memory_space<vmem>>
      %dma_start3A_157 = tpu.memref_squeeze %dma_start3A_156 : memref<1x1280xi32, #tpu.memory_space<vmem>> -> memref<1280xi32, #tpu.memory_space<vmem>>
      %dma_start3A_158 = tpu.memref_slice %arg3[%add3A_15] : memref<819200xi32, #tpu.memory_space<hbm>> -> memref<1280xi32, #tpu.memory_space<hbm>>
      tpu.enqueue_dma source(%dma_start3A_158 : memref<1280xi32, #tpu.memory_space<hbm>>) target(%dma_start3A_157 : memref<1280xi32, #tpu.memory_space<vmem>>) target_semaphore(%run_scoped3A_150 : memref<!tpu.dma_semaphore, #tpu.memory_space<semaphore_mem>>)
      %dma_wait3A_159 = arith.constant 2560 : i32
      %dma_wait3A_160 = tpu.memref_slice %arg7[%run_scoped3A_16, %dma_wait3A_159] : memref<2x5120xi32, #tpu.memory_space<vmem>> -> memref<1x1280xi32, #tpu.memory_space<vmem>>
      %dma_wait3A_161 = tpu.memref_squeeze %dma_wait3A_160 : memref<1x1280xi32, #tpu.memory_space<vmem>> -> memref<1280xi32, #tpu.memory_space<vmem>>
      %dma_wait3A_162 = tpu.memref_slice %arg3[%add3A_15] : memref<819200xi32, #tpu.memory_space<hbm>> -> memref<1280xi32, #tpu.memory_space<hbm>>
      %dma_wait3A_163 = arith.constant 2560 : i32
      %dma_wait3A_164 = tpu.memref_slice %arg7[%run_scoped3A_16, %dma_wait3A_163] : memref<2x5120xi32, #tpu.memory_space<vmem>> -> memref<1x1280xi32, #tpu.memory_space<vmem>>
      %dma_wait3A_165 = tpu.memref_squeeze %dma_wait3A_164 : memref<1x1280xi32, #tpu.memory_space<vmem>> -> memref<1280xi32, #tpu.memory_space<vmem>>
      %dma_wait3A_166 = tpu.memref_slice %arg3[%add3A_15] : memref<819200xi32, #tpu.memory_space<hbm>> -> memref<1280xi32, #tpu.memory_space<hbm>>
      tpu.wait_dma2 semaphore(%run_scoped3A_150 : memref<!tpu.dma_semaphore, #tpu.memory_space<semaphore_mem>>) src(%dma_wait3A_166 : memref<1280xi32, #tpu.memory_space<hbm>>) dst(%dma_wait3A_165 : memref<1280xi32, #tpu.memory_space<vmem>>)
      tpu.yield
    }) : () -> ()
    %add3A_17 = arith.constant 614400 : i32
    %add3A_18 = arith.addi %add3A_17, %mul3A_2 : i32
    %add3A_19 = arith.constant 0 : i32
    %add3A_20 = arith.addi %add3A_18, %add3A_19 : i32
    %run_scoped3A_21 = arith.constant 0 : i32
    "tpu.region"() ({
      %run_scoped3A_150 = tpu.sem_alloc : memref<!tpu.dma_semaphore, #tpu.memory_space<semaphore_mem>>
      %dma_start3A_151 = arith.constant 3840 : i32
      %dma_start3A_152 = tpu.memref_slice %arg7[%run_scoped3A_21, %dma_start3A_151] : memref<2x5120xi32, #tpu.memory_space<vmem>> -> memref<1x1280xi32, #tpu.memory_space<vmem>>
      %dma_start3A_153 = tpu.memref_squeeze %dma_start3A_152 : memref<1x1280xi32, #tpu.memory_space<vmem>> -> memref<1280xi32, #tpu.memory_space<vmem>>
      %dma_start3A_154 = tpu.memref_slice %arg3[%add3A_20] : memref<819200xi32, #tpu.memory_space<hbm>> -> memref<1280xi32, #tpu.memory_space<hbm>>
      %dma_start3A_155 = arith.constant 3840 : i32
      %dma_start3A_156 = tpu.memref_slice %arg7[%run_scoped3A_21, %dma_start3A_155] : memref<2x5120xi32, #tpu.memory_space<vmem>> -> memref<1x1280xi32, #tpu.memory_space<vmem>>
      %dma_start3A_157 = tpu.memref_squeeze %dma_start3A_156 : memref<1x1280xi32, #tpu.memory_space<vmem>> -> memref<1280xi32, #tpu.memory_space<vmem>>
      %dma_start3A_158 = tpu.memref_slice %arg3[%add3A_20] : memref<819200xi32, #tpu.memory_space<hbm>> -> memref<1280xi32, #tpu.memory_space<hbm>>
      tpu.enqueue_dma source(%dma_start3A_158 : memref<1280xi32, #tpu.memory_space<hbm>>) target(%dma_start3A_157 : memref<1280xi32, #tpu.memory_space<vmem>>) target_semaphore(%run_scoped3A_150 : memref<!tpu.dma_semaphore, #tpu.memory_space<semaphore_mem>>)
      %dma_wait3A_159 = arith.constant 3840 : i32
      %dma_wait3A_160 = tpu.memref_slice %arg7[%run_scoped3A_21, %dma_wait3A_159] : memref<2x5120xi32, #tpu.memory_space<vmem>> -> memref<1x1280xi32, #tpu.memory_space<vmem>>
      %dma_wait3A_161 = tpu.memref_squeeze %dma_wait3A_160 : memref<1x1280xi32, #tpu.memory_space<vmem>> -> memref<1280xi32, #tpu.memory_space<vmem>>
      %dma_wait3A_162 = tpu.memref_slice %arg3[%add3A_20] : memref<819200xi32, #tpu.memory_space<hbm>> -> memref<1280xi32, #tpu.memory_space<hbm>>
      %dma_wait3A_163 = arith.constant 3840 : i32
      %dma_wait3A_164 = tpu.memref_slice %arg7[%run_scoped3A_21, %dma_wait3A_163] : memref<2x5120xi32, #tpu.memory_space<vmem>> -> memref<1x1280xi32, #tpu.memory_space<vmem>>
      %dma_wait3A_165 = tpu.memref_squeeze %dma_wait3A_164 : memref<1x1280xi32, #tpu.memory_space<vmem>> -> memref<1280xi32, #tpu.memory_space<vmem>>
      %dma_wait3A_166 = tpu.memref_slice %arg3[%add3A_20] : memref<819200xi32, #tpu.memory_space<hbm>> -> memref<1280xi32, #tpu.memory_space<hbm>>
      tpu.wait_dma2 semaphore(%run_scoped3A_150 : memref<!tpu.dma_semaphore, #tpu.memory_space<semaphore_mem>>) src(%dma_wait3A_166 : memref<1280xi32, #tpu.memory_space<hbm>>) dst(%dma_wait3A_165 : memref<1280xi32, #tpu.memory_space<vmem>>)
      tpu.yield
    }) : () -> ()
    %mul3A_22 = arith.constant 8 : i32
    %mul3A_23 = arith.muli %mul3A_2, %mul3A_22 : i32
    %add3A_24 = arith.constant 0 : i32
    %add3A_25 = arith.addi %mul3A_23, %add3A_24 : i32
    %run_scoped3A_26 = arith.constant 0 : i32
    "tpu.region"() ({
      %run_scoped3A_150 = tpu.sem_alloc : memref<!tpu.dma_semaphore, #tpu.memory_space<semaphore_mem>>
      %dma_start3A_151 = arith.constant 0 : i32
      %dma_start3A_152 = tpu.memref_slice %arg8[%run_scoped3A_26, %dma_start3A_151] : memref<2x10240xf32, #tpu.memory_space<vmem>> -> memref<1x10240xf32, #tpu.memory_space<vmem>>
      %dma_start3A_153 = tpu.memref_squeeze %dma_start3A_152 : memref<1x10240xf32, #tpu.memory_space<vmem>> -> memref<10240xf32, #tpu.memory_space<vmem>>
      %dma_start3A_154 = tpu.memref_slice %arg4[%add3A_25] : memref<1638400xf32, #tpu.memory_space<hbm>> -> memref<10240xf32, #tpu.memory_space<hbm>>
      %dma_start3A_155 = arith.constant 0 : i32
      %dma_start3A_156 = tpu.memref_slice %arg8[%run_scoped3A_26, %dma_start3A_155] : memref<2x10240xf32, #tpu.memory_space<vmem>> -> memref<1x10240xf32, #tpu.memory_space<vmem>>
      %dma_start3A_157 = tpu.memref_squeeze %dma_start3A_156 : memref<1x10240xf32, #tpu.memory_space<vmem>> -> memref<10240xf32, #tpu.memory_space<vmem>>
      %dma_start3A_158 = tpu.memref_slice %arg4[%add3A_25] : memref<1638400xf32, #tpu.memory_space<hbm>> -> memref<10240xf32, #tpu.memory_space<hbm>>
      tpu.enqueue_dma source(%dma_start3A_158 : memref<10240xf32, #tpu.memory_space<hbm>>) target(%dma_start3A_157 : memref<10240xf32, #tpu.memory_space<vmem>>) target_semaphore(%run_scoped3A_150 : memref<!tpu.dma_semaphore, #tpu.memory_space<semaphore_mem>>)
      %dma_wait3A_159 = arith.constant 0 : i32
      %dma_wait3A_160 = tpu.memref_slice %arg8[%run_scoped3A_26, %dma_wait3A_159] : memref<2x10240xf32, #tpu.memory_space<vmem>> -> memref<1x10240xf32, #tpu.memory_space<vmem>>
      %dma_wait3A_161 = tpu.memref_squeeze %dma_wait3A_160 : memref<1x10240xf32, #tpu.memory_space<vmem>> -> memref<10240xf32, #tpu.memory_space<vmem>>
      %dma_wait3A_162 = tpu.memref_slice %arg4[%add3A_25] : memref<1638400xf32, #tpu.memory_space<hbm>> -> memref<10240xf32, #tpu.memory_space<hbm>>
      %dma_wait3A_163 = arith.constant 0 : i32
      %dma_wait3A_164 = tpu.memref_slice %arg8[%run_scoped3A_26, %dma_wait3A_163] : memref<2x10240xf32, #tpu.memory_space<vmem>> -> memref<1x10240xf32, #tpu.memory_space<vmem>>
      %dma_wait3A_165 = tpu.memref_squeeze %dma_wait3A_164 : memref<1x10240xf32, #tpu.memory_space<vmem>> -> memref<10240xf32, #tpu.memory_space<vmem>>
      %dma_wait3A_166 = tpu.memref_slice %arg4[%add3A_25] : memref<1638400xf32, #tpu.memory_space<hbm>> -> memref<10240xf32, #tpu.memory_space<hbm>>
      tpu.wait_dma2 semaphore(%run_scoped3A_150 : memref<!tpu.dma_semaphore, #tpu.memory_space<semaphore_mem>>) src(%dma_wait3A_166 : memref<10240xf32, #tpu.memory_space<hbm>>) dst(%dma_wait3A_165 : memref<10240xf32, #tpu.memory_space<vmem>>)
      tpu.yield
    }) : () -> ()
    %broadcast_in_dim3A = arith.constant 1000 : i32
    %broadcast_in_dim3A_27 = vector.broadcast %broadcast_in_dim3A : i32 to vector<16xi32>
    %parallel_loop3A = arith.constant 0 : i32
    %parallel_loop3A_28 = arith.constant 80 : i32
    %parallel_loop3A_29 = arith.constant 1 : i32
    scf.for %parallel_loop3A_150 = %parallel_loop3A to %parallel_loop3A_28 step %parallel_loop3A_29  : i32 {
      %parallel_loop3A_151 = arith.constant 16 : i32
      %parallel_loop3A_152 = arith.muli %parallel_loop3A_150, %parallel_loop3A_151 : i32
      %parallel_loop3A_153 = arith.constant 1280 : i32
      %parallel_loop3A_154 = arith.addi %parallel_loop3A_153, %parallel_loop3A_152 : i32
      %parallel_loop3A_155 = arith.constant 0 : i32
      %parallel_loop3A_156 = arith.index_cast %parallel_loop3A_155 : i32 to index
      %parallel_loop3A_157 = arith.index_cast %parallel_loop3A_154 : i32 to index
      %parallel_loop3A_158 = tpu.vector_load %arg7[%parallel_loop3A_156, %parallel_loop3A_157] {strides = array<i32>} : memref<2x5120xi32, #tpu.memory_space<vmem>>, vector<16xi32>,
      %parallel_loop3A_159 = arith.addi %parallel_loop3A_158, %broadcast_in_dim3A_27 : vector<16xi32>
      %parallel_loop3A_160 = arith.constant 0 : i32
      %parallel_loop3A_161 = arith.index_cast %parallel_loop3A_160 : i32 to index
      %parallel_loop3A_162 = arith.index_cast %parallel_loop3A_154 : i32 to index
      %parallel_loop3A_163 = tpu.vector_load %arg7[%parallel_loop3A_161, %parallel_loop3A_162] {strides = array<i32>} : memref<2x5120xi32, #tpu.memory_space<vmem>>, vector<16xi32>,
      tpu.vector_store %arg7[%parallel_loop3A_161, %parallel_loop3A_162], %parallel_loop3A_159 {strides = array<i32>} : memref<2x5120xi32, #tpu.memory_space<vmem>>, vector<16xi32>,
    } {sc.loop_unroll_factor = 8 : i64, sc.parallel_access}
    %broadcast_in_dim3A_30 = arith.constant 2000 : i32
    %broadcast_in_dim3A_31 = vector.broadcast %broadcast_in_dim3A_30 : i32 to vector<16xi32>
    %parallel_loop3A_32 = arith.constant 0 : i32
    %parallel_loop3A_33 = arith.constant 80 : i32
    %parallel_loop3A_34 = arith.constant 1 : i32
    scf.for %parallel_loop3A_150 = %parallel_loop3A_32 to %parallel_loop3A_33 step %parallel_loop3A_34  : i32 {
      %parallel_loop3A_151 = arith.constant 16 : i32
      %parallel_loop3A_152 = arith.muli %parallel_loop3A_150, %parallel_loop3A_151 : i32
      %parallel_loop3A_153 = arith.constant 2560 : i32
      %parallel_loop3A_154 = arith.addi %parallel_loop3A_153, %parallel_loop3A_152 : i32
      %parallel_loop3A_155 = arith.constant 0 : i32
      %parallel_loop3A_156 = arith.index_cast %parallel_loop3A_155 : i32 to index
      %parallel_loop3A_157 = arith.index_cast %parallel_loop3A_154 : i32 to index
      %parallel_loop3A_158 = tpu.vector_load %arg7[%parallel_loop3A_156, %parallel_loop3A_157] {strides = array<i32>} : memref<2x5120xi32, #tpu.memory_space<vmem>>, vector<16xi32>,
      %parallel_loop3A_159 = arith.addi %parallel_loop3A_158, %broadcast_in_dim3A_31 : vector<16xi32>
      %parallel_loop3A_160 = arith.constant 0 : i32
      %parallel_loop3A_161 = arith.index_cast %parallel_loop3A_160 : i32 to index
      %parallel_loop3A_162 = arith.index_cast %parallel_loop3A_154 : i32 to index
      %parallel_loop3A_163 = tpu.vector_load %arg7[%parallel_loop3A_161, %parallel_loop3A_162] {strides = array<i32>} : memref<2x5120xi32, #tpu.memory_space<vmem>>, vector<16xi32>,
      tpu.vector_store %arg7[%parallel_loop3A_161, %parallel_loop3A_162], %parallel_loop3A_159 {strides = array<i32>} : memref<2x5120xi32, #tpu.memory_space<vmem>>, vector<16xi32>,
    } {sc.loop_unroll_factor = 8 : i64, sc.parallel_access}
    %broadcast_in_dim3A_35 = arith.constant 3000 : i32
    %broadcast_in_dim3A_36 = vector.broadcast %broadcast_in_dim3A_35 : i32 to vector<16xi32>
    %parallel_loop3A_37 = arith.constant 0 : i32
    %parallel_loop3A_38 = arith.constant 80 : i32
    %parallel_loop3A_39 = arith.constant 1 : i32
    scf.for %parallel_loop3A_150 = %parallel_loop3A_37 to %parallel_loop3A_38 step %parallel_loop3A_39  : i32 {
      %parallel_loop3A_151 = arith.constant 16 : i32
      %parallel_loop3A_152 = arith.muli %parallel_loop3A_150, %parallel_loop3A_151 : i32
      %parallel_loop3A_153 = arith.constant 3840 : i32
      %parallel_loop3A_154 = arith.addi %parallel_loop3A_153, %parallel_loop3A_152 : i32
      %parallel_loop3A_155 = arith.constant 0 : i32
      %parallel_loop3A_156 = arith.index_cast %parallel_loop3A_155 : i32 to index
      %parallel_loop3A_157 = arith.index_cast %parallel_loop3A_154 : i32 to index
      %parallel_loop3A_158 = tpu.vector_load %arg7[%parallel_loop3A_156, %parallel_loop3A_157] {strides = array<i32>} : memref<2x5120xi32, #tpu.memory_space<vmem>>, vector<16xi32>,
      %parallel_loop3A_159 = arith.addi %parallel_loop3A_158, %broadcast_in_dim3A_36 : vector<16xi32>
      %parallel_loop3A_160 = arith.constant 0 : i32
      %parallel_loop3A_161 = arith.index_cast %parallel_loop3A_160 : i32 to index
      %parallel_loop3A_162 = arith.index_cast %parallel_loop3A_154 : i32 to index
      %parallel_loop3A_163 = tpu.vector_load %arg7[%parallel_loop3A_161, %parallel_loop3A_162] {strides = array<i32>} : memref<2x5120xi32, #tpu.memory_space<vmem>>, vector<16xi32>,
      tpu.vector_store %arg7[%parallel_loop3A_161, %parallel_loop3A_162], %parallel_loop3A_159 {strides = array<i32>} : memref<2x5120xi32, #tpu.memory_space<vmem>>, vector<16xi32>,
    } {sc.loop_unroll_factor = 8 : i64, sc.parallel_access}
    %scan3A = arith.constant 0 : i32
    %scan3A_40 = arith.constant 0 : i32
    %scan3A_41 = arith.constant 25 : i32
    %scan3A_42 = arith.addi %scan3A_40, %scan3A_41 : i32
    %scan3A_43 = arith.constant 1 : i32
    %scan3A_44 = scf.for %scan3A_150 = %scan3A_40 to %scan3A_42 step %scan3A_43 iter_args(%scan3A_151 = %scan3A) -> (i32)  : i32 {
      %mul3A_152 = arith.constant 2 : i32
      %mul3A_153 = arith.muli %scan3A_150, %mul3A_152 : i32
      %add3A_154 = arith.constant 0 : i32
      %add3A_155 = arith.addi %mul3A_153, %add3A_154 : i32
      %jit3A = arith.constant 10 : i32
      %eq3A = arith.constant 0 : i32
      %eq3A_156 = arith.cmpi eq, %jit3A, %eq3A : i32
      %jit3A_157 = arith.constant 1 : i32
      %select_n3A = arith.select %eq3A_156, %jit3A_157, %jit3A : i32
      %rem3A = arith.remsi %add3A_155, %select_n3A : i32
      %ne3A = arith.constant 0 : i32
      %ne3A_158 = arith.cmpi ne, %rem3A, %ne3A : i32
      %lt3A = arith.constant 0 : i32
      %lt3A_159 = arith.cmpi slt, %rem3A, %lt3A : i32
      %lt3A_160 = arith.constant 0 : i32
      %lt3A_161 = arith.cmpi slt, %select_n3A, %lt3A_160 : i32
      %ne3A_162 = arith.xori %lt3A_159, %lt3A_161 : i1
      %and3A = arith.andi %ne3A_162, %ne3A_158 : i1
      %add3A_163 = arith.addi %rem3A, %select_n3A : i32
      %select_n3A_164 = arith.select %and3A, %add3A_163, %rem3A : i32
      %eq3A_165 = arith.constant 0 : i32
      %eq3A_166 = arith.cmpi eq, %select_n3A_164, %eq3A_165 : i32
      %gt3A = arith.constant 0 : i32
      %gt3A_167 = arith.cmpi sgt, %add3A_155, %gt3A : i32
      %and3A_168 = arith.andi %eq3A_166, %gt3A_167 : i1
      %convert_element_type3A = arith.extui %and3A_168 : i1 to i32
      %cond3A = arith.constant 0 : i32
      %cond3A_169 = arith.cmpi ne, %convert_element_type3A, %cond3A : i32
      scf.if %cond3A_169 {
        %jit3A_1067 = arith.constant 10 : i32
        %div3A_1068 = arith.divsi %add3A_155, %jit3A_1067 : i32
        %sign3A_1069 = arith.constant 0 : i32
        %sign3A_1070 = arith.cmpi sgt, %add3A_155, %sign3A_1069 : i32
        %sign3A_1071 = arith.extui %sign3A_1070 : i1 to i32
        %sign3A_1072 = arith.constant 0 : i32
        %sign3A_1073 = arith.cmpi slt, %add3A_155, %sign3A_1072 : i32
        %sign3A_1074 = arith.extui %sign3A_1073 : i1 to i32
        %sign3A_1075 = arith.subi %sign3A_1071, %sign3A_1074 : i32
        %sign3A_1076 = arith.constant 0 : i32
        %sign3A_1077 = arith.cmpi sgt, %jit3A_1067, %sign3A_1076 : i32
        %sign3A_1078 = arith.extui %sign3A_1077 : i1 to i32
        %sign3A_1079 = arith.constant 0 : i32
        %sign3A_1080 = arith.cmpi slt, %jit3A_1067, %sign3A_1079 : i32
        %sign3A_1081 = arith.extui %sign3A_1080 : i1 to i32
        %sign3A_1082 = arith.subi %sign3A_1078, %sign3A_1081 : i32
        %ne3A_1083 = arith.cmpi ne, %sign3A_1075, %sign3A_1082 : i32
        %rem3A_1084 = arith.remsi %add3A_155, %jit3A_1067 : i32
        %ne3A_1085 = arith.constant 0 : i32
        %ne3A_1086 = arith.cmpi ne, %rem3A_1084, %ne3A_1085 : i32
        %and3A_1087 = arith.andi %ne3A_1083, %ne3A_1086 : i1
        %sub3A_1088 = arith.constant 1 : i32
        %sub3A_1089 = arith.subi %div3A_1068, %sub3A_1088 : i32
        %select_n3A_1090 = arith.select %and3A_1087, %sub3A_1089, %div3A_1068 : i32
        %jit3A_1091 = arith.constant 2 : i32
        %eq3A_1092 = arith.constant 0 : i32
        %eq3A_1093 = arith.cmpi eq, %jit3A_1091, %eq3A_1092 : i32
        %jit3A_1094 = arith.constant 1 : i32
        %select_n3A_1095 = arith.select %eq3A_1093, %jit3A_1094, %jit3A_1091 : i32
        %rem3A_1096 = arith.remsi %select_n3A_1090, %select_n3A_1095 : i32
        %ne3A_1097 = arith.constant 0 : i32
        %ne3A_1098 = arith.cmpi ne, %rem3A_1096, %ne3A_1097 : i32
        %lt3A_1099 = arith.constant 0 : i32
        %lt3A_1100 = arith.cmpi slt, %rem3A_1096, %lt3A_1099 : i32
        %lt3A_1101 = arith.constant 0 : i32
        %lt3A_1102 = arith.cmpi slt, %select_n3A_1095, %lt3A_1101 : i32
        %ne3A_1103 = arith.xori %lt3A_1100, %lt3A_1102 : i1
        %and3A_1104 = arith.andi %ne3A_1103, %ne3A_1098 : i1
        %add3A_1105 = arith.addi %rem3A_1096, %select_n3A_1095 : i32
        %select_n3A_1106 = arith.select %and3A_1104, %add3A_1105, %rem3A_1096 : i32
        %add3A_1107 = arith.constant 0 : i32
        %add3A_1108 = arith.addi %add3A_1107, %mul3A_2 : i32
        %mul3A_1109 = arith.constant 1280 : i32
        %mul3A_1110 = arith.muli %select_n3A_1090, %mul3A_1109 : i32
        %add3A_1111 = arith.addi %add3A_1108, %mul3A_1110 : i32
        "tpu.region"() ({
          %run_scoped3A_1147 = tpu.sem_alloc : memref<!tpu.dma_semaphore, #tpu.memory_space<semaphore_mem>>
          %dma_start3A_1148 = arith.constant 0 : i32
          %dma_start3A_1149 = tpu.memref_slice %arg7[%select_n3A_1106, %dma_start3A_1148] : memref<2x5120xi32, #tpu.memory_space<vmem>> -> memref<1x1280xi32, #tpu.memory_space<vmem>>
          %dma_start3A_1150 = tpu.memref_squeeze %dma_start3A_1149 : memref<1x1280xi32, #tpu.memory_space<vmem>> -> memref<1280xi32, #tpu.memory_space<vmem>>
          %dma_start3A_1151 = tpu.memref_slice %arg3[%add3A_1111] : memref<819200xi32, #tpu.memory_space<hbm>> -> memref<1280xi32, #tpu.memory_space<hbm>>
          %dma_start3A_1152 = arith.constant 0 : i32
          %dma_start3A_1153 = tpu.memref_slice %arg7[%select_n3A_1106, %dma_start3A_1152] : memref<2x5120xi32, #tpu.memory_space<vmem>> -> memref<1x1280xi32, #tpu.memory_space<vmem>>
          %dma_start3A_1154 = tpu.memref_squeeze %dma_start3A_1153 : memref<1x1280xi32, #tpu.memory_space<vmem>> -> memref<1280xi32, #tpu.memory_space<vmem>>
          %dma_start3A_1155 = tpu.memref_slice %arg3[%add3A_1111] : memref<819200xi32, #tpu.memory_space<hbm>> -> memref<1280xi32, #tpu.memory_space<hbm>>
          tpu.enqueue_dma source(%dma_start3A_1155 : memref<1280xi32, #tpu.memory_space<hbm>>) target(%dma_start3A_1154 : memref<1280xi32, #tpu.memory_space<vmem>>) target_semaphore(%run_scoped3A_1147 : memref<!tpu.dma_semaphore, #tpu.memory_space<semaphore_mem>>)
          %dma_wait3A_1156 = arith.constant 0 : i32
          %dma_wait3A_1157 = tpu.memref_slice %arg7[%select_n3A_1106, %dma_wait3A_1156] : memref<2x5120xi32, #tpu.memory_space<vmem>> -> memref<1x1280xi32, #tpu.memory_space<vmem>>
          %dma_wait3A_1158 = tpu.memref_squeeze %dma_wait3A_1157 : memref<1x1280xi32, #tpu.memory_space<vmem>> -> memref<1280xi32, #tpu.memory_space<vmem>>
          %dma_wait3A_1159 = tpu.memref_slice %arg3[%add3A_1111] : memref<819200xi32, #tpu.memory_space<hbm>> -> memref<1280xi32, #tpu.memory_space<hbm>>
          %dma_wait3A_1160 = arith.constant 0 : i32
          %dma_wait3A_1161 = tpu.memref_slice %arg7[%select_n3A_1106, %dma_wait3A_1160] : memref<2x5120xi32, #tpu.memory_space<vmem>> -> memref<1x1280xi32, #tpu.memory_space<vmem>>
          %dma_wait3A_1162 = tpu.memref_squeeze %dma_wait3A_1161 : memref<1x1280xi32, #tpu.memory_space<vmem>> -> memref<1280xi32, #tpu.memory_space<vmem>>
          %dma_wait3A_1163 = tpu.memref_slice %arg3[%add3A_1111] : memref<819200xi32, #tpu.memory_space<hbm>> -> memref<1280xi32, #tpu.memory_space<hbm>>
          tpu.wait_dma2 semaphore(%run_scoped3A_1147 : memref<!tpu.dma_semaphore, #tpu.memory_space<semaphore_mem>>) src(%dma_wait3A_1163 : memref<1280xi32, #tpu.memory_space<hbm>>) dst(%dma_wait3A_1162 : memref<1280xi32, #tpu.memory_space<vmem>>)
          tpu.yield
        }) : () -> ()
        %add3A_1112 = arith.constant 204800 : i32
        %add3A_1113 = arith.addi %add3A_1112, %mul3A_2 : i32
        %mul3A_1114 = arith.constant 1280 : i32
        %mul3A_1115 = arith.muli %select_n3A_1090, %mul3A_1114 : i32
        %add3A_1116 = arith.addi %add3A_1113, %mul3A_1115 : i32
        "tpu.region"() ({
          %run_scoped3A_1147 = tpu.sem_alloc : memref<!tpu.dma_semaphore, #tpu.memory_space<semaphore_mem>>
          %dma_start3A_1148 = arith.constant 1280 : i32
          %dma_start3A_1149 = tpu.memref_slice %arg7[%select_n3A_1106, %dma_start3A_1148] : memref<2x5120xi32, #tpu.memory_space<vmem>> -> memref<1x1280xi32, #tpu.memory_space<vmem>>
          %dma_start3A_1150 = tpu.memref_squeeze %dma_start3A_1149 : memref<1x1280xi32, #tpu.memory_space<vmem>> -> memref<1280xi32, #tpu.memory_space<vmem>>
          %dma_start3A_1151 = tpu.memref_slice %arg3[%add3A_1116] : memref<819200xi32, #tpu.memory_space<hbm>> -> memref<1280xi32, #tpu.memory_space<hbm>>
          %dma_start3A_1152 = arith.constant 1280 : i32
          %dma_start3A_1153 = tpu.memref_slice %arg7[%select_n3A_1106, %dma_start3A_1152] : memref<2x5120xi32, #tpu.memory_space<vmem>> -> memref<1x1280xi32, #tpu.memory_space<vmem>>
          %dma_start3A_1154 = tpu.memref_squeeze %dma_start3A_1153 : memref<1x1280xi32, #tpu.memory_space<vmem>> -> memref<1280xi32, #tpu.memory_space<vmem>>
          %dma_start3A_1155 = tpu.memref_slice %arg3[%add3A_1116] : memref<819200xi32, #tpu.memory_space<hbm>> -> memref<1280xi32, #tpu.memory_space<hbm>>
          tpu.enqueue_dma source(%dma_start3A_1155 : memref<1280xi32, #tpu.memory_space<hbm>>) target(%dma_start3A_1154 : memref<1280xi32, #tpu.memory_space<vmem>>) target_semaphore(%run_scoped3A_1147 : memref<!tpu.dma_semaphore, #tpu.memory_space<semaphore_mem>>)
          %dma_wait3A_1156 = arith.constant 1280 : i32
          %dma_wait3A_1157 = tpu.memref_slice %arg7[%select_n3A_1106, %dma_wait3A_1156] : memref<2x5120xi32, #tpu.memory_space<vmem>> -> memref<1x1280xi32, #tpu.memory_space<vmem>>
          %dma_wait3A_1158 = tpu.memref_squeeze %dma_wait3A_1157 : memref<1x1280xi32, #tpu.memory_space<vmem>> -> memref<1280xi32, #tpu.memory_space<vmem>>
          %dma_wait3A_1159 = tpu.memref_slice %arg3[%add3A_1116] : memref<819200xi32, #tpu.memory_space<hbm>> -> memref<1280xi32, #tpu.memory_space<hbm>>
          %dma_wait3A_1160 = arith.constant 1280 : i32
          %dma_wait3A_1161 = tpu.memref_slice %arg7[%select_n3A_1106, %dma_wait3A_1160] : memref<2x5120xi32, #tpu.memory_space<vmem>> -> memref<1x1280xi32, #tpu.memory_space<vmem>>
          %dma_wait3A_1162 = tpu.memref_squeeze %dma_wait3A_1161 : memref<1x1280xi32, #tpu.memory_space<vmem>> -> memref<1280xi32, #tpu.memory_space<vmem>>
          %dma_wait3A_1163 = tpu.memref_slice %arg3[%add3A_1116] : memref<819200xi32, #tpu.memory_space<hbm>> -> memref<1280xi32, #tpu.memory_space<hbm>>
          tpu.wait_dma2 semaphore(%run_scoped3A_1147 : memref<!tpu.dma_semaphore, #tpu.memory_space<semaphore_mem>>) src(%dma_wait3A_1163 : memref<1280xi32, #tpu.memory_space<hbm>>) dst(%dma_wait3A_1162 : memref<1280xi32, #tpu.memory_space<vmem>>)
          tpu.yield
        }) : () -> ()
        %add3A_1117 = arith.constant 409600 : i32
        %add3A_1118 = arith.addi %add3A_1117, %mul3A_2 : i32
        %mul3A_1119 = arith.constant 1280 : i32
        %mul3A_1120 = arith.muli %select_n3A_1090, %mul3A_1119 : i32
        %add3A_1121 = arith.addi %add3A_1118, %mul3A_1120 : i32
        "tpu.region"() ({
          %run_scoped3A_1147 = tpu.sem_alloc : memref<!tpu.dma_semaphore, #tpu.memory_space<semaphore_mem>>
          %dma_start3A_1148 = arith.constant 2560 : i32
          %dma_start3A_1149 = tpu.memref_slice %arg7[%select_n3A_1106, %dma_start3A_1148] : memref<2x5120xi32, #tpu.memory_space<vmem>> -> memref<1x1280xi32, #tpu.memory_space<vmem>>
          %dma_start3A_1150 = tpu.memref_squeeze %dma_start3A_1149 : memref<1x1280xi32, #tpu.memory_space<vmem>> -> memref<1280xi32, #tpu.memory_space<vmem>>
          %dma_start3A_1151 = tpu.memref_slice %arg3[%add3A_1121] : memref<819200xi32, #tpu.memory_space<hbm>> -> memref<1280xi32, #tpu.memory_space<hbm>>
          %dma_start3A_1152 = arith.constant 2560 : i32
          %dma_start3A_1153 = tpu.memref_slice %arg7[%select_n3A_1106, %dma_start3A_1152] : memref<2x5120xi32, #tpu.memory_space<vmem>> -> memref<1x1280xi32, #tpu.memory_space<vmem>>
          %dma_start3A_1154 = tpu.memref_squeeze %dma_start3A_1153 : memref<1x1280xi32, #tpu.memory_space<vmem>> -> memref<1280xi32, #tpu.memory_space<vmem>>
          %dma_start3A_1155 = tpu.memref_slice %arg3[%add3A_1121] : memref<819200xi32, #tpu.memory_space<hbm>> -> memref<1280xi32, #tpu.memory_space<hbm>>
          tpu.enqueue_dma source(%dma_start3A_1155 : memref<1280xi32, #tpu.memory_space<hbm>>) target(%dma_start3A_1154 : memref<1280xi32, #tpu.memory_space<vmem>>) target_semaphore(%run_scoped3A_1147 : memref<!tpu.dma_semaphore, #tpu.memory_space<semaphore_mem>>)
          %dma_wait3A_1156 = arith.constant 2560 : i32
          %dma_wait3A_1157 = tpu.memref_slice %arg7[%select_n3A_1106, %dma_wait3A_1156] : memref<2x5120xi32, #tpu.memory_space<vmem>> -> memref<1x1280xi32, #tpu.memory_space<vmem>>
          %dma_wait3A_1158 = tpu.memref_squeeze %dma_wait3A_1157 : memref<1x1280xi32, #tpu.memory_space<vmem>> -> memref<1280xi32, #tpu.memory_space<vmem>>
          %dma_wait3A_1159 = tpu.memref_slice %arg3[%add3A_1121] : memref<819200xi32, #tpu.memory_space<hbm>> -> memref<1280xi32, #tpu.memory_space<hbm>>
          %dma_wait3A_1160 = arith.constant 2560 : i32
          %dma_wait3A_1161 = tpu.memref_slice %arg7[%select_n3A_1106, %dma_wait3A_1160] : memref<2x5120xi32, #tpu.memory_space<vmem>> -> memref<1x1280xi32, #tpu.memory_space<vmem>>
          %dma_wait3A_1162 = tpu.memref_squeeze %dma_wait3A_1161 : memref<1x1280xi32, #tpu.memory_space<vmem>> -> memref<1280xi32, #tpu.memory_space<vmem>>
          %dma_wait3A_1163 = tpu.memref_slice %arg3[%add3A_1121] : memref<819200xi32, #tpu.memory_space<hbm>> -> memref<1280xi32, #tpu.memory_space<hbm>>
          tpu.wait_dma2 semaphore(%run_scoped3A_1147 : memref<!tpu.dma_semaphore, #tpu.memory_space<semaphore_mem>>) src(%dma_wait3A_1163 : memref<1280xi32, #tpu.memory_space<hbm>>) dst(%dma_wait3A_1162 : memref<1280xi32, #tpu.memory_space<vmem>>)
          tpu.yield
        }) : () -> ()
        %add3A_1122 = arith.constant 614400 : i32
        %add3A_1123 = arith.addi %add3A_1122, %mul3A_2 : i32
        %mul3A_1124 = arith.constant 1280 : i32
        %mul3A_1125 = arith.muli %select_n3A_1090, %mul3A_1124 : i32
        %add3A_1126 = arith.addi %add3A_1123, %mul3A_1125 : i32
        "tpu.region"() ({
          %run_scoped3A_1147 = tpu.sem_alloc : memref<!tpu.dma_semaphore, #tpu.memory_space<semaphore_mem>>
          %dma_start3A_1148 = arith.constant 3840 : i32
          %dma_start3A_1149 = tpu.memref_slice %arg7[%select_n3A_1106, %dma_start3A_1148] : memref<2x5120xi32, #tpu.memory_space<vmem>> -> memref<1x1280xi32, #tpu.memory_space<vmem>>
          %dma_start3A_1150 = tpu.memref_squeeze %dma_start3A_1149 : memref<1x1280xi32, #tpu.memory_space<vmem>> -> memref<1280xi32, #tpu.memory_space<vmem>>
          %dma_start3A_1151 = tpu.memref_slice %arg3[%add3A_1126] : memref<819200xi32, #tpu.memory_space<hbm>> -> memref<1280xi32, #tpu.memory_space<hbm>>
          %dma_start3A_1152 = arith.constant 3840 : i32
          %dma_start3A_1153 = tpu.memref_slice %arg7[%select_n3A_1106, %dma_start3A_1152] : memref<2x5120xi32, #tpu.memory_space<vmem>> -> memref<1x1280xi32, #tpu.memory_space<vmem>>
          %dma_start3A_1154 = tpu.memref_squeeze %dma_start3A_1153 : memref<1x1280xi32, #tpu.memory_space<vmem>> -> memref<1280xi32, #tpu.memory_space<vmem>>
          %dma_start3A_1155 = tpu.memref_slice %arg3[%add3A_1126] : memref<819200xi32, #tpu.memory_space<hbm>> -> memref<1280xi32, #tpu.memory_space<hbm>>
          tpu.enqueue_dma source(%dma_start3A_1155 : memref<1280xi32, #tpu.memory_space<hbm>>) target(%dma_start3A_1154 : memref<1280xi32, #tpu.memory_space<vmem>>) target_semaphore(%run_scoped3A_1147 : memref<!tpu.dma_semaphore, #tpu.memory_space<semaphore_mem>>)
          %dma_wait3A_1156 = arith.constant 3840 : i32
          %dma_wait3A_1157 = tpu.memref_slice %arg7[%select_n3A_1106, %dma_wait3A_1156] : memref<2x5120xi32, #tpu.memory_space<vmem>> -> memref<1x1280xi32, #tpu.memory_space<vmem>>
          %dma_wait3A_1158 = tpu.memref_squeeze %dma_wait3A_1157 : memref<1x1280xi32, #tpu.memory_space<vmem>> -> memref<1280xi32, #tpu.memory_space<vmem>>
          %dma_wait3A_1159 = tpu.memref_slice %arg3[%add3A_1126] : memref<819200xi32, #tpu.memory_space<hbm>> -> memref<1280xi32, #tpu.memory_space<hbm>>
          %dma_wait3A_1160 = arith.constant 3840 : i32
          %dma_wait3A_1161 = tpu.memref_slice %arg7[%select_n3A_1106, %dma_wait3A_1160] : memref<2x5120xi32, #tpu.memory_space<vmem>> -> memref<1x1280xi32, #tpu.memory_space<vmem>>
          %dma_wait3A_1162 = tpu.memref_squeeze %dma_wait3A_1161 : memref<1x1280xi32, #tpu.memory_space<vmem>> -> memref<1280xi32, #tpu.memory_space<vmem>>
          %dma_wait3A_1163 = tpu.memref_slice %arg3[%add3A_1126] : memref<819200xi32, #tpu.memory_space<hbm>> -> memref<1280xi32, #tpu.memory_space<hbm>>
          tpu.wait_dma2 semaphore(%run_scoped3A_1147 : memref<!tpu.dma_semaphore, #tpu.memory_space<semaphore_mem>>) src(%dma_wait3A_1163 : memref<1280xi32, #tpu.memory_space<hbm>>) dst(%dma_wait3A_1162 : memref<1280xi32, #tpu.memory_space<vmem>>)
          tpu.yield
        }) : () -> ()
        %mul3A_1127 = arith.constant 8 : i32
        %mul3A_1128 = arith.muli %mul3A_2, %mul3A_1127 : i32
        %mul3A_1129 = arith.constant 10240 : i32
        %mul3A_1130 = arith.muli %select_n3A_1090, %mul3A_1129 : i32
        %add3A_1131 = arith.addi %mul3A_1128, %mul3A_1130 : i32
        "tpu.region"() ({
          %run_scoped3A_1147 = tpu.sem_alloc : memref<!tpu.dma_semaphore, #tpu.memory_space<semaphore_mem>>
          %dma_start3A_1148 = arith.constant 0 : i32
          %dma_start3A_1149 = tpu.memref_slice %arg8[%select_n3A_1106, %dma_start3A_1148] : memref<2x10240xf32, #tpu.memory_space<vmem>> -> memref<1x10240xf32, #tpu.memory_space<vmem>>
          %dma_start3A_1150 = tpu.memref_squeeze %dma_start3A_1149 : memref<1x10240xf32, #tpu.memory_space<vmem>> -> memref<10240xf32, #tpu.memory_space<vmem>>
          %dma_start3A_1151 = tpu.memref_slice %arg4[%add3A_1131] : memref<1638400xf32, #tpu.memory_space<hbm>> -> memref<10240xf32, #tpu.memory_space<hbm>>
          %dma_start3A_1152 = arith.constant 0 : i32
          %dma_start3A_1153 = tpu.memref_slice %arg8[%select_n3A_1106, %dma_start3A_1152] : memref<2x10240xf32, #tpu.memory_space<vmem>> -> memref<1x10240xf32, #tpu.memory_space<vmem>>
          %dma_start3A_1154 = tpu.memref_squeeze %dma_start3A_1153 : memref<1x10240xf32, #tpu.memory_space<vmem>> -> memref<10240xf32, #tpu.memory_space<vmem>>
          %dma_start3A_1155 = tpu.memref_slice %arg4[%add3A_1131] : memref<1638400xf32, #tpu.memory_space<hbm>> -> memref<10240xf32, #tpu.memory_space<hbm>>
          tpu.enqueue_dma source(%dma_start3A_1155 : memref<10240xf32, #tpu.memory_space<hbm>>) target(%dma_start3A_1154 : memref<10240xf32, #tpu.memory_space<vmem>>) target_semaphore(%run_scoped3A_1147 : memref<!tpu.dma_semaphore, #tpu.memory_space<semaphore_mem>>)
          %dma_wait3A_1156 = arith.constant 0 : i32
          %dma_wait3A_1157 = tpu.memref_slice %arg8[%select_n3A_1106, %dma_wait3A_1156] : memref<2x10240xf32, #tpu.memory_space<vmem>> -> memref<1x10240xf32, #tpu.memory_space<vmem>>
          %dma_wait3A_1158 = tpu.memref_squeeze %dma_wait3A_1157 : memref<1x10240xf32, #tpu.memory_space<vmem>> -> memref<10240xf32, #tpu.memory_space<vmem>>
          %dma_wait3A_1159 = tpu.memref_slice %arg4[%add3A_1131] : memref<1638400xf32, #tpu.memory_space<hbm>> -> memref<10240xf32, #tpu.memory_space<hbm>>
          %dma_wait3A_1160 = arith.constant 0 : i32
          %dma_wait3A_1161 = tpu.memref_slice %arg8[%select_n3A_1106, %dma_wait3A_1160] : memref<2x10240xf32, #tpu.memory_space<vmem>> -> memref<1x10240xf32, #tpu.memory_space<vmem>>
          %dma_wait3A_1162 = tpu.memref_squeeze %dma_wait3A_1161 : memref<1x10240xf32, #tpu.memory_space<vmem>> -> memref<10240xf32, #tpu.memory_space<vmem>>
          %dma_wait3A_1163 = tpu.memref_slice %arg4[%add3A_1131] : memref<1638400xf32, #tpu.memory_space<hbm>> -> memref<10240xf32, #tpu.memory_space<hbm>>
          tpu.wait_dma2 semaphore(%run_scoped3A_1147 : memref<!tpu.dma_semaphore, #tpu.memory_space<semaphore_mem>>) src(%dma_wait3A_1163 : memref<10240xf32, #tpu.memory_space<hbm>>) dst(%dma_wait3A_1162 : memref<10240xf32, #tpu.memory_space<vmem>>)
          tpu.yield
        }) : () -> ()
        %broadcast_in_dim3A_1132 = arith.constant 1000 : i32
        %broadcast_in_dim3A_1133 = vector.broadcast %broadcast_in_dim3A_1132 : i32 to vector<16xi32>
        %parallel_loop3A_1134 = arith.constant 0 : i32
        %parallel_loop3A_1135 = arith.constant 80 : i32
        %parallel_loop3A_1136 = arith.constant 1 : i32
        scf.for %parallel_loop3A_1147 = %parallel_loop3A_1134 to %parallel_loop3A_1135 step %parallel_loop3A_1136  : i32 {
          %parallel_loop3A_1148 = arith.constant 16 : i32
          %parallel_loop3A_1149 = arith.muli %parallel_loop3A_1147, %parallel_loop3A_1148 : i32
          %parallel_loop3A_1150 = arith.constant 1280 : i32
          %parallel_loop3A_1151 = arith.addi %parallel_loop3A_1150, %parallel_loop3A_1149 : i32
          %parallel_loop3A_1152 = arith.index_cast %select_n3A_1106 : i32 to index
          %parallel_loop3A_1153 = arith.index_cast %parallel_loop3A_1151 : i32 to index
          %parallel_loop3A_1154 = tpu.vector_load %arg7[%parallel_loop3A_1152, %parallel_loop3A_1153] {strides = array<i32>} : memref<2x5120xi32, #tpu.memory_space<vmem>>, vector<16xi32>,
          %parallel_loop3A_1155 = arith.addi %parallel_loop3A_1154, %broadcast_in_dim3A_1133 : vector<16xi32>
          %parallel_loop3A_1156 = arith.index_cast %select_n3A_1106 : i32 to index
          %parallel_loop3A_1157 = arith.index_cast %parallel_loop3A_1151 : i32 to index
          %parallel_loop3A_1158 = tpu.vector_load %arg7[%parallel_loop3A_1156, %parallel_loop3A_1157] {strides = array<i32>} : memref<2x5120xi32, #tpu.memory_space<vmem>>, vector<16xi32>,
          tpu.vector_store %arg7[%parallel_loop3A_1156, %parallel_loop3A_1157], %parallel_loop3A_1155 {strides = array<i32>} : memref<2x5120xi32, #tpu.memory_space<vmem>>, vector<16xi32>,
        } {sc.loop_unroll_factor = 8 : i64, sc.parallel_access}
        %broadcast_in_dim3A_1137 = arith.constant 2000 : i32
        %broadcast_in_dim3A_1138 = vector.broadcast %broadcast_in_dim3A_1137 : i32 to vector<16xi32>
        %parallel_loop3A_1139 = arith.constant 0 : i32
        %parallel_loop3A_1140 = arith.constant 80 : i32
        %parallel_loop3A_1141 = arith.constant 1 : i32
        scf.for %parallel_loop3A_1147 = %parallel_loop3A_1139 to %parallel_loop3A_1140 step %parallel_loop3A_1141  : i32 {
          %parallel_loop3A_1148 = arith.constant 16 : i32
          %parallel_loop3A_1149 = arith.muli %parallel_loop3A_1147, %parallel_loop3A_1148 : i32
          %parallel_loop3A_1150 = arith.constant 2560 : i32
          %parallel_loop3A_1151 = arith.addi %parallel_loop3A_1150, %parallel_loop3A_1149 : i32
          %parallel_loop3A_1152 = arith.index_cast %select_n3A_1106 : i32 to index
          %parallel_loop3A_1153 = arith.index_cast %parallel_loop3A_1151 : i32 to index
          %parallel_loop3A_1154 = tpu.vector_load %arg7[%parallel_loop3A_1152, %parallel_loop3A_1153] {strides = array<i32>} : memref<2x5120xi32, #tpu.memory_space<vmem>>, vector<16xi32>,
          %parallel_loop3A_1155 = arith.addi %parallel_loop3A_1154, %broadcast_in_dim3A_1138 : vector<16xi32>
          %parallel_loop3A_1156 = arith.index_cast %select_n3A_1106 : i32 to index
          %parallel_loop3A_1157 = arith.index_cast %parallel_loop3A_1151 : i32 to index
          %parallel_loop3A_1158 = tpu.vector_load %arg7[%parallel_loop3A_1156, %parallel_loop3A_1157] {strides = array<i32>} : memref<2x5120xi32, #tpu.memory_space<vmem>>, vector<16xi32>,
          tpu.vector_store %arg7[%parallel_loop3A_1156, %parallel_loop3A_1157], %parallel_loop3A_1155 {strides = array<i32>} : memref<2x5120xi32, #tpu.memory_space<vmem>>, vector<16xi32>,
        } {sc.loop_unroll_factor = 8 : i64, sc.parallel_access}
        %broadcast_in_dim3A_1142 = arith.constant 3000 : i32
        %broadcast_in_dim3A_1143 = vector.broadcast %broadcast_in_dim3A_1142 : i32 to vector<16xi32>
        %parallel_loop3A_1144 = arith.constant 0 : i32
        %parallel_loop3A_1145 = arith.constant 80 : i32
        %parallel_loop3A_1146 = arith.constant 1 : i32
        scf.for %parallel_loop3A_1147 = %parallel_loop3A_1144 to %parallel_loop3A_1145 step %parallel_loop3A_1146  : i32 {
          %parallel_loop3A_1148 = arith.constant 16 : i32
          %parallel_loop3A_1149 = arith.muli %parallel_loop3A_1147, %parallel_loop3A_1148 : i32
          %parallel_loop3A_1150 = arith.constant 3840 : i32
          %parallel_loop3A_1151 = arith.addi %parallel_loop3A_1150, %parallel_loop3A_1149 : i32
          %parallel_loop3A_1152 = arith.index_cast %select_n3A_1106 : i32 to index
          %parallel_loop3A_1153 = arith.index_cast %parallel_loop3A_1151 : i32 to index
          %parallel_loop3A_1154 = tpu.vector_load %arg7[%parallel_loop3A_1152, %parallel_loop3A_1153] {strides = array<i32>} : memref<2x5120xi32, #tpu.memory_space<vmem>>, vector<16xi32>,
          %parallel_loop3A_1155 = arith.addi %parallel_loop3A_1154, %broadcast_in_dim3A_1143 : vector<16xi32>
          %parallel_loop3A_1156 = arith.index_cast %select_n3A_1106 : i32 to index
          %parallel_loop3A_1157 = arith.index_cast %parallel_loop3A_1151 : i32 to index
          %parallel_loop3A_1158 = tpu.vector_load %arg7[%parallel_loop3A_1156, %parallel_loop3A_1157] {strides = array<i32>} : memref<2x5120xi32, #tpu.memory_space<vmem>>, vector<16xi32>,
          tpu.vector_store %arg7[%parallel_loop3A_1156, %parallel_loop3A_1157], %parallel_loop3A_1155 {strides = array<i32>} : memref<2x5120xi32, #tpu.memory_space<vmem>>, vector<16xi32>,
        } {sc.loop_unroll_factor = 8 : i64, sc.parallel_access}
      } else {
      }
      %ge3A = arith.constant 2 : i32
      %ge3A_170 = arith.cmpi sge, %add3A_155, %ge3A : i32
      %convert_element_type3A_171 = arith.extui %ge3A_170 : i1 to i32
      %cond3A_172 = arith.constant 0 : i32
      %cond3A_173 = arith.cmpi ne, %convert_element_type3A_171, %cond3A_172 : i32
      scf.if %cond3A_173 {
        %dma_wait3A_1067 = arith.constant 0 : i32
        %dma_wait3A_1068 = arith.constant 0 : i32
        %dma_wait3A_1069 = arith.constant 0 : i32
        %dma_wait3A_1070 = arith.constant 0 : i32
        %dma_wait3A_1071 = tpu.memref_slice %arg9[%dma_wait3A_1067, %dma_wait3A_1069, %dma_wait3A_1070] : memref<2x128x128xf32, #tpu.memory_space<vmem>> -> memref<1x128x128xf32, #tpu.memory_space<vmem>>
        %dma_wait3A_1072 = tpu.memref_squeeze %dma_wait3A_1071 : memref<1x128x128xf32, #tpu.memory_space<vmem>> -> memref<128x128xf32, #tpu.memory_space<vmem>>
        %dma_wait3A_1073 = arith.constant 0 : i32
        %dma_wait3A_1074 = arith.constant 0 : i32
        %dma_wait3A_1075 = tpu.memref_slice %arg6[%dma_wait3A_1068, %dma_wait3A_1073, %dma_wait3A_1074] : memref<1600x128x128xf32, #tpu.memory_space<hbm>> -> memref<1x128x128xf32, #tpu.memory_space<hbm>>
        %dma_wait3A_1076 = tpu.memref_squeeze %dma_wait3A_1075 : memref<1x128x128xf32, #tpu.memory_space<hbm>> -> memref<128x128xf32, #tpu.memory_space<hbm>>
        %dma_wait3A_1077 = arith.constant 0 : i32
        %dma_wait3A_1078 = arith.constant 0 : i32
        %dma_wait3A_1079 = tpu.memref_slice %arg6[%dma_wait3A_1068, %dma_wait3A_1077, %dma_wait3A_1078] : memref<1600x128x128xf32, #tpu.memory_space<hbm>> -> memref<1x128x128xf32, #tpu.memory_space<hbm>>
        %dma_wait3A_1080 = tpu.memref_squeeze %dma_wait3A_1079 : memref<1x128x128xf32, #tpu.memory_space<hbm>> -> memref<128x128xf32, #tpu.memory_space<hbm>>
        %dma_wait3A_1081 = arith.constant 0 : i32
        %dma_wait3A_1082 = arith.constant 0 : i32
        %dma_wait3A_1083 = tpu.memref_slice %arg9[%dma_wait3A_1067, %dma_wait3A_1081, %dma_wait3A_1082] : memref<2x128x128xf32, #tpu.memory_space<vmem>> -> memref<1x128x128xf32, #tpu.memory_space<vmem>>
        %dma_wait3A_1084 = tpu.memref_squeeze %dma_wait3A_1083 : memref<1x128x128xf32, #tpu.memory_space<vmem>> -> memref<128x128xf32, #tpu.memory_space<vmem>>
        tpu.wait_dma2 semaphore(%arg13 : memref<!tpu.dma_semaphore, #tpu.memory_space<semaphore_mem>>) src(%dma_wait3A_1084 : memref<128x128xf32, #tpu.memory_space<vmem>>) dst(%dma_wait3A_1080 : memref<128x128xf32, #tpu.memory_space<hbm>>)
      } else {
      }
      %jit3A_174 = arith.constant 10 : i32
      %div3A = arith.divsi %add3A_155, %jit3A_174 : i32
      %sign3A = arith.constant 0 : i32
      %sign3A_175 = arith.cmpi sgt, %add3A_155, %sign3A : i32
      %sign3A_176 = arith.extui %sign3A_175 : i1 to i32
      %sign3A_177 = arith.constant 0 : i32
      %sign3A_178 = arith.cmpi slt, %add3A_155, %sign3A_177 : i32
      %sign3A_179 = arith.extui %sign3A_178 : i1 to i32
      %sign3A_180 = arith.subi %sign3A_176, %sign3A_179 : i32
      %sign3A_181 = arith.constant 0 : i32
      %sign3A_182 = arith.cmpi sgt, %jit3A_174, %sign3A_181 : i32
      %sign3A_183 = arith.extui %sign3A_182 : i1 to i32
      %sign3A_184 = arith.constant 0 : i32
      %sign3A_185 = arith.cmpi slt, %jit3A_174, %sign3A_184 : i32
      %sign3A_186 = arith.extui %sign3A_185 : i1 to i32
      %sign3A_187 = arith.subi %sign3A_183, %sign3A_186 : i32
      %ne3A_188 = arith.cmpi ne, %sign3A_180, %sign3A_187 : i32
      %rem3A_189 = arith.remsi %add3A_155, %jit3A_174 : i32
      %ne3A_190 = arith.constant 0 : i32
      %ne3A_191 = arith.cmpi ne, %rem3A_189, %ne3A_190 : i32
      %and3A_192 = arith.andi %ne3A_188, %ne3A_191 : i1
      %sub3A_193 = arith.constant 1 : i32
      %sub3A_194 = arith.subi %div3A, %sub3A_193 : i32
      %select_n3A_195 = arith.select %and3A_192, %sub3A_194, %div3A : i32
      %jit3A_196 = arith.constant 2 : i32
      %eq3A_197 = arith.constant 0 : i32
      %eq3A_198 = arith.cmpi eq, %jit3A_196, %eq3A_197 : i32
      %jit3A_199 = arith.constant 1 : i32
      %select_n3A_200 = arith.select %eq3A_198, %jit3A_199, %jit3A_196 : i32
      %rem3A_201 = arith.remsi %select_n3A_195, %select_n3A_200 : i32
      %ne3A_202 = arith.constant 0 : i32
      %ne3A_203 = arith.cmpi ne, %rem3A_201, %ne3A_202 : i32
      %lt3A_204 = arith.constant 0 : i32
      %lt3A_205 = arith.cmpi slt, %rem3A_201, %lt3A_204 : i32
      %lt3A_206 = arith.constant 0 : i32
      %lt3A_207 = arith.cmpi slt, %select_n3A_200, %lt3A_206 : i32
      %ne3A_208 = arith.xori %lt3A_205, %lt3A_207 : i1
      %and3A_209 = arith.andi %ne3A_208, %ne3A_203 : i1
      %add3A_210 = arith.addi %rem3A_201, %select_n3A_200 : i32
      %select_n3A_211 = arith.select %and3A_209, %add3A_210, %rem3A_201 : i32
      %jit3A_212 = arith.constant 10 : i32
      %eq3A_213 = arith.constant 0 : i32
      %eq3A_214 = arith.cmpi eq, %jit3A_212, %eq3A_213 : i32
      %jit3A_215 = arith.constant 1 : i32
      %select_n3A_216 = arith.select %eq3A_214, %jit3A_215, %jit3A_212 : i32
      %rem3A_217 = arith.remsi %add3A_155, %select_n3A_216 : i32
      %ne3A_218 = arith.constant 0 : i32
      %ne3A_219 = arith.cmpi ne, %rem3A_217, %ne3A_218 : i32
      %lt3A_220 = arith.constant 0 : i32
      %lt3A_221 = arith.cmpi slt, %rem3A_217, %lt3A_220 : i32
      %lt3A_222 = arith.constant 0 : i32
      %lt3A_223 = arith.cmpi slt, %select_n3A_216, %lt3A_222 : i32
      %ne3A_224 = arith.xori %lt3A_221, %lt3A_223 : i1
      %and3A_225 = arith.andi %ne3A_224, %ne3A_219 : i1
      %add3A_226 = arith.addi %rem3A_217, %select_n3A_216 : i32
      %select_n3A_227 = arith.select %and3A_225, %add3A_226, %rem3A_217 : i32
      %mul3A_228 = arith.constant 1024 : i32
      %mul3A_229 = arith.muli %select_n3A_227, %mul3A_228 : i32
      %get3A = arith.constant 0 : i32
      %get3A_230 = arith.index_cast %get3A : i32 to index
      %get3A_231 = arith.constant 0 : index
      %get3A_232 = tpu.vector_load %arg10[%get3A_230, %get3A_231] {strides = array<i32>} : memref<8x128xf32, #tpu.memory_space<vmem>>, vector<16xf32>,
      %get3A_233 = arith.constant 0 : i32
      %get3A_234 = arith.index_cast %get3A_233 : i32 to index
      %get3A_235 = arith.constant 16 : index
      %get3A_236 = tpu.vector_load %arg10[%get3A_234, %get3A_235] {strides = array<i32>} : memref<8x128xf32, #tpu.memory_space<vmem>>, vector<16xf32>,
      %get3A_237 = arith.constant 0 : i32
      %get3A_238 = arith.index_cast %get3A_237 : i32 to index
      %get3A_239 = arith.constant 32 : index
      %get3A_240 = tpu.vector_load %arg10[%get3A_238, %get3A_239] {strides = array<i32>} : memref<8x128xf32, #tpu.memory_space<vmem>>, vector<16xf32>,
      %get3A_241 = arith.constant 0 : i32
      %get3A_242 = arith.index_cast %get3A_241 : i32 to index
      %get3A_243 = arith.constant 48 : index
      %get3A_244 = tpu.vector_load %arg10[%get3A_242, %get3A_243] {strides = array<i32>} : memref<8x128xf32, #tpu.memory_space<vmem>>, vector<16xf32>,
      %get3A_245 = arith.constant 1 : i32
      %get3A_246 = arith.index_cast %get3A_245 : i32 to index
      %get3A_247 = arith.constant 0 : index
      %get3A_248 = tpu.vector_load %arg10[%get3A_246, %get3A_247] {strides = array<i32>} : memref<8x128xf32, #tpu.memory_space<vmem>>, vector<16xf32>,
      %get3A_249 = arith.constant 1 : i32
      %get3A_250 = arith.index_cast %get3A_249 : i32 to index
      %get3A_251 = arith.constant 16 : index
      %get3A_252 = tpu.vector_load %arg10[%get3A_250, %get3A_251] {strides = array<i32>} : memref<8x128xf32, #tpu.memory_space<vmem>>, vector<16xf32>,
      %get3A_253 = arith.constant 1 : i32
      %get3A_254 = arith.index_cast %get3A_253 : i32 to index
      %get3A_255 = arith.constant 32 : index
      %get3A_256 = tpu.vector_load %arg10[%get3A_254, %get3A_255] {strides = array<i32>} : memref<8x128xf32, #tpu.memory_space<vmem>>, vector<16xf32>,
      %get3A_257 = arith.constant 1 : i32
      %get3A_258 = arith.index_cast %get3A_257 : i32 to index
      %get3A_259 = arith.constant 48 : index
      %get3A_260 = tpu.vector_load %arg10[%get3A_258, %get3A_259] {strides = array<i32>} : memref<8x128xf32, #tpu.memory_space<vmem>>, vector<16xf32>,
      %get3A_261 = arith.constant 2 : i32
      %get3A_262 = arith.index_cast %get3A_261 : i32 to index
      %get3A_263 = arith.constant 0 : index
      %get3A_264 = tpu.vector_load %arg10[%get3A_262, %get3A_263] {strides = array<i32>} : memref<8x128xf32, #tpu.memory_space<vmem>>, vector<16xf32>,
      %get3A_265 = arith.constant 2 : i32
      %get3A_266 = arith.index_cast %get3A_265 : i32 to index
      %get3A_267 = arith.constant 16 : index
      %get3A_268 = tpu.vector_load %arg10[%get3A_266, %get3A_267] {strides = array<i32>} : memref<8x128xf32, #tpu.memory_space<vmem>>, vector<16xf32>,
      %get3A_269 = arith.constant 2 : i32
      %get3A_270 = arith.index_cast %get3A_269 : i32 to index
      %get3A_271 = arith.constant 32 : index
      %get3A_272 = tpu.vector_load %arg10[%get3A_270, %get3A_271] {strides = array<i32>} : memref<8x128xf32, #tpu.memory_space<vmem>>, vector<16xf32>,
      %get3A_273 = arith.constant 2 : i32
      %get3A_274 = arith.index_cast %get3A_273 : i32 to index
      %get3A_275 = arith.constant 48 : index
      %get3A_276 = tpu.vector_load %arg10[%get3A_274, %get3A_275] {strides = array<i32>} : memref<8x128xf32, #tpu.memory_space<vmem>>, vector<16xf32>,
      %get3A_277 = arith.constant 3 : i32
      %get3A_278 = arith.index_cast %get3A_277 : i32 to index
      %get3A_279 = arith.constant 0 : index
      %get3A_280 = tpu.vector_load %arg10[%get3A_278, %get3A_279] {strides = array<i32>} : memref<8x128xf32, #tpu.memory_space<vmem>>, vector<16xf32>,
      %get3A_281 = arith.constant 3 : i32
      %get3A_282 = arith.index_cast %get3A_281 : i32 to index
      %get3A_283 = arith.constant 16 : index
      %get3A_284 = tpu.vector_load %arg10[%get3A_282, %get3A_283] {strides = array<i32>} : memref<8x128xf32, #tpu.memory_space<vmem>>, vector<16xf32>,
      %get3A_285 = arith.constant 3 : i32
      %get3A_286 = arith.index_cast %get3A_285 : i32 to index
      %get3A_287 = arith.constant 32 : index
      %get3A_288 = tpu.vector_load %arg10[%get3A_286, %get3A_287] {strides = array<i32>} : memref<8x128xf32, #tpu.memory_space<vmem>>, vector<16xf32>,
      %get3A_289 = arith.constant 3 : i32
      %get3A_290 = arith.index_cast %get3A_289 : i32 to index
      %get3A_291 = arith.constant 48 : index
      %get3A_292 = tpu.vector_load %arg10[%get3A_290, %get3A_291] {strides = array<i32>} : memref<8x128xf32, #tpu.memory_space<vmem>>, vector<16xf32>,
      %get3A_293 = arith.constant 4 : i32
      %get3A_294 = arith.index_cast %get3A_293 : i32 to index
      %get3A_295 = arith.constant 0 : index
      %get3A_296 = tpu.vector_load %arg10[%get3A_294, %get3A_295] {strides = array<i32>} : memref<8x128xf32, #tpu.memory_space<vmem>>, vector<16xf32>,
      %get3A_297 = arith.constant 4 : i32
      %get3A_298 = arith.index_cast %get3A_297 : i32 to index
      %get3A_299 = arith.constant 16 : index
      %get3A_300 = tpu.vector_load %arg10[%get3A_298, %get3A_299] {strides = array<i32>} : memref<8x128xf32, #tpu.memory_space<vmem>>, vector<16xf32>,
      %get3A_301 = arith.constant 4 : i32
      %get3A_302 = arith.index_cast %get3A_301 : i32 to index
      %get3A_303 = arith.constant 32 : index
      %get3A_304 = tpu.vector_load %arg10[%get3A_302, %get3A_303] {strides = array<i32>} : memref<8x128xf32, #tpu.memory_space<vmem>>, vector<16xf32>,
      %get3A_305 = arith.constant 4 : i32
      %get3A_306 = arith.index_cast %get3A_305 : i32 to index
      %get3A_307 = arith.constant 48 : index
      %get3A_308 = tpu.vector_load %arg10[%get3A_306, %get3A_307] {strides = array<i32>} : memref<8x128xf32, #tpu.memory_space<vmem>>, vector<16xf32>,
      %get3A_309 = arith.constant 5 : i32
      %get3A_310 = arith.index_cast %get3A_309 : i32 to index
      %get3A_311 = arith.constant 0 : index
      %get3A_312 = tpu.vector_load %arg10[%get3A_310, %get3A_311] {strides = array<i32>} : memref<8x128xf32, #tpu.memory_space<vmem>>, vector<16xf32>,
      %get3A_313 = arith.constant 5 : i32
      %get3A_314 = arith.index_cast %get3A_313 : i32 to index
      %get3A_315 = arith.constant 16 : index
      %get3A_316 = tpu.vector_load %arg10[%get3A_314, %get3A_315] {strides = array<i32>} : memref<8x128xf32, #tpu.memory_space<vmem>>, vector<16xf32>,
      %get3A_317 = arith.constant 5 : i32
      %get3A_318 = arith.index_cast %get3A_317 : i32 to index
      %get3A_319 = arith.constant 32 : index
      %get3A_320 = tpu.vector_load %arg10[%get3A_318, %get3A_319] {strides = array<i32>} : memref<8x128xf32, #tpu.memory_space<vmem>>, vector<16xf32>,
      %get3A_321 = arith.constant 5 : i32
      %get3A_322 = arith.index_cast %get3A_321 : i32 to index
      %get3A_323 = arith.constant 48 : index
      %get3A_324 = tpu.vector_load %arg10[%get3A_322, %get3A_323] {strides = array<i32>} : memref<8x128xf32, #tpu.memory_space<vmem>>, vector<16xf32>,
      %get3A_325 = arith.constant 6 : i32
      %get3A_326 = arith.index_cast %get3A_325 : i32 to index
      %get3A_327 = arith.constant 0 : index
      %get3A_328 = tpu.vector_load %arg10[%get3A_326, %get3A_327] {strides = array<i32>} : memref<8x128xf32, #tpu.memory_space<vmem>>, vector<16xf32>,
      %get3A_329 = arith.constant 6 : i32
      %get3A_330 = arith.index_cast %get3A_329 : i32 to index
      %get3A_331 = arith.constant 16 : index
      %get3A_332 = tpu.vector_load %arg10[%get3A_330, %get3A_331] {strides = array<i32>} : memref<8x128xf32, #tpu.memory_space<vmem>>, vector<16xf32>,
      %get3A_333 = arith.constant 6 : i32
      %get3A_334 = arith.index_cast %get3A_333 : i32 to index
      %get3A_335 = arith.constant 32 : index
      %get3A_336 = tpu.vector_load %arg10[%get3A_334, %get3A_335] {strides = array<i32>} : memref<8x128xf32, #tpu.memory_space<vmem>>, vector<16xf32>,
      %get3A_337 = arith.constant 6 : i32
      %get3A_338 = arith.index_cast %get3A_337 : i32 to index
      %get3A_339 = arith.constant 48 : index
      %get3A_340 = tpu.vector_load %arg10[%get3A_338, %get3A_339] {strides = array<i32>} : memref<8x128xf32, #tpu.memory_space<vmem>>, vector<16xf32>,
      %get3A_341 = arith.constant 7 : i32
      %get3A_342 = arith.index_cast %get3A_341 : i32 to index
      %get3A_343 = arith.constant 0 : index
      %get3A_344 = tpu.vector_load %arg10[%get3A_342, %get3A_343] {strides = array<i32>} : memref<8x128xf32, #tpu.memory_space<vmem>>, vector<16xf32>,
      %get3A_345 = arith.constant 7 : i32
      %get3A_346 = arith.index_cast %get3A_345 : i32 to index
      %get3A_347 = arith.constant 16 : index
      %get3A_348 = tpu.vector_load %arg10[%get3A_346, %get3A_347] {strides = array<i32>} : memref<8x128xf32, #tpu.memory_space<vmem>>, vector<16xf32>,
      %get3A_349 = arith.constant 7 : i32
      %get3A_350 = arith.index_cast %get3A_349 : i32 to index
      %get3A_351 = arith.constant 32 : index
      %get3A_352 = tpu.vector_load %arg10[%get3A_350, %get3A_351] {strides = array<i32>} : memref<8x128xf32, #tpu.memory_space<vmem>>, vector<16xf32>,
      %get3A_353 = arith.constant 7 : i32
      %get3A_354 = arith.index_cast %get3A_353 : i32 to index
      %get3A_355 = arith.constant 48 : index
      %get3A_356 = tpu.vector_load %arg10[%get3A_354, %get3A_355] {strides = array<i32>} : memref<8x128xf32, #tpu.memory_space<vmem>>, vector<16xf32>,
      %parallel_loop3A_357 = arith.constant 0 : i32
      %parallel_loop3A_358 = arith.constant 64 : i32
      %parallel_loop3A_359 = arith.constant 1 : i32
      scf.for %parallel_loop3A_1067 = %parallel_loop3A_357 to %parallel_loop3A_358 step %parallel_loop3A_359  : i32 {
        %parallel_loop3A_1068 = arith.constant 16 : i32
        %parallel_loop3A_1069 = arith.muli %parallel_loop3A_1067, %parallel_loop3A_1068 : i32
        %parallel_loop3A_1070 = arith.addi %mul3A_229, %parallel_loop3A_1069 : i32
        %parallel_loop3A_1071 = arith.index_cast %select_n3A_211 : i32 to index
        %parallel_loop3A_1072 = arith.index_cast %parallel_loop3A_1070 : i32 to index
        %parallel_loop3A_1073 = tpu.vector_load %arg8[%parallel_loop3A_1071, %parallel_loop3A_1072] {strides = array<i32>} : memref<2x10240xf32, #tpu.memory_space<vmem>>, vector<16xf32>,
        %parallel_loop3A_1074 = arith.constant 2 : i32
        %parallel_loop3A_1075 = arith.muli %parallel_loop3A_1067, %parallel_loop3A_1074 : i32
        %parallel_loop3A_1076 = arith.constant 0 : i32
        %parallel_loop3A_1077 = arith.addi %parallel_loop3A_1075, %parallel_loop3A_1076 : i32
        %parallel_loop3A_1078 = vector.extract_strided_slice %parallel_loop3A_1073 {offsets = [0], sizes = [1], strides = [1]} : vector<16xf32> to vector<1xf32>
        %parallel_loop3A_1079 = vector.extract %parallel_loop3A_1078[0] : f32 from vector<1xf32>
        %parallel_loop3A_1080 = vector.broadcast %parallel_loop3A_1079 : f32 to vector<16xf32>
        %parallel_loop3A_1081 = vector.extract_strided_slice %parallel_loop3A_1073 {offsets = [1], sizes = [1], strides = [1]} : vector<16xf32> to vector<1xf32>
        %parallel_loop3A_1082 = vector.extract %parallel_loop3A_1081[0] : f32 from vector<1xf32>
        %parallel_loop3A_1083 = vector.broadcast %parallel_loop3A_1082 : f32 to vector<16xf32>
        %parallel_loop3A_1084 = vector.extract_strided_slice %parallel_loop3A_1073 {offsets = [2], sizes = [1], strides = [1]} : vector<16xf32> to vector<1xf32>
        %parallel_loop3A_1085 = vector.extract %parallel_loop3A_1084[0] : f32 from vector<1xf32>
        %parallel_loop3A_1086 = vector.broadcast %parallel_loop3A_1085 : f32 to vector<16xf32>
        %parallel_loop3A_1087 = vector.extract_strided_slice %parallel_loop3A_1073 {offsets = [3], sizes = [1], strides = [1]} : vector<16xf32> to vector<1xf32>
        %parallel_loop3A_1088 = vector.extract %parallel_loop3A_1087[0] : f32 from vector<1xf32>
        %parallel_loop3A_1089 = vector.broadcast %parallel_loop3A_1088 : f32 to vector<16xf32>
        %parallel_loop3A_1090 = vector.extract_strided_slice %parallel_loop3A_1073 {offsets = [4], sizes = [1], strides = [1]} : vector<16xf32> to vector<1xf32>
        %parallel_loop3A_1091 = vector.extract %parallel_loop3A_1090[0] : f32 from vector<1xf32>
        %parallel_loop3A_1092 = vector.broadcast %parallel_loop3A_1091 : f32 to vector<16xf32>
        %parallel_loop3A_1093 = vector.extract_strided_slice %parallel_loop3A_1073 {offsets = [5], sizes = [1], strides = [1]} : vector<16xf32> to vector<1xf32>
        %parallel_loop3A_1094 = vector.extract %parallel_loop3A_1093[0] : f32 from vector<1xf32>
        %parallel_loop3A_1095 = vector.broadcast %parallel_loop3A_1094 : f32 to vector<16xf32>
        %parallel_loop3A_1096 = vector.extract_strided_slice %parallel_loop3A_1073 {offsets = [6], sizes = [1], strides = [1]} : vector<16xf32> to vector<1xf32>
        %parallel_loop3A_1097 = vector.extract %parallel_loop3A_1096[0] : f32 from vector<1xf32>
        %parallel_loop3A_1098 = vector.broadcast %parallel_loop3A_1097 : f32 to vector<16xf32>
        %parallel_loop3A_1099 = vector.extract_strided_slice %parallel_loop3A_1073 {offsets = [7], sizes = [1], strides = [1]} : vector<16xf32> to vector<1xf32>
        %parallel_loop3A_1100 = vector.extract %parallel_loop3A_1099[0] : f32 from vector<1xf32>
        %parallel_loop3A_1101 = vector.broadcast %parallel_loop3A_1100 : f32 to vector<16xf32>
        %parallel_loop3A_1102 = arith.mulf %parallel_loop3A_1080, %get3A_232 : vector<16xf32>
        %parallel_loop3A_1103 = arith.mulf %parallel_loop3A_1083, %get3A_248 : vector<16xf32>
        %parallel_loop3A_1104 = arith.mulf %parallel_loop3A_1086, %get3A_264 : vector<16xf32>
        %parallel_loop3A_1105 = arith.mulf %parallel_loop3A_1089, %get3A_280 : vector<16xf32>
        %parallel_loop3A_1106 = arith.mulf %parallel_loop3A_1092, %get3A_296 : vector<16xf32>
        %parallel_loop3A_1107 = arith.mulf %parallel_loop3A_1095, %get3A_312 : vector<16xf32>
        %parallel_loop3A_1108 = arith.mulf %parallel_loop3A_1098, %get3A_328 : vector<16xf32>
        %parallel_loop3A_1109 = arith.mulf %parallel_loop3A_1101, %get3A_344 : vector<16xf32>
        %parallel_loop3A_1110 = arith.addf %parallel_loop3A_1102, %parallel_loop3A_1103 : vector<16xf32>
        %parallel_loop3A_1111 = arith.addf %parallel_loop3A_1104, %parallel_loop3A_1105 : vector<16xf32>
        %parallel_loop3A_1112 = arith.addf %parallel_loop3A_1110, %parallel_loop3A_1111 : vector<16xf32>
        %parallel_loop3A_1113 = arith.addf %parallel_loop3A_1106, %parallel_loop3A_1107 : vector<16xf32>
        %parallel_loop3A_1114 = arith.addf %parallel_loop3A_1108, %parallel_loop3A_1109 : vector<16xf32>
        %parallel_loop3A_1115 = arith.addf %parallel_loop3A_1113, %parallel_loop3A_1114 : vector<16xf32>
        %parallel_loop3A_1116 = arith.addf %parallel_loop3A_1112, %parallel_loop3A_1115 : vector<16xf32>
        %parallel_loop3A_1117 = arith.constant 0 : i32
        %parallel_loop3A_1118 = arith.index_cast %parallel_loop3A_1117 : i32 to index
        %parallel_loop3A_1119 = arith.index_cast %parallel_loop3A_1077 : i32 to index
        %parallel_loop3A_1120 = arith.constant 0 : index
        %parallel_loop3A_1121 = tpu.vector_load %arg9[%parallel_loop3A_1118, %parallel_loop3A_1119, %parallel_loop3A_1120] {strides = array<i32>} : memref<2x128x128xf32, #tpu.memory_space<vmem>>, vector<16xf32>,
        tpu.vector_store %arg9[%parallel_loop3A_1118, %parallel_loop3A_1119, %parallel_loop3A_1120], %parallel_loop3A_1116 {strides = array<i32>} : memref<2x128x128xf32, #tpu.memory_space<vmem>>, vector<16xf32>,
        %parallel_loop3A_1122 = arith.mulf %parallel_loop3A_1080, %get3A_236 : vector<16xf32>
        %parallel_loop3A_1123 = arith.mulf %parallel_loop3A_1083, %get3A_252 : vector<16xf32>
        %parallel_loop3A_1124 = arith.mulf %parallel_loop3A_1086, %get3A_268 : vector<16xf32>
        %parallel_loop3A_1125 = arith.mulf %parallel_loop3A_1089, %get3A_284 : vector<16xf32>
        %parallel_loop3A_1126 = arith.mulf %parallel_loop3A_1092, %get3A_300 : vector<16xf32>
        %parallel_loop3A_1127 = arith.mulf %parallel_loop3A_1095, %get3A_316 : vector<16xf32>
        %parallel_loop3A_1128 = arith.mulf %parallel_loop3A_1098, %get3A_332 : vector<16xf32>
        %parallel_loop3A_1129 = arith.mulf %parallel_loop3A_1101, %get3A_348 : vector<16xf32>
        %parallel_loop3A_1130 = arith.addf %parallel_loop3A_1122, %parallel_loop3A_1123 : vector<16xf32>
        %parallel_loop3A_1131 = arith.addf %parallel_loop3A_1124, %parallel_loop3A_1125 : vector<16xf32>
        %parallel_loop3A_1132 = arith.addf %parallel_loop3A_1130, %parallel_loop3A_1131 : vector<16xf32>
        %parallel_loop3A_1133 = arith.addf %parallel_loop3A_1126, %parallel_loop3A_1127 : vector<16xf32>
        %parallel_loop3A_1134 = arith.addf %parallel_loop3A_1128, %parallel_loop3A_1129 : vector<16xf32>
        %parallel_loop3A_1135 = arith.addf %parallel_loop3A_1133, %parallel_loop3A_1134 : vector<16xf32>
        %parallel_loop3A_1136 = arith.addf %parallel_loop3A_1132, %parallel_loop3A_1135 : vector<16xf32>
        %parallel_loop3A_1137 = arith.constant 0 : i32
        %parallel_loop3A_1138 = arith.index_cast %parallel_loop3A_1137 : i32 to index
        %parallel_loop3A_1139 = arith.index_cast %parallel_loop3A_1077 : i32 to index
        %parallel_loop3A_1140 = arith.constant 16 : index
        %parallel_loop3A_1141 = tpu.vector_load %arg9[%parallel_loop3A_1138, %parallel_loop3A_1139, %parallel_loop3A_1140] {strides = array<i32>} : memref<2x128x128xf32, #tpu.memory_space<vmem>>, vector<16xf32>,
        tpu.vector_store %arg9[%parallel_loop3A_1138, %parallel_loop3A_1139, %parallel_loop3A_1140], %parallel_loop3A_1136 {strides = array<i32>} : memref<2x128x128xf32, #tpu.memory_space<vmem>>, vector<16xf32>,
        %parallel_loop3A_1142 = arith.mulf %parallel_loop3A_1080, %get3A_240 : vector<16xf32>
        %parallel_loop3A_1143 = arith.mulf %parallel_loop3A_1083, %get3A_256 : vector<16xf32>
        %parallel_loop3A_1144 = arith.mulf %parallel_loop3A_1086, %get3A_272 : vector<16xf32>
        %parallel_loop3A_1145 = arith.mulf %parallel_loop3A_1089, %get3A_288 : vector<16xf32>
        %parallel_loop3A_1146 = arith.mulf %parallel_loop3A_1092, %get3A_304 : vector<16xf32>
        %parallel_loop3A_1147 = arith.mulf %parallel_loop3A_1095, %get3A_320 : vector<16xf32>
        %parallel_loop3A_1148 = arith.mulf %parallel_loop3A_1098, %get3A_336 : vector<16xf32>
        %parallel_loop3A_1149 = arith.mulf %parallel_loop3A_1101, %get3A_352 : vector<16xf32>
        %parallel_loop3A_1150 = arith.addf %parallel_loop3A_1142, %parallel_loop3A_1143 : vector<16xf32>
        %parallel_loop3A_1151 = arith.addf %parallel_loop3A_1144, %parallel_loop3A_1145 : vector<16xf32>
        %parallel_loop3A_1152 = arith.addf %parallel_loop3A_1150, %parallel_loop3A_1151 : vector<16xf32>
        %parallel_loop3A_1153 = arith.addf %parallel_loop3A_1146, %parallel_loop3A_1147 : vector<16xf32>
        %parallel_loop3A_1154 = arith.addf %parallel_loop3A_1148, %parallel_loop3A_1149 : vector<16xf32>
        %parallel_loop3A_1155 = arith.addf %parallel_loop3A_1153, %parallel_loop3A_1154 : vector<16xf32>
        %parallel_loop3A_1156 = arith.addf %parallel_loop3A_1152, %parallel_loop3A_1155 : vector<16xf32>
        %parallel_loop3A_1157 = arith.constant 0 : i32
        %parallel_loop3A_1158 = arith.index_cast %parallel_loop3A_1157 : i32 to index
        %parallel_loop3A_1159 = arith.index_cast %parallel_loop3A_1077 : i32 to index
        %parallel_loop3A_1160 = arith.constant 32 : index
        %parallel_loop3A_1161 = tpu.vector_load %arg9[%parallel_loop3A_1158, %parallel_loop3A_1159, %parallel_loop3A_1160] {strides = array<i32>} : memref<2x128x128xf32, #tpu.memory_space<vmem>>, vector<16xf32>,
        tpu.vector_store %arg9[%parallel_loop3A_1158, %parallel_loop3A_1159, %parallel_loop3A_1160], %parallel_loop3A_1156 {strides = array<i32>} : memref<2x128x128xf32, #tpu.memory_space<vmem>>, vector<16xf32>,
        %parallel_loop3A_1162 = arith.mulf %parallel_loop3A_1080, %get3A_244 : vector<16xf32>
        %parallel_loop3A_1163 = arith.mulf %parallel_loop3A_1083, %get3A_260 : vector<16xf32>
        %parallel_loop3A_1164 = arith.mulf %parallel_loop3A_1086, %get3A_276 : vector<16xf32>
        %parallel_loop3A_1165 = arith.mulf %parallel_loop3A_1089, %get3A_292 : vector<16xf32>
        %parallel_loop3A_1166 = arith.mulf %parallel_loop3A_1092, %get3A_308 : vector<16xf32>
        %parallel_loop3A_1167 = arith.mulf %parallel_loop3A_1095, %get3A_324 : vector<16xf32>
        %parallel_loop3A_1168 = arith.mulf %parallel_loop3A_1098, %get3A_340 : vector<16xf32>
        %parallel_loop3A_1169 = arith.mulf %parallel_loop3A_1101, %get3A_356 : vector<16xf32>
        %parallel_loop3A_1170 = arith.addf %parallel_loop3A_1162, %parallel_loop3A_1163 : vector<16xf32>
        %parallel_loop3A_1171 = arith.addf %parallel_loop3A_1164, %parallel_loop3A_1165 : vector<16xf32>
        %parallel_loop3A_1172 = arith.addf %parallel_loop3A_1170, %parallel_loop3A_1171 : vector<16xf32>
        %parallel_loop3A_1173 = arith.addf %parallel_loop3A_1166, %parallel_loop3A_1167 : vector<16xf32>
        %parallel_loop3A_1174 = arith.addf %parallel_loop3A_1168, %parallel_loop3A_1169 : vector<16xf32>
        %parallel_loop3A_1175 = arith.addf %parallel_loop3A_1173, %parallel_loop3A_1174 : vector<16xf32>
        %parallel_loop3A_1176 = arith.addf %parallel_loop3A_1172, %parallel_loop3A_1175 : vector<16xf32>
        %parallel_loop3A_1177 = arith.constant 0 : i32
        %parallel_loop3A_1178 = arith.index_cast %parallel_loop3A_1177 : i32 to index
        %parallel_loop3A_1179 = arith.index_cast %parallel_loop3A_1077 : i32 to index
        %parallel_loop3A_1180 = arith.constant 48 : index
        %parallel_loop3A_1181 = tpu.vector_load %arg9[%parallel_loop3A_1178, %parallel_loop3A_1179, %parallel_loop3A_1180] {strides = array<i32>} : memref<2x128x128xf32, #tpu.memory_space<vmem>>, vector<16xf32>,
        tpu.vector_store %arg9[%parallel_loop3A_1178, %parallel_loop3A_1179, %parallel_loop3A_1180], %parallel_loop3A_1176 {strides = array<i32>} : memref<2x128x128xf32, #tpu.memory_space<vmem>>, vector<16xf32>,
        %parallel_loop3A_1182 = arith.constant 2 : i32
        %parallel_loop3A_1183 = arith.muli %parallel_loop3A_1067, %parallel_loop3A_1182 : i32
        %parallel_loop3A_1184 = arith.constant 1 : i32
        %parallel_loop3A_1185 = arith.addi %parallel_loop3A_1183, %parallel_loop3A_1184 : i32
        %parallel_loop3A_1186 = vector.extract_strided_slice %parallel_loop3A_1073 {offsets = [8], sizes = [1], strides = [1]} : vector<16xf32> to vector<1xf32>
        %parallel_loop3A_1187 = vector.extract %parallel_loop3A_1186[0] : f32 from vector<1xf32>
        %parallel_loop3A_1188 = vector.broadcast %parallel_loop3A_1187 : f32 to vector<16xf32>
        %parallel_loop3A_1189 = vector.extract_strided_slice %parallel_loop3A_1073 {offsets = [9], sizes = [1], strides = [1]} : vector<16xf32> to vector<1xf32>
        %parallel_loop3A_1190 = vector.extract %parallel_loop3A_1189[0] : f32 from vector<1xf32>
        %parallel_loop3A_1191 = vector.broadcast %parallel_loop3A_1190 : f32 to vector<16xf32>
        %parallel_loop3A_1192 = vector.extract_strided_slice %parallel_loop3A_1073 {offsets = [10], sizes = [1], strides = [1]} : vector<16xf32> to vector<1xf32>
        %parallel_loop3A_1193 = vector.extract %parallel_loop3A_1192[0] : f32 from vector<1xf32>
        %parallel_loop3A_1194 = vector.broadcast %parallel_loop3A_1193 : f32 to vector<16xf32>
        %parallel_loop3A_1195 = vector.extract_strided_slice %parallel_loop3A_1073 {offsets = [11], sizes = [1], strides = [1]} : vector<16xf32> to vector<1xf32>
        %parallel_loop3A_1196 = vector.extract %parallel_loop3A_1195[0] : f32 from vector<1xf32>
        %parallel_loop3A_1197 = vector.broadcast %parallel_loop3A_1196 : f32 to vector<16xf32>
        %parallel_loop3A_1198 = vector.extract_strided_slice %parallel_loop3A_1073 {offsets = [12], sizes = [1], strides = [1]} : vector<16xf32> to vector<1xf32>
        %parallel_loop3A_1199 = vector.extract %parallel_loop3A_1198[0] : f32 from vector<1xf32>
        %parallel_loop3A_1200 = vector.broadcast %parallel_loop3A_1199 : f32 to vector<16xf32>
        %parallel_loop3A_1201 = vector.extract_strided_slice %parallel_loop3A_1073 {offsets = [13], sizes = [1], strides = [1]} : vector<16xf32> to vector<1xf32>
        %parallel_loop3A_1202 = vector.extract %parallel_loop3A_1201[0] : f32 from vector<1xf32>
        %parallel_loop3A_1203 = vector.broadcast %parallel_loop3A_1202 : f32 to vector<16xf32>
        %parallel_loop3A_1204 = vector.extract_strided_slice %parallel_loop3A_1073 {offsets = [14], sizes = [1], strides = [1]} : vector<16xf32> to vector<1xf32>
        %parallel_loop3A_1205 = vector.extract %parallel_loop3A_1204[0] : f32 from vector<1xf32>
        %parallel_loop3A_1206 = vector.broadcast %parallel_loop3A_1205 : f32 to vector<16xf32>
        %parallel_loop3A_1207 = vector.extract_strided_slice %parallel_loop3A_1073 {offsets = [15], sizes = [1], strides = [1]} : vector<16xf32> to vector<1xf32>
        %parallel_loop3A_1208 = vector.extract %parallel_loop3A_1207[0] : f32 from vector<1xf32>
        %parallel_loop3A_1209 = vector.broadcast %parallel_loop3A_1208 : f32 to vector<16xf32>
        %parallel_loop3A_1210 = arith.mulf %parallel_loop3A_1188, %get3A_232 : vector<16xf32>
        %parallel_loop3A_1211 = arith.mulf %parallel_loop3A_1191, %get3A_248 : vector<16xf32>
        %parallel_loop3A_1212 = arith.mulf %parallel_loop3A_1194, %get3A_264 : vector<16xf32>
        %parallel_loop3A_1213 = arith.mulf %parallel_loop3A_1197, %get3A_280 : vector<16xf32>
        %parallel_loop3A_1214 = arith.mulf %parallel_loop3A_1200, %get3A_296 : vector<16xf32>
        %parallel_loop3A_1215 = arith.mulf %parallel_loop3A_1203, %get3A_312 : vector<16xf32>
        %parallel_loop3A_1216 = arith.mulf %parallel_loop3A_1206, %get3A_328 : vector<16xf32>
        %parallel_loop3A_1217 = arith.mulf %parallel_loop3A_1209, %get3A_344 : vector<16xf32>
        %parallel_loop3A_1218 = arith.addf %parallel_loop3A_1210, %parallel_loop3A_1211 : vector<16xf32>
        %parallel_loop3A_1219 = arith.addf %parallel_loop3A_1212, %parallel_loop3A_1213 : vector<16xf32>
        %parallel_loop3A_1220 = arith.addf %parallel_loop3A_1218, %parallel_loop3A_1219 : vector<16xf32>
        %parallel_loop3A_1221 = arith.addf %parallel_loop3A_1214, %parallel_loop3A_1215 : vector<16xf32>
        %parallel_loop3A_1222 = arith.addf %parallel_loop3A_1216, %parallel_loop3A_1217 : vector<16xf32>
        %parallel_loop3A_1223 = arith.addf %parallel_loop3A_1221, %parallel_loop3A_1222 : vector<16xf32>
        %parallel_loop3A_1224 = arith.addf %parallel_loop3A_1220, %parallel_loop3A_1223 : vector<16xf32>
        %parallel_loop3A_1225 = arith.constant 0 : i32
        %parallel_loop3A_1226 = arith.index_cast %parallel_loop3A_1225 : i32 to index
        %parallel_loop3A_1227 = arith.index_cast %parallel_loop3A_1185 : i32 to index
        %parallel_loop3A_1228 = arith.constant 0 : index
        %parallel_loop3A_1229 = tpu.vector_load %arg9[%parallel_loop3A_1226, %parallel_loop3A_1227, %parallel_loop3A_1228] {strides = array<i32>} : memref<2x128x128xf32, #tpu.memory_space<vmem>>, vector<16xf32>,
        tpu.vector_store %arg9[%parallel_loop3A_1226, %parallel_loop3A_1227, %parallel_loop3A_1228], %parallel_loop3A_1224 {strides = array<i32>} : memref<2x128x128xf32, #tpu.memory_space<vmem>>, vector<16xf32>,
        %parallel_loop3A_1230 = arith.mulf %parallel_loop3A_1188, %get3A_236 : vector<16xf32>
        %parallel_loop3A_1231 = arith.mulf %parallel_loop3A_1191, %get3A_252 : vector<16xf32>
        %parallel_loop3A_1232 = arith.mulf %parallel_loop3A_1194, %get3A_268 : vector<16xf32>
        %parallel_loop3A_1233 = arith.mulf %parallel_loop3A_1197, %get3A_284 : vector<16xf32>
        %parallel_loop3A_1234 = arith.mulf %parallel_loop3A_1200, %get3A_300 : vector<16xf32>
        %parallel_loop3A_1235 = arith.mulf %parallel_loop3A_1203, %get3A_316 : vector<16xf32>
        %parallel_loop3A_1236 = arith.mulf %parallel_loop3A_1206, %get3A_332 : vector<16xf32>
        %parallel_loop3A_1237 = arith.mulf %parallel_loop3A_1209, %get3A_348 : vector<16xf32>
        %parallel_loop3A_1238 = arith.addf %parallel_loop3A_1230, %parallel_loop3A_1231 : vector<16xf32>
        %parallel_loop3A_1239 = arith.addf %parallel_loop3A_1232, %parallel_loop3A_1233 : vector<16xf32>
        %parallel_loop3A_1240 = arith.addf %parallel_loop3A_1238, %parallel_loop3A_1239 : vector<16xf32>
        %parallel_loop3A_1241 = arith.addf %parallel_loop3A_1234, %parallel_loop3A_1235 : vector<16xf32>
        %parallel_loop3A_1242 = arith.addf %parallel_loop3A_1236, %parallel_loop3A_1237 : vector<16xf32>
        %parallel_loop3A_1243 = arith.addf %parallel_loop3A_1241, %parallel_loop3A_1242 : vector<16xf32>
        %parallel_loop3A_1244 = arith.addf %parallel_loop3A_1240, %parallel_loop3A_1243 : vector<16xf32>
        %parallel_loop3A_1245 = arith.constant 0 : i32
        %parallel_loop3A_1246 = arith.index_cast %parallel_loop3A_1245 : i32 to index
        %parallel_loop3A_1247 = arith.index_cast %parallel_loop3A_1185 : i32 to index
        %parallel_loop3A_1248 = arith.constant 16 : index
        %parallel_loop3A_1249 = tpu.vector_load %arg9[%parallel_loop3A_1246, %parallel_loop3A_1247, %parallel_loop3A_1248] {strides = array<i32>} : memref<2x128x128xf32, #tpu.memory_space<vmem>>, vector<16xf32>,
        tpu.vector_store %arg9[%parallel_loop3A_1246, %parallel_loop3A_1247, %parallel_loop3A_1248], %parallel_loop3A_1244 {strides = array<i32>} : memref<2x128x128xf32, #tpu.memory_space<vmem>>, vector<16xf32>,
        %parallel_loop3A_1250 = arith.mulf %parallel_loop3A_1188, %get3A_240 : vector<16xf32>
        %parallel_loop3A_1251 = arith.mulf %parallel_loop3A_1191, %get3A_256 : vector<16xf32>
        %parallel_loop3A_1252 = arith.mulf %parallel_loop3A_1194, %get3A_272 : vector<16xf32>
        %parallel_loop3A_1253 = arith.mulf %parallel_loop3A_1197, %get3A_288 : vector<16xf32>
        %parallel_loop3A_1254 = arith.mulf %parallel_loop3A_1200, %get3A_304 : vector<16xf32>
        %parallel_loop3A_1255 = arith.mulf %parallel_loop3A_1203, %get3A_320 : vector<16xf32>
        %parallel_loop3A_1256 = arith.mulf %parallel_loop3A_1206, %get3A_336 : vector<16xf32>
        %parallel_loop3A_1257 = arith.mulf %parallel_loop3A_1209, %get3A_352 : vector<16xf32>
        %parallel_loop3A_1258 = arith.addf %parallel_loop3A_1250, %parallel_loop3A_1251 : vector<16xf32>
        %parallel_loop3A_1259 = arith.addf %parallel_loop3A_1252, %parallel_loop3A_1253 : vector<16xf32>
        %parallel_loop3A_1260 = arith.addf %parallel_loop3A_1258, %parallel_loop3A_1259 : vector<16xf32>
        %parallel_loop3A_1261 = arith.addf %parallel_loop3A_1254, %parallel_loop3A_1255 : vector<16xf32>
        %parallel_loop3A_1262 = arith.addf %parallel_loop3A_1256, %parallel_loop3A_1257 : vector<16xf32>
        %parallel_loop3A_1263 = arith.addf %parallel_loop3A_1261, %parallel_loop3A_1262 : vector<16xf32>
        %parallel_loop3A_1264 = arith.addf %parallel_loop3A_1260, %parallel_loop3A_1263 : vector<16xf32>
        %parallel_loop3A_1265 = arith.constant 0 : i32
        %parallel_loop3A_1266 = arith.index_cast %parallel_loop3A_1265 : i32 to index
        %parallel_loop3A_1267 = arith.index_cast %parallel_loop3A_1185 : i32 to index
        %parallel_loop3A_1268 = arith.constant 32 : index
        %parallel_loop3A_1269 = tpu.vector_load %arg9[%parallel_loop3A_1266, %parallel_loop3A_1267, %parallel_loop3A_1268] {strides = array<i32>} : memref<2x128x128xf32, #tpu.memory_space<vmem>>, vector<16xf32>,
        tpu.vector_store %arg9[%parallel_loop3A_1266, %parallel_loop3A_1267, %parallel_loop3A_1268], %parallel_loop3A_1264 {strides = array<i32>} : memref<2x128x128xf32, #tpu.memory_space<vmem>>, vector<16xf32>,
        %parallel_loop3A_1270 = arith.mulf %parallel_loop3A_1188, %get3A_244 : vector<16xf32>
        %parallel_loop3A_1271 = arith.mulf %parallel_loop3A_1191, %get3A_260 : vector<16xf32>
        %parallel_loop3A_1272 = arith.mulf %parallel_loop3A_1194, %get3A_276 : vector<16xf32>
        %parallel_loop3A_1273 = arith.mulf %parallel_loop3A_1197, %get3A_292 : vector<16xf32>
        %parallel_loop3A_1274 = arith.mulf %parallel_loop3A_1200, %get3A_308 : vector<16xf32>
        %parallel_loop3A_1275 = arith.mulf %parallel_loop3A_1203, %get3A_324 : vector<16xf32>
        %parallel_loop3A_1276 = arith.mulf %parallel_loop3A_1206, %get3A_340 : vector<16xf32>
        %parallel_loop3A_1277 = arith.mulf %parallel_loop3A_1209, %get3A_356 : vector<16xf32>
        %parallel_loop3A_1278 = arith.addf %parallel_loop3A_1270, %parallel_loop3A_1271 : vector<16xf32>
        %parallel_loop3A_1279 = arith.addf %parallel_loop3A_1272, %parallel_loop3A_1273 : vector<16xf32>
        %parallel_loop3A_1280 = arith.addf %parallel_loop3A_1278, %parallel_loop3A_1279 : vector<16xf32>
        %parallel_loop3A_1281 = arith.addf %parallel_loop3A_1274, %parallel_loop3A_1275 : vector<16xf32>
        %parallel_loop3A_1282 = arith.addf %parallel_loop3A_1276, %parallel_loop3A_1277 : vector<16xf32>
        %parallel_loop3A_1283 = arith.addf %parallel_loop3A_1281, %parallel_loop3A_1282 : vector<16xf32>
        %parallel_loop3A_1284 = arith.addf %parallel_loop3A_1280, %parallel_loop3A_1283 : vector<16xf32>
        %parallel_loop3A_1285 = arith.constant 0 : i32
        %parallel_loop3A_1286 = arith.index_cast %parallel_loop3A_1285 : i32 to index
        %parallel_loop3A_1287 = arith.index_cast %parallel_loop3A_1185 : i32 to index
        %parallel_loop3A_1288 = arith.constant 48 : index
        %parallel_loop3A_1289 = tpu.vector_load %arg9[%parallel_loop3A_1286, %parallel_loop3A_1287, %parallel_loop3A_1288] {strides = array<i32>} : memref<2x128x128xf32, #tpu.memory_space<vmem>>, vector<16xf32>,
        tpu.vector_store %arg9[%parallel_loop3A_1286, %parallel_loop3A_1287, %parallel_loop3A_1288], %parallel_loop3A_1284 {strides = array<i32>} : memref<2x128x128xf32, #tpu.memory_space<vmem>>, vector<16xf32>,
      } {sc.loop_unroll_factor = 2 : i64, sc.parallel_access}
      %get3A_360 = arith.constant 0 : i32
      %get3A_361 = arith.index_cast %get3A_360 : i32 to index
      %get3A_362 = arith.constant 64 : index
      %get3A_363 = tpu.vector_load %arg10[%get3A_361, %get3A_362] {strides = array<i32>} : memref<8x128xf32, #tpu.memory_space<vmem>>, vector<16xf32>,
      %get3A_364 = arith.constant 0 : i32
      %get3A_365 = arith.index_cast %get3A_364 : i32 to index
      %get3A_366 = arith.constant 80 : index
      %get3A_367 = tpu.vector_load %arg10[%get3A_365, %get3A_366] {strides = array<i32>} : memref<8x128xf32, #tpu.memory_space<vmem>>, vector<16xf32>,
      %get3A_368 = arith.constant 0 : i32
      %get3A_369 = arith.index_cast %get3A_368 : i32 to index
      %get3A_370 = arith.constant 96 : index
      %get3A_371 = tpu.vector_load %arg10[%get3A_369, %get3A_370] {strides = array<i32>} : memref<8x128xf32, #tpu.memory_space<vmem>>, vector<16xf32>,
      %get3A_372 = arith.constant 0 : i32
      %get3A_373 = arith.index_cast %get3A_372 : i32 to index
      %get3A_374 = arith.constant 112 : index
      %get3A_375 = tpu.vector_load %arg10[%get3A_373, %get3A_374] {strides = array<i32>} : memref<8x128xf32, #tpu.memory_space<vmem>>, vector<16xf32>,
      %get3A_376 = arith.constant 1 : i32
      %get3A_377 = arith.index_cast %get3A_376 : i32 to index
      %get3A_378 = arith.constant 64 : index
      %get3A_379 = tpu.vector_load %arg10[%get3A_377, %get3A_378] {strides = array<i32>} : memref<8x128xf32, #tpu.memory_space<vmem>>, vector<16xf32>,
      %get3A_380 = arith.constant 1 : i32
      %get3A_381 = arith.index_cast %get3A_380 : i32 to index
      %get3A_382 = arith.constant 80 : index
      %get3A_383 = tpu.vector_load %arg10[%get3A_381, %get3A_382] {strides = array<i32>} : memref<8x128xf32, #tpu.memory_space<vmem>>, vector<16xf32>,
      %get3A_384 = arith.constant 1 : i32
      %get3A_385 = arith.index_cast %get3A_384 : i32 to index
      %get3A_386 = arith.constant 96 : index
      %get3A_387 = tpu.vector_load %arg10[%get3A_385, %get3A_386] {strides = array<i32>} : memref<8x128xf32, #tpu.memory_space<vmem>>, vector<16xf32>,
      %get3A_388 = arith.constant 1 : i32
      %get3A_389 = arith.index_cast %get3A_388 : i32 to index
      %get3A_390 = arith.constant 112 : index
      %get3A_391 = tpu.vector_load %arg10[%get3A_389, %get3A_390] {strides = array<i32>} : memref<8x128xf32, #tpu.memory_space<vmem>>, vector<16xf32>,
      %get3A_392 = arith.constant 2 : i32
      %get3A_393 = arith.index_cast %get3A_392 : i32 to index
      %get3A_394 = arith.constant 64 : index
      %get3A_395 = tpu.vector_load %arg10[%get3A_393, %get3A_394] {strides = array<i32>} : memref<8x128xf32, #tpu.memory_space<vmem>>, vector<16xf32>,
      %get3A_396 = arith.constant 2 : i32
      %get3A_397 = arith.index_cast %get3A_396 : i32 to index
      %get3A_398 = arith.constant 80 : index
      %get3A_399 = tpu.vector_load %arg10[%get3A_397, %get3A_398] {strides = array<i32>} : memref<8x128xf32, #tpu.memory_space<vmem>>, vector<16xf32>,
      %get3A_400 = arith.constant 2 : i32
      %get3A_401 = arith.index_cast %get3A_400 : i32 to index
      %get3A_402 = arith.constant 96 : index
      %get3A_403 = tpu.vector_load %arg10[%get3A_401, %get3A_402] {strides = array<i32>} : memref<8x128xf32, #tpu.memory_space<vmem>>, vector<16xf32>,
      %get3A_404 = arith.constant 2 : i32
      %get3A_405 = arith.index_cast %get3A_404 : i32 to index
      %get3A_406 = arith.constant 112 : index
      %get3A_407 = tpu.vector_load %arg10[%get3A_405, %get3A_406] {strides = array<i32>} : memref<8x128xf32, #tpu.memory_space<vmem>>, vector<16xf32>,
      %get3A_408 = arith.constant 3 : i32
      %get3A_409 = arith.index_cast %get3A_408 : i32 to index
      %get3A_410 = arith.constant 64 : index
      %get3A_411 = tpu.vector_load %arg10[%get3A_409, %get3A_410] {strides = array<i32>} : memref<8x128xf32, #tpu.memory_space<vmem>>, vector<16xf32>,
      %get3A_412 = arith.constant 3 : i32
      %get3A_413 = arith.index_cast %get3A_412 : i32 to index
      %get3A_414 = arith.constant 80 : index
      %get3A_415 = tpu.vector_load %arg10[%get3A_413, %get3A_414] {strides = array<i32>} : memref<8x128xf32, #tpu.memory_space<vmem>>, vector<16xf32>,
      %get3A_416 = arith.constant 3 : i32
      %get3A_417 = arith.index_cast %get3A_416 : i32 to index
      %get3A_418 = arith.constant 96 : index
      %get3A_419 = tpu.vector_load %arg10[%get3A_417, %get3A_418] {strides = array<i32>} : memref<8x128xf32, #tpu.memory_space<vmem>>, vector<16xf32>,
      %get3A_420 = arith.constant 3 : i32
      %get3A_421 = arith.index_cast %get3A_420 : i32 to index
      %get3A_422 = arith.constant 112 : index
      %get3A_423 = tpu.vector_load %arg10[%get3A_421, %get3A_422] {strides = array<i32>} : memref<8x128xf32, #tpu.memory_space<vmem>>, vector<16xf32>,
      %get3A_424 = arith.constant 4 : i32
      %get3A_425 = arith.index_cast %get3A_424 : i32 to index
      %get3A_426 = arith.constant 64 : index
      %get3A_427 = tpu.vector_load %arg10[%get3A_425, %get3A_426] {strides = array<i32>} : memref<8x128xf32, #tpu.memory_space<vmem>>, vector<16xf32>,
      %get3A_428 = arith.constant 4 : i32
      %get3A_429 = arith.index_cast %get3A_428 : i32 to index
      %get3A_430 = arith.constant 80 : index
      %get3A_431 = tpu.vector_load %arg10[%get3A_429, %get3A_430] {strides = array<i32>} : memref<8x128xf32, #tpu.memory_space<vmem>>, vector<16xf32>,
      %get3A_432 = arith.constant 4 : i32
      %get3A_433 = arith.index_cast %get3A_432 : i32 to index
      %get3A_434 = arith.constant 96 : index
      %get3A_435 = tpu.vector_load %arg10[%get3A_433, %get3A_434] {strides = array<i32>} : memref<8x128xf32, #tpu.memory_space<vmem>>, vector<16xf32>,
      %get3A_436 = arith.constant 4 : i32
      %get3A_437 = arith.index_cast %get3A_436 : i32 to index
      %get3A_438 = arith.constant 112 : index
      %get3A_439 = tpu.vector_load %arg10[%get3A_437, %get3A_438] {strides = array<i32>} : memref<8x128xf32, #tpu.memory_space<vmem>>, vector<16xf32>,
      %get3A_440 = arith.constant 5 : i32
      %get3A_441 = arith.index_cast %get3A_440 : i32 to index
      %get3A_442 = arith.constant 64 : index
      %get3A_443 = tpu.vector_load %arg10[%get3A_441, %get3A_442] {strides = array<i32>} : memref<8x128xf32, #tpu.memory_space<vmem>>, vector<16xf32>,
      %get3A_444 = arith.constant 5 : i32
      %get3A_445 = arith.index_cast %get3A_444 : i32 to index
      %get3A_446 = arith.constant 80 : index
      %get3A_447 = tpu.vector_load %arg10[%get3A_445, %get3A_446] {strides = array<i32>} : memref<8x128xf32, #tpu.memory_space<vmem>>, vector<16xf32>,
      %get3A_448 = arith.constant 5 : i32
      %get3A_449 = arith.index_cast %get3A_448 : i32 to index
      %get3A_450 = arith.constant 96 : index
      %get3A_451 = tpu.vector_load %arg10[%get3A_449, %get3A_450] {strides = array<i32>} : memref<8x128xf32, #tpu.memory_space<vmem>>, vector<16xf32>,
      %get3A_452 = arith.constant 5 : i32
      %get3A_453 = arith.index_cast %get3A_452 : i32 to index
      %get3A_454 = arith.constant 112 : index
      %get3A_455 = tpu.vector_load %arg10[%get3A_453, %get3A_454] {strides = array<i32>} : memref<8x128xf32, #tpu.memory_space<vmem>>, vector<16xf32>,
      %get3A_456 = arith.constant 6 : i32
      %get3A_457 = arith.index_cast %get3A_456 : i32 to index
      %get3A_458 = arith.constant 64 : index
      %get3A_459 = tpu.vector_load %arg10[%get3A_457, %get3A_458] {strides = array<i32>} : memref<8x128xf32, #tpu.memory_space<vmem>>, vector<16xf32>,
      %get3A_460 = arith.constant 6 : i32
      %get3A_461 = arith.index_cast %get3A_460 : i32 to index
      %get3A_462 = arith.constant 80 : index
      %get3A_463 = tpu.vector_load %arg10[%get3A_461, %get3A_462] {strides = array<i32>} : memref<8x128xf32, #tpu.memory_space<vmem>>, vector<16xf32>,
      %get3A_464 = arith.constant 6 : i32
      %get3A_465 = arith.index_cast %get3A_464 : i32 to index
      %get3A_466 = arith.constant 96 : index
      %get3A_467 = tpu.vector_load %arg10[%get3A_465, %get3A_466] {strides = array<i32>} : memref<8x128xf32, #tpu.memory_space<vmem>>, vector<16xf32>,
      %get3A_468 = arith.constant 6 : i32
      %get3A_469 = arith.index_cast %get3A_468 : i32 to index
      %get3A_470 = arith.constant 112 : index
      %get3A_471 = tpu.vector_load %arg10[%get3A_469, %get3A_470] {strides = array<i32>} : memref<8x128xf32, #tpu.memory_space<vmem>>, vector<16xf32>,
      %get3A_472 = arith.constant 7 : i32
      %get3A_473 = arith.index_cast %get3A_472 : i32 to index
      %get3A_474 = arith.constant 64 : index
      %get3A_475 = tpu.vector_load %arg10[%get3A_473, %get3A_474] {strides = array<i32>} : memref<8x128xf32, #tpu.memory_space<vmem>>, vector<16xf32>,
      %get3A_476 = arith.constant 7 : i32
      %get3A_477 = arith.index_cast %get3A_476 : i32 to index
      %get3A_478 = arith.constant 80 : index
      %get3A_479 = tpu.vector_load %arg10[%get3A_477, %get3A_478] {strides = array<i32>} : memref<8x128xf32, #tpu.memory_space<vmem>>, vector<16xf32>,
      %get3A_480 = arith.constant 7 : i32
      %get3A_481 = arith.index_cast %get3A_480 : i32 to index
      %get3A_482 = arith.constant 96 : index
      %get3A_483 = tpu.vector_load %arg10[%get3A_481, %get3A_482] {strides = array<i32>} : memref<8x128xf32, #tpu.memory_space<vmem>>, vector<16xf32>,
      %get3A_484 = arith.constant 7 : i32
      %get3A_485 = arith.index_cast %get3A_484 : i32 to index
      %get3A_486 = arith.constant 112 : index
      %get3A_487 = tpu.vector_load %arg10[%get3A_485, %get3A_486] {strides = array<i32>} : memref<8x128xf32, #tpu.memory_space<vmem>>, vector<16xf32>,
      %parallel_loop3A_488 = arith.constant 0 : i32
      %parallel_loop3A_489 = arith.constant 64 : i32
      %parallel_loop3A_490 = arith.constant 1 : i32
      scf.for %parallel_loop3A_1067 = %parallel_loop3A_488 to %parallel_loop3A_489 step %parallel_loop3A_490  : i32 {
        %parallel_loop3A_1068 = arith.constant 16 : i32
        %parallel_loop3A_1069 = arith.muli %parallel_loop3A_1067, %parallel_loop3A_1068 : i32
        %parallel_loop3A_1070 = arith.addi %mul3A_229, %parallel_loop3A_1069 : i32
        %parallel_loop3A_1071 = arith.index_cast %select_n3A_211 : i32 to index
        %parallel_loop3A_1072 = arith.index_cast %parallel_loop3A_1070 : i32 to index
        %parallel_loop3A_1073 = tpu.vector_load %arg8[%parallel_loop3A_1071, %parallel_loop3A_1072] {strides = array<i32>} : memref<2x10240xf32, #tpu.memory_space<vmem>>, vector<16xf32>,
        %parallel_loop3A_1074 = arith.constant 2 : i32
        %parallel_loop3A_1075 = arith.muli %parallel_loop3A_1067, %parallel_loop3A_1074 : i32
        %parallel_loop3A_1076 = arith.constant 0 : i32
        %parallel_loop3A_1077 = arith.addi %parallel_loop3A_1075, %parallel_loop3A_1076 : i32
        %parallel_loop3A_1078 = vector.extract_strided_slice %parallel_loop3A_1073 {offsets = [0], sizes = [1], strides = [1]} : vector<16xf32> to vector<1xf32>
        %parallel_loop3A_1079 = vector.extract %parallel_loop3A_1078[0] : f32 from vector<1xf32>
        %parallel_loop3A_1080 = vector.broadcast %parallel_loop3A_1079 : f32 to vector<16xf32>
        %parallel_loop3A_1081 = vector.extract_strided_slice %parallel_loop3A_1073 {offsets = [1], sizes = [1], strides = [1]} : vector<16xf32> to vector<1xf32>
        %parallel_loop3A_1082 = vector.extract %parallel_loop3A_1081[0] : f32 from vector<1xf32>
        %parallel_loop3A_1083 = vector.broadcast %parallel_loop3A_1082 : f32 to vector<16xf32>
        %parallel_loop3A_1084 = vector.extract_strided_slice %parallel_loop3A_1073 {offsets = [2], sizes = [1], strides = [1]} : vector<16xf32> to vector<1xf32>
        %parallel_loop3A_1085 = vector.extract %parallel_loop3A_1084[0] : f32 from vector<1xf32>
        %parallel_loop3A_1086 = vector.broadcast %parallel_loop3A_1085 : f32 to vector<16xf32>
        %parallel_loop3A_1087 = vector.extract_strided_slice %parallel_loop3A_1073 {offsets = [3], sizes = [1], strides = [1]} : vector<16xf32> to vector<1xf32>
        %parallel_loop3A_1088 = vector.extract %parallel_loop3A_1087[0] : f32 from vector<1xf32>
        %parallel_loop3A_1089 = vector.broadcast %parallel_loop3A_1088 : f32 to vector<16xf32>
        %parallel_loop3A_1090 = vector.extract_strided_slice %parallel_loop3A_1073 {offsets = [4], sizes = [1], strides = [1]} : vector<16xf32> to vector<1xf32>
        %parallel_loop3A_1091 = vector.extract %parallel_loop3A_1090[0] : f32 from vector<1xf32>
        %parallel_loop3A_1092 = vector.broadcast %parallel_loop3A_1091 : f32 to vector<16xf32>
        %parallel_loop3A_1093 = vector.extract_strided_slice %parallel_loop3A_1073 {offsets = [5], sizes = [1], strides = [1]} : vector<16xf32> to vector<1xf32>
        %parallel_loop3A_1094 = vector.extract %parallel_loop3A_1093[0] : f32 from vector<1xf32>
        %parallel_loop3A_1095 = vector.broadcast %parallel_loop3A_1094 : f32 to vector<16xf32>
        %parallel_loop3A_1096 = vector.extract_strided_slice %parallel_loop3A_1073 {offsets = [6], sizes = [1], strides = [1]} : vector<16xf32> to vector<1xf32>
        %parallel_loop3A_1097 = vector.extract %parallel_loop3A_1096[0] : f32 from vector<1xf32>
        %parallel_loop3A_1098 = vector.broadcast %parallel_loop3A_1097 : f32 to vector<16xf32>
        %parallel_loop3A_1099 = vector.extract_strided_slice %parallel_loop3A_1073 {offsets = [7], sizes = [1], strides = [1]} : vector<16xf32> to vector<1xf32>
        %parallel_loop3A_1100 = vector.extract %parallel_loop3A_1099[0] : f32 from vector<1xf32>
        %parallel_loop3A_1101 = vector.broadcast %parallel_loop3A_1100 : f32 to vector<16xf32>
        %parallel_loop3A_1102 = arith.mulf %parallel_loop3A_1080, %get3A_363 : vector<16xf32>
        %parallel_loop3A_1103 = arith.mulf %parallel_loop3A_1083, %get3A_379 : vector<16xf32>
        %parallel_loop3A_1104 = arith.mulf %parallel_loop3A_1086, %get3A_395 : vector<16xf32>
        %parallel_loop3A_1105 = arith.mulf %parallel_loop3A_1089, %get3A_411 : vector<16xf32>
        %parallel_loop3A_1106 = arith.mulf %parallel_loop3A_1092, %get3A_427 : vector<16xf32>
        %parallel_loop3A_1107 = arith.mulf %parallel_loop3A_1095, %get3A_443 : vector<16xf32>
        %parallel_loop3A_1108 = arith.mulf %parallel_loop3A_1098, %get3A_459 : vector<16xf32>
        %parallel_loop3A_1109 = arith.mulf %parallel_loop3A_1101, %get3A_475 : vector<16xf32>
        %parallel_loop3A_1110 = arith.addf %parallel_loop3A_1102, %parallel_loop3A_1103 : vector<16xf32>
        %parallel_loop3A_1111 = arith.addf %parallel_loop3A_1104, %parallel_loop3A_1105 : vector<16xf32>
        %parallel_loop3A_1112 = arith.addf %parallel_loop3A_1110, %parallel_loop3A_1111 : vector<16xf32>
        %parallel_loop3A_1113 = arith.addf %parallel_loop3A_1106, %parallel_loop3A_1107 : vector<16xf32>
        %parallel_loop3A_1114 = arith.addf %parallel_loop3A_1108, %parallel_loop3A_1109 : vector<16xf32>
        %parallel_loop3A_1115 = arith.addf %parallel_loop3A_1113, %parallel_loop3A_1114 : vector<16xf32>
        %parallel_loop3A_1116 = arith.addf %parallel_loop3A_1112, %parallel_loop3A_1115 : vector<16xf32>
        %parallel_loop3A_1117 = arith.constant 0 : i32
        %parallel_loop3A_1118 = arith.index_cast %parallel_loop3A_1117 : i32 to index
        %parallel_loop3A_1119 = arith.index_cast %parallel_loop3A_1077 : i32 to index
        %parallel_loop3A_1120 = arith.constant 64 : index
        %parallel_loop3A_1121 = tpu.vector_load %arg9[%parallel_loop3A_1118, %parallel_loop3A_1119, %parallel_loop3A_1120] {strides = array<i32>} : memref<2x128x128xf32, #tpu.memory_space<vmem>>, vector<16xf32>,
        tpu.vector_store %arg9[%parallel_loop3A_1118, %parallel_loop3A_1119, %parallel_loop3A_1120], %parallel_loop3A_1116 {strides = array<i32>} : memref<2x128x128xf32, #tpu.memory_space<vmem>>, vector<16xf32>,
        %parallel_loop3A_1122 = arith.mulf %parallel_loop3A_1080, %get3A_367 : vector<16xf32>
        %parallel_loop3A_1123 = arith.mulf %parallel_loop3A_1083, %get3A_383 : vector<16xf32>
        %parallel_loop3A_1124 = arith.mulf %parallel_loop3A_1086, %get3A_399 : vector<16xf32>
        %parallel_loop3A_1125 = arith.mulf %parallel_loop3A_1089, %get3A_415 : vector<16xf32>
        %parallel_loop3A_1126 = arith.mulf %parallel_loop3A_1092, %get3A_431 : vector<16xf32>
        %parallel_loop3A_1127 = arith.mulf %parallel_loop3A_1095, %get3A_447 : vector<16xf32>
        %parallel_loop3A_1128 = arith.mulf %parallel_loop3A_1098, %get3A_463 : vector<16xf32>
        %parallel_loop3A_1129 = arith.mulf %parallel_loop3A_1101, %get3A_479 : vector<16xf32>
        %parallel_loop3A_1130 = arith.addf %parallel_loop3A_1122, %parallel_loop3A_1123 : vector<16xf32>
        %parallel_loop3A_1131 = arith.addf %parallel_loop3A_1124, %parallel_loop3A_1125 : vector<16xf32>
        %parallel_loop3A_1132 = arith.addf %parallel_loop3A_1130, %parallel_loop3A_1131 : vector<16xf32>
        %parallel_loop3A_1133 = arith.addf %parallel_loop3A_1126, %parallel_loop3A_1127 : vector<16xf32>
        %parallel_loop3A_1134 = arith.addf %parallel_loop3A_1128, %parallel_loop3A_1129 : vector<16xf32>
        %parallel_loop3A_1135 = arith.addf %parallel_loop3A_1133, %parallel_loop3A_1134 : vector<16xf32>
        %parallel_loop3A_1136 = arith.addf %parallel_loop3A_1132, %parallel_loop3A_1135 : vector<16xf32>
        %parallel_loop3A_1137 = arith.constant 0 : i32
        %parallel_loop3A_1138 = arith.index_cast %parallel_loop3A_1137 : i32 to index
        %parallel_loop3A_1139 = arith.index_cast %parallel_loop3A_1077 : i32 to index
        %parallel_loop3A_1140 = arith.constant 80 : index
        %parallel_loop3A_1141 = tpu.vector_load %arg9[%parallel_loop3A_1138, %parallel_loop3A_1139, %parallel_loop3A_1140] {strides = array<i32>} : memref<2x128x128xf32, #tpu.memory_space<vmem>>, vector<16xf32>,
        tpu.vector_store %arg9[%parallel_loop3A_1138, %parallel_loop3A_1139, %parallel_loop3A_1140], %parallel_loop3A_1136 {strides = array<i32>} : memref<2x128x128xf32, #tpu.memory_space<vmem>>, vector<16xf32>,
        %parallel_loop3A_1142 = arith.mulf %parallel_loop3A_1080, %get3A_371 : vector<16xf32>
        %parallel_loop3A_1143 = arith.mulf %parallel_loop3A_1083, %get3A_387 : vector<16xf32>
        %parallel_loop3A_1144 = arith.mulf %parallel_loop3A_1086, %get3A_403 : vector<16xf32>
        %parallel_loop3A_1145 = arith.mulf %parallel_loop3A_1089, %get3A_419 : vector<16xf32>
        %parallel_loop3A_1146 = arith.mulf %parallel_loop3A_1092, %get3A_435 : vector<16xf32>
        %parallel_loop3A_1147 = arith.mulf %parallel_loop3A_1095, %get3A_451 : vector<16xf32>
        %parallel_loop3A_1148 = arith.mulf %parallel_loop3A_1098, %get3A_467 : vector<16xf32>
        %parallel_loop3A_1149 = arith.mulf %parallel_loop3A_1101, %get3A_483 : vector<16xf32>
        %parallel_loop3A_1150 = arith.addf %parallel_loop3A_1142, %parallel_loop3A_1143 : vector<16xf32>
        %parallel_loop3A_1151 = arith.addf %parallel_loop3A_1144, %parallel_loop3A_1145 : vector<16xf32>
        %parallel_loop3A_1152 = arith.addf %parallel_loop3A_1150, %parallel_loop3A_1151 : vector<16xf32>
        %parallel_loop3A_1153 = arith.addf %parallel_loop3A_1146, %parallel_loop3A_1147 : vector<16xf32>
        %parallel_loop3A_1154 = arith.addf %parallel_loop3A_1148, %parallel_loop3A_1149 : vector<16xf32>
        %parallel_loop3A_1155 = arith.addf %parallel_loop3A_1153, %parallel_loop3A_1154 : vector<16xf32>
        %parallel_loop3A_1156 = arith.addf %parallel_loop3A_1152, %parallel_loop3A_1155 : vector<16xf32>
        %parallel_loop3A_1157 = arith.constant 0 : i32
        %parallel_loop3A_1158 = arith.index_cast %parallel_loop3A_1157 : i32 to index
        %parallel_loop3A_1159 = arith.index_cast %parallel_loop3A_1077 : i32 to index
        %parallel_loop3A_1160 = arith.constant 96 : index
        %parallel_loop3A_1161 = tpu.vector_load %arg9[%parallel_loop3A_1158, %parallel_loop3A_1159, %parallel_loop3A_1160] {strides = array<i32>} : memref<2x128x128xf32, #tpu.memory_space<vmem>>, vector<16xf32>,
        tpu.vector_store %arg9[%parallel_loop3A_1158, %parallel_loop3A_1159, %parallel_loop3A_1160], %parallel_loop3A_1156 {strides = array<i32>} : memref<2x128x128xf32, #tpu.memory_space<vmem>>, vector<16xf32>,
        %parallel_loop3A_1162 = arith.mulf %parallel_loop3A_1080, %get3A_375 : vector<16xf32>
        %parallel_loop3A_1163 = arith.mulf %parallel_loop3A_1083, %get3A_391 : vector<16xf32>
        %parallel_loop3A_1164 = arith.mulf %parallel_loop3A_1086, %get3A_407 : vector<16xf32>
        %parallel_loop3A_1165 = arith.mulf %parallel_loop3A_1089, %get3A_423 : vector<16xf32>
        %parallel_loop3A_1166 = arith.mulf %parallel_loop3A_1092, %get3A_439 : vector<16xf32>
        %parallel_loop3A_1167 = arith.mulf %parallel_loop3A_1095, %get3A_455 : vector<16xf32>
        %parallel_loop3A_1168 = arith.mulf %parallel_loop3A_1098, %get3A_471 : vector<16xf32>
        %parallel_loop3A_1169 = arith.mulf %parallel_loop3A_1101, %get3A_487 : vector<16xf32>
        %parallel_loop3A_1170 = arith.addf %parallel_loop3A_1162, %parallel_loop3A_1163 : vector<16xf32>
        %parallel_loop3A_1171 = arith.addf %parallel_loop3A_1164, %parallel_loop3A_1165 : vector<16xf32>
        %parallel_loop3A_1172 = arith.addf %parallel_loop3A_1170, %parallel_loop3A_1171 : vector<16xf32>
        %parallel_loop3A_1173 = arith.addf %parallel_loop3A_1166, %parallel_loop3A_1167 : vector<16xf32>
        %parallel_loop3A_1174 = arith.addf %parallel_loop3A_1168, %parallel_loop3A_1169 : vector<16xf32>
        %parallel_loop3A_1175 = arith.addf %parallel_loop3A_1173, %parallel_loop3A_1174 : vector<16xf32>
        %parallel_loop3A_1176 = arith.addf %parallel_loop3A_1172, %parallel_loop3A_1175 : vector<16xf32>
        %parallel_loop3A_1177 = arith.constant 0 : i32
        %parallel_loop3A_1178 = arith.index_cast %parallel_loop3A_1177 : i32 to index
        %parallel_loop3A_1179 = arith.index_cast %parallel_loop3A_1077 : i32 to index
        %parallel_loop3A_1180 = arith.constant 112 : index
        %parallel_loop3A_1181 = tpu.vector_load %arg9[%parallel_loop3A_1178, %parallel_loop3A_1179, %parallel_loop3A_1180] {strides = array<i32>} : memref<2x128x128xf32, #tpu.memory_space<vmem>>, vector<16xf32>,
        tpu.vector_store %arg9[%parallel_loop3A_1178, %parallel_loop3A_1179, %parallel_loop3A_1180], %parallel_loop3A_1176 {strides = array<i32>} : memref<2x128x128xf32, #tpu.memory_space<vmem>>, vector<16xf32>,
        %parallel_loop3A_1182 = arith.constant 2 : i32
        %parallel_loop3A_1183 = arith.muli %parallel_loop3A_1067, %parallel_loop3A_1182 : i32
        %parallel_loop3A_1184 = arith.constant 1 : i32
        %parallel_loop3A_1185 = arith.addi %parallel_loop3A_1183, %parallel_loop3A_1184 : i32
        %parallel_loop3A_1186 = vector.extract_strided_slice %parallel_loop3A_1073 {offsets = [8], sizes = [1], strides = [1]} : vector<16xf32> to vector<1xf32>
        %parallel_loop3A_1187 = vector.extract %parallel_loop3A_1186[0] : f32 from vector<1xf32>
        %parallel_loop3A_1188 = vector.broadcast %parallel_loop3A_1187 : f32 to vector<16xf32>
        %parallel_loop3A_1189 = vector.extract_strided_slice %parallel_loop3A_1073 {offsets = [9], sizes = [1], strides = [1]} : vector<16xf32> to vector<1xf32>
        %parallel_loop3A_1190 = vector.extract %parallel_loop3A_1189[0] : f32 from vector<1xf32>
        %parallel_loop3A_1191 = vector.broadcast %parallel_loop3A_1190 : f32 to vector<16xf32>
        %parallel_loop3A_1192 = vector.extract_strided_slice %parallel_loop3A_1073 {offsets = [10], sizes = [1], strides = [1]} : vector<16xf32> to vector<1xf32>
        %parallel_loop3A_1193 = vector.extract %parallel_loop3A_1192[0] : f32 from vector<1xf32>
        %parallel_loop3A_1194 = vector.broadcast %parallel_loop3A_1193 : f32 to vector<16xf32>
        %parallel_loop3A_1195 = vector.extract_strided_slice %parallel_loop3A_1073 {offsets = [11], sizes = [1], strides = [1]} : vector<16xf32> to vector<1xf32>
        %parallel_loop3A_1196 = vector.extract %parallel_loop3A_1195[0] : f32 from vector<1xf32>
        %parallel_loop3A_1197 = vector.broadcast %parallel_loop3A_1196 : f32 to vector<16xf32>
        %parallel_loop3A_1198 = vector.extract_strided_slice %parallel_loop3A_1073 {offsets = [12], sizes = [1], strides = [1]} : vector<16xf32> to vector<1xf32>
        %parallel_loop3A_1199 = vector.extract %parallel_loop3A_1198[0] : f32 from vector<1xf32>
        %parallel_loop3A_1200 = vector.broadcast %parallel_loop3A_1199 : f32 to vector<16xf32>
        %parallel_loop3A_1201 = vector.extract_strided_slice %parallel_loop3A_1073 {offsets = [13], sizes = [1], strides = [1]} : vector<16xf32> to vector<1xf32>
        %parallel_loop3A_1202 = vector.extract %parallel_loop3A_1201[0] : f32 from vector<1xf32>
        %parallel_loop3A_1203 = vector.broadcast %parallel_loop3A_1202 : f32 to vector<16xf32>
        %parallel_loop3A_1204 = vector.extract_strided_slice %parallel_loop3A_1073 {offsets = [14], sizes = [1], strides = [1]} : vector<16xf32> to vector<1xf32>
        %parallel_loop3A_1205 = vector.extract %parallel_loop3A_1204[0] : f32 from vector<1xf32>
        %parallel_loop3A_1206 = vector.broadcast %parallel_loop3A_1205 : f32 to vector<16xf32>
        %parallel_loop3A_1207 = vector.extract_strided_slice %parallel_loop3A_1073 {offsets = [15], sizes = [1], strides = [1]} : vector<16xf32> to vector<1xf32>
        %parallel_loop3A_1208 = vector.extract %parallel_loop3A_1207[0] : f32 from vector<1xf32>
        %parallel_loop3A_1209 = vector.broadcast %parallel_loop3A_1208 : f32 to vector<16xf32>
        %parallel_loop3A_1210 = arith.mulf %parallel_loop3A_1188, %get3A_363 : vector<16xf32>
        %parallel_loop3A_1211 = arith.mulf %parallel_loop3A_1191, %get3A_379 : vector<16xf32>
        %parallel_loop3A_1212 = arith.mulf %parallel_loop3A_1194, %get3A_395 : vector<16xf32>
        %parallel_loop3A_1213 = arith.mulf %parallel_loop3A_1197, %get3A_411 : vector<16xf32>
        %parallel_loop3A_1214 = arith.mulf %parallel_loop3A_1200, %get3A_427 : vector<16xf32>
        %parallel_loop3A_1215 = arith.mulf %parallel_loop3A_1203, %get3A_443 : vector<16xf32>
        %parallel_loop3A_1216 = arith.mulf %parallel_loop3A_1206, %get3A_459 : vector<16xf32>
        %parallel_loop3A_1217 = arith.mulf %parallel_loop3A_1209, %get3A_475 : vector<16xf32>
        %parallel_loop3A_1218 = arith.addf %parallel_loop3A_1210, %parallel_loop3A_1211 : vector<16xf32>
        %parallel_loop3A_1219 = arith.addf %parallel_loop3A_1212, %parallel_loop3A_1213 : vector<16xf32>
        %parallel_loop3A_1220 = arith.addf %parallel_loop3A_1218, %parallel_loop3A_1219 : vector<16xf32>
        %parallel_loop3A_1221 = arith.addf %parallel_loop3A_1214, %parallel_loop3A_1215 : vector<16xf32>
        %parallel_loop3A_1222 = arith.addf %parallel_loop3A_1216, %parallel_loop3A_1217 : vector<16xf32>
        %parallel_loop3A_1223 = arith.addf %parallel_loop3A_1221, %parallel_loop3A_1222 : vector<16xf32>
        %parallel_loop3A_1224 = arith.addf %parallel_loop3A_1220, %parallel_loop3A_1223 : vector<16xf32>
        %parallel_loop3A_1225 = arith.constant 0 : i32
        %parallel_loop3A_1226 = arith.index_cast %parallel_loop3A_1225 : i32 to index
        %parallel_loop3A_1227 = arith.index_cast %parallel_loop3A_1185 : i32 to index
        %parallel_loop3A_1228 = arith.constant 64 : index
        %parallel_loop3A_1229 = tpu.vector_load %arg9[%parallel_loop3A_1226, %parallel_loop3A_1227, %parallel_loop3A_1228] {strides = array<i32>} : memref<2x128x128xf32, #tpu.memory_space<vmem>>, vector<16xf32>,
        tpu.vector_store %arg9[%parallel_loop3A_1226, %parallel_loop3A_1227, %parallel_loop3A_1228], %parallel_loop3A_1224 {strides = array<i32>} : memref<2x128x128xf32, #tpu.memory_space<vmem>>, vector<16xf32>,
        %parallel_loop3A_1230 = arith.mulf %parallel_loop3A_1188, %get3A_367 : vector<16xf32>
        %parallel_loop3A_1231 = arith.mulf %parallel_loop3A_1191, %get3A_383 : vector<16xf32>
        %parallel_loop3A_1232 = arith.mulf %parallel_loop3A_1194, %get3A_399 : vector<16xf32>
        %parallel_loop3A_1233 = arith.mulf %parallel_loop3A_1197, %get3A_415 : vector<16xf32>
        %parallel_loop3A_1234 = arith.mulf %parallel_loop3A_1200, %get3A_431 : vector<16xf32>
        %parallel_loop3A_1235 = arith.mulf %parallel_loop3A_1203, %get3A_447 : vector<16xf32>
        %parallel_loop3A_1236 = arith.mulf %parallel_loop3A_1206, %get3A_463 : vector<16xf32>
        %parallel_loop3A_1237 = arith.mulf %parallel_loop3A_1209, %get3A_479 : vector<16xf32>
        %parallel_loop3A_1238 = arith.addf %parallel_loop3A_1230, %parallel_loop3A_1231 : vector<16xf32>
        %parallel_loop3A_1239 = arith.addf %parallel_loop3A_1232, %parallel_loop3A_1233 : vector<16xf32>
        %parallel_loop3A_1240 = arith.addf %parallel_loop3A_1238, %parallel_loop3A_1239 : vector<16xf32>
        %parallel_loop3A_1241 = arith.addf %parallel_loop3A_1234, %parallel_loop3A_1235 : vector<16xf32>
        %parallel_loop3A_1242 = arith.addf %parallel_loop3A_1236, %parallel_loop3A_1237 : vector<16xf32>
        %parallel_loop3A_1243 = arith.addf %parallel_loop3A_1241, %parallel_loop3A_1242 : vector<16xf32>
        %parallel_loop3A_1244 = arith.addf %parallel_loop3A_1240, %parallel_loop3A_1243 : vector<16xf32>
        %parallel_loop3A_1245 = arith.constant 0 : i32
        %parallel_loop3A_1246 = arith.index_cast %parallel_loop3A_1245 : i32 to index
        %parallel_loop3A_1247 = arith.index_cast %parallel_loop3A_1185 : i32 to index
        %parallel_loop3A_1248 = arith.constant 80 : index
        %parallel_loop3A_1249 = tpu.vector_load %arg9[%parallel_loop3A_1246, %parallel_loop3A_1247, %parallel_loop3A_1248] {strides = array<i32>} : memref<2x128x128xf32, #tpu.memory_space<vmem>>, vector<16xf32>,
        tpu.vector_store %arg9[%parallel_loop3A_1246, %parallel_loop3A_1247, %parallel_loop3A_1248], %parallel_loop3A_1244 {strides = array<i32>} : memref<2x128x128xf32, #tpu.memory_space<vmem>>, vector<16xf32>,
        %parallel_loop3A_1250 = arith.mulf %parallel_loop3A_1188, %get3A_371 : vector<16xf32>
        %parallel_loop3A_1251 = arith.mulf %parallel_loop3A_1191, %get3A_387 : vector<16xf32>
        %parallel_loop3A_1252 = arith.mulf %parallel_loop3A_1194, %get3A_403 : vector<16xf32>
        %parallel_loop3A_1253 = arith.mulf %parallel_loop3A_1197, %get3A_419 : vector<16xf32>
        %parallel_loop3A_1254 = arith.mulf %parallel_loop3A_1200, %get3A_435 : vector<16xf32>
        %parallel_loop3A_1255 = arith.mulf %parallel_loop3A_1203, %get3A_451 : vector<16xf32>
        %parallel_loop3A_1256 = arith.mulf %parallel_loop3A_1206, %get3A_467 : vector<16xf32>
        %parallel_loop3A_1257 = arith.mulf %parallel_loop3A_1209, %get3A_483 : vector<16xf32>
        %parallel_loop3A_1258 = arith.addf %parallel_loop3A_1250, %parallel_loop3A_1251 : vector<16xf32>
        %parallel_loop3A_1259 = arith.addf %parallel_loop3A_1252, %parallel_loop3A_1253 : vector<16xf32>
        %parallel_loop3A_1260 = arith.addf %parallel_loop3A_1258, %parallel_loop3A_1259 : vector<16xf32>
        %parallel_loop3A_1261 = arith.addf %parallel_loop3A_1254, %parallel_loop3A_1255 : vector<16xf32>
        %parallel_loop3A_1262 = arith.addf %parallel_loop3A_1256, %parallel_loop3A_1257 : vector<16xf32>
        %parallel_loop3A_1263 = arith.addf %parallel_loop3A_1261, %parallel_loop3A_1262 : vector<16xf32>
        %parallel_loop3A_1264 = arith.addf %parallel_loop3A_1260, %parallel_loop3A_1263 : vector<16xf32>
        %parallel_loop3A_1265 = arith.constant 0 : i32
        %parallel_loop3A_1266 = arith.index_cast %parallel_loop3A_1265 : i32 to index
        %parallel_loop3A_1267 = arith.index_cast %parallel_loop3A_1185 : i32 to index
        %parallel_loop3A_1268 = arith.constant 96 : index
        %parallel_loop3A_1269 = tpu.vector_load %arg9[%parallel_loop3A_1266, %parallel_loop3A_1267, %parallel_loop3A_1268] {strides = array<i32>} : memref<2x128x128xf32, #tpu.memory_space<vmem>>, vector<16xf32>,
        tpu.vector_store %arg9[%parallel_loop3A_1266, %parallel_loop3A_1267, %parallel_loop3A_1268], %parallel_loop3A_1264 {strides = array<i32>} : memref<2x128x128xf32, #tpu.memory_space<vmem>>, vector<16xf32>,
        %parallel_loop3A_1270 = arith.mulf %parallel_loop3A_1188, %get3A_375 : vector<16xf32>
        %parallel_loop3A_1271 = arith.mulf %parallel_loop3A_1191, %get3A_391 : vector<16xf32>
        %parallel_loop3A_1272 = arith.mulf %parallel_loop3A_1194, %get3A_407 : vector<16xf32>
        %parallel_loop3A_1273 = arith.mulf %parallel_loop3A_1197, %get3A_423 : vector<16xf32>
        %parallel_loop3A_1274 = arith.mulf %parallel_loop3A_1200, %get3A_439 : vector<16xf32>
        %parallel_loop3A_1275 = arith.mulf %parallel_loop3A_1203, %get3A_455 : vector<16xf32>
        %parallel_loop3A_1276 = arith.mulf %parallel_loop3A_1206, %get3A_471 : vector<16xf32>
        %parallel_loop3A_1277 = arith.mulf %parallel_loop3A_1209, %get3A_487 : vector<16xf32>
        %parallel_loop3A_1278 = arith.addf %parallel_loop3A_1270, %parallel_loop3A_1271 : vector<16xf32>
        %parallel_loop3A_1279 = arith.addf %parallel_loop3A_1272, %parallel_loop3A_1273 : vector<16xf32>
        %parallel_loop3A_1280 = arith.addf %parallel_loop3A_1278, %parallel_loop3A_1279 : vector<16xf32>
        %parallel_loop3A_1281 = arith.addf %parallel_loop3A_1274, %parallel_loop3A_1275 : vector<16xf32>
        %parallel_loop3A_1282 = arith.addf %parallel_loop3A_1276, %parallel_loop3A_1277 : vector<16xf32>
        %parallel_loop3A_1283 = arith.addf %parallel_loop3A_1281, %parallel_loop3A_1282 : vector<16xf32>
        %parallel_loop3A_1284 = arith.addf %parallel_loop3A_1280, %parallel_loop3A_1283 : vector<16xf32>
        %parallel_loop3A_1285 = arith.constant 0 : i32
        %parallel_loop3A_1286 = arith.index_cast %parallel_loop3A_1285 : i32 to index
        %parallel_loop3A_1287 = arith.index_cast %parallel_loop3A_1185 : i32 to index
        %parallel_loop3A_1288 = arith.constant 112 : index
        %parallel_loop3A_1289 = tpu.vector_load %arg9[%parallel_loop3A_1286, %parallel_loop3A_1287, %parallel_loop3A_1288] {strides = array<i32>} : memref<2x128x128xf32, #tpu.memory_space<vmem>>, vector<16xf32>,
        tpu.vector_store %arg9[%parallel_loop3A_1286, %parallel_loop3A_1287, %parallel_loop3A_1288], %parallel_loop3A_1284 {strides = array<i32>} : memref<2x128x128xf32, #tpu.memory_space<vmem>>, vector<16xf32>,
      } {sc.loop_unroll_factor = 2 : i64, sc.parallel_access}
      %jit3A_491 = arith.constant 10 : i32
      %div3A_492 = arith.divsi %add3A_155, %jit3A_491 : i32
      %sign3A_493 = arith.constant 0 : i32
      %sign3A_494 = arith.cmpi sgt, %add3A_155, %sign3A_493 : i32
      %sign3A_495 = arith.extui %sign3A_494 : i1 to i32
      %sign3A_496 = arith.constant 0 : i32
      %sign3A_497 = arith.cmpi slt, %add3A_155, %sign3A_496 : i32
      %sign3A_498 = arith.extui %sign3A_497 : i1 to i32
      %sign3A_499 = arith.subi %sign3A_495, %sign3A_498 : i32
      %sign3A_500 = arith.constant 0 : i32
      %sign3A_501 = arith.cmpi sgt, %jit3A_491, %sign3A_500 : i32
      %sign3A_502 = arith.extui %sign3A_501 : i1 to i32
      %sign3A_503 = arith.constant 0 : i32
      %sign3A_504 = arith.cmpi slt, %jit3A_491, %sign3A_503 : i32
      %sign3A_505 = arith.extui %sign3A_504 : i1 to i32
      %sign3A_506 = arith.subi %sign3A_502, %sign3A_505 : i32
      %ne3A_507 = arith.cmpi ne, %sign3A_499, %sign3A_506 : i32
      %rem3A_508 = arith.remsi %add3A_155, %jit3A_491 : i32
      %ne3A_509 = arith.constant 0 : i32
      %ne3A_510 = arith.cmpi ne, %rem3A_508, %ne3A_509 : i32
      %and3A_511 = arith.andi %ne3A_507, %ne3A_510 : i1
      %sub3A_512 = arith.constant 1 : i32
      %sub3A_513 = arith.subi %div3A_492, %sub3A_512 : i32
      %select_n3A_514 = arith.select %and3A_511, %sub3A_513, %div3A_492 : i32
      %jit3A_515 = arith.constant 2 : i32
      %eq3A_516 = arith.constant 0 : i32
      %eq3A_517 = arith.cmpi eq, %jit3A_515, %eq3A_516 : i32
      %jit3A_518 = arith.constant 1 : i32
      %select_n3A_519 = arith.select %eq3A_517, %jit3A_518, %jit3A_515 : i32
      %rem3A_520 = arith.remsi %select_n3A_514, %select_n3A_519 : i32
      %ne3A_521 = arith.constant 0 : i32
      %ne3A_522 = arith.cmpi ne, %rem3A_520, %ne3A_521 : i32
      %lt3A_523 = arith.constant 0 : i32
      %lt3A_524 = arith.cmpi slt, %rem3A_520, %lt3A_523 : i32
      %lt3A_525 = arith.constant 0 : i32
      %lt3A_526 = arith.cmpi slt, %select_n3A_519, %lt3A_525 : i32
      %ne3A_527 = arith.xori %lt3A_524, %lt3A_526 : i1
      %and3A_528 = arith.andi %ne3A_527, %ne3A_522 : i1
      %add3A_529 = arith.addi %rem3A_520, %select_n3A_519 : i32
      %select_n3A_530 = arith.select %and3A_528, %add3A_529, %rem3A_520 : i32
      %jit3A_531 = arith.constant 10 : i32
      %eq3A_532 = arith.constant 0 : i32
      %eq3A_533 = arith.cmpi eq, %jit3A_531, %eq3A_532 : i32
      %jit3A_534 = arith.constant 1 : i32
      %select_n3A_535 = arith.select %eq3A_533, %jit3A_534, %jit3A_531 : i32
      %rem3A_536 = arith.remsi %add3A_155, %select_n3A_535 : i32
      %ne3A_537 = arith.constant 0 : i32
      %ne3A_538 = arith.cmpi ne, %rem3A_536, %ne3A_537 : i32
      %lt3A_539 = arith.constant 0 : i32
      %lt3A_540 = arith.cmpi slt, %rem3A_536, %lt3A_539 : i32
      %lt3A_541 = arith.constant 0 : i32
      %lt3A_542 = arith.cmpi slt, %select_n3A_535, %lt3A_541 : i32
      %ne3A_543 = arith.xori %lt3A_540, %lt3A_542 : i1
      %and3A_544 = arith.andi %ne3A_543, %ne3A_538 : i1
      %add3A_545 = arith.addi %rem3A_536, %select_n3A_535 : i32
      %select_n3A_546 = arith.select %and3A_544, %add3A_545, %rem3A_536 : i32
      %mul3A_547 = arith.constant 128 : i32
      %mul3A_548 = arith.muli %select_n3A_546, %mul3A_547 : i32
      %add3A_549 = arith.constant 0 : i32
      %add3A_550 = arith.addi %add3A_549, %mul3A_548 : i32
      %dma_start3A_551 = arith.constant 0 : i32
      %dma_start3A_552 = arith.constant 0 : i32
      %dma_start3A_553 = arith.constant 0 : i32
      %dma_start3A_554 = tpu.memref_slice %arg9[%dma_start3A_551, %dma_start3A_552, %dma_start3A_553] : memref<2x128x128xf32, #tpu.memory_space<vmem>> -> memref<1x128x128xf32, #tpu.memory_space<vmem>>
      %dma_start3A_555 = tpu.memref_squeeze %dma_start3A_554 : memref<1x128x128xf32, #tpu.memory_space<vmem>> -> memref<128x128xf32, #tpu.memory_space<vmem>>
      %dma_start3A_556 = tpu.memref_slice %arg7[%select_n3A_530, %add3A_550] : memref<2x5120xi32, #tpu.memory_space<vmem>> -> memref<1x128xi32, #tpu.memory_space<vmem>>
      %dma_start3A_557 = tpu.memref_squeeze %dma_start3A_556 : memref<1x128xi32, #tpu.memory_space<vmem>> -> memref<128xi32, #tpu.memory_space<vmem>>
      %dma_start3A_558 = arith.constant 0 : i32
      %dma_start3A_559 = arith.constant 0 : i32
      %dma_start3A_560 = tpu.memref_slice %arg2[%dma_start3A_558, %dma_start3A_559] : memref<4000x128xf32, #tpu.memory_space<hbm>> -> memref<4000x128xf32, #tpu.memory_space<hbm>>
      tpu.enqueue_indirect_dma source(%dma_start3A_560 : memref<4000x128xf32, #tpu.memory_space<hbm>>) target(%dma_start3A_555 : memref<128x128xf32, #tpu.memory_space<vmem>>) offsets(%dma_start3A_557 : memref<128xi32, #tpu.memory_space<vmem>>) semaphore(%arg11 : memref<!tpu.dma_semaphore, #tpu.memory_space<semaphore_mem>>) {add = true}
      %add3A_561 = arith.constant 1280 : i32
      %add3A_562 = arith.addi %add3A_561, %mul3A_548 : i32
      %dma_start3A_563 = arith.constant 0 : i32
      %dma_start3A_564 = arith.constant 0 : i32
      %dma_start3A_565 = arith.constant 0 : i32
      %dma_start3A_566 = tpu.memref_slice %arg9[%dma_start3A_563, %dma_start3A_564, %dma_start3A_565] : memref<2x128x128xf32, #tpu.memory_space<vmem>> -> memref<1x128x128xf32, #tpu.memory_space<vmem>>
      %dma_start3A_567 = tpu.memref_squeeze %dma_start3A_566 : memref<1x128x128xf32, #tpu.memory_space<vmem>> -> memref<128x128xf32, #tpu.memory_space<vmem>>
      %dma_start3A_568 = tpu.memref_slice %arg7[%select_n3A_530, %add3A_562] : memref<2x5120xi32, #tpu.memory_space<vmem>> -> memref<1x128xi32, #tpu.memory_space<vmem>>
      %dma_start3A_569 = tpu.memref_squeeze %dma_start3A_568 : memref<1x128xi32, #tpu.memory_space<vmem>> -> memref<128xi32, #tpu.memory_space<vmem>>
      %dma_start3A_570 = arith.constant 0 : i32
      %dma_start3A_571 = arith.constant 0 : i32
      %dma_start3A_572 = tpu.memref_slice %arg2[%dma_start3A_570, %dma_start3A_571] : memref<4000x128xf32, #tpu.memory_space<hbm>> -> memref<4000x128xf32, #tpu.memory_space<hbm>>
      tpu.enqueue_indirect_dma source(%dma_start3A_572 : memref<4000x128xf32, #tpu.memory_space<hbm>>) target(%dma_start3A_567 : memref<128x128xf32, #tpu.memory_space<vmem>>) offsets(%dma_start3A_569 : memref<128xi32, #tpu.memory_space<vmem>>) semaphore(%arg11 : memref<!tpu.dma_semaphore, #tpu.memory_space<semaphore_mem>>) {add = true}
      %add3A_573 = arith.constant 2560 : i32
      %add3A_574 = arith.addi %add3A_573, %mul3A_548 : i32
      %dma_start3A_575 = arith.constant 0 : i32
      %dma_start3A_576 = arith.constant 0 : i32
      %dma_start3A_577 = arith.constant 0 : i32
      %dma_start3A_578 = tpu.memref_slice %arg9[%dma_start3A_575, %dma_start3A_576, %dma_start3A_577] : memref<2x128x128xf32, #tpu.memory_space<vmem>> -> memref<1x128x128xf32, #tpu.memory_space<vmem>>
      %dma_start3A_579 = tpu.memref_squeeze %dma_start3A_578 : memref<1x128x128xf32, #tpu.memory_space<vmem>> -> memref<128x128xf32, #tpu.memory_space<vmem>>
      %dma_start3A_580 = tpu.memref_slice %arg7[%select_n3A_530, %add3A_574] : memref<2x5120xi32, #tpu.memory_space<vmem>> -> memref<1x128xi32, #tpu.memory_space<vmem>>
      %dma_start3A_581 = tpu.memref_squeeze %dma_start3A_580 : memref<1x128xi32, #tpu.memory_space<vmem>> -> memref<128xi32, #tpu.memory_space<vmem>>
      %dma_start3A_582 = arith.constant 0 : i32
      %dma_start3A_583 = arith.constant 0 : i32
      %dma_start3A_584 = tpu.memref_slice %arg2[%dma_start3A_582, %dma_start3A_583] : memref<4000x128xf32, #tpu.memory_space<hbm>> -> memref<4000x128xf32, #tpu.memory_space<hbm>>
      tpu.enqueue_indirect_dma source(%dma_start3A_584 : memref<4000x128xf32, #tpu.memory_space<hbm>>) target(%dma_start3A_579 : memref<128x128xf32, #tpu.memory_space<vmem>>) offsets(%dma_start3A_581 : memref<128xi32, #tpu.memory_space<vmem>>) semaphore(%arg11 : memref<!tpu.dma_semaphore, #tpu.memory_space<semaphore_mem>>) {add = true}
      %add3A_585 = arith.constant 3840 : i32
      %add3A_586 = arith.addi %add3A_585, %mul3A_548 : i32
      %dma_start3A_587 = arith.constant 0 : i32
      %dma_start3A_588 = arith.constant 0 : i32
      %dma_start3A_589 = arith.constant 0 : i32
      %dma_start3A_590 = tpu.memref_slice %arg9[%dma_start3A_587, %dma_start3A_588, %dma_start3A_589] : memref<2x128x128xf32, #tpu.memory_space<vmem>> -> memref<1x128x128xf32, #tpu.memory_space<vmem>>
      %dma_start3A_591 = tpu.memref_squeeze %dma_start3A_590 : memref<1x128x128xf32, #tpu.memory_space<vmem>> -> memref<128x128xf32, #tpu.memory_space<vmem>>
      %dma_start3A_592 = tpu.memref_slice %arg7[%select_n3A_530, %add3A_586] : memref<2x5120xi32, #tpu.memory_space<vmem>> -> memref<1x128xi32, #tpu.memory_space<vmem>>
      %dma_start3A_593 = tpu.memref_squeeze %dma_start3A_592 : memref<1x128xi32, #tpu.memory_space<vmem>> -> memref<128xi32, #tpu.memory_space<vmem>>
      %dma_start3A_594 = arith.constant 0 : i32
      %dma_start3A_595 = arith.constant 0 : i32
      %dma_start3A_596 = tpu.memref_slice %arg2[%dma_start3A_594, %dma_start3A_595] : memref<4000x128xf32, #tpu.memory_space<hbm>> -> memref<4000x128xf32, #tpu.memory_space<hbm>>
      tpu.enqueue_indirect_dma source(%dma_start3A_596 : memref<4000x128xf32, #tpu.memory_space<hbm>>) target(%dma_start3A_591 : memref<128x128xf32, #tpu.memory_space<vmem>>) offsets(%dma_start3A_593 : memref<128xi32, #tpu.memory_space<vmem>>) semaphore(%arg11 : memref<!tpu.dma_semaphore, #tpu.memory_space<semaphore_mem>>) {add = true}
      %ge3A_597 = arith.constant 1 : i32
      %ge3A_598 = arith.cmpi sge, %add3A_155, %ge3A_597 : i32
      %convert_element_type3A_599 = arith.extui %ge3A_598 : i1 to i32
      %cond3A_600 = arith.constant 0 : i32
      %cond3A_601 = arith.cmpi ne, %convert_element_type3A_599, %cond3A_600 : i32
      scf.if %cond3A_601 {
        %sub3A_1067 = arith.constant 1 : i32
        %sub3A_1068 = arith.subi %add3A_155, %sub3A_1067 : i32
        %jit3A_1069 = arith.constant 10 : i32
        %div3A_1070 = arith.divsi %sub3A_1068, %jit3A_1069 : i32
        %sign3A_1071 = arith.constant 0 : i32
        %sign3A_1072 = arith.cmpi sgt, %sub3A_1068, %sign3A_1071 : i32
        %sign3A_1073 = arith.extui %sign3A_1072 : i1 to i32
        %sign3A_1074 = arith.constant 0 : i32
        %sign3A_1075 = arith.cmpi slt, %sub3A_1068, %sign3A_1074 : i32
        %sign3A_1076 = arith.extui %sign3A_1075 : i1 to i32
        %sign3A_1077 = arith.subi %sign3A_1073, %sign3A_1076 : i32
        %sign3A_1078 = arith.constant 0 : i32
        %sign3A_1079 = arith.cmpi sgt, %jit3A_1069, %sign3A_1078 : i32
        %sign3A_1080 = arith.extui %sign3A_1079 : i1 to i32
        %sign3A_1081 = arith.constant 0 : i32
        %sign3A_1082 = arith.cmpi slt, %jit3A_1069, %sign3A_1081 : i32
        %sign3A_1083 = arith.extui %sign3A_1082 : i1 to i32
        %sign3A_1084 = arith.subi %sign3A_1080, %sign3A_1083 : i32
        %ne3A_1085 = arith.cmpi ne, %sign3A_1077, %sign3A_1084 : i32
        %rem3A_1086 = arith.remsi %sub3A_1068, %jit3A_1069 : i32
        %ne3A_1087 = arith.constant 0 : i32
        %ne3A_1088 = arith.cmpi ne, %rem3A_1086, %ne3A_1087 : i32
        %and3A_1089 = arith.andi %ne3A_1085, %ne3A_1088 : i1
        %sub3A_1090 = arith.constant 1 : i32
        %sub3A_1091 = arith.subi %div3A_1070, %sub3A_1090 : i32
        %select_n3A_1092 = arith.select %and3A_1089, %sub3A_1091, %div3A_1070 : i32
        %jit3A_1093 = arith.constant 2 : i32
        %eq3A_1094 = arith.constant 0 : i32
        %eq3A_1095 = arith.cmpi eq, %jit3A_1093, %eq3A_1094 : i32
        %jit3A_1096 = arith.constant 1 : i32
        %select_n3A_1097 = arith.select %eq3A_1095, %jit3A_1096, %jit3A_1093 : i32
        %rem3A_1098 = arith.remsi %select_n3A_1092, %select_n3A_1097 : i32
        %ne3A_1099 = arith.constant 0 : i32
        %ne3A_1100 = arith.cmpi ne, %rem3A_1098, %ne3A_1099 : i32
        %lt3A_1101 = arith.constant 0 : i32
        %lt3A_1102 = arith.cmpi slt, %rem3A_1098, %lt3A_1101 : i32
        %lt3A_1103 = arith.constant 0 : i32
        %lt3A_1104 = arith.cmpi slt, %select_n3A_1097, %lt3A_1103 : i32
        %ne3A_1105 = arith.xori %lt3A_1102, %lt3A_1104 : i1
        %and3A_1106 = arith.andi %ne3A_1105, %ne3A_1100 : i1
        %add3A_1107 = arith.addi %rem3A_1098, %select_n3A_1097 : i32
        %select_n3A_1108 = arith.select %and3A_1106, %add3A_1107, %rem3A_1098 : i32
        %jit3A_1109 = arith.constant 10 : i32
        %eq3A_1110 = arith.constant 0 : i32
        %eq3A_1111 = arith.cmpi eq, %jit3A_1109, %eq3A_1110 : i32
        %jit3A_1112 = arith.constant 1 : i32
        %select_n3A_1113 = arith.select %eq3A_1111, %jit3A_1112, %jit3A_1109 : i32
        %rem3A_1114 = arith.remsi %sub3A_1068, %select_n3A_1113 : i32
        %ne3A_1115 = arith.constant 0 : i32
        %ne3A_1116 = arith.cmpi ne, %rem3A_1114, %ne3A_1115 : i32
        %lt3A_1117 = arith.constant 0 : i32
        %lt3A_1118 = arith.cmpi slt, %rem3A_1114, %lt3A_1117 : i32
        %lt3A_1119 = arith.constant 0 : i32
        %lt3A_1120 = arith.cmpi slt, %select_n3A_1113, %lt3A_1119 : i32
        %ne3A_1121 = arith.xori %lt3A_1118, %lt3A_1120 : i1
        %and3A_1122 = arith.andi %ne3A_1121, %ne3A_1116 : i1
        %add3A_1123 = arith.addi %rem3A_1114, %select_n3A_1113 : i32
        %select_n3A_1124 = arith.select %and3A_1122, %add3A_1123, %rem3A_1114 : i32
        %mul3A_1125 = arith.constant 128 : i32
        %mul3A_1126 = arith.muli %select_n3A_1124, %mul3A_1125 : i32
        %add3A_1127 = arith.constant 0 : i32
        %add3A_1128 = arith.addi %add3A_1127, %mul3A_1126 : i32
        %dma_wait3A_1129 = arith.constant 1 : i32
        %dma_wait3A_1130 = arith.constant 0 : i32
        %dma_wait3A_1131 = arith.constant 0 : i32
        %dma_wait3A_1132 = tpu.memref_slice %arg9[%dma_wait3A_1129, %dma_wait3A_1130, %dma_wait3A_1131] : memref<2x128x128xf32, #tpu.memory_space<vmem>> -> memref<1x128x128xf32, #tpu.memory_space<vmem>>
        %dma_wait3A_1133 = tpu.memref_squeeze %dma_wait3A_1132 : memref<1x128x128xf32, #tpu.memory_space<vmem>> -> memref<128x128xf32, #tpu.memory_space<vmem>>
        %dma_wait3A_1134 = tpu.memref_slice %arg7[%select_n3A_1108, %add3A_1128] : memref<2x5120xi32, #tpu.memory_space<vmem>> -> memref<1x128xi32, #tpu.memory_space<vmem>>
        %dma_wait3A_1135 = tpu.memref_squeeze %dma_wait3A_1134 : memref<1x128xi32, #tpu.memory_space<vmem>> -> memref<128xi32, #tpu.memory_space<vmem>>
        %dma_wait3A_1136 = arith.constant 0 : i32
        %dma_wait3A_1137 = arith.constant 0 : i32
        %dma_wait3A_1138 = tpu.memref_slice %arg2[%dma_wait3A_1136, %dma_wait3A_1137] : memref<4000x128xf32, #tpu.memory_space<hbm>> -> memref<4000x128xf32, #tpu.memory_space<hbm>>
        tpu.wait_indirect_dma semaphore(%arg12 : memref<!tpu.dma_semaphore, #tpu.memory_space<semaphore_mem>>) src(%dma_wait3A_1138 : memref<4000x128xf32, #tpu.memory_space<hbm>>) dst(%dma_wait3A_1133 : memref<128x128xf32, #tpu.memory_space<vmem>>)
        %add3A_1139 = arith.constant 1280 : i32
        %add3A_1140 = arith.addi %add3A_1139, %mul3A_1126 : i32
        %dma_wait3A_1141 = arith.constant 1 : i32
        %dma_wait3A_1142 = arith.constant 0 : i32
        %dma_wait3A_1143 = arith.constant 0 : i32
        %dma_wait3A_1144 = tpu.memref_slice %arg9[%dma_wait3A_1141, %dma_wait3A_1142, %dma_wait3A_1143] : memref<2x128x128xf32, #tpu.memory_space<vmem>> -> memref<1x128x128xf32, #tpu.memory_space<vmem>>
        %dma_wait3A_1145 = tpu.memref_squeeze %dma_wait3A_1144 : memref<1x128x128xf32, #tpu.memory_space<vmem>> -> memref<128x128xf32, #tpu.memory_space<vmem>>
        %dma_wait3A_1146 = tpu.memref_slice %arg7[%select_n3A_1108, %add3A_1140] : memref<2x5120xi32, #tpu.memory_space<vmem>> -> memref<1x128xi32, #tpu.memory_space<vmem>>
        %dma_wait3A_1147 = tpu.memref_squeeze %dma_wait3A_1146 : memref<1x128xi32, #tpu.memory_space<vmem>> -> memref<128xi32, #tpu.memory_space<vmem>>
        %dma_wait3A_1148 = arith.constant 0 : i32
        %dma_wait3A_1149 = arith.constant 0 : i32
        %dma_wait3A_1150 = tpu.memref_slice %arg2[%dma_wait3A_1148, %dma_wait3A_1149] : memref<4000x128xf32, #tpu.memory_space<hbm>> -> memref<4000x128xf32, #tpu.memory_space<hbm>>
        tpu.wait_indirect_dma semaphore(%arg12 : memref<!tpu.dma_semaphore, #tpu.memory_space<semaphore_mem>>) src(%dma_wait3A_1150 : memref<4000x128xf32, #tpu.memory_space<hbm>>) dst(%dma_wait3A_1145 : memref<128x128xf32, #tpu.memory_space<vmem>>)
        %add3A_1151 = arith.constant 2560 : i32
        %add3A_1152 = arith.addi %add3A_1151, %mul3A_1126 : i32
        %dma_wait3A_1153 = arith.constant 1 : i32
        %dma_wait3A_1154 = arith.constant 0 : i32
        %dma_wait3A_1155 = arith.constant 0 : i32
        %dma_wait3A_1156 = tpu.memref_slice %arg9[%dma_wait3A_1153, %dma_wait3A_1154, %dma_wait3A_1155] : memref<2x128x128xf32, #tpu.memory_space<vmem>> -> memref<1x128x128xf32, #tpu.memory_space<vmem>>
        %dma_wait3A_1157 = tpu.memref_squeeze %dma_wait3A_1156 : memref<1x128x128xf32, #tpu.memory_space<vmem>> -> memref<128x128xf32, #tpu.memory_space<vmem>>
        %dma_wait3A_1158 = tpu.memref_slice %arg7[%select_n3A_1108, %add3A_1152] : memref<2x5120xi32, #tpu.memory_space<vmem>> -> memref<1x128xi32, #tpu.memory_space<vmem>>
        %dma_wait3A_1159 = tpu.memref_squeeze %dma_wait3A_1158 : memref<1x128xi32, #tpu.memory_space<vmem>> -> memref<128xi32, #tpu.memory_space<vmem>>
        %dma_wait3A_1160 = arith.constant 0 : i32
        %dma_wait3A_1161 = arith.constant 0 : i32
        %dma_wait3A_1162 = tpu.memref_slice %arg2[%dma_wait3A_1160, %dma_wait3A_1161] : memref<4000x128xf32, #tpu.memory_space<hbm>> -> memref<4000x128xf32, #tpu.memory_space<hbm>>
        tpu.wait_indirect_dma semaphore(%arg12 : memref<!tpu.dma_semaphore, #tpu.memory_space<semaphore_mem>>) src(%dma_wait3A_1162 : memref<4000x128xf32, #tpu.memory_space<hbm>>) dst(%dma_wait3A_1157 : memref<128x128xf32, #tpu.memory_space<vmem>>)
        %add3A_1163 = arith.constant 3840 : i32
        %add3A_1164 = arith.addi %add3A_1163, %mul3A_1126 : i32
        %dma_wait3A_1165 = arith.constant 1 : i32
        %dma_wait3A_1166 = arith.constant 0 : i32
        %dma_wait3A_1167 = arith.constant 0 : i32
        %dma_wait3A_1168 = tpu.memref_slice %arg9[%dma_wait3A_1165, %dma_wait3A_1166, %dma_wait3A_1167] : memref<2x128x128xf32, #tpu.memory_space<vmem>> -> memref<1x128x128xf32, #tpu.memory_space<vmem>>
        %dma_wait3A_1169 = tpu.memref_squeeze %dma_wait3A_1168 : memref<1x128x128xf32, #tpu.memory_space<vmem>> -> memref<128x128xf32, #tpu.memory_space<vmem>>
        %dma_wait3A_1170 = tpu.memref_slice %arg7[%select_n3A_1108, %add3A_1164] : memref<2x5120xi32, #tpu.memory_space<vmem>> -> memref<1x128xi32, #tpu.memory_space<vmem>>
        %dma_wait3A_1171 = tpu.memref_squeeze %dma_wait3A_1170 : memref<1x128xi32, #tpu.memory_space<vmem>> -> memref<128xi32, #tpu.memory_space<vmem>>
        %dma_wait3A_1172 = arith.constant 0 : i32
        %dma_wait3A_1173 = arith.constant 0 : i32
        %dma_wait3A_1174 = tpu.memref_slice %arg2[%dma_wait3A_1172, %dma_wait3A_1173] : memref<4000x128xf32, #tpu.memory_space<hbm>> -> memref<4000x128xf32, #tpu.memory_space<hbm>>
        tpu.wait_indirect_dma semaphore(%arg12 : memref<!tpu.dma_semaphore, #tpu.memory_space<semaphore_mem>>) src(%dma_wait3A_1174 : memref<4000x128xf32, #tpu.memory_space<hbm>>) dst(%dma_wait3A_1169 : memref<128x128xf32, #tpu.memory_space<vmem>>)
        %mul3A_1175 = arith.constant 50 : i32
        %mul3A_1176 = arith.muli %add3A, %mul3A_1175 : i32
        %add3A_1177 = arith.addi %mul3A_1176, %add3A_155 : i32
        %sub3A_1178 = arith.constant 1 : i32
        %sub3A_1179 = arith.subi %add3A_1177, %sub3A_1178 : i32
        %dma_start3A_1180 = arith.constant 1 : i32
        %dma_start3A_1181 = arith.constant 0 : i32
        %dma_start3A_1182 = arith.constant 0 : i32
        %dma_start3A_1183 = tpu.memref_slice %arg9[%dma_start3A_1180, %dma_start3A_1181, %dma_start3A_1182] : memref<2x128x128xf32, #tpu.memory_space<vmem>> -> memref<1x128x128xf32, #tpu.memory_space<vmem>>
        %dma_start3A_1184 = tpu.memref_squeeze %dma_start3A_1183 : memref<1x128x128xf32, #tpu.memory_space<vmem>> -> memref<128x128xf32, #tpu.memory_space<vmem>>
        %dma_start3A_1185 = arith.constant 0 : i32
        %dma_start3A_1186 = arith.constant 0 : i32
        %dma_start3A_1187 = tpu.memref_slice %arg6[%sub3A_1179, %dma_start3A_1185, %dma_start3A_1186] : memref<1600x128x128xf32, #tpu.memory_space<hbm>> -> memref<1x128x128xf32, #tpu.memory_space<hbm>>
        %dma_start3A_1188 = tpu.memref_squeeze %dma_start3A_1187 : memref<1x128x128xf32, #tpu.memory_space<hbm>> -> memref<128x128xf32, #tpu.memory_space<hbm>>
        %dma_start3A_1189 = arith.constant 0 : i32
        %dma_start3A_1190 = arith.constant 0 : i32
        %dma_start3A_1191 = tpu.memref_slice %arg6[%sub3A_1179, %dma_start3A_1189, %dma_start3A_1190] : memref<1600x128x128xf32, #tpu.memory_space<hbm>> -> memref<1x128x128xf32, #tpu.memory_space<hbm>>
        %dma_start3A_1192 = tpu.memref_squeeze %dma_start3A_1191 : memref<1x128x128xf32, #tpu.memory_space<hbm>> -> memref<128x128xf32, #tpu.memory_space<hbm>>
        %dma_start3A_1193 = arith.constant 0 : i32
        %dma_start3A_1194 = arith.constant 0 : i32
        %dma_start3A_1195 = tpu.memref_slice %arg9[%dma_start3A_1180, %dma_start3A_1193, %dma_start3A_1194] : memref<2x128x128xf32, #tpu.memory_space<vmem>> -> memref<1x128x128xf32, #tpu.memory_space<vmem>>
        %dma_start3A_1196 = tpu.memref_squeeze %dma_start3A_1195 : memref<1x128x128xf32, #tpu.memory_space<vmem>> -> memref<128x128xf32, #tpu.memory_space<vmem>>
        tpu.enqueue_dma source(%dma_start3A_1196 : memref<128x128xf32, #tpu.memory_space<vmem>>) target(%dma_start3A_1192 : memref<128x128xf32, #tpu.memory_space<hbm>>) target_semaphore(%arg14 : memref<!tpu.dma_semaphore, #tpu.memory_space<semaphore_mem>>)
      } else {
      }
      %mul3A_602 = arith.constant 2 : i32
      %mul3A_603 = arith.muli %scan3A_150, %mul3A_602 : i32
      %add3A_604 = arith.constant 1 : i32
      %add3A_605 = arith.addi %mul3A_603, %add3A_604 : i32
      %jit3A_606 = arith.constant 10 : i32
      %eq3A_607 = arith.constant 0 : i32
      %eq3A_608 = arith.cmpi eq, %jit3A_606, %eq3A_607 : i32
      %jit3A_609 = arith.constant 1 : i32
      %select_n3A_610 = arith.select %eq3A_608, %jit3A_609, %jit3A_606 : i32
      %rem3A_611 = arith.remsi %add3A_605, %select_n3A_610 : i32
      %ne3A_612 = arith.constant 0 : i32
      %ne3A_613 = arith.cmpi ne, %rem3A_611, %ne3A_612 : i32
      %lt3A_614 = arith.constant 0 : i32
      %lt3A_615 = arith.cmpi slt, %rem3A_611, %lt3A_614 : i32
      %lt3A_616 = arith.constant 0 : i32
      %lt3A_617 = arith.cmpi slt, %select_n3A_610, %lt3A_616 : i32
      %ne3A_618 = arith.xori %lt3A_615, %lt3A_617 : i1
      %and3A_619 = arith.andi %ne3A_618, %ne3A_613 : i1
      %add3A_620 = arith.addi %rem3A_611, %select_n3A_610 : i32
      %select_n3A_621 = arith.select %and3A_619, %add3A_620, %rem3A_611 : i32
      %eq3A_622 = arith.constant 0 : i32
      %eq3A_623 = arith.cmpi eq, %select_n3A_621, %eq3A_622 : i32
      %gt3A_624 = arith.constant 0 : i32
      %gt3A_625 = arith.cmpi sgt, %add3A_605, %gt3A_624 : i32
      %and3A_626 = arith.andi %eq3A_623, %gt3A_625 : i1
      %convert_element_type3A_627 = arith.extui %and3A_626 : i1 to i32
      %cond3A_628 = arith.constant 0 : i32
      %cond3A_629 = arith.cmpi ne, %convert_element_type3A_627, %cond3A_628 : i32
      scf.if %cond3A_629 {
        %jit3A_1067 = arith.constant 10 : i32
        %div3A_1068 = arith.divsi %add3A_605, %jit3A_1067 : i32
        %sign3A_1069 = arith.constant 0 : i32
        %sign3A_1070 = arith.cmpi sgt, %add3A_605, %sign3A_1069 : i32
        %sign3A_1071 = arith.extui %sign3A_1070 : i1 to i32
        %sign3A_1072 = arith.constant 0 : i32
        %sign3A_1073 = arith.cmpi slt, %add3A_605, %sign3A_1072 : i32
        %sign3A_1074 = arith.extui %sign3A_1073 : i1 to i32
        %sign3A_1075 = arith.subi %sign3A_1071, %sign3A_1074 : i32
        %sign3A_1076 = arith.constant 0 : i32
        %sign3A_1077 = arith.cmpi sgt, %jit3A_1067, %sign3A_1076 : i32
        %sign3A_1078 = arith.extui %sign3A_1077 : i1 to i32
        %sign3A_1079 = arith.constant 0 : i32
        %sign3A_1080 = arith.cmpi slt, %jit3A_1067, %sign3A_1079 : i32
        %sign3A_1081 = arith.extui %sign3A_1080 : i1 to i32
        %sign3A_1082 = arith.subi %sign3A_1078, %sign3A_1081 : i32
        %ne3A_1083 = arith.cmpi ne, %sign3A_1075, %sign3A_1082 : i32
        %rem3A_1084 = arith.remsi %add3A_605, %jit3A_1067 : i32
        %ne3A_1085 = arith.constant 0 : i32
        %ne3A_1086 = arith.cmpi ne, %rem3A_1084, %ne3A_1085 : i32
        %and3A_1087 = arith.andi %ne3A_1083, %ne3A_1086 : i1
        %sub3A_1088 = arith.constant 1 : i32
        %sub3A_1089 = arith.subi %div3A_1068, %sub3A_1088 : i32
        %select_n3A_1090 = arith.select %and3A_1087, %sub3A_1089, %div3A_1068 : i32
        %jit3A_1091 = arith.constant 2 : i32
        %eq3A_1092 = arith.constant 0 : i32
        %eq3A_1093 = arith.cmpi eq, %jit3A_1091, %eq3A_1092 : i32
        %jit3A_1094 = arith.constant 1 : i32
        %select_n3A_1095 = arith.select %eq3A_1093, %jit3A_1094, %jit3A_1091 : i32
        %rem3A_1096 = arith.remsi %select_n3A_1090, %select_n3A_1095 : i32
        %ne3A_1097 = arith.constant 0 : i32
        %ne3A_1098 = arith.cmpi ne, %rem3A_1096, %ne3A_1097 : i32
        %lt3A_1099 = arith.constant 0 : i32
        %lt3A_1100 = arith.cmpi slt, %rem3A_1096, %lt3A_1099 : i32
        %lt3A_1101 = arith.constant 0 : i32
        %lt3A_1102 = arith.cmpi slt, %select_n3A_1095, %lt3A_1101 : i32
        %ne3A_1103 = arith.xori %lt3A_1100, %lt3A_1102 : i1
        %and3A_1104 = arith.andi %ne3A_1103, %ne3A_1098 : i1
        %add3A_1105 = arith.addi %rem3A_1096, %select_n3A_1095 : i32
        %select_n3A_1106 = arith.select %and3A_1104, %add3A_1105, %rem3A_1096 : i32
        %add3A_1107 = arith.constant 0 : i32
        %add3A_1108 = arith.addi %add3A_1107, %mul3A_2 : i32
        %mul3A_1109 = arith.constant 1280 : i32
        %mul3A_1110 = arith.muli %select_n3A_1090, %mul3A_1109 : i32
        %add3A_1111 = arith.addi %add3A_1108, %mul3A_1110 : i32
        "tpu.region"() ({
          %run_scoped3A_1147 = tpu.sem_alloc : memref<!tpu.dma_semaphore, #tpu.memory_space<semaphore_mem>>
          %dma_start3A_1148 = arith.constant 0 : i32
          %dma_start3A_1149 = tpu.memref_slice %arg7[%select_n3A_1106, %dma_start3A_1148] : memref<2x5120xi32, #tpu.memory_space<vmem>> -> memref<1x1280xi32, #tpu.memory_space<vmem>>
          %dma_start3A_1150 = tpu.memref_squeeze %dma_start3A_1149 : memref<1x1280xi32, #tpu.memory_space<vmem>> -> memref<1280xi32, #tpu.memory_space<vmem>>
          %dma_start3A_1151 = tpu.memref_slice %arg3[%add3A_1111] : memref<819200xi32, #tpu.memory_space<hbm>> -> memref<1280xi32, #tpu.memory_space<hbm>>
          %dma_start3A_1152 = arith.constant 0 : i32
          %dma_start3A_1153 = tpu.memref_slice %arg7[%select_n3A_1106, %dma_start3A_1152] : memref<2x5120xi32, #tpu.memory_space<vmem>> -> memref<1x1280xi32, #tpu.memory_space<vmem>>
          %dma_start3A_1154 = tpu.memref_squeeze %dma_start3A_1153 : memref<1x1280xi32, #tpu.memory_space<vmem>> -> memref<1280xi32, #tpu.memory_space<vmem>>
          %dma_start3A_1155 = tpu.memref_slice %arg3[%add3A_1111] : memref<819200xi32, #tpu.memory_space<hbm>> -> memref<1280xi32, #tpu.memory_space<hbm>>
          tpu.enqueue_dma source(%dma_start3A_1155 : memref<1280xi32, #tpu.memory_space<hbm>>) target(%dma_start3A_1154 : memref<1280xi32, #tpu.memory_space<vmem>>) target_semaphore(%run_scoped3A_1147 : memref<!tpu.dma_semaphore, #tpu.memory_space<semaphore_mem>>)
          %dma_wait3A_1156 = arith.constant 0 : i32
          %dma_wait3A_1157 = tpu.memref_slice %arg7[%select_n3A_1106, %dma_wait3A_1156] : memref<2x5120xi32, #tpu.memory_space<vmem>> -> memref<1x1280xi32, #tpu.memory_space<vmem>>
          %dma_wait3A_1158 = tpu.memref_squeeze %dma_wait3A_1157 : memref<1x1280xi32, #tpu.memory_space<vmem>> -> memref<1280xi32, #tpu.memory_space<vmem>>
          %dma_wait3A_1159 = tpu.memref_slice %arg3[%add3A_1111] : memref<819200xi32, #tpu.memory_space<hbm>> -> memref<1280xi32, #tpu.memory_space<hbm>>
          %dma_wait3A_1160 = arith.constant 0 : i32
          %dma_wait3A_1161 = tpu.memref_slice %arg7[%select_n3A_1106, %dma_wait3A_1160] : memref<2x5120xi32, #tpu.memory_space<vmem>> -> memref<1x1280xi32, #tpu.memory_space<vmem>>
          %dma_wait3A_1162 = tpu.memref_squeeze %dma_wait3A_1161 : memref<1x1280xi32, #tpu.memory_space<vmem>> -> memref<1280xi32, #tpu.memory_space<vmem>>
          %dma_wait3A_1163 = tpu.memref_slice %arg3[%add3A_1111] : memref<819200xi32, #tpu.memory_space<hbm>> -> memref<1280xi32, #tpu.memory_space<hbm>>
          tpu.wait_dma2 semaphore(%run_scoped3A_1147 : memref<!tpu.dma_semaphore, #tpu.memory_space<semaphore_mem>>) src(%dma_wait3A_1163 : memref<1280xi32, #tpu.memory_space<hbm>>) dst(%dma_wait3A_1162 : memref<1280xi32, #tpu.memory_space<vmem>>)
          tpu.yield
        }) : () -> ()
        %add3A_1112 = arith.constant 204800 : i32
        %add3A_1113 = arith.addi %add3A_1112, %mul3A_2 : i32
        %mul3A_1114 = arith.constant 1280 : i32
        %mul3A_1115 = arith.muli %select_n3A_1090, %mul3A_1114 : i32
        %add3A_1116 = arith.addi %add3A_1113, %mul3A_1115 : i32
        "tpu.region"() ({
          %run_scoped3A_1147 = tpu.sem_alloc : memref<!tpu.dma_semaphore, #tpu.memory_space<semaphore_mem>>
          %dma_start3A_1148 = arith.constant 1280 : i32
          %dma_start3A_1149 = tpu.memref_slice %arg7[%select_n3A_1106, %dma_start3A_1148] : memref<2x5120xi32, #tpu.memory_space<vmem>> -> memref<1x1280xi32, #tpu.memory_space<vmem>>
          %dma_start3A_1150 = tpu.memref_squeeze %dma_start3A_1149 : memref<1x1280xi32, #tpu.memory_space<vmem>> -> memref<1280xi32, #tpu.memory_space<vmem>>
          %dma_start3A_1151 = tpu.memref_slice %arg3[%add3A_1116] : memref<819200xi32, #tpu.memory_space<hbm>> -> memref<1280xi32, #tpu.memory_space<hbm>>
          %dma_start3A_1152 = arith.constant 1280 : i32
          %dma_start3A_1153 = tpu.memref_slice %arg7[%select_n3A_1106, %dma_start3A_1152] : memref<2x5120xi32, #tpu.memory_space<vmem>> -> memref<1x1280xi32, #tpu.memory_space<vmem>>
          %dma_start3A_1154 = tpu.memref_squeeze %dma_start3A_1153 : memref<1x1280xi32, #tpu.memory_space<vmem>> -> memref<1280xi32, #tpu.memory_space<vmem>>
          %dma_start3A_1155 = tpu.memref_slice %arg3[%add3A_1116] : memref<819200xi32, #tpu.memory_space<hbm>> -> memref<1280xi32, #tpu.memory_space<hbm>>
          tpu.enqueue_dma source(%dma_start3A_1155 : memref<1280xi32, #tpu.memory_space<hbm>>) target(%dma_start3A_1154 : memref<1280xi32, #tpu.memory_space<vmem>>) target_semaphore(%run_scoped3A_1147 : memref<!tpu.dma_semaphore, #tpu.memory_space<semaphore_mem>>)
          %dma_wait3A_1156 = arith.constant 1280 : i32
          %dma_wait3A_1157 = tpu.memref_slice %arg7[%select_n3A_1106, %dma_wait3A_1156] : memref<2x5120xi32, #tpu.memory_space<vmem>> -> memref<1x1280xi32, #tpu.memory_space<vmem>>
          %dma_wait3A_1158 = tpu.memref_squeeze %dma_wait3A_1157 : memref<1x1280xi32, #tpu.memory_space<vmem>> -> memref<1280xi32, #tpu.memory_space<vmem>>
          %dma_wait3A_1159 = tpu.memref_slice %arg3[%add3A_1116] : memref<819200xi32, #tpu.memory_space<hbm>> -> memref<1280xi32, #tpu.memory_space<hbm>>
          %dma_wait3A_1160 = arith.constant 1280 : i32
          %dma_wait3A_1161 = tpu.memref_slice %arg7[%select_n3A_1106, %dma_wait3A_1160] : memref<2x5120xi32, #tpu.memory_space<vmem>> -> memref<1x1280xi32, #tpu.memory_space<vmem>>
          %dma_wait3A_1162 = tpu.memref_squeeze %dma_wait3A_1161 : memref<1x1280xi32, #tpu.memory_space<vmem>> -> memref<1280xi32, #tpu.memory_space<vmem>>
          %dma_wait3A_1163 = tpu.memref_slice %arg3[%add3A_1116] : memref<819200xi32, #tpu.memory_space<hbm>> -> memref<1280xi32, #tpu.memory_space<hbm>>
          tpu.wait_dma2 semaphore(%run_scoped3A_1147 : memref<!tpu.dma_semaphore, #tpu.memory_space<semaphore_mem>>) src(%dma_wait3A_1163 : memref<1280xi32, #tpu.memory_space<hbm>>) dst(%dma_wait3A_1162 : memref<1280xi32, #tpu.memory_space<vmem>>)
          tpu.yield
        }) : () -> ()
        %add3A_1117 = arith.constant 409600 : i32
        %add3A_1118 = arith.addi %add3A_1117, %mul3A_2 : i32
        %mul3A_1119 = arith.constant 1280 : i32
        %mul3A_1120 = arith.muli %select_n3A_1090, %mul3A_1119 : i32
        %add3A_1121 = arith.addi %add3A_1118, %mul3A_1120 : i32
        "tpu.region"() ({
          %run_scoped3A_1147 = tpu.sem_alloc : memref<!tpu.dma_semaphore, #tpu.memory_space<semaphore_mem>>
          %dma_start3A_1148 = arith.constant 2560 : i32
          %dma_start3A_1149 = tpu.memref_slice %arg7[%select_n3A_1106, %dma_start3A_1148] : memref<2x5120xi32, #tpu.memory_space<vmem>> -> memref<1x1280xi32, #tpu.memory_space<vmem>>
          %dma_start3A_1150 = tpu.memref_squeeze %dma_start3A_1149 : memref<1x1280xi32, #tpu.memory_space<vmem>> -> memref<1280xi32, #tpu.memory_space<vmem>>
          %dma_start3A_1151 = tpu.memref_slice %arg3[%add3A_1121] : memref<819200xi32, #tpu.memory_space<hbm>> -> memref<1280xi32, #tpu.memory_space<hbm>>
          %dma_start3A_1152 = arith.constant 2560 : i32
          %dma_start3A_1153 = tpu.memref_slice %arg7[%select_n3A_1106, %dma_start3A_1152] : memref<2x5120xi32, #tpu.memory_space<vmem>> -> memref<1x1280xi32, #tpu.memory_space<vmem>>
          %dma_start3A_1154 = tpu.memref_squeeze %dma_start3A_1153 : memref<1x1280xi32, #tpu.memory_space<vmem>> -> memref<1280xi32, #tpu.memory_space<vmem>>
          %dma_start3A_1155 = tpu.memref_slice %arg3[%add3A_1121] : memref<819200xi32, #tpu.memory_space<hbm>> -> memref<1280xi32, #tpu.memory_space<hbm>>
          tpu.enqueue_dma source(%dma_start3A_1155 : memref<1280xi32, #tpu.memory_space<hbm>>) target(%dma_start3A_1154 : memref<1280xi32, #tpu.memory_space<vmem>>) target_semaphore(%run_scoped3A_1147 : memref<!tpu.dma_semaphore, #tpu.memory_space<semaphore_mem>>)
          %dma_wait3A_1156 = arith.constant 2560 : i32
          %dma_wait3A_1157 = tpu.memref_slice %arg7[%select_n3A_1106, %dma_wait3A_1156] : memref<2x5120xi32, #tpu.memory_space<vmem>> -> memref<1x1280xi32, #tpu.memory_space<vmem>>
          %dma_wait3A_1158 = tpu.memref_squeeze %dma_wait3A_1157 : memref<1x1280xi32, #tpu.memory_space<vmem>> -> memref<1280xi32, #tpu.memory_space<vmem>>
          %dma_wait3A_1159 = tpu.memref_slice %arg3[%add3A_1121] : memref<819200xi32, #tpu.memory_space<hbm>> -> memref<1280xi32, #tpu.memory_space<hbm>>
          %dma_wait3A_1160 = arith.constant 2560 : i32
          %dma_wait3A_1161 = tpu.memref_slice %arg7[%select_n3A_1106, %dma_wait3A_1160] : memref<2x5120xi32, #tpu.memory_space<vmem>> -> memref<1x1280xi32, #tpu.memory_space<vmem>>
          %dma_wait3A_1162 = tpu.memref_squeeze %dma_wait3A_1161 : memref<1x1280xi32, #tpu.memory_space<vmem>> -> memref<1280xi32, #tpu.memory_space<vmem>>
          %dma_wait3A_1163 = tpu.memref_slice %arg3[%add3A_1121] : memref<819200xi32, #tpu.memory_space<hbm>> -> memref<1280xi32, #tpu.memory_space<hbm>>
          tpu.wait_dma2 semaphore(%run_scoped3A_1147 : memref<!tpu.dma_semaphore, #tpu.memory_space<semaphore_mem>>) src(%dma_wait3A_1163 : memref<1280xi32, #tpu.memory_space<hbm>>) dst(%dma_wait3A_1162 : memref<1280xi32, #tpu.memory_space<vmem>>)
          tpu.yield
        }) : () -> ()
        %add3A_1122 = arith.constant 614400 : i32
        %add3A_1123 = arith.addi %add3A_1122, %mul3A_2 : i32
        %mul3A_1124 = arith.constant 1280 : i32
        %mul3A_1125 = arith.muli %select_n3A_1090, %mul3A_1124 : i32
        %add3A_1126 = arith.addi %add3A_1123, %mul3A_1125 : i32
        "tpu.region"() ({
          %run_scoped3A_1147 = tpu.sem_alloc : memref<!tpu.dma_semaphore, #tpu.memory_space<semaphore_mem>>
          %dma_start3A_1148 = arith.constant 3840 : i32
          %dma_start3A_1149 = tpu.memref_slice %arg7[%select_n3A_1106, %dma_start3A_1148] : memref<2x5120xi32, #tpu.memory_space<vmem>> -> memref<1x1280xi32, #tpu.memory_space<vmem>>
          %dma_start3A_1150 = tpu.memref_squeeze %dma_start3A_1149 : memref<1x1280xi32, #tpu.memory_space<vmem>> -> memref<1280xi32, #tpu.memory_space<vmem>>
          %dma_start3A_1151 = tpu.memref_slice %arg3[%add3A_1126] : memref<819200xi32, #tpu.memory_space<hbm>> -> memref<1280xi32, #tpu.memory_space<hbm>>
          %dma_start3A_1152 = arith.constant 3840 : i32
          %dma_start3A_1153 = tpu.memref_slice %arg7[%select_n3A_1106, %dma_start3A_1152] : memref<2x5120xi32, #tpu.memory_space<vmem>> -> memref<1x1280xi32, #tpu.memory_space<vmem>>
          %dma_start3A_1154 = tpu.memref_squeeze %dma_start3A_1153 : memref<1x1280xi32, #tpu.memory_space<vmem>> -> memref<1280xi32, #tpu.memory_space<vmem>>
          %dma_start3A_1155 = tpu.memref_slice %arg3[%add3A_1126] : memref<819200xi32, #tpu.memory_space<hbm>> -> memref<1280xi32, #tpu.memory_space<hbm>>
          tpu.enqueue_dma source(%dma_start3A_1155 : memref<1280xi32, #tpu.memory_space<hbm>>) target(%dma_start3A_1154 : memref<1280xi32, #tpu.memory_space<vmem>>) target_semaphore(%run_scoped3A_1147 : memref<!tpu.dma_semaphore, #tpu.memory_space<semaphore_mem>>)
          %dma_wait3A_1156 = arith.constant 3840 : i32
          %dma_wait3A_1157 = tpu.memref_slice %arg7[%select_n3A_1106, %dma_wait3A_1156] : memref<2x5120xi32, #tpu.memory_space<vmem>> -> memref<1x1280xi32, #tpu.memory_space<vmem>>
          %dma_wait3A_1158 = tpu.memref_squeeze %dma_wait3A_1157 : memref<1x1280xi32, #tpu.memory_space<vmem>> -> memref<1280xi32, #tpu.memory_space<vmem>>
          %dma_wait3A_1159 = tpu.memref_slice %arg3[%add3A_1126] : memref<819200xi32, #tpu.memory_space<hbm>> -> memref<1280xi32, #tpu.memory_space<hbm>>
          %dma_wait3A_1160 = arith.constant 3840 : i32
          %dma_wait3A_1161 = tpu.memref_slice %arg7[%select_n3A_1106, %dma_wait3A_1160] : memref<2x5120xi32, #tpu.memory_space<vmem>> -> memref<1x1280xi32, #tpu.memory_space<vmem>>
          %dma_wait3A_1162 = tpu.memref_squeeze %dma_wait3A_1161 : memref<1x1280xi32, #tpu.memory_space<vmem>> -> memref<1280xi32, #tpu.memory_space<vmem>>
          %dma_wait3A_1163 = tpu.memref_slice %arg3[%add3A_1126] : memref<819200xi32, #tpu.memory_space<hbm>> -> memref<1280xi32, #tpu.memory_space<hbm>>
          tpu.wait_dma2 semaphore(%run_scoped3A_1147 : memref<!tpu.dma_semaphore, #tpu.memory_space<semaphore_mem>>) src(%dma_wait3A_1163 : memref<1280xi32, #tpu.memory_space<hbm>>) dst(%dma_wait3A_1162 : memref<1280xi32, #tpu.memory_space<vmem>>)
          tpu.yield
        }) : () -> ()
        %mul3A_1127 = arith.constant 8 : i32
        %mul3A_1128 = arith.muli %mul3A_2, %mul3A_1127 : i32
        %mul3A_1129 = arith.constant 10240 : i32
        %mul3A_1130 = arith.muli %select_n3A_1090, %mul3A_1129 : i32
        %add3A_1131 = arith.addi %mul3A_1128, %mul3A_1130 : i32
        "tpu.region"() ({
          %run_scoped3A_1147 = tpu.sem_alloc : memref<!tpu.dma_semaphore, #tpu.memory_space<semaphore_mem>>
          %dma_start3A_1148 = arith.constant 0 : i32
          %dma_start3A_1149 = tpu.memref_slice %arg8[%select_n3A_1106, %dma_start3A_1148] : memref<2x10240xf32, #tpu.memory_space<vmem>> -> memref<1x10240xf32, #tpu.memory_space<vmem>>
          %dma_start3A_1150 = tpu.memref_squeeze %dma_start3A_1149 : memref<1x10240xf32, #tpu.memory_space<vmem>> -> memref<10240xf32, #tpu.memory_space<vmem>>
          %dma_start3A_1151 = tpu.memref_slice %arg4[%add3A_1131] : memref<1638400xf32, #tpu.memory_space<hbm>> -> memref<10240xf32, #tpu.memory_space<hbm>>
          %dma_start3A_1152 = arith.constant 0 : i32
          %dma_start3A_1153 = tpu.memref_slice %arg8[%select_n3A_1106, %dma_start3A_1152] : memref<2x10240xf32, #tpu.memory_space<vmem>> -> memref<1x10240xf32, #tpu.memory_space<vmem>>
          %dma_start3A_1154 = tpu.memref_squeeze %dma_start3A_1153 : memref<1x10240xf32, #tpu.memory_space<vmem>> -> memref<10240xf32, #tpu.memory_space<vmem>>
          %dma_start3A_1155 = tpu.memref_slice %arg4[%add3A_1131] : memref<1638400xf32, #tpu.memory_space<hbm>> -> memref<10240xf32, #tpu.memory_space<hbm>>
          tpu.enqueue_dma source(%dma_start3A_1155 : memref<10240xf32, #tpu.memory_space<hbm>>) target(%dma_start3A_1154 : memref<10240xf32, #tpu.memory_space<vmem>>) target_semaphore(%run_scoped3A_1147 : memref<!tpu.dma_semaphore, #tpu.memory_space<semaphore_mem>>)
          %dma_wait3A_1156 = arith.constant 0 : i32
          %dma_wait3A_1157 = tpu.memref_slice %arg8[%select_n3A_1106, %dma_wait3A_1156] : memref<2x10240xf32, #tpu.memory_space<vmem>> -> memref<1x10240xf32, #tpu.memory_space<vmem>>
          %dma_wait3A_1158 = tpu.memref_squeeze %dma_wait3A_1157 : memref<1x10240xf32, #tpu.memory_space<vmem>> -> memref<10240xf32, #tpu.memory_space<vmem>>
          %dma_wait3A_1159 = tpu.memref_slice %arg4[%add3A_1131] : memref<1638400xf32, #tpu.memory_space<hbm>> -> memref<10240xf32, #tpu.memory_space<hbm>>
          %dma_wait3A_1160 = arith.constant 0 : i32
          %dma_wait3A_1161 = tpu.memref_slice %arg8[%select_n3A_1106, %dma_wait3A_1160] : memref<2x10240xf32, #tpu.memory_space<vmem>> -> memref<1x10240xf32, #tpu.memory_space<vmem>>
          %dma_wait3A_1162 = tpu.memref_squeeze %dma_wait3A_1161 : memref<1x10240xf32, #tpu.memory_space<vmem>> -> memref<10240xf32, #tpu.memory_space<vmem>>
          %dma_wait3A_1163 = tpu.memref_slice %arg4[%add3A_1131] : memref<1638400xf32, #tpu.memory_space<hbm>> -> memref<10240xf32, #tpu.memory_space<hbm>>
          tpu.wait_dma2 semaphore(%run_scoped3A_1147 : memref<!tpu.dma_semaphore, #tpu.memory_space<semaphore_mem>>) src(%dma_wait3A_1163 : memref<10240xf32, #tpu.memory_space<hbm>>) dst(%dma_wait3A_1162 : memref<10240xf32, #tpu.memory_space<vmem>>)
          tpu.yield
        }) : () -> ()
        %broadcast_in_dim3A_1132 = arith.constant 1000 : i32
        %broadcast_in_dim3A_1133 = vector.broadcast %broadcast_in_dim3A_1132 : i32 to vector<16xi32>
        %parallel_loop3A_1134 = arith.constant 0 : i32
        %parallel_loop3A_1135 = arith.constant 80 : i32
        %parallel_loop3A_1136 = arith.constant 1 : i32
        scf.for %parallel_loop3A_1147 = %parallel_loop3A_1134 to %parallel_loop3A_1135 step %parallel_loop3A_1136  : i32 {
          %parallel_loop3A_1148 = arith.constant 16 : i32
          %parallel_loop3A_1149 = arith.muli %parallel_loop3A_1147, %parallel_loop3A_1148 : i32
          %parallel_loop3A_1150 = arith.constant 1280 : i32
          %parallel_loop3A_1151 = arith.addi %parallel_loop3A_1150, %parallel_loop3A_1149 : i32
          %parallel_loop3A_1152 = arith.index_cast %select_n3A_1106 : i32 to index
          %parallel_loop3A_1153 = arith.index_cast %parallel_loop3A_1151 : i32 to index
          %parallel_loop3A_1154 = tpu.vector_load %arg7[%parallel_loop3A_1152, %parallel_loop3A_1153] {strides = array<i32>} : memref<2x5120xi32, #tpu.memory_space<vmem>>, vector<16xi32>,
          %parallel_loop3A_1155 = arith.addi %parallel_loop3A_1154, %broadcast_in_dim3A_1133 : vector<16xi32>
          %parallel_loop3A_1156 = arith.index_cast %select_n3A_1106 : i32 to index
          %parallel_loop3A_1157 = arith.index_cast %parallel_loop3A_1151 : i32 to index
          %parallel_loop3A_1158 = tpu.vector_load %arg7[%parallel_loop3A_1156, %parallel_loop3A_1157] {strides = array<i32>} : memref<2x5120xi32, #tpu.memory_space<vmem>>, vector<16xi32>,
          tpu.vector_store %arg7[%parallel_loop3A_1156, %parallel_loop3A_1157], %parallel_loop3A_1155 {strides = array<i32>} : memref<2x5120xi32, #tpu.memory_space<vmem>>, vector<16xi32>,
        } {sc.loop_unroll_factor = 8 : i64, sc.parallel_access}
        %broadcast_in_dim3A_1137 = arith.constant 2000 : i32
        %broadcast_in_dim3A_1138 = vector.broadcast %broadcast_in_dim3A_1137 : i32 to vector<16xi32>
        %parallel_loop3A_1139 = arith.constant 0 : i32
        %parallel_loop3A_1140 = arith.constant 80 : i32
        %parallel_loop3A_1141 = arith.constant 1 : i32
        scf.for %parallel_loop3A_1147 = %parallel_loop3A_1139 to %parallel_loop3A_1140 step %parallel_loop3A_1141  : i32 {
          %parallel_loop3A_1148 = arith.constant 16 : i32
          %parallel_loop3A_1149 = arith.muli %parallel_loop3A_1147, %parallel_loop3A_1148 : i32
          %parallel_loop3A_1150 = arith.constant 2560 : i32
          %parallel_loop3A_1151 = arith.addi %parallel_loop3A_1150, %parallel_loop3A_1149 : i32
          %parallel_loop3A_1152 = arith.index_cast %select_n3A_1106 : i32 to index
          %parallel_loop3A_1153 = arith.index_cast %parallel_loop3A_1151 : i32 to index
          %parallel_loop3A_1154 = tpu.vector_load %arg7[%parallel_loop3A_1152, %parallel_loop3A_1153] {strides = array<i32>} : memref<2x5120xi32, #tpu.memory_space<vmem>>, vector<16xi32>,
          %parallel_loop3A_1155 = arith.addi %parallel_loop3A_1154, %broadcast_in_dim3A_1138 : vector<16xi32>
          %parallel_loop3A_1156 = arith.index_cast %select_n3A_1106 : i32 to index
          %parallel_loop3A_1157 = arith.index_cast %parallel_loop3A_1151 : i32 to index
          %parallel_loop3A_1158 = tpu.vector_load %arg7[%parallel_loop3A_1156, %parallel_loop3A_1157] {strides = array<i32>} : memref<2x5120xi32, #tpu.memory_space<vmem>>, vector<16xi32>,
          tpu.vector_store %arg7[%parallel_loop3A_1156, %parallel_loop3A_1157], %parallel_loop3A_1155 {strides = array<i32>} : memref<2x5120xi32, #tpu.memory_space<vmem>>, vector<16xi32>,
        } {sc.loop_unroll_factor = 8 : i64, sc.parallel_access}
        %broadcast_in_dim3A_1142 = arith.constant 3000 : i32
        %broadcast_in_dim3A_1143 = vector.broadcast %broadcast_in_dim3A_1142 : i32 to vector<16xi32>
        %parallel_loop3A_1144 = arith.constant 0 : i32
        %parallel_loop3A_1145 = arith.constant 80 : i32
        %parallel_loop3A_1146 = arith.constant 1 : i32
        scf.for %parallel_loop3A_1147 = %parallel_loop3A_1144 to %parallel_loop3A_1145 step %parallel_loop3A_1146  : i32 {
          %parallel_loop3A_1148 = arith.constant 16 : i32
          %parallel_loop3A_1149 = arith.muli %parallel_loop3A_1147, %parallel_loop3A_1148 : i32
          %parallel_loop3A_1150 = arith.constant 3840 : i32
          %parallel_loop3A_1151 = arith.addi %parallel_loop3A_1150, %parallel_loop3A_1149 : i32
          %parallel_loop3A_1152 = arith.index_cast %select_n3A_1106 : i32 to index
          %parallel_loop3A_1153 = arith.index_cast %parallel_loop3A_1151 : i32 to index
          %parallel_loop3A_1154 = tpu.vector_load %arg7[%parallel_loop3A_1152, %parallel_loop3A_1153] {strides = array<i32>} : memref<2x5120xi32, #tpu.memory_space<vmem>>, vector<16xi32>,
          %parallel_loop3A_1155 = arith.addi %parallel_loop3A_1154, %broadcast_in_dim3A_1143 : vector<16xi32>
          %parallel_loop3A_1156 = arith.index_cast %select_n3A_1106 : i32 to index
          %parallel_loop3A_1157 = arith.index_cast %parallel_loop3A_1151 : i32 to index
          %parallel_loop3A_1158 = tpu.vector_load %arg7[%parallel_loop3A_1156, %parallel_loop3A_1157] {strides = array<i32>} : memref<2x5120xi32, #tpu.memory_space<vmem>>, vector<16xi32>,
          tpu.vector_store %arg7[%parallel_loop3A_1156, %parallel_loop3A_1157], %parallel_loop3A_1155 {strides = array<i32>} : memref<2x5120xi32, #tpu.memory_space<vmem>>, vector<16xi32>,
        } {sc.loop_unroll_factor = 8 : i64, sc.parallel_access}
      } else {
      }
      %ge3A_630 = arith.constant 2 : i32
      %ge3A_631 = arith.cmpi sge, %add3A_605, %ge3A_630 : i32
      %convert_element_type3A_632 = arith.extui %ge3A_631 : i1 to i32
      %cond3A_633 = arith.constant 0 : i32
      %cond3A_634 = arith.cmpi ne, %convert_element_type3A_632, %cond3A_633 : i32
      scf.if %cond3A_634 {
        %dma_wait3A_1067 = arith.constant 1 : i32
        %dma_wait3A_1068 = arith.constant 0 : i32
        %dma_wait3A_1069 = arith.constant 0 : i32
        %dma_wait3A_1070 = arith.constant 0 : i32
        %dma_wait3A_1071 = tpu.memref_slice %arg9[%dma_wait3A_1067, %dma_wait3A_1069, %dma_wait3A_1070] : memref<2x128x128xf32, #tpu.memory_space<vmem>> -> memref<1x128x128xf32, #tpu.memory_space<vmem>>
        %dma_wait3A_1072 = tpu.memref_squeeze %dma_wait3A_1071 : memref<1x128x128xf32, #tpu.memory_space<vmem>> -> memref<128x128xf32, #tpu.memory_space<vmem>>
        %dma_wait3A_1073 = arith.constant 0 : i32
        %dma_wait3A_1074 = arith.constant 0 : i32
        %dma_wait3A_1075 = tpu.memref_slice %arg6[%dma_wait3A_1068, %dma_wait3A_1073, %dma_wait3A_1074] : memref<1600x128x128xf32, #tpu.memory_space<hbm>> -> memref<1x128x128xf32, #tpu.memory_space<hbm>>
        %dma_wait3A_1076 = tpu.memref_squeeze %dma_wait3A_1075 : memref<1x128x128xf32, #tpu.memory_space<hbm>> -> memref<128x128xf32, #tpu.memory_space<hbm>>
        %dma_wait3A_1077 = arith.constant 0 : i32
        %dma_wait3A_1078 = arith.constant 0 : i32
        %dma_wait3A_1079 = tpu.memref_slice %arg6[%dma_wait3A_1068, %dma_wait3A_1077, %dma_wait3A_1078] : memref<1600x128x128xf32, #tpu.memory_space<hbm>> -> memref<1x128x128xf32, #tpu.memory_space<hbm>>
        %dma_wait3A_1080 = tpu.memref_squeeze %dma_wait3A_1079 : memref<1x128x128xf32, #tpu.memory_space<hbm>> -> memref<128x128xf32, #tpu.memory_space<hbm>>
        %dma_wait3A_1081 = arith.constant 0 : i32
        %dma_wait3A_1082 = arith.constant 0 : i32
        %dma_wait3A_1083 = tpu.memref_slice %arg9[%dma_wait3A_1067, %dma_wait3A_1081, %dma_wait3A_1082] : memref<2x128x128xf32, #tpu.memory_space<vmem>> -> memref<1x128x128xf32, #tpu.memory_space<vmem>>
        %dma_wait3A_1084 = tpu.memref_squeeze %dma_wait3A_1083 : memref<1x128x128xf32, #tpu.memory_space<vmem>> -> memref<128x128xf32, #tpu.memory_space<vmem>>
        tpu.wait_dma2 semaphore(%arg14 : memref<!tpu.dma_semaphore, #tpu.memory_space<semaphore_mem>>) src(%dma_wait3A_1084 : memref<128x128xf32, #tpu.memory_space<vmem>>) dst(%dma_wait3A_1080 : memref<128x128xf32, #tpu.memory_space<hbm>>)
      } else {
      }
      %jit3A_635 = arith.constant 10 : i32
      %div3A_636 = arith.divsi %add3A_605, %jit3A_635 : i32
      %sign3A_637 = arith.constant 0 : i32
      %sign3A_638 = arith.cmpi sgt, %add3A_605, %sign3A_637 : i32
      %sign3A_639 = arith.extui %sign3A_638 : i1 to i32
      %sign3A_640 = arith.constant 0 : i32
      %sign3A_641 = arith.cmpi slt, %add3A_605, %sign3A_640 : i32
      %sign3A_642 = arith.extui %sign3A_641 : i1 to i32
      %sign3A_643 = arith.subi %sign3A_639, %sign3A_642 : i32
      %sign3A_644 = arith.constant 0 : i32
      %sign3A_645 = arith.cmpi sgt, %jit3A_635, %sign3A_644 : i32
      %sign3A_646 = arith.extui %sign3A_645 : i1 to i32
      %sign3A_647 = arith.constant 0 : i32
      %sign3A_648 = arith.cmpi slt, %jit3A_635, %sign3A_647 : i32
      %sign3A_649 = arith.extui %sign3A_648 : i1 to i32
      %sign3A_650 = arith.subi %sign3A_646, %sign3A_649 : i32
      %ne3A_651 = arith.cmpi ne, %sign3A_643, %sign3A_650 : i32
      %rem3A_652 = arith.remsi %add3A_605, %jit3A_635 : i32
      %ne3A_653 = arith.constant 0 : i32
      %ne3A_654 = arith.cmpi ne, %rem3A_652, %ne3A_653 : i32
      %and3A_655 = arith.andi %ne3A_651, %ne3A_654 : i1
      %sub3A_656 = arith.constant 1 : i32
      %sub3A_657 = arith.subi %div3A_636, %sub3A_656 : i32
      %select_n3A_658 = arith.select %and3A_655, %sub3A_657, %div3A_636 : i32
      %jit3A_659 = arith.constant 2 : i32
      %eq3A_660 = arith.constant 0 : i32
      %eq3A_661 = arith.cmpi eq, %jit3A_659, %eq3A_660 : i32
      %jit3A_662 = arith.constant 1 : i32
      %select_n3A_663 = arith.select %eq3A_661, %jit3A_662, %jit3A_659 : i32
      %rem3A_664 = arith.remsi %select_n3A_658, %select_n3A_663 : i32
      %ne3A_665 = arith.constant 0 : i32
      %ne3A_666 = arith.cmpi ne, %rem3A_664, %ne3A_665 : i32
      %lt3A_667 = arith.constant 0 : i32
      %lt3A_668 = arith.cmpi slt, %rem3A_664, %lt3A_667 : i32
      %lt3A_669 = arith.constant 0 : i32
      %lt3A_670 = arith.cmpi slt, %select_n3A_663, %lt3A_669 : i32
      %ne3A_671 = arith.xori %lt3A_668, %lt3A_670 : i1
      %and3A_672 = arith.andi %ne3A_671, %ne3A_666 : i1
      %add3A_673 = arith.addi %rem3A_664, %select_n3A_663 : i32
      %select_n3A_674 = arith.select %and3A_672, %add3A_673, %rem3A_664 : i32
      %jit3A_675 = arith.constant 10 : i32
      %eq3A_676 = arith.constant 0 : i32
      %eq3A_677 = arith.cmpi eq, %jit3A_675, %eq3A_676 : i32
      %jit3A_678 = arith.constant 1 : i32
      %select_n3A_679 = arith.select %eq3A_677, %jit3A_678, %jit3A_675 : i32
      %rem3A_680 = arith.remsi %add3A_605, %select_n3A_679 : i32
      %ne3A_681 = arith.constant 0 : i32
      %ne3A_682 = arith.cmpi ne, %rem3A_680, %ne3A_681 : i32
      %lt3A_683 = arith.constant 0 : i32
      %lt3A_684 = arith.cmpi slt, %rem3A_680, %lt3A_683 : i32
      %lt3A_685 = arith.constant 0 : i32
      %lt3A_686 = arith.cmpi slt, %select_n3A_679, %lt3A_685 : i32
      %ne3A_687 = arith.xori %lt3A_684, %lt3A_686 : i1
      %and3A_688 = arith.andi %ne3A_687, %ne3A_682 : i1
      %add3A_689 = arith.addi %rem3A_680, %select_n3A_679 : i32
      %select_n3A_690 = arith.select %and3A_688, %add3A_689, %rem3A_680 : i32
      %mul3A_691 = arith.constant 1024 : i32
      %mul3A_692 = arith.muli %select_n3A_690, %mul3A_691 : i32
      %get3A_693 = arith.constant 0 : i32
      %get3A_694 = arith.index_cast %get3A_693 : i32 to index
      %get3A_695 = arith.constant 0 : index
      %get3A_696 = tpu.vector_load %arg10[%get3A_694, %get3A_695] {strides = array<i32>} : memref<8x128xf32, #tpu.memory_space<vmem>>, vector<16xf32>,
      %get3A_697 = arith.constant 0 : i32
      %get3A_698 = arith.index_cast %get3A_697 : i32 to index
      %get3A_699 = arith.constant 16 : index
      %get3A_700 = tpu.vector_load %arg10[%get3A_698, %get3A_699] {strides = array<i32>} : memref<8x128xf32, #tpu.memory_space<vmem>>, vector<16xf32>,
      %get3A_701 = arith.constant 0 : i32
      %get3A_702 = arith.index_cast %get3A_701 : i32 to index
      %get3A_703 = arith.constant 32 : index
      %get3A_704 = tpu.vector_load %arg10[%get3A_702, %get3A_703] {strides = array<i32>} : memref<8x128xf32, #tpu.memory_space<vmem>>, vector<16xf32>,
      %get3A_705 = arith.constant 0 : i32
      %get3A_706 = arith.index_cast %get3A_705 : i32 to index
      %get3A_707 = arith.constant 48 : index
      %get3A_708 = tpu.vector_load %arg10[%get3A_706, %get3A_707] {strides = array<i32>} : memref<8x128xf32, #tpu.memory_space<vmem>>, vector<16xf32>,
      %get3A_709 = arith.constant 1 : i32
      %get3A_710 = arith.index_cast %get3A_709 : i32 to index
      %get3A_711 = arith.constant 0 : index
      %get3A_712 = tpu.vector_load %arg10[%get3A_710, %get3A_711] {strides = array<i32>} : memref<8x128xf32, #tpu.memory_space<vmem>>, vector<16xf32>,
      %get3A_713 = arith.constant 1 : i32
      %get3A_714 = arith.index_cast %get3A_713 : i32 to index
      %get3A_715 = arith.constant 16 : index
      %get3A_716 = tpu.vector_load %arg10[%get3A_714, %get3A_715] {strides = array<i32>} : memref<8x128xf32, #tpu.memory_space<vmem>>, vector<16xf32>,
      %get3A_717 = arith.constant 1 : i32
      %get3A_718 = arith.index_cast %get3A_717 : i32 to index
      %get3A_719 = arith.constant 32 : index
      %get3A_720 = tpu.vector_load %arg10[%get3A_718, %get3A_719] {strides = array<i32>} : memref<8x128xf32, #tpu.memory_space<vmem>>, vector<16xf32>,
      %get3A_721 = arith.constant 1 : i32
      %get3A_722 = arith.index_cast %get3A_721 : i32 to index
      %get3A_723 = arith.constant 48 : index
      %get3A_724 = tpu.vector_load %arg10[%get3A_722, %get3A_723] {strides = array<i32>} : memref<8x128xf32, #tpu.memory_space<vmem>>, vector<16xf32>,
      %get3A_725 = arith.constant 2 : i32
      %get3A_726 = arith.index_cast %get3A_725 : i32 to index
      %get3A_727 = arith.constant 0 : index
      %get3A_728 = tpu.vector_load %arg10[%get3A_726, %get3A_727] {strides = array<i32>} : memref<8x128xf32, #tpu.memory_space<vmem>>, vector<16xf32>,
      %get3A_729 = arith.constant 2 : i32
      %get3A_730 = arith.index_cast %get3A_729 : i32 to index
      %get3A_731 = arith.constant 16 : index
      %get3A_732 = tpu.vector_load %arg10[%get3A_730, %get3A_731] {strides = array<i32>} : memref<8x128xf32, #tpu.memory_space<vmem>>, vector<16xf32>,
      %get3A_733 = arith.constant 2 : i32
      %get3A_734 = arith.index_cast %get3A_733 : i32 to index
      %get3A_735 = arith.constant 32 : index
      %get3A_736 = tpu.vector_load %arg10[%get3A_734, %get3A_735] {strides = array<i32>} : memref<8x128xf32, #tpu.memory_space<vmem>>, vector<16xf32>,
      %get3A_737 = arith.constant 2 : i32
      %get3A_738 = arith.index_cast %get3A_737 : i32 to index
      %get3A_739 = arith.constant 48 : index
      %get3A_740 = tpu.vector_load %arg10[%get3A_738, %get3A_739] {strides = array<i32>} : memref<8x128xf32, #tpu.memory_space<vmem>>, vector<16xf32>,
      %get3A_741 = arith.constant 3 : i32
      %get3A_742 = arith.index_cast %get3A_741 : i32 to index
      %get3A_743 = arith.constant 0 : index
      %get3A_744 = tpu.vector_load %arg10[%get3A_742, %get3A_743] {strides = array<i32>} : memref<8x128xf32, #tpu.memory_space<vmem>>, vector<16xf32>,
      %get3A_745 = arith.constant 3 : i32
      %get3A_746 = arith.index_cast %get3A_745 : i32 to index
      %get3A_747 = arith.constant 16 : index
      %get3A_748 = tpu.vector_load %arg10[%get3A_746, %get3A_747] {strides = array<i32>} : memref<8x128xf32, #tpu.memory_space<vmem>>, vector<16xf32>,
      %get3A_749 = arith.constant 3 : i32
      %get3A_750 = arith.index_cast %get3A_749 : i32 to index
      %get3A_751 = arith.constant 32 : index
      %get3A_752 = tpu.vector_load %arg10[%get3A_750, %get3A_751] {strides = array<i32>} : memref<8x128xf32, #tpu.memory_space<vmem>>, vector<16xf32>,
      %get3A_753 = arith.constant 3 : i32
      %get3A_754 = arith.index_cast %get3A_753 : i32 to index
      %get3A_755 = arith.constant 48 : index
      %get3A_756 = tpu.vector_load %arg10[%get3A_754, %get3A_755] {strides = array<i32>} : memref<8x128xf32, #tpu.memory_space<vmem>>, vector<16xf32>,
      %get3A_757 = arith.constant 4 : i32
      %get3A_758 = arith.index_cast %get3A_757 : i32 to index
      %get3A_759 = arith.constant 0 : index
      %get3A_760 = tpu.vector_load %arg10[%get3A_758, %get3A_759] {strides = array<i32>} : memref<8x128xf32, #tpu.memory_space<vmem>>, vector<16xf32>,
      %get3A_761 = arith.constant 4 : i32
      %get3A_762 = arith.index_cast %get3A_761 : i32 to index
      %get3A_763 = arith.constant 16 : index
      %get3A_764 = tpu.vector_load %arg10[%get3A_762, %get3A_763] {strides = array<i32>} : memref<8x128xf32, #tpu.memory_space<vmem>>, vector<16xf32>,
      %get3A_765 = arith.constant 4 : i32
      %get3A_766 = arith.index_cast %get3A_765 : i32 to index
      %get3A_767 = arith.constant 32 : index
      %get3A_768 = tpu.vector_load %arg10[%get3A_766, %get3A_767] {strides = array<i32>} : memref<8x128xf32, #tpu.memory_space<vmem>>, vector<16xf32>,
      %get3A_769 = arith.constant 4 : i32
      %get3A_770 = arith.index_cast %get3A_769 : i32 to index
      %get3A_771 = arith.constant 48 : index
      %get3A_772 = tpu.vector_load %arg10[%get3A_770, %get3A_771] {strides = array<i32>} : memref<8x128xf32, #tpu.memory_space<vmem>>, vector<16xf32>,
      %get3A_773 = arith.constant 5 : i32
      %get3A_774 = arith.index_cast %get3A_773 : i32 to index
      %get3A_775 = arith.constant 0 : index
      %get3A_776 = tpu.vector_load %arg10[%get3A_774, %get3A_775] {strides = array<i32>} : memref<8x128xf32, #tpu.memory_space<vmem>>, vector<16xf32>,
      %get3A_777 = arith.constant 5 : i32
      %get3A_778 = arith.index_cast %get3A_777 : i32 to index
      %get3A_779 = arith.constant 16 : index
      %get3A_780 = tpu.vector_load %arg10[%get3A_778, %get3A_779] {strides = array<i32>} : memref<8x128xf32, #tpu.memory_space<vmem>>, vector<16xf32>,
      %get3A_781 = arith.constant 5 : i32
      %get3A_782 = arith.index_cast %get3A_781 : i32 to index
      %get3A_783 = arith.constant 32 : index
      %get3A_784 = tpu.vector_load %arg10[%get3A_782, %get3A_783] {strides = array<i32>} : memref<8x128xf32, #tpu.memory_space<vmem>>, vector<16xf32>,
      %get3A_785 = arith.constant 5 : i32
      %get3A_786 = arith.index_cast %get3A_785 : i32 to index
      %get3A_787 = arith.constant 48 : index
      %get3A_788 = tpu.vector_load %arg10[%get3A_786, %get3A_787] {strides = array<i32>} : memref<8x128xf32, #tpu.memory_space<vmem>>, vector<16xf32>,
      %get3A_789 = arith.constant 6 : i32
      %get3A_790 = arith.index_cast %get3A_789 : i32 to index
      %get3A_791 = arith.constant 0 : index
      %get3A_792 = tpu.vector_load %arg10[%get3A_790, %get3A_791] {strides = array<i32>} : memref<8x128xf32, #tpu.memory_space<vmem>>, vector<16xf32>,
      %get3A_793 = arith.constant 6 : i32
      %get3A_794 = arith.index_cast %get3A_793 : i32 to index
      %get3A_795 = arith.constant 16 : index
      %get3A_796 = tpu.vector_load %arg10[%get3A_794, %get3A_795] {strides = array<i32>} : memref<8x128xf32, #tpu.memory_space<vmem>>, vector<16xf32>,
      %get3A_797 = arith.constant 6 : i32
      %get3A_798 = arith.index_cast %get3A_797 : i32 to index
      %get3A_799 = arith.constant 32 : index
      %get3A_800 = tpu.vector_load %arg10[%get3A_798, %get3A_799] {strides = array<i32>} : memref<8x128xf32, #tpu.memory_space<vmem>>, vector<16xf32>,
      %get3A_801 = arith.constant 6 : i32
      %get3A_802 = arith.index_cast %get3A_801 : i32 to index
      %get3A_803 = arith.constant 48 : index
      %get3A_804 = tpu.vector_load %arg10[%get3A_802, %get3A_803] {strides = array<i32>} : memref<8x128xf32, #tpu.memory_space<vmem>>, vector<16xf32>,
      %get3A_805 = arith.constant 7 : i32
      %get3A_806 = arith.index_cast %get3A_805 : i32 to index
      %get3A_807 = arith.constant 0 : index
      %get3A_808 = tpu.vector_load %arg10[%get3A_806, %get3A_807] {strides = array<i32>} : memref<8x128xf32, #tpu.memory_space<vmem>>, vector<16xf32>,
      %get3A_809 = arith.constant 7 : i32
      %get3A_810 = arith.index_cast %get3A_809 : i32 to index
      %get3A_811 = arith.constant 16 : index
      %get3A_812 = tpu.vector_load %arg10[%get3A_810, %get3A_811] {strides = array<i32>} : memref<8x128xf32, #tpu.memory_space<vmem>>, vector<16xf32>,
      %get3A_813 = arith.constant 7 : i32
      %get3A_814 = arith.index_cast %get3A_813 : i32 to index
      %get3A_815 = arith.constant 32 : index
      %get3A_816 = tpu.vector_load %arg10[%get3A_814, %get3A_815] {strides = array<i32>} : memref<8x128xf32, #tpu.memory_space<vmem>>, vector<16xf32>,
      %get3A_817 = arith.constant 7 : i32
      %get3A_818 = arith.index_cast %get3A_817 : i32 to index
      %get3A_819 = arith.constant 48 : index
      %get3A_820 = tpu.vector_load %arg10[%get3A_818, %get3A_819] {strides = array<i32>} : memref<8x128xf32, #tpu.memory_space<vmem>>, vector<16xf32>,
      %parallel_loop3A_821 = arith.constant 0 : i32
      %parallel_loop3A_822 = arith.constant 64 : i32
      %parallel_loop3A_823 = arith.constant 1 : i32
      scf.for %parallel_loop3A_1067 = %parallel_loop3A_821 to %parallel_loop3A_822 step %parallel_loop3A_823  : i32 {
        %parallel_loop3A_1068 = arith.constant 16 : i32
        %parallel_loop3A_1069 = arith.muli %parallel_loop3A_1067, %parallel_loop3A_1068 : i32
        %parallel_loop3A_1070 = arith.addi %mul3A_692, %parallel_loop3A_1069 : i32
        %parallel_loop3A_1071 = arith.index_cast %select_n3A_674 : i32 to index
        %parallel_loop3A_1072 = arith.index_cast %parallel_loop3A_1070 : i32 to index
        %parallel_loop3A_1073 = tpu.vector_load %arg8[%parallel_loop3A_1071, %parallel_loop3A_1072] {strides = array<i32>} : memref<2x10240xf32, #tpu.memory_space<vmem>>, vector<16xf32>,
        %parallel_loop3A_1074 = arith.constant 2 : i32
        %parallel_loop3A_1075 = arith.muli %parallel_loop3A_1067, %parallel_loop3A_1074 : i32
        %parallel_loop3A_1076 = arith.constant 0 : i32
        %parallel_loop3A_1077 = arith.addi %parallel_loop3A_1075, %parallel_loop3A_1076 : i32
        %parallel_loop3A_1078 = vector.extract_strided_slice %parallel_loop3A_1073 {offsets = [0], sizes = [1], strides = [1]} : vector<16xf32> to vector<1xf32>
        %parallel_loop3A_1079 = vector.extract %parallel_loop3A_1078[0] : f32 from vector<1xf32>
        %parallel_loop3A_1080 = vector.broadcast %parallel_loop3A_1079 : f32 to vector<16xf32>
        %parallel_loop3A_1081 = vector.extract_strided_slice %parallel_loop3A_1073 {offsets = [1], sizes = [1], strides = [1]} : vector<16xf32> to vector<1xf32>
        %parallel_loop3A_1082 = vector.extract %parallel_loop3A_1081[0] : f32 from vector<1xf32>
        %parallel_loop3A_1083 = vector.broadcast %parallel_loop3A_1082 : f32 to vector<16xf32>
        %parallel_loop3A_1084 = vector.extract_strided_slice %parallel_loop3A_1073 {offsets = [2], sizes = [1], strides = [1]} : vector<16xf32> to vector<1xf32>
        %parallel_loop3A_1085 = vector.extract %parallel_loop3A_1084[0] : f32 from vector<1xf32>
        %parallel_loop3A_1086 = vector.broadcast %parallel_loop3A_1085 : f32 to vector<16xf32>
        %parallel_loop3A_1087 = vector.extract_strided_slice %parallel_loop3A_1073 {offsets = [3], sizes = [1], strides = [1]} : vector<16xf32> to vector<1xf32>
        %parallel_loop3A_1088 = vector.extract %parallel_loop3A_1087[0] : f32 from vector<1xf32>
        %parallel_loop3A_1089 = vector.broadcast %parallel_loop3A_1088 : f32 to vector<16xf32>
        %parallel_loop3A_1090 = vector.extract_strided_slice %parallel_loop3A_1073 {offsets = [4], sizes = [1], strides = [1]} : vector<16xf32> to vector<1xf32>
        %parallel_loop3A_1091 = vector.extract %parallel_loop3A_1090[0] : f32 from vector<1xf32>
        %parallel_loop3A_1092 = vector.broadcast %parallel_loop3A_1091 : f32 to vector<16xf32>
        %parallel_loop3A_1093 = vector.extract_strided_slice %parallel_loop3A_1073 {offsets = [5], sizes = [1], strides = [1]} : vector<16xf32> to vector<1xf32>
        %parallel_loop3A_1094 = vector.extract %parallel_loop3A_1093[0] : f32 from vector<1xf32>
        %parallel_loop3A_1095 = vector.broadcast %parallel_loop3A_1094 : f32 to vector<16xf32>
        %parallel_loop3A_1096 = vector.extract_strided_slice %parallel_loop3A_1073 {offsets = [6], sizes = [1], strides = [1]} : vector<16xf32> to vector<1xf32>
        %parallel_loop3A_1097 = vector.extract %parallel_loop3A_1096[0] : f32 from vector<1xf32>
        %parallel_loop3A_1098 = vector.broadcast %parallel_loop3A_1097 : f32 to vector<16xf32>
        %parallel_loop3A_1099 = vector.extract_strided_slice %parallel_loop3A_1073 {offsets = [7], sizes = [1], strides = [1]} : vector<16xf32> to vector<1xf32>
        %parallel_loop3A_1100 = vector.extract %parallel_loop3A_1099[0] : f32 from vector<1xf32>
        %parallel_loop3A_1101 = vector.broadcast %parallel_loop3A_1100 : f32 to vector<16xf32>
        %parallel_loop3A_1102 = arith.mulf %parallel_loop3A_1080, %get3A_696 : vector<16xf32>
        %parallel_loop3A_1103 = arith.mulf %parallel_loop3A_1083, %get3A_712 : vector<16xf32>
        %parallel_loop3A_1104 = arith.mulf %parallel_loop3A_1086, %get3A_728 : vector<16xf32>
        %parallel_loop3A_1105 = arith.mulf %parallel_loop3A_1089, %get3A_744 : vector<16xf32>
        %parallel_loop3A_1106 = arith.mulf %parallel_loop3A_1092, %get3A_760 : vector<16xf32>
        %parallel_loop3A_1107 = arith.mulf %parallel_loop3A_1095, %get3A_776 : vector<16xf32>
        %parallel_loop3A_1108 = arith.mulf %parallel_loop3A_1098, %get3A_792 : vector<16xf32>
        %parallel_loop3A_1109 = arith.mulf %parallel_loop3A_1101, %get3A_808 : vector<16xf32>
        %parallel_loop3A_1110 = arith.addf %parallel_loop3A_1102, %parallel_loop3A_1103 : vector<16xf32>
        %parallel_loop3A_1111 = arith.addf %parallel_loop3A_1104, %parallel_loop3A_1105 : vector<16xf32>
        %parallel_loop3A_1112 = arith.addf %parallel_loop3A_1110, %parallel_loop3A_1111 : vector<16xf32>
        %parallel_loop3A_1113 = arith.addf %parallel_loop3A_1106, %parallel_loop3A_1107 : vector<16xf32>
        %parallel_loop3A_1114 = arith.addf %parallel_loop3A_1108, %parallel_loop3A_1109 : vector<16xf32>
        %parallel_loop3A_1115 = arith.addf %parallel_loop3A_1113, %parallel_loop3A_1114 : vector<16xf32>
        %parallel_loop3A_1116 = arith.addf %parallel_loop3A_1112, %parallel_loop3A_1115 : vector<16xf32>
        %parallel_loop3A_1117 = arith.constant 1 : i32
        %parallel_loop3A_1118 = arith.index_cast %parallel_loop3A_1117 : i32 to index
        %parallel_loop3A_1119 = arith.index_cast %parallel_loop3A_1077 : i32 to index
        %parallel_loop3A_1120 = arith.constant 0 : index
        %parallel_loop3A_1121 = tpu.vector_load %arg9[%parallel_loop3A_1118, %parallel_loop3A_1119, %parallel_loop3A_1120] {strides = array<i32>} : memref<2x128x128xf32, #tpu.memory_space<vmem>>, vector<16xf32>,
        tpu.vector_store %arg9[%parallel_loop3A_1118, %parallel_loop3A_1119, %parallel_loop3A_1120], %parallel_loop3A_1116 {strides = array<i32>} : memref<2x128x128xf32, #tpu.memory_space<vmem>>, vector<16xf32>,
        %parallel_loop3A_1122 = arith.mulf %parallel_loop3A_1080, %get3A_700 : vector<16xf32>
        %parallel_loop3A_1123 = arith.mulf %parallel_loop3A_1083, %get3A_716 : vector<16xf32>
        %parallel_loop3A_1124 = arith.mulf %parallel_loop3A_1086, %get3A_732 : vector<16xf32>
        %parallel_loop3A_1125 = arith.mulf %parallel_loop3A_1089, %get3A_748 : vector<16xf32>
        %parallel_loop3A_1126 = arith.mulf %parallel_loop3A_1092, %get3A_764 : vector<16xf32>
        %parallel_loop3A_1127 = arith.mulf %parallel_loop3A_1095, %get3A_780 : vector<16xf32>
        %parallel_loop3A_1128 = arith.mulf %parallel_loop3A_1098, %get3A_796 : vector<16xf32>
        %parallel_loop3A_1129 = arith.mulf %parallel_loop3A_1101, %get3A_812 : vector<16xf32>
        %parallel_loop3A_1130 = arith.addf %parallel_loop3A_1122, %parallel_loop3A_1123 : vector<16xf32>
        %parallel_loop3A_1131 = arith.addf %parallel_loop3A_1124, %parallel_loop3A_1125 : vector<16xf32>
        %parallel_loop3A_1132 = arith.addf %parallel_loop3A_1130, %parallel_loop3A_1131 : vector<16xf32>
        %parallel_loop3A_1133 = arith.addf %parallel_loop3A_1126, %parallel_loop3A_1127 : vector<16xf32>
        %parallel_loop3A_1134 = arith.addf %parallel_loop3A_1128, %parallel_loop3A_1129 : vector<16xf32>
        %parallel_loop3A_1135 = arith.addf %parallel_loop3A_1133, %parallel_loop3A_1134 : vector<16xf32>
        %parallel_loop3A_1136 = arith.addf %parallel_loop3A_1132, %parallel_loop3A_1135 : vector<16xf32>
        %parallel_loop3A_1137 = arith.constant 1 : i32
        %parallel_loop3A_1138 = arith.index_cast %parallel_loop3A_1137 : i32 to index
        %parallel_loop3A_1139 = arith.index_cast %parallel_loop3A_1077 : i32 to index
        %parallel_loop3A_1140 = arith.constant 16 : index
        %parallel_loop3A_1141 = tpu.vector_load %arg9[%parallel_loop3A_1138, %parallel_loop3A_1139, %parallel_loop3A_1140] {strides = array<i32>} : memref<2x128x128xf32, #tpu.memory_space<vmem>>, vector<16xf32>,
        tpu.vector_store %arg9[%parallel_loop3A_1138, %parallel_loop3A_1139, %parallel_loop3A_1140], %parallel_loop3A_1136 {strides = array<i32>} : memref<2x128x128xf32, #tpu.memory_space<vmem>>, vector<16xf32>,
        %parallel_loop3A_1142 = arith.mulf %parallel_loop3A_1080, %get3A_704 : vector<16xf32>
        %parallel_loop3A_1143 = arith.mulf %parallel_loop3A_1083, %get3A_720 : vector<16xf32>
        %parallel_loop3A_1144 = arith.mulf %parallel_loop3A_1086, %get3A_736 : vector<16xf32>
        %parallel_loop3A_1145 = arith.mulf %parallel_loop3A_1089, %get3A_752 : vector<16xf32>
        %parallel_loop3A_1146 = arith.mulf %parallel_loop3A_1092, %get3A_768 : vector<16xf32>
        %parallel_loop3A_1147 = arith.mulf %parallel_loop3A_1095, %get3A_784 : vector<16xf32>
        %parallel_loop3A_1148 = arith.mulf %parallel_loop3A_1098, %get3A_800 : vector<16xf32>
        %parallel_loop3A_1149 = arith.mulf %parallel_loop3A_1101, %get3A_816 : vector<16xf32>
        %parallel_loop3A_1150 = arith.addf %parallel_loop3A_1142, %parallel_loop3A_1143 : vector<16xf32>
        %parallel_loop3A_1151 = arith.addf %parallel_loop3A_1144, %parallel_loop3A_1145 : vector<16xf32>
        %parallel_loop3A_1152 = arith.addf %parallel_loop3A_1150, %parallel_loop3A_1151 : vector<16xf32>
        %parallel_loop3A_1153 = arith.addf %parallel_loop3A_1146, %parallel_loop3A_1147 : vector<16xf32>
        %parallel_loop3A_1154 = arith.addf %parallel_loop3A_1148, %parallel_loop3A_1149 : vector<16xf32>
        %parallel_loop3A_1155 = arith.addf %parallel_loop3A_1153, %parallel_loop3A_1154 : vector<16xf32>
        %parallel_loop3A_1156 = arith.addf %parallel_loop3A_1152, %parallel_loop3A_1155 : vector<16xf32>
        %parallel_loop3A_1157 = arith.constant 1 : i32
        %parallel_loop3A_1158 = arith.index_cast %parallel_loop3A_1157 : i32 to index
        %parallel_loop3A_1159 = arith.index_cast %parallel_loop3A_1077 : i32 to index
        %parallel_loop3A_1160 = arith.constant 32 : index
        %parallel_loop3A_1161 = tpu.vector_load %arg9[%parallel_loop3A_1158, %parallel_loop3A_1159, %parallel_loop3A_1160] {strides = array<i32>} : memref<2x128x128xf32, #tpu.memory_space<vmem>>, vector<16xf32>,
        tpu.vector_store %arg9[%parallel_loop3A_1158, %parallel_loop3A_1159, %parallel_loop3A_1160], %parallel_loop3A_1156 {strides = array<i32>} : memref<2x128x128xf32, #tpu.memory_space<vmem>>, vector<16xf32>,
        %parallel_loop3A_1162 = arith.mulf %parallel_loop3A_1080, %get3A_708 : vector<16xf32>
        %parallel_loop3A_1163 = arith.mulf %parallel_loop3A_1083, %get3A_724 : vector<16xf32>
        %parallel_loop3A_1164 = arith.mulf %parallel_loop3A_1086, %get3A_740 : vector<16xf32>
        %parallel_loop3A_1165 = arith.mulf %parallel_loop3A_1089, %get3A_756 : vector<16xf32>
        %parallel_loop3A_1166 = arith.mulf %parallel_loop3A_1092, %get3A_772 : vector<16xf32>
        %parallel_loop3A_1167 = arith.mulf %parallel_loop3A_1095, %get3A_788 : vector<16xf32>
        %parallel_loop3A_1168 = arith.mulf %parallel_loop3A_1098, %get3A_804 : vector<16xf32>
        %parallel_loop3A_1169 = arith.mulf %parallel_loop3A_1101, %get3A_820 : vector<16xf32>
        %parallel_loop3A_1170 = arith.addf %parallel_loop3A_1162, %parallel_loop3A_1163 : vector<16xf32>
        %parallel_loop3A_1171 = arith.addf %parallel_loop3A_1164, %parallel_loop3A_1165 : vector<16xf32>
        %parallel_loop3A_1172 = arith.addf %parallel_loop3A_1170, %parallel_loop3A_1171 : vector<16xf32>
        %parallel_loop3A_1173 = arith.addf %parallel_loop3A_1166, %parallel_loop3A_1167 : vector<16xf32>
        %parallel_loop3A_1174 = arith.addf %parallel_loop3A_1168, %parallel_loop3A_1169 : vector<16xf32>
        %parallel_loop3A_1175 = arith.addf %parallel_loop3A_1173, %parallel_loop3A_1174 : vector<16xf32>
        %parallel_loop3A_1176 = arith.addf %parallel_loop3A_1172, %parallel_loop3A_1175 : vector<16xf32>
        %parallel_loop3A_1177 = arith.constant 1 : i32
        %parallel_loop3A_1178 = arith.index_cast %parallel_loop3A_1177 : i32 to index
        %parallel_loop3A_1179 = arith.index_cast %parallel_loop3A_1077 : i32 to index
        %parallel_loop3A_1180 = arith.constant 48 : index
        %parallel_loop3A_1181 = tpu.vector_load %arg9[%parallel_loop3A_1178, %parallel_loop3A_1179, %parallel_loop3A_1180] {strides = array<i32>} : memref<2x128x128xf32, #tpu.memory_space<vmem>>, vector<16xf32>,
        tpu.vector_store %arg9[%parallel_loop3A_1178, %parallel_loop3A_1179, %parallel_loop3A_1180], %parallel_loop3A_1176 {strides = array<i32>} : memref<2x128x128xf32, #tpu.memory_space<vmem>>, vector<16xf32>,
        %parallel_loop3A_1182 = arith.constant 2 : i32
        %parallel_loop3A_1183 = arith.muli %parallel_loop3A_1067, %parallel_loop3A_1182 : i32
        %parallel_loop3A_1184 = arith.constant 1 : i32
        %parallel_loop3A_1185 = arith.addi %parallel_loop3A_1183, %parallel_loop3A_1184 : i32
        %parallel_loop3A_1186 = vector.extract_strided_slice %parallel_loop3A_1073 {offsets = [8], sizes = [1], strides = [1]} : vector<16xf32> to vector<1xf32>
        %parallel_loop3A_1187 = vector.extract %parallel_loop3A_1186[0] : f32 from vector<1xf32>
        %parallel_loop3A_1188 = vector.broadcast %parallel_loop3A_1187 : f32 to vector<16xf32>
        %parallel_loop3A_1189 = vector.extract_strided_slice %parallel_loop3A_1073 {offsets = [9], sizes = [1], strides = [1]} : vector<16xf32> to vector<1xf32>
        %parallel_loop3A_1190 = vector.extract %parallel_loop3A_1189[0] : f32 from vector<1xf32>
        %parallel_loop3A_1191 = vector.broadcast %parallel_loop3A_1190 : f32 to vector<16xf32>
        %parallel_loop3A_1192 = vector.extract_strided_slice %parallel_loop3A_1073 {offsets = [10], sizes = [1], strides = [1]} : vector<16xf32> to vector<1xf32>
        %parallel_loop3A_1193 = vector.extract %parallel_loop3A_1192[0] : f32 from vector<1xf32>
        %parallel_loop3A_1194 = vector.broadcast %parallel_loop3A_1193 : f32 to vector<16xf32>
        %parallel_loop3A_1195 = vector.extract_strided_slice %parallel_loop3A_1073 {offsets = [11], sizes = [1], strides = [1]} : vector<16xf32> to vector<1xf32>
        %parallel_loop3A_1196 = vector.extract %parallel_loop3A_1195[0] : f32 from vector<1xf32>
        %parallel_loop3A_1197 = vector.broadcast %parallel_loop3A_1196 : f32 to vector<16xf32>
        %parallel_loop3A_1198 = vector.extract_strided_slice %parallel_loop3A_1073 {offsets = [12], sizes = [1], strides = [1]} : vector<16xf32> to vector<1xf32>
        %parallel_loop3A_1199 = vector.extract %parallel_loop3A_1198[0] : f32 from vector<1xf32>
        %parallel_loop3A_1200 = vector.broadcast %parallel_loop3A_1199 : f32 to vector<16xf32>
        %parallel_loop3A_1201 = vector.extract_strided_slice %parallel_loop3A_1073 {offsets = [13], sizes = [1], strides = [1]} : vector<16xf32> to vector<1xf32>
        %parallel_loop3A_1202 = vector.extract %parallel_loop3A_1201[0] : f32 from vector<1xf32>
        %parallel_loop3A_1203 = vector.broadcast %parallel_loop3A_1202 : f32 to vector<16xf32>
        %parallel_loop3A_1204 = vector.extract_strided_slice %parallel_loop3A_1073 {offsets = [14], sizes = [1], strides = [1]} : vector<16xf32> to vector<1xf32>
        %parallel_loop3A_1205 = vector.extract %parallel_loop3A_1204[0] : f32 from vector<1xf32>
        %parallel_loop3A_1206 = vector.broadcast %parallel_loop3A_1205 : f32 to vector<16xf32>
        %parallel_loop3A_1207 = vector.extract_strided_slice %parallel_loop3A_1073 {offsets = [15], sizes = [1], strides = [1]} : vector<16xf32> to vector<1xf32>
        %parallel_loop3A_1208 = vector.extract %parallel_loop3A_1207[0] : f32 from vector<1xf32>
        %parallel_loop3A_1209 = vector.broadcast %parallel_loop3A_1208 : f32 to vector<16xf32>
        %parallel_loop3A_1210 = arith.mulf %parallel_loop3A_1188, %get3A_696 : vector<16xf32>
        %parallel_loop3A_1211 = arith.mulf %parallel_loop3A_1191, %get3A_712 : vector<16xf32>
        %parallel_loop3A_1212 = arith.mulf %parallel_loop3A_1194, %get3A_728 : vector<16xf32>
        %parallel_loop3A_1213 = arith.mulf %parallel_loop3A_1197, %get3A_744 : vector<16xf32>
        %parallel_loop3A_1214 = arith.mulf %parallel_loop3A_1200, %get3A_760 : vector<16xf32>
        %parallel_loop3A_1215 = arith.mulf %parallel_loop3A_1203, %get3A_776 : vector<16xf32>
        %parallel_loop3A_1216 = arith.mulf %parallel_loop3A_1206, %get3A_792 : vector<16xf32>
        %parallel_loop3A_1217 = arith.mulf %parallel_loop3A_1209, %get3A_808 : vector<16xf32>
        %parallel_loop3A_1218 = arith.addf %parallel_loop3A_1210, %parallel_loop3A_1211 : vector<16xf32>
        %parallel_loop3A_1219 = arith.addf %parallel_loop3A_1212, %parallel_loop3A_1213 : vector<16xf32>
        %parallel_loop3A_1220 = arith.addf %parallel_loop3A_1218, %parallel_loop3A_1219 : vector<16xf32>
        %parallel_loop3A_1221 = arith.addf %parallel_loop3A_1214, %parallel_loop3A_1215 : vector<16xf32>
        %parallel_loop3A_1222 = arith.addf %parallel_loop3A_1216, %parallel_loop3A_1217 : vector<16xf32>
        %parallel_loop3A_1223 = arith.addf %parallel_loop3A_1221, %parallel_loop3A_1222 : vector<16xf32>
        %parallel_loop3A_1224 = arith.addf %parallel_loop3A_1220, %parallel_loop3A_1223 : vector<16xf32>
        %parallel_loop3A_1225 = arith.constant 1 : i32
        %parallel_loop3A_1226 = arith.index_cast %parallel_loop3A_1225 : i32 to index
        %parallel_loop3A_1227 = arith.index_cast %parallel_loop3A_1185 : i32 to index
        %parallel_loop3A_1228 = arith.constant 0 : index
        %parallel_loop3A_1229 = tpu.vector_load %arg9[%parallel_loop3A_1226, %parallel_loop3A_1227, %parallel_loop3A_1228] {strides = array<i32>} : memref<2x128x128xf32, #tpu.memory_space<vmem>>, vector<16xf32>,
        tpu.vector_store %arg9[%parallel_loop3A_1226, %parallel_loop3A_1227, %parallel_loop3A_1228], %parallel_loop3A_1224 {strides = array<i32>} : memref<2x128x128xf32, #tpu.memory_space<vmem>>, vector<16xf32>,
        %parallel_loop3A_1230 = arith.mulf %parallel_loop3A_1188, %get3A_700 : vector<16xf32>
        %parallel_loop3A_1231 = arith.mulf %parallel_loop3A_1191, %get3A_716 : vector<16xf32>
        %parallel_loop3A_1232 = arith.mulf %parallel_loop3A_1194, %get3A_732 : vector<16xf32>
        %parallel_loop3A_1233 = arith.mulf %parallel_loop3A_1197, %get3A_748 : vector<16xf32>
        %parallel_loop3A_1234 = arith.mulf %parallel_loop3A_1200, %get3A_764 : vector<16xf32>
        %parallel_loop3A_1235 = arith.mulf %parallel_loop3A_1203, %get3A_780 : vector<16xf32>
        %parallel_loop3A_1236 = arith.mulf %parallel_loop3A_1206, %get3A_796 : vector<16xf32>
        %parallel_loop3A_1237 = arith.mulf %parallel_loop3A_1209, %get3A_812 : vector<16xf32>
        %parallel_loop3A_1238 = arith.addf %parallel_loop3A_1230, %parallel_loop3A_1231 : vector<16xf32>
        %parallel_loop3A_1239 = arith.addf %parallel_loop3A_1232, %parallel_loop3A_1233 : vector<16xf32>
        %parallel_loop3A_1240 = arith.addf %parallel_loop3A_1238, %parallel_loop3A_1239 : vector<16xf32>
        %parallel_loop3A_1241 = arith.addf %parallel_loop3A_1234, %parallel_loop3A_1235 : vector<16xf32>
        %parallel_loop3A_1242 = arith.addf %parallel_loop3A_1236, %parallel_loop3A_1237 : vector<16xf32>
        %parallel_loop3A_1243 = arith.addf %parallel_loop3A_1241, %parallel_loop3A_1242 : vector<16xf32>
        %parallel_loop3A_1244 = arith.addf %parallel_loop3A_1240, %parallel_loop3A_1243 : vector<16xf32>
        %parallel_loop3A_1245 = arith.constant 1 : i32
        %parallel_loop3A_1246 = arith.index_cast %parallel_loop3A_1245 : i32 to index
        %parallel_loop3A_1247 = arith.index_cast %parallel_loop3A_1185 : i32 to index
        %parallel_loop3A_1248 = arith.constant 16 : index
        %parallel_loop3A_1249 = tpu.vector_load %arg9[%parallel_loop3A_1246, %parallel_loop3A_1247, %parallel_loop3A_1248] {strides = array<i32>} : memref<2x128x128xf32, #tpu.memory_space<vmem>>, vector<16xf32>,
        tpu.vector_store %arg9[%parallel_loop3A_1246, %parallel_loop3A_1247, %parallel_loop3A_1248], %parallel_loop3A_1244 {strides = array<i32>} : memref<2x128x128xf32, #tpu.memory_space<vmem>>, vector<16xf32>,
        %parallel_loop3A_1250 = arith.mulf %parallel_loop3A_1188, %get3A_704 : vector<16xf32>
        %parallel_loop3A_1251 = arith.mulf %parallel_loop3A_1191, %get3A_720 : vector<16xf32>
        %parallel_loop3A_1252 = arith.mulf %parallel_loop3A_1194, %get3A_736 : vector<16xf32>
        %parallel_loop3A_1253 = arith.mulf %parallel_loop3A_1197, %get3A_752 : vector<16xf32>
        %parallel_loop3A_1254 = arith.mulf %parallel_loop3A_1200, %get3A_768 : vector<16xf32>
        %parallel_loop3A_1255 = arith.mulf %parallel_loop3A_1203, %get3A_784 : vector<16xf32>
        %parallel_loop3A_1256 = arith.mulf %parallel_loop3A_1206, %get3A_800 : vector<16xf32>
        %parallel_loop3A_1257 = arith.mulf %parallel_loop3A_1209, %get3A_816 : vector<16xf32>
        %parallel_loop3A_1258 = arith.addf %parallel_loop3A_1250, %parallel_loop3A_1251 : vector<16xf32>
        %parallel_loop3A_1259 = arith.addf %parallel_loop3A_1252, %parallel_loop3A_1253 : vector<16xf32>
        %parallel_loop3A_1260 = arith.addf %parallel_loop3A_1258, %parallel_loop3A_1259 : vector<16xf32>
        %parallel_loop3A_1261 = arith.addf %parallel_loop3A_1254, %parallel_loop3A_1255 : vector<16xf32>
        %parallel_loop3A_1262 = arith.addf %parallel_loop3A_1256, %parallel_loop3A_1257 : vector<16xf32>
        %parallel_loop3A_1263 = arith.addf %parallel_loop3A_1261, %parallel_loop3A_1262 : vector<16xf32>
        %parallel_loop3A_1264 = arith.addf %parallel_loop3A_1260, %parallel_loop3A_1263 : vector<16xf32>
        %parallel_loop3A_1265 = arith.constant 1 : i32
        %parallel_loop3A_1266 = arith.index_cast %parallel_loop3A_1265 : i32 to index
        %parallel_loop3A_1267 = arith.index_cast %parallel_loop3A_1185 : i32 to index
        %parallel_loop3A_1268 = arith.constant 32 : index
        %parallel_loop3A_1269 = tpu.vector_load %arg9[%parallel_loop3A_1266, %parallel_loop3A_1267, %parallel_loop3A_1268] {strides = array<i32>} : memref<2x128x128xf32, #tpu.memory_space<vmem>>, vector<16xf32>,
        tpu.vector_store %arg9[%parallel_loop3A_1266, %parallel_loop3A_1267, %parallel_loop3A_1268], %parallel_loop3A_1264 {strides = array<i32>} : memref<2x128x128xf32, #tpu.memory_space<vmem>>, vector<16xf32>,
        %parallel_loop3A_1270 = arith.mulf %parallel_loop3A_1188, %get3A_708 : vector<16xf32>
        %parallel_loop3A_1271 = arith.mulf %parallel_loop3A_1191, %get3A_724 : vector<16xf32>
        %parallel_loop3A_1272 = arith.mulf %parallel_loop3A_1194, %get3A_740 : vector<16xf32>
        %parallel_loop3A_1273 = arith.mulf %parallel_loop3A_1197, %get3A_756 : vector<16xf32>
        %parallel_loop3A_1274 = arith.mulf %parallel_loop3A_1200, %get3A_772 : vector<16xf32>
        %parallel_loop3A_1275 = arith.mulf %parallel_loop3A_1203, %get3A_788 : vector<16xf32>
        %parallel_loop3A_1276 = arith.mulf %parallel_loop3A_1206, %get3A_804 : vector<16xf32>
        %parallel_loop3A_1277 = arith.mulf %parallel_loop3A_1209, %get3A_820 : vector<16xf32>
        %parallel_loop3A_1278 = arith.addf %parallel_loop3A_1270, %parallel_loop3A_1271 : vector<16xf32>
        %parallel_loop3A_1279 = arith.addf %parallel_loop3A_1272, %parallel_loop3A_1273 : vector<16xf32>
        %parallel_loop3A_1280 = arith.addf %parallel_loop3A_1278, %parallel_loop3A_1279 : vector<16xf32>
        %parallel_loop3A_1281 = arith.addf %parallel_loop3A_1274, %parallel_loop3A_1275 : vector<16xf32>
        %parallel_loop3A_1282 = arith.addf %parallel_loop3A_1276, %parallel_loop3A_1277 : vector<16xf32>
        %parallel_loop3A_1283 = arith.addf %parallel_loop3A_1281, %parallel_loop3A_1282 : vector<16xf32>
        %parallel_loop3A_1284 = arith.addf %parallel_loop3A_1280, %parallel_loop3A_1283 : vector<16xf32>
        %parallel_loop3A_1285 = arith.constant 1 : i32
        %parallel_loop3A_1286 = arith.index_cast %parallel_loop3A_1285 : i32 to index
        %parallel_loop3A_1287 = arith.index_cast %parallel_loop3A_1185 : i32 to index
        %parallel_loop3A_1288 = arith.constant 48 : index
        %parallel_loop3A_1289 = tpu.vector_load %arg9[%parallel_loop3A_1286, %parallel_loop3A_1287, %parallel_loop3A_1288] {strides = array<i32>} : memref<2x128x128xf32, #tpu.memory_space<vmem>>, vector<16xf32>,
        tpu.vector_store %arg9[%parallel_loop3A_1286, %parallel_loop3A_1287, %parallel_loop3A_1288], %parallel_loop3A_1284 {strides = array<i32>} : memref<2x128x128xf32, #tpu.memory_space<vmem>>, vector<16xf32>,
      } {sc.loop_unroll_factor = 2 : i64, sc.parallel_access}
      %get3A_824 = arith.constant 0 : i32
      %get3A_825 = arith.index_cast %get3A_824 : i32 to index
      %get3A_826 = arith.constant 64 : index
      %get3A_827 = tpu.vector_load %arg10[%get3A_825, %get3A_826] {strides = array<i32>} : memref<8x128xf32, #tpu.memory_space<vmem>>, vector<16xf32>,
      %get3A_828 = arith.constant 0 : i32
      %get3A_829 = arith.index_cast %get3A_828 : i32 to index
      %get3A_830 = arith.constant 80 : index
      %get3A_831 = tpu.vector_load %arg10[%get3A_829, %get3A_830] {strides = array<i32>} : memref<8x128xf32, #tpu.memory_space<vmem>>, vector<16xf32>,
      %get3A_832 = arith.constant 0 : i32
      %get3A_833 = arith.index_cast %get3A_832 : i32 to index
      %get3A_834 = arith.constant 96 : index
      %get3A_835 = tpu.vector_load %arg10[%get3A_833, %get3A_834] {strides = array<i32>} : memref<8x128xf32, #tpu.memory_space<vmem>>, vector<16xf32>,
      %get3A_836 = arith.constant 0 : i32
      %get3A_837 = arith.index_cast %get3A_836 : i32 to index
      %get3A_838 = arith.constant 112 : index
      %get3A_839 = tpu.vector_load %arg10[%get3A_837, %get3A_838] {strides = array<i32>} : memref<8x128xf32, #tpu.memory_space<vmem>>, vector<16xf32>,
      %get3A_840 = arith.constant 1 : i32
      %get3A_841 = arith.index_cast %get3A_840 : i32 to index
      %get3A_842 = arith.constant 64 : index
      %get3A_843 = tpu.vector_load %arg10[%get3A_841, %get3A_842] {strides = array<i32>} : memref<8x128xf32, #tpu.memory_space<vmem>>, vector<16xf32>,
      %get3A_844 = arith.constant 1 : i32
      %get3A_845 = arith.index_cast %get3A_844 : i32 to index
      %get3A_846 = arith.constant 80 : index
      %get3A_847 = tpu.vector_load %arg10[%get3A_845, %get3A_846] {strides = array<i32>} : memref<8x128xf32, #tpu.memory_space<vmem>>, vector<16xf32>,
      %get3A_848 = arith.constant 1 : i32
      %get3A_849 = arith.index_cast %get3A_848 : i32 to index
      %get3A_850 = arith.constant 96 : index
      %get3A_851 = tpu.vector_load %arg10[%get3A_849, %get3A_850] {strides = array<i32>} : memref<8x128xf32, #tpu.memory_space<vmem>>, vector<16xf32>,
      %get3A_852 = arith.constant 1 : i32
      %get3A_853 = arith.index_cast %get3A_852 : i32 to index
      %get3A_854 = arith.constant 112 : index
      %get3A_855 = tpu.vector_load %arg10[%get3A_853, %get3A_854] {strides = array<i32>} : memref<8x128xf32, #tpu.memory_space<vmem>>, vector<16xf32>,
      %get3A_856 = arith.constant 2 : i32
      %get3A_857 = arith.index_cast %get3A_856 : i32 to index
      %get3A_858 = arith.constant 64 : index
      %get3A_859 = tpu.vector_load %arg10[%get3A_857, %get3A_858] {strides = array<i32>} : memref<8x128xf32, #tpu.memory_space<vmem>>, vector<16xf32>,
      %get3A_860 = arith.constant 2 : i32
      %get3A_861 = arith.index_cast %get3A_860 : i32 to index
      %get3A_862 = arith.constant 80 : index
      %get3A_863 = tpu.vector_load %arg10[%get3A_861, %get3A_862] {strides = array<i32>} : memref<8x128xf32, #tpu.memory_space<vmem>>, vector<16xf32>,
      %get3A_864 = arith.constant 2 : i32
      %get3A_865 = arith.index_cast %get3A_864 : i32 to index
      %get3A_866 = arith.constant 96 : index
      %get3A_867 = tpu.vector_load %arg10[%get3A_865, %get3A_866] {strides = array<i32>} : memref<8x128xf32, #tpu.memory_space<vmem>>, vector<16xf32>,
      %get3A_868 = arith.constant 2 : i32
      %get3A_869 = arith.index_cast %get3A_868 : i32 to index
      %get3A_870 = arith.constant 112 : index
      %get3A_871 = tpu.vector_load %arg10[%get3A_869, %get3A_870] {strides = array<i32>} : memref<8x128xf32, #tpu.memory_space<vmem>>, vector<16xf32>,
      %get3A_872 = arith.constant 3 : i32
      %get3A_873 = arith.index_cast %get3A_872 : i32 to index
      %get3A_874 = arith.constant 64 : index
      %get3A_875 = tpu.vector_load %arg10[%get3A_873, %get3A_874] {strides = array<i32>} : memref<8x128xf32, #tpu.memory_space<vmem>>, vector<16xf32>,
      %get3A_876 = arith.constant 3 : i32
      %get3A_877 = arith.index_cast %get3A_876 : i32 to index
      %get3A_878 = arith.constant 80 : index
      %get3A_879 = tpu.vector_load %arg10[%get3A_877, %get3A_878] {strides = array<i32>} : memref<8x128xf32, #tpu.memory_space<vmem>>, vector<16xf32>,
      %get3A_880 = arith.constant 3 : i32
      %get3A_881 = arith.index_cast %get3A_880 : i32 to index
      %get3A_882 = arith.constant 96 : index
      %get3A_883 = tpu.vector_load %arg10[%get3A_881, %get3A_882] {strides = array<i32>} : memref<8x128xf32, #tpu.memory_space<vmem>>, vector<16xf32>,
      %get3A_884 = arith.constant 3 : i32
      %get3A_885 = arith.index_cast %get3A_884 : i32 to index
      %get3A_886 = arith.constant 112 : index
      %get3A_887 = tpu.vector_load %arg10[%get3A_885, %get3A_886] {strides = array<i32>} : memref<8x128xf32, #tpu.memory_space<vmem>>, vector<16xf32>,
      %get3A_888 = arith.constant 4 : i32
      %get3A_889 = arith.index_cast %get3A_888 : i32 to index
      %get3A_890 = arith.constant 64 : index
      %get3A_891 = tpu.vector_load %arg10[%get3A_889, %get3A_890] {strides = array<i32>} : memref<8x128xf32, #tpu.memory_space<vmem>>, vector<16xf32>,
      %get3A_892 = arith.constant 4 : i32
      %get3A_893 = arith.index_cast %get3A_892 : i32 to index
      %get3A_894 = arith.constant 80 : index
      %get3A_895 = tpu.vector_load %arg10[%get3A_893, %get3A_894] {strides = array<i32>} : memref<8x128xf32, #tpu.memory_space<vmem>>, vector<16xf32>,
      %get3A_896 = arith.constant 4 : i32
      %get3A_897 = arith.index_cast %get3A_896 : i32 to index
      %get3A_898 = arith.constant 96 : index
      %get3A_899 = tpu.vector_load %arg10[%get3A_897, %get3A_898] {strides = array<i32>} : memref<8x128xf32, #tpu.memory_space<vmem>>, vector<16xf32>,
      %get3A_900 = arith.constant 4 : i32
      %get3A_901 = arith.index_cast %get3A_900 : i32 to index
      %get3A_902 = arith.constant 112 : index
      %get3A_903 = tpu.vector_load %arg10[%get3A_901, %get3A_902] {strides = array<i32>} : memref<8x128xf32, #tpu.memory_space<vmem>>, vector<16xf32>,
      %get3A_904 = arith.constant 5 : i32
      %get3A_905 = arith.index_cast %get3A_904 : i32 to index
      %get3A_906 = arith.constant 64 : index
      %get3A_907 = tpu.vector_load %arg10[%get3A_905, %get3A_906] {strides = array<i32>} : memref<8x128xf32, #tpu.memory_space<vmem>>, vector<16xf32>,
      %get3A_908 = arith.constant 5 : i32
      %get3A_909 = arith.index_cast %get3A_908 : i32 to index
      %get3A_910 = arith.constant 80 : index
      %get3A_911 = tpu.vector_load %arg10[%get3A_909, %get3A_910] {strides = array<i32>} : memref<8x128xf32, #tpu.memory_space<vmem>>, vector<16xf32>,
      %get3A_912 = arith.constant 5 : i32
      %get3A_913 = arith.index_cast %get3A_912 : i32 to index
      %get3A_914 = arith.constant 96 : index
      %get3A_915 = tpu.vector_load %arg10[%get3A_913, %get3A_914] {strides = array<i32>} : memref<8x128xf32, #tpu.memory_space<vmem>>, vector<16xf32>,
      %get3A_916 = arith.constant 5 : i32
      %get3A_917 = arith.index_cast %get3A_916 : i32 to index
      %get3A_918 = arith.constant 112 : index
      %get3A_919 = tpu.vector_load %arg10[%get3A_917, %get3A_918] {strides = array<i32>} : memref<8x128xf32, #tpu.memory_space<vmem>>, vector<16xf32>,
      %get3A_920 = arith.constant 6 : i32
      %get3A_921 = arith.index_cast %get3A_920 : i32 to index
      %get3A_922 = arith.constant 64 : index
      %get3A_923 = tpu.vector_load %arg10[%get3A_921, %get3A_922] {strides = array<i32>} : memref<8x128xf32, #tpu.memory_space<vmem>>, vector<16xf32>,
      %get3A_924 = arith.constant 6 : i32
      %get3A_925 = arith.index_cast %get3A_924 : i32 to index
      %get3A_926 = arith.constant 80 : index
      %get3A_927 = tpu.vector_load %arg10[%get3A_925, %get3A_926] {strides = array<i32>} : memref<8x128xf32, #tpu.memory_space<vmem>>, vector<16xf32>,
      %get3A_928 = arith.constant 6 : i32
      %get3A_929 = arith.index_cast %get3A_928 : i32 to index
      %get3A_930 = arith.constant 96 : index
      %get3A_931 = tpu.vector_load %arg10[%get3A_929, %get3A_930] {strides = array<i32>} : memref<8x128xf32, #tpu.memory_space<vmem>>, vector<16xf32>,
      %get3A_932 = arith.constant 6 : i32
      %get3A_933 = arith.index_cast %get3A_932 : i32 to index
      %get3A_934 = arith.constant 112 : index
      %get3A_935 = tpu.vector_load %arg10[%get3A_933, %get3A_934] {strides = array<i32>} : memref<8x128xf32, #tpu.memory_space<vmem>>, vector<16xf32>,
      %get3A_936 = arith.constant 7 : i32
      %get3A_937 = arith.index_cast %get3A_936 : i32 to index
      %get3A_938 = arith.constant 64 : index
      %get3A_939 = tpu.vector_load %arg10[%get3A_937, %get3A_938] {strides = array<i32>} : memref<8x128xf32, #tpu.memory_space<vmem>>, vector<16xf32>,
      %get3A_940 = arith.constant 7 : i32
      %get3A_941 = arith.index_cast %get3A_940 : i32 to index
      %get3A_942 = arith.constant 80 : index
      %get3A_943 = tpu.vector_load %arg10[%get3A_941, %get3A_942] {strides = array<i32>} : memref<8x128xf32, #tpu.memory_space<vmem>>, vector<16xf32>,
      %get3A_944 = arith.constant 7 : i32
      %get3A_945 = arith.index_cast %get3A_944 : i32 to index
      %get3A_946 = arith.constant 96 : index
      %get3A_947 = tpu.vector_load %arg10[%get3A_945, %get3A_946] {strides = array<i32>} : memref<8x128xf32, #tpu.memory_space<vmem>>, vector<16xf32>,
      %get3A_948 = arith.constant 7 : i32
      %get3A_949 = arith.index_cast %get3A_948 : i32 to index
      %get3A_950 = arith.constant 112 : index
      %get3A_951 = tpu.vector_load %arg10[%get3A_949, %get3A_950] {strides = array<i32>} : memref<8x128xf32, #tpu.memory_space<vmem>>, vector<16xf32>,
      %parallel_loop3A_952 = arith.constant 0 : i32
      %parallel_loop3A_953 = arith.constant 64 : i32
      %parallel_loop3A_954 = arith.constant 1 : i32
      scf.for %parallel_loop3A_1067 = %parallel_loop3A_952 to %parallel_loop3A_953 step %parallel_loop3A_954  : i32 {
        %parallel_loop3A_1068 = arith.constant 16 : i32
        %parallel_loop3A_1069 = arith.muli %parallel_loop3A_1067, %parallel_loop3A_1068 : i32
        %parallel_loop3A_1070 = arith.addi %mul3A_692, %parallel_loop3A_1069 : i32
        %parallel_loop3A_1071 = arith.index_cast %select_n3A_674 : i32 to index
        %parallel_loop3A_1072 = arith.index_cast %parallel_loop3A_1070 : i32 to index
        %parallel_loop3A_1073 = tpu.vector_load %arg8[%parallel_loop3A_1071, %parallel_loop3A_1072] {strides = array<i32>} : memref<2x10240xf32, #tpu.memory_space<vmem>>, vector<16xf32>,
        %parallel_loop3A_1074 = arith.constant 2 : i32
        %parallel_loop3A_1075 = arith.muli %parallel_loop3A_1067, %parallel_loop3A_1074 : i32
        %parallel_loop3A_1076 = arith.constant 0 : i32
        %parallel_loop3A_1077 = arith.addi %parallel_loop3A_1075, %parallel_loop3A_1076 : i32
        %parallel_loop3A_1078 = vector.extract_strided_slice %parallel_loop3A_1073 {offsets = [0], sizes = [1], strides = [1]} : vector<16xf32> to vector<1xf32>
        %parallel_loop3A_1079 = vector.extract %parallel_loop3A_1078[0] : f32 from vector<1xf32>
        %parallel_loop3A_1080 = vector.broadcast %parallel_loop3A_1079 : f32 to vector<16xf32>
        %parallel_loop3A_1081 = vector.extract_strided_slice %parallel_loop3A_1073 {offsets = [1], sizes = [1], strides = [1]} : vector<16xf32> to vector<1xf32>
        %parallel_loop3A_1082 = vector.extract %parallel_loop3A_1081[0] : f32 from vector<1xf32>
        %parallel_loop3A_1083 = vector.broadcast %parallel_loop3A_1082 : f32 to vector<16xf32>
        %parallel_loop3A_1084 = vector.extract_strided_slice %parallel_loop3A_1073 {offsets = [2], sizes = [1], strides = [1]} : vector<16xf32> to vector<1xf32>
        %parallel_loop3A_1085 = vector.extract %parallel_loop3A_1084[0] : f32 from vector<1xf32>
        %parallel_loop3A_1086 = vector.broadcast %parallel_loop3A_1085 : f32 to vector<16xf32>
        %parallel_loop3A_1087 = vector.extract_strided_slice %parallel_loop3A_1073 {offsets = [3], sizes = [1], strides = [1]} : vector<16xf32> to vector<1xf32>
        %parallel_loop3A_1088 = vector.extract %parallel_loop3A_1087[0] : f32 from vector<1xf32>
        %parallel_loop3A_1089 = vector.broadcast %parallel_loop3A_1088 : f32 to vector<16xf32>
        %parallel_loop3A_1090 = vector.extract_strided_slice %parallel_loop3A_1073 {offsets = [4], sizes = [1], strides = [1]} : vector<16xf32> to vector<1xf32>
        %parallel_loop3A_1091 = vector.extract %parallel_loop3A_1090[0] : f32 from vector<1xf32>
        %parallel_loop3A_1092 = vector.broadcast %parallel_loop3A_1091 : f32 to vector<16xf32>
        %parallel_loop3A_1093 = vector.extract_strided_slice %parallel_loop3A_1073 {offsets = [5], sizes = [1], strides = [1]} : vector<16xf32> to vector<1xf32>
        %parallel_loop3A_1094 = vector.extract %parallel_loop3A_1093[0] : f32 from vector<1xf32>
        %parallel_loop3A_1095 = vector.broadcast %parallel_loop3A_1094 : f32 to vector<16xf32>
        %parallel_loop3A_1096 = vector.extract_strided_slice %parallel_loop3A_1073 {offsets = [6], sizes = [1], strides = [1]} : vector<16xf32> to vector<1xf32>
        %parallel_loop3A_1097 = vector.extract %parallel_loop3A_1096[0] : f32 from vector<1xf32>
        %parallel_loop3A_1098 = vector.broadcast %parallel_loop3A_1097 : f32 to vector<16xf32>
        %parallel_loop3A_1099 = vector.extract_strided_slice %parallel_loop3A_1073 {offsets = [7], sizes = [1], strides = [1]} : vector<16xf32> to vector<1xf32>
        %parallel_loop3A_1100 = vector.extract %parallel_loop3A_1099[0] : f32 from vector<1xf32>
        %parallel_loop3A_1101 = vector.broadcast %parallel_loop3A_1100 : f32 to vector<16xf32>
        %parallel_loop3A_1102 = arith.mulf %parallel_loop3A_1080, %get3A_827 : vector<16xf32>
        %parallel_loop3A_1103 = arith.mulf %parallel_loop3A_1083, %get3A_843 : vector<16xf32>
        %parallel_loop3A_1104 = arith.mulf %parallel_loop3A_1086, %get3A_859 : vector<16xf32>
        %parallel_loop3A_1105 = arith.mulf %parallel_loop3A_1089, %get3A_875 : vector<16xf32>
        %parallel_loop3A_1106 = arith.mulf %parallel_loop3A_1092, %get3A_891 : vector<16xf32>
        %parallel_loop3A_1107 = arith.mulf %parallel_loop3A_1095, %get3A_907 : vector<16xf32>
        %parallel_loop3A_1108 = arith.mulf %parallel_loop3A_1098, %get3A_923 : vector<16xf32>
        %parallel_loop3A_1109 = arith.mulf %parallel_loop3A_1101, %get3A_939 : vector<16xf32>
        %parallel_loop3A_1110 = arith.addf %parallel_loop3A_1102, %parallel_loop3A_1103 : vector<16xf32>
        %parallel_loop3A_1111 = arith.addf %parallel_loop3A_1104, %parallel_loop3A_1105 : vector<16xf32>
        %parallel_loop3A_1112 = arith.addf %parallel_loop3A_1110, %parallel_loop3A_1111 : vector<16xf32>
        %parallel_loop3A_1113 = arith.addf %parallel_loop3A_1106, %parallel_loop3A_1107 : vector<16xf32>
        %parallel_loop3A_1114 = arith.addf %parallel_loop3A_1108, %parallel_loop3A_1109 : vector<16xf32>
        %parallel_loop3A_1115 = arith.addf %parallel_loop3A_1113, %parallel_loop3A_1114 : vector<16xf32>
        %parallel_loop3A_1116 = arith.addf %parallel_loop3A_1112, %parallel_loop3A_1115 : vector<16xf32>
        %parallel_loop3A_1117 = arith.constant 1 : i32
        %parallel_loop3A_1118 = arith.index_cast %parallel_loop3A_1117 : i32 to index
        %parallel_loop3A_1119 = arith.index_cast %parallel_loop3A_1077 : i32 to index
        %parallel_loop3A_1120 = arith.constant 64 : index
        %parallel_loop3A_1121 = tpu.vector_load %arg9[%parallel_loop3A_1118, %parallel_loop3A_1119, %parallel_loop3A_1120] {strides = array<i32>} : memref<2x128x128xf32, #tpu.memory_space<vmem>>, vector<16xf32>,
        tpu.vector_store %arg9[%parallel_loop3A_1118, %parallel_loop3A_1119, %parallel_loop3A_1120], %parallel_loop3A_1116 {strides = array<i32>} : memref<2x128x128xf32, #tpu.memory_space<vmem>>, vector<16xf32>,
        %parallel_loop3A_1122 = arith.mulf %parallel_loop3A_1080, %get3A_831 : vector<16xf32>
        %parallel_loop3A_1123 = arith.mulf %parallel_loop3A_1083, %get3A_847 : vector<16xf32>
        %parallel_loop3A_1124 = arith.mulf %parallel_loop3A_1086, %get3A_863 : vector<16xf32>
        %parallel_loop3A_1125 = arith.mulf %parallel_loop3A_1089, %get3A_879 : vector<16xf32>
        %parallel_loop3A_1126 = arith.mulf %parallel_loop3A_1092, %get3A_895 : vector<16xf32>
        %parallel_loop3A_1127 = arith.mulf %parallel_loop3A_1095, %get3A_911 : vector<16xf32>
        %parallel_loop3A_1128 = arith.mulf %parallel_loop3A_1098, %get3A_927 : vector<16xf32>
        %parallel_loop3A_1129 = arith.mulf %parallel_loop3A_1101, %get3A_943 : vector<16xf32>
        %parallel_loop3A_1130 = arith.addf %parallel_loop3A_1122, %parallel_loop3A_1123 : vector<16xf32>
        %parallel_loop3A_1131 = arith.addf %parallel_loop3A_1124, %parallel_loop3A_1125 : vector<16xf32>
        %parallel_loop3A_1132 = arith.addf %parallel_loop3A_1130, %parallel_loop3A_1131 : vector<16xf32>
        %parallel_loop3A_1133 = arith.addf %parallel_loop3A_1126, %parallel_loop3A_1127 : vector<16xf32>
        %parallel_loop3A_1134 = arith.addf %parallel_loop3A_1128, %parallel_loop3A_1129 : vector<16xf32>
        %parallel_loop3A_1135 = arith.addf %parallel_loop3A_1133, %parallel_loop3A_1134 : vector<16xf32>
        %parallel_loop3A_1136 = arith.addf %parallel_loop3A_1132, %parallel_loop3A_1135 : vector<16xf32>
        %parallel_loop3A_1137 = arith.constant 1 : i32
        %parallel_loop3A_1138 = arith.index_cast %parallel_loop3A_1137 : i32 to index
        %parallel_loop3A_1139 = arith.index_cast %parallel_loop3A_1077 : i32 to index
        %parallel_loop3A_1140 = arith.constant 80 : index
        %parallel_loop3A_1141 = tpu.vector_load %arg9[%parallel_loop3A_1138, %parallel_loop3A_1139, %parallel_loop3A_1140] {strides = array<i32>} : memref<2x128x128xf32, #tpu.memory_space<vmem>>, vector<16xf32>,
        tpu.vector_store %arg9[%parallel_loop3A_1138, %parallel_loop3A_1139, %parallel_loop3A_1140], %parallel_loop3A_1136 {strides = array<i32>} : memref<2x128x128xf32, #tpu.memory_space<vmem>>, vector<16xf32>,
        %parallel_loop3A_1142 = arith.mulf %parallel_loop3A_1080, %get3A_835 : vector<16xf32>
        %parallel_loop3A_1143 = arith.mulf %parallel_loop3A_1083, %get3A_851 : vector<16xf32>
        %parallel_loop3A_1144 = arith.mulf %parallel_loop3A_1086, %get3A_867 : vector<16xf32>
        %parallel_loop3A_1145 = arith.mulf %parallel_loop3A_1089, %get3A_883 : vector<16xf32>
        %parallel_loop3A_1146 = arith.mulf %parallel_loop3A_1092, %get3A_899 : vector<16xf32>
        %parallel_loop3A_1147 = arith.mulf %parallel_loop3A_1095, %get3A_915 : vector<16xf32>
        %parallel_loop3A_1148 = arith.mulf %parallel_loop3A_1098, %get3A_931 : vector<16xf32>
        %parallel_loop3A_1149 = arith.mulf %parallel_loop3A_1101, %get3A_947 : vector<16xf32>
        %parallel_loop3A_1150 = arith.addf %parallel_loop3A_1142, %parallel_loop3A_1143 : vector<16xf32>
        %parallel_loop3A_1151 = arith.addf %parallel_loop3A_1144, %parallel_loop3A_1145 : vector<16xf32>
        %parallel_loop3A_1152 = arith.addf %parallel_loop3A_1150, %parallel_loop3A_1151 : vector<16xf32>
        %parallel_loop3A_1153 = arith.addf %parallel_loop3A_1146, %parallel_loop3A_1147 : vector<16xf32>
        %parallel_loop3A_1154 = arith.addf %parallel_loop3A_1148, %parallel_loop3A_1149 : vector<16xf32>
        %parallel_loop3A_1155 = arith.addf %parallel_loop3A_1153, %parallel_loop3A_1154 : vector<16xf32>
        %parallel_loop3A_1156 = arith.addf %parallel_loop3A_1152, %parallel_loop3A_1155 : vector<16xf32>
        %parallel_loop3A_1157 = arith.constant 1 : i32
        %parallel_loop3A_1158 = arith.index_cast %parallel_loop3A_1157 : i32 to index
        %parallel_loop3A_1159 = arith.index_cast %parallel_loop3A_1077 : i32 to index
        %parallel_loop3A_1160 = arith.constant 96 : index
        %parallel_loop3A_1161 = tpu.vector_load %arg9[%parallel_loop3A_1158, %parallel_loop3A_1159, %parallel_loop3A_1160] {strides = array<i32>} : memref<2x128x128xf32, #tpu.memory_space<vmem>>, vector<16xf32>,
        tpu.vector_store %arg9[%parallel_loop3A_1158, %parallel_loop3A_1159, %parallel_loop3A_1160], %parallel_loop3A_1156 {strides = array<i32>} : memref<2x128x128xf32, #tpu.memory_space<vmem>>, vector<16xf32>,
        %parallel_loop3A_1162 = arith.mulf %parallel_loop3A_1080, %get3A_839 : vector<16xf32>
        %parallel_loop3A_1163 = arith.mulf %parallel_loop3A_1083, %get3A_855 : vector<16xf32>
        %parallel_loop3A_1164 = arith.mulf %parallel_loop3A_1086, %get3A_871 : vector<16xf32>
        %parallel_loop3A_1165 = arith.mulf %parallel_loop3A_1089, %get3A_887 : vector<16xf32>
        %parallel_loop3A_1166 = arith.mulf %parallel_loop3A_1092, %get3A_903 : vector<16xf32>
        %parallel_loop3A_1167 = arith.mulf %parallel_loop3A_1095, %get3A_919 : vector<16xf32>
        %parallel_loop3A_1168 = arith.mulf %parallel_loop3A_1098, %get3A_935 : vector<16xf32>
        %parallel_loop3A_1169 = arith.mulf %parallel_loop3A_1101, %get3A_951 : vector<16xf32>
        %parallel_loop3A_1170 = arith.addf %parallel_loop3A_1162, %parallel_loop3A_1163 : vector<16xf32>
        %parallel_loop3A_1171 = arith.addf %parallel_loop3A_1164, %parallel_loop3A_1165 : vector<16xf32>
        %parallel_loop3A_1172 = arith.addf %parallel_loop3A_1170, %parallel_loop3A_1171 : vector<16xf32>
        %parallel_loop3A_1173 = arith.addf %parallel_loop3A_1166, %parallel_loop3A_1167 : vector<16xf32>
        %parallel_loop3A_1174 = arith.addf %parallel_loop3A_1168, %parallel_loop3A_1169 : vector<16xf32>
        %parallel_loop3A_1175 = arith.addf %parallel_loop3A_1173, %parallel_loop3A_1174 : vector<16xf32>
        %parallel_loop3A_1176 = arith.addf %parallel_loop3A_1172, %parallel_loop3A_1175 : vector<16xf32>
        %parallel_loop3A_1177 = arith.constant 1 : i32
        %parallel_loop3A_1178 = arith.index_cast %parallel_loop3A_1177 : i32 to index
        %parallel_loop3A_1179 = arith.index_cast %parallel_loop3A_1077 : i32 to index
        %parallel_loop3A_1180 = arith.constant 112 : index
        %parallel_loop3A_1181 = tpu.vector_load %arg9[%parallel_loop3A_1178, %parallel_loop3A_1179, %parallel_loop3A_1180] {strides = array<i32>} : memref<2x128x128xf32, #tpu.memory_space<vmem>>, vector<16xf32>,
        tpu.vector_store %arg9[%parallel_loop3A_1178, %parallel_loop3A_1179, %parallel_loop3A_1180], %parallel_loop3A_1176 {strides = array<i32>} : memref<2x128x128xf32, #tpu.memory_space<vmem>>, vector<16xf32>,
        %parallel_loop3A_1182 = arith.constant 2 : i32
        %parallel_loop3A_1183 = arith.muli %parallel_loop3A_1067, %parallel_loop3A_1182 : i32
        %parallel_loop3A_1184 = arith.constant 1 : i32
        %parallel_loop3A_1185 = arith.addi %parallel_loop3A_1183, %parallel_loop3A_1184 : i32
        %parallel_loop3A_1186 = vector.extract_strided_slice %parallel_loop3A_1073 {offsets = [8], sizes = [1], strides = [1]} : vector<16xf32> to vector<1xf32>
        %parallel_loop3A_1187 = vector.extract %parallel_loop3A_1186[0] : f32 from vector<1xf32>
        %parallel_loop3A_1188 = vector.broadcast %parallel_loop3A_1187 : f32 to vector<16xf32>
        %parallel_loop3A_1189 = vector.extract_strided_slice %parallel_loop3A_1073 {offsets = [9], sizes = [1], strides = [1]} : vector<16xf32> to vector<1xf32>
        %parallel_loop3A_1190 = vector.extract %parallel_loop3A_1189[0] : f32 from vector<1xf32>
        %parallel_loop3A_1191 = vector.broadcast %parallel_loop3A_1190 : f32 to vector<16xf32>
        %parallel_loop3A_1192 = vector.extract_strided_slice %parallel_loop3A_1073 {offsets = [10], sizes = [1], strides = [1]} : vector<16xf32> to vector<1xf32>
        %parallel_loop3A_1193 = vector.extract %parallel_loop3A_1192[0] : f32 from vector<1xf32>
        %parallel_loop3A_1194 = vector.broadcast %parallel_loop3A_1193 : f32 to vector<16xf32>
        %parallel_loop3A_1195 = vector.extract_strided_slice %parallel_loop3A_1073 {offsets = [11], sizes = [1], strides = [1]} : vector<16xf32> to vector<1xf32>
        %parallel_loop3A_1196 = vector.extract %parallel_loop3A_1195[0] : f32 from vector<1xf32>
        %parallel_loop3A_1197 = vector.broadcast %parallel_loop3A_1196 : f32 to vector<16xf32>
        %parallel_loop3A_1198 = vector.extract_strided_slice %parallel_loop3A_1073 {offsets = [12], sizes = [1], strides = [1]} : vector<16xf32> to vector<1xf32>
        %parallel_loop3A_1199 = vector.extract %parallel_loop3A_1198[0] : f32 from vector<1xf32>
        %parallel_loop3A_1200 = vector.broadcast %parallel_loop3A_1199 : f32 to vector<16xf32>
        %parallel_loop3A_1201 = vector.extract_strided_slice %parallel_loop3A_1073 {offsets = [13], sizes = [1], strides = [1]} : vector<16xf32> to vector<1xf32>
        %parallel_loop3A_1202 = vector.extract %parallel_loop3A_1201[0] : f32 from vector<1xf32>
        %parallel_loop3A_1203 = vector.broadcast %parallel_loop3A_1202 : f32 to vector<16xf32>
        %parallel_loop3A_1204 = vector.extract_strided_slice %parallel_loop3A_1073 {offsets = [14], sizes = [1], strides = [1]} : vector<16xf32> to vector<1xf32>
        %parallel_loop3A_1205 = vector.extract %parallel_loop3A_1204[0] : f32 from vector<1xf32>
        %parallel_loop3A_1206 = vector.broadcast %parallel_loop3A_1205 : f32 to vector<16xf32>
        %parallel_loop3A_1207 = vector.extract_strided_slice %parallel_loop3A_1073 {offsets = [15], sizes = [1], strides = [1]} : vector<16xf32> to vector<1xf32>
        %parallel_loop3A_1208 = vector.extract %parallel_loop3A_1207[0] : f32 from vector<1xf32>
        %parallel_loop3A_1209 = vector.broadcast %parallel_loop3A_1208 : f32 to vector<16xf32>
        %parallel_loop3A_1210 = arith.mulf %parallel_loop3A_1188, %get3A_827 : vector<16xf32>
        %parallel_loop3A_1211 = arith.mulf %parallel_loop3A_1191, %get3A_843 : vector<16xf32>
        %parallel_loop3A_1212 = arith.mulf %parallel_loop3A_1194, %get3A_859 : vector<16xf32>
        %parallel_loop3A_1213 = arith.mulf %parallel_loop3A_1197, %get3A_875 : vector<16xf32>
        %parallel_loop3A_1214 = arith.mulf %parallel_loop3A_1200, %get3A_891 : vector<16xf32>
        %parallel_loop3A_1215 = arith.mulf %parallel_loop3A_1203, %get3A_907 : vector<16xf32>
        %parallel_loop3A_1216 = arith.mulf %parallel_loop3A_1206, %get3A_923 : vector<16xf32>
        %parallel_loop3A_1217 = arith.mulf %parallel_loop3A_1209, %get3A_939 : vector<16xf32>
        %parallel_loop3A_1218 = arith.addf %parallel_loop3A_1210, %parallel_loop3A_1211 : vector<16xf32>
        %parallel_loop3A_1219 = arith.addf %parallel_loop3A_1212, %parallel_loop3A_1213 : vector<16xf32>
        %parallel_loop3A_1220 = arith.addf %parallel_loop3A_1218, %parallel_loop3A_1219 : vector<16xf32>
        %parallel_loop3A_1221 = arith.addf %parallel_loop3A_1214, %parallel_loop3A_1215 : vector<16xf32>
        %parallel_loop3A_1222 = arith.addf %parallel_loop3A_1216, %parallel_loop3A_1217 : vector<16xf32>
        %parallel_loop3A_1223 = arith.addf %parallel_loop3A_1221, %parallel_loop3A_1222 : vector<16xf32>
        %parallel_loop3A_1224 = arith.addf %parallel_loop3A_1220, %parallel_loop3A_1223 : vector<16xf32>
        %parallel_loop3A_1225 = arith.constant 1 : i32
        %parallel_loop3A_1226 = arith.index_cast %parallel_loop3A_1225 : i32 to index
        %parallel_loop3A_1227 = arith.index_cast %parallel_loop3A_1185 : i32 to index
        %parallel_loop3A_1228 = arith.constant 64 : index
        %parallel_loop3A_1229 = tpu.vector_load %arg9[%parallel_loop3A_1226, %parallel_loop3A_1227, %parallel_loop3A_1228] {strides = array<i32>} : memref<2x128x128xf32, #tpu.memory_space<vmem>>, vector<16xf32>,
        tpu.vector_store %arg9[%parallel_loop3A_1226, %parallel_loop3A_1227, %parallel_loop3A_1228], %parallel_loop3A_1224 {strides = array<i32>} : memref<2x128x128xf32, #tpu.memory_space<vmem>>, vector<16xf32>,
        %parallel_loop3A_1230 = arith.mulf %parallel_loop3A_1188, %get3A_831 : vector<16xf32>
        %parallel_loop3A_1231 = arith.mulf %parallel_loop3A_1191, %get3A_847 : vector<16xf32>
        %parallel_loop3A_1232 = arith.mulf %parallel_loop3A_1194, %get3A_863 : vector<16xf32>
        %parallel_loop3A_1233 = arith.mulf %parallel_loop3A_1197, %get3A_879 : vector<16xf32>
        %parallel_loop3A_1234 = arith.mulf %parallel_loop3A_1200, %get3A_895 : vector<16xf32>
        %parallel_loop3A_1235 = arith.mulf %parallel_loop3A_1203, %get3A_911 : vector<16xf32>
        %parallel_loop3A_1236 = arith.mulf %parallel_loop3A_1206, %get3A_927 : vector<16xf32>
        %parallel_loop3A_1237 = arith.mulf %parallel_loop3A_1209, %get3A_943 : vector<16xf32>
        %parallel_loop3A_1238 = arith.addf %parallel_loop3A_1230, %parallel_loop3A_1231 : vector<16xf32>
        %parallel_loop3A_1239 = arith.addf %parallel_loop3A_1232, %parallel_loop3A_1233 : vector<16xf32>
        %parallel_loop3A_1240 = arith.addf %parallel_loop3A_1238, %parallel_loop3A_1239 : vector<16xf32>
        %parallel_loop3A_1241 = arith.addf %parallel_loop3A_1234, %parallel_loop3A_1235 : vector<16xf32>
        %parallel_loop3A_1242 = arith.addf %parallel_loop3A_1236, %parallel_loop3A_1237 : vector<16xf32>
        %parallel_loop3A_1243 = arith.addf %parallel_loop3A_1241, %parallel_loop3A_1242 : vector<16xf32>
        %parallel_loop3A_1244 = arith.addf %parallel_loop3A_1240, %parallel_loop3A_1243 : vector<16xf32>
        %parallel_loop3A_1245 = arith.constant 1 : i32
        %parallel_loop3A_1246 = arith.index_cast %parallel_loop3A_1245 : i32 to index
        %parallel_loop3A_1247 = arith.index_cast %parallel_loop3A_1185 : i32 to index
        %parallel_loop3A_1248 = arith.constant 80 : index
        %parallel_loop3A_1249 = tpu.vector_load %arg9[%parallel_loop3A_1246, %parallel_loop3A_1247, %parallel_loop3A_1248] {strides = array<i32>} : memref<2x128x128xf32, #tpu.memory_space<vmem>>, vector<16xf32>,
        tpu.vector_store %arg9[%parallel_loop3A_1246, %parallel_loop3A_1247, %parallel_loop3A_1248], %parallel_loop3A_1244 {strides = array<i32>} : memref<2x128x128xf32, #tpu.memory_space<vmem>>, vector<16xf32>,
        %parallel_loop3A_1250 = arith.mulf %parallel_loop3A_1188, %get3A_835 : vector<16xf32>
        %parallel_loop3A_1251 = arith.mulf %parallel_loop3A_1191, %get3A_851 : vector<16xf32>
        %parallel_loop3A_1252 = arith.mulf %parallel_loop3A_1194, %get3A_867 : vector<16xf32>
        %parallel_loop3A_1253 = arith.mulf %parallel_loop3A_1197, %get3A_883 : vector<16xf32>
        %parallel_loop3A_1254 = arith.mulf %parallel_loop3A_1200, %get3A_899 : vector<16xf32>
        %parallel_loop3A_1255 = arith.mulf %parallel_loop3A_1203, %get3A_915 : vector<16xf32>
        %parallel_loop3A_1256 = arith.mulf %parallel_loop3A_1206, %get3A_931 : vector<16xf32>
        %parallel_loop3A_1257 = arith.mulf %parallel_loop3A_1209, %get3A_947 : vector<16xf32>
        %parallel_loop3A_1258 = arith.addf %parallel_loop3A_1250, %parallel_loop3A_1251 : vector<16xf32>
        %parallel_loop3A_1259 = arith.addf %parallel_loop3A_1252, %parallel_loop3A_1253 : vector<16xf32>
        %parallel_loop3A_1260 = arith.addf %parallel_loop3A_1258, %parallel_loop3A_1259 : vector<16xf32>
        %parallel_loop3A_1261 = arith.addf %parallel_loop3A_1254, %parallel_loop3A_1255 : vector<16xf32>
        %parallel_loop3A_1262 = arith.addf %parallel_loop3A_1256, %parallel_loop3A_1257 : vector<16xf32>
        %parallel_loop3A_1263 = arith.addf %parallel_loop3A_1261, %parallel_loop3A_1262 : vector<16xf32>
        %parallel_loop3A_1264 = arith.addf %parallel_loop3A_1260, %parallel_loop3A_1263 : vector<16xf32>
        %parallel_loop3A_1265 = arith.constant 1 : i32
        %parallel_loop3A_1266 = arith.index_cast %parallel_loop3A_1265 : i32 to index
        %parallel_loop3A_1267 = arith.index_cast %parallel_loop3A_1185 : i32 to index
        %parallel_loop3A_1268 = arith.constant 96 : index
        %parallel_loop3A_1269 = tpu.vector_load %arg9[%parallel_loop3A_1266, %parallel_loop3A_1267, %parallel_loop3A_1268] {strides = array<i32>} : memref<2x128x128xf32, #tpu.memory_space<vmem>>, vector<16xf32>,
        tpu.vector_store %arg9[%parallel_loop3A_1266, %parallel_loop3A_1267, %parallel_loop3A_1268], %parallel_loop3A_1264 {strides = array<i32>} : memref<2x128x128xf32, #tpu.memory_space<vmem>>, vector<16xf32>,
        %parallel_loop3A_1270 = arith.mulf %parallel_loop3A_1188, %get3A_839 : vector<16xf32>
        %parallel_loop3A_1271 = arith.mulf %parallel_loop3A_1191, %get3A_855 : vector<16xf32>
        %parallel_loop3A_1272 = arith.mulf %parallel_loop3A_1194, %get3A_871 : vector<16xf32>
        %parallel_loop3A_1273 = arith.mulf %parallel_loop3A_1197, %get3A_887 : vector<16xf32>
        %parallel_loop3A_1274 = arith.mulf %parallel_loop3A_1200, %get3A_903 : vector<16xf32>
        %parallel_loop3A_1275 = arith.mulf %parallel_loop3A_1203, %get3A_919 : vector<16xf32>
        %parallel_loop3A_1276 = arith.mulf %parallel_loop3A_1206, %get3A_935 : vector<16xf32>
        %parallel_loop3A_1277 = arith.mulf %parallel_loop3A_1209, %get3A_951 : vector<16xf32>
        %parallel_loop3A_1278 = arith.addf %parallel_loop3A_1270, %parallel_loop3A_1271 : vector<16xf32>
        %parallel_loop3A_1279 = arith.addf %parallel_loop3A_1272, %parallel_loop3A_1273 : vector<16xf32>
        %parallel_loop3A_1280 = arith.addf %parallel_loop3A_1278, %parallel_loop3A_1279 : vector<16xf32>
        %parallel_loop3A_1281 = arith.addf %parallel_loop3A_1274, %parallel_loop3A_1275 : vector<16xf32>
        %parallel_loop3A_1282 = arith.addf %parallel_loop3A_1276, %parallel_loop3A_1277 : vector<16xf32>
        %parallel_loop3A_1283 = arith.addf %parallel_loop3A_1281, %parallel_loop3A_1282 : vector<16xf32>
        %parallel_loop3A_1284 = arith.addf %parallel_loop3A_1280, %parallel_loop3A_1283 : vector<16xf32>
        %parallel_loop3A_1285 = arith.constant 1 : i32
        %parallel_loop3A_1286 = arith.index_cast %parallel_loop3A_1285 : i32 to index
        %parallel_loop3A_1287 = arith.index_cast %parallel_loop3A_1185 : i32 to index
        %parallel_loop3A_1288 = arith.constant 112 : index
        %parallel_loop3A_1289 = tpu.vector_load %arg9[%parallel_loop3A_1286, %parallel_loop3A_1287, %parallel_loop3A_1288] {strides = array<i32>} : memref<2x128x128xf32, #tpu.memory_space<vmem>>, vector<16xf32>,
        tpu.vector_store %arg9[%parallel_loop3A_1286, %parallel_loop3A_1287, %parallel_loop3A_1288], %parallel_loop3A_1284 {strides = array<i32>} : memref<2x128x128xf32, #tpu.memory_space<vmem>>, vector<16xf32>,
      } {sc.loop_unroll_factor = 2 : i64, sc.parallel_access}
      %jit3A_955 = arith.constant 10 : i32
      %div3A_956 = arith.divsi %add3A_605, %jit3A_955 : i32
      %sign3A_957 = arith.constant 0 : i32
      %sign3A_958 = arith.cmpi sgt, %add3A_605, %sign3A_957 : i32
      %sign3A_959 = arith.extui %sign3A_958 : i1 to i32
      %sign3A_960 = arith.constant 0 : i32
      %sign3A_961 = arith.cmpi slt, %add3A_605, %sign3A_960 : i32
      %sign3A_962 = arith.extui %sign3A_961 : i1 to i32
      %sign3A_963 = arith.subi %sign3A_959, %sign3A_962 : i32
      %sign3A_964 = arith.constant 0 : i32
      %sign3A_965 = arith.cmpi sgt, %jit3A_955, %sign3A_964 : i32
      %sign3A_966 = arith.extui %sign3A_965 : i1 to i32
      %sign3A_967 = arith.constant 0 : i32
      %sign3A_968 = arith.cmpi slt, %jit3A_955, %sign3A_967 : i32
      %sign3A_969 = arith.extui %sign3A_968 : i1 to i32
      %sign3A_970 = arith.subi %sign3A_966, %sign3A_969 : i32
      %ne3A_971 = arith.cmpi ne, %sign3A_963, %sign3A_970 : i32
      %rem3A_972 = arith.remsi %add3A_605, %jit3A_955 : i32
      %ne3A_973 = arith.constant 0 : i32
      %ne3A_974 = arith.cmpi ne, %rem3A_972, %ne3A_973 : i32
      %and3A_975 = arith.andi %ne3A_971, %ne3A_974 : i1
      %sub3A_976 = arith.constant 1 : i32
      %sub3A_977 = arith.subi %div3A_956, %sub3A_976 : i32
      %select_n3A_978 = arith.select %and3A_975, %sub3A_977, %div3A_956 : i32
      %jit3A_979 = arith.constant 2 : i32
      %eq3A_980 = arith.constant 0 : i32
      %eq3A_981 = arith.cmpi eq, %jit3A_979, %eq3A_980 : i32
      %jit3A_982 = arith.constant 1 : i32
      %select_n3A_983 = arith.select %eq3A_981, %jit3A_982, %jit3A_979 : i32
      %rem3A_984 = arith.remsi %select_n3A_978, %select_n3A_983 : i32
      %ne3A_985 = arith.constant 0 : i32
      %ne3A_986 = arith.cmpi ne, %rem3A_984, %ne3A_985 : i32
      %lt3A_987 = arith.constant 0 : i32
      %lt3A_988 = arith.cmpi slt, %rem3A_984, %lt3A_987 : i32
      %lt3A_989 = arith.constant 0 : i32
      %lt3A_990 = arith.cmpi slt, %select_n3A_983, %lt3A_989 : i32
      %ne3A_991 = arith.xori %lt3A_988, %lt3A_990 : i1
      %and3A_992 = arith.andi %ne3A_991, %ne3A_986 : i1
      %add3A_993 = arith.addi %rem3A_984, %select_n3A_983 : i32
      %select_n3A_994 = arith.select %and3A_992, %add3A_993, %rem3A_984 : i32
      %jit3A_995 = arith.constant 10 : i32
      %eq3A_996 = arith.constant 0 : i32
      %eq3A_997 = arith.cmpi eq, %jit3A_995, %eq3A_996 : i32
      %jit3A_998 = arith.constant 1 : i32
      %select_n3A_999 = arith.select %eq3A_997, %jit3A_998, %jit3A_995 : i32
      %rem3A_1000 = arith.remsi %add3A_605, %select_n3A_999 : i32
      %ne3A_1001 = arith.constant 0 : i32
      %ne3A_1002 = arith.cmpi ne, %rem3A_1000, %ne3A_1001 : i32
      %lt3A_1003 = arith.constant 0 : i32
      %lt3A_1004 = arith.cmpi slt, %rem3A_1000, %lt3A_1003 : i32
      %lt3A_1005 = arith.constant 0 : i32
      %lt3A_1006 = arith.cmpi slt, %select_n3A_999, %lt3A_1005 : i32
      %ne3A_1007 = arith.xori %lt3A_1004, %lt3A_1006 : i1
      %and3A_1008 = arith.andi %ne3A_1007, %ne3A_1002 : i1
      %add3A_1009 = arith.addi %rem3A_1000, %select_n3A_999 : i32
      %select_n3A_1010 = arith.select %and3A_1008, %add3A_1009, %rem3A_1000 : i32
      %mul3A_1011 = arith.constant 128 : i32
      %mul3A_1012 = arith.muli %select_n3A_1010, %mul3A_1011 : i32
      %add3A_1013 = arith.constant 0 : i32
      %add3A_1014 = arith.addi %add3A_1013, %mul3A_1012 : i32
      %dma_start3A_1015 = arith.constant 1 : i32
      %dma_start3A_1016 = arith.constant 0 : i32
      %dma_start3A_1017 = arith.constant 0 : i32
      %dma_start3A_1018 = tpu.memref_slice %arg9[%dma_start3A_1015, %dma_start3A_1016, %dma_start3A_1017] : memref<2x128x128xf32, #tpu.memory_space<vmem>> -> memref<1x128x128xf32, #tpu.memory_space<vmem>>
      %dma_start3A_1019 = tpu.memref_squeeze %dma_start3A_1018 : memref<1x128x128xf32, #tpu.memory_space<vmem>> -> memref<128x128xf32, #tpu.memory_space<vmem>>
      %dma_start3A_1020 = tpu.memref_slice %arg7[%select_n3A_994, %add3A_1014] : memref<2x5120xi32, #tpu.memory_space<vmem>> -> memref<1x128xi32, #tpu.memory_space<vmem>>
      %dma_start3A_1021 = tpu.memref_squeeze %dma_start3A_1020 : memref<1x128xi32, #tpu.memory_space<vmem>> -> memref<128xi32, #tpu.memory_space<vmem>>
      %dma_start3A_1022 = arith.constant 0 : i32
      %dma_start3A_1023 = arith.constant 0 : i32
      %dma_start3A_1024 = tpu.memref_slice %arg2[%dma_start3A_1022, %dma_start3A_1023] : memref<4000x128xf32, #tpu.memory_space<hbm>> -> memref<4000x128xf32, #tpu.memory_space<hbm>>
      tpu.enqueue_indirect_dma source(%dma_start3A_1024 : memref<4000x128xf32, #tpu.memory_space<hbm>>) target(%dma_start3A_1019 : memref<128x128xf32, #tpu.memory_space<vmem>>) offsets(%dma_start3A_1021 : memref<128xi32, #tpu.memory_space<vmem>>) semaphore(%arg12 : memref<!tpu.dma_semaphore, #tpu.memory_space<semaphore_mem>>) {add = true}
      %add3A_1025 = arith.constant 1280 : i32
      %add3A_1026 = arith.addi %add3A_1025, %mul3A_1012 : i32
      %dma_start3A_1027 = arith.constant 1 : i32
      %dma_start3A_1028 = arith.constant 0 : i32
      %dma_start3A_1029 = arith.constant 0 : i32
      %dma_start3A_1030 = tpu.memref_slice %arg9[%dma_start3A_1027, %dma_start3A_1028, %dma_start3A_1029] : memref<2x128x128xf32, #tpu.memory_space<vmem>> -> memref<1x128x128xf32, #tpu.memory_space<vmem>>
      %dma_start3A_1031 = tpu.memref_squeeze %dma_start3A_1030 : memref<1x128x128xf32, #tpu.memory_space<vmem>> -> memref<128x128xf32, #tpu.memory_space<vmem>>
      %dma_start3A_1032 = tpu.memref_slice %arg7[%select_n3A_994, %add3A_1026] : memref<2x5120xi32, #tpu.memory_space<vmem>> -> memref<1x128xi32, #tpu.memory_space<vmem>>
      %dma_start3A_1033 = tpu.memref_squeeze %dma_start3A_1032 : memref<1x128xi32, #tpu.memory_space<vmem>> -> memref<128xi32, #tpu.memory_space<vmem>>
      %dma_start3A_1034 = arith.constant 0 : i32
      %dma_start3A_1035 = arith.constant 0 : i32
      %dma_start3A_1036 = tpu.memref_slice %arg2[%dma_start3A_1034, %dma_start3A_1035] : memref<4000x128xf32, #tpu.memory_space<hbm>> -> memref<4000x128xf32, #tpu.memory_space<hbm>>
      tpu.enqueue_indirect_dma source(%dma_start3A_1036 : memref<4000x128xf32, #tpu.memory_space<hbm>>) target(%dma_start3A_1031 : memref<128x128xf32, #tpu.memory_space<vmem>>) offsets(%dma_start3A_1033 : memref<128xi32, #tpu.memory_space<vmem>>) semaphore(%arg12 : memref<!tpu.dma_semaphore, #tpu.memory_space<semaphore_mem>>) {add = true}
      %add3A_1037 = arith.constant 2560 : i32
      %add3A_1038 = arith.addi %add3A_1037, %mul3A_1012 : i32
      %dma_start3A_1039 = arith.constant 1 : i32
      %dma_start3A_1040 = arith.constant 0 : i32
      %dma_start3A_1041 = arith.constant 0 : i32
      %dma_start3A_1042 = tpu.memref_slice %arg9[%dma_start3A_1039, %dma_start3A_1040, %dma_start3A_1041] : memref<2x128x128xf32, #tpu.memory_space<vmem>> -> memref<1x128x128xf32, #tpu.memory_space<vmem>>
      %dma_start3A_1043 = tpu.memref_squeeze %dma_start3A_1042 : memref<1x128x128xf32, #tpu.memory_space<vmem>> -> memref<128x128xf32, #tpu.memory_space<vmem>>
      %dma_start3A_1044 = tpu.memref_slice %arg7[%select_n3A_994, %add3A_1038] : memref<2x5120xi32, #tpu.memory_space<vmem>> -> memref<1x128xi32, #tpu.memory_space<vmem>>
      %dma_start3A_1045 = tpu.memref_squeeze %dma_start3A_1044 : memref<1x128xi32, #tpu.memory_space<vmem>> -> memref<128xi32, #tpu.memory_space<vmem>>
      %dma_start3A_1046 = arith.constant 0 : i32
      %dma_start3A_1047 = arith.constant 0 : i32
      %dma_start3A_1048 = tpu.memref_slice %arg2[%dma_start3A_1046, %dma_start3A_1047] : memref<4000x128xf32, #tpu.memory_space<hbm>> -> memref<4000x128xf32, #tpu.memory_space<hbm>>
      tpu.enqueue_indirect_dma source(%dma_start3A_1048 : memref<4000x128xf32, #tpu.memory_space<hbm>>) target(%dma_start3A_1043 : memref<128x128xf32, #tpu.memory_space<vmem>>) offsets(%dma_start3A_1045 : memref<128xi32, #tpu.memory_space<vmem>>) semaphore(%arg12 : memref<!tpu.dma_semaphore, #tpu.memory_space<semaphore_mem>>) {add = true}
      %add3A_1049 = arith.constant 3840 : i32
      %add3A_1050 = arith.addi %add3A_1049, %mul3A_1012 : i32
      %dma_start3A_1051 = arith.constant 1 : i32
      %dma_start3A_1052 = arith.constant 0 : i32
      %dma_start3A_1053 = arith.constant 0 : i32
      %dma_start3A_1054 = tpu.memref_slice %arg9[%dma_start3A_1051, %dma_start3A_1052, %dma_start3A_1053] : memref<2x128x128xf32, #tpu.memory_space<vmem>> -> memref<1x128x128xf32, #tpu.memory_space<vmem>>
      %dma_start3A_1055 = tpu.memref_squeeze %dma_start3A_1054 : memref<1x128x128xf32, #tpu.memory_space<vmem>> -> memref<128x128xf32, #tpu.memory_space<vmem>>
      %dma_start3A_1056 = tpu.memref_slice %arg7[%select_n3A_994, %add3A_1050] : memref<2x5120xi32, #tpu.memory_space<vmem>> -> memref<1x128xi32, #tpu.memory_space<vmem>>
      %dma_start3A_1057 = tpu.memref_squeeze %dma_start3A_1056 : memref<1x128xi32, #tpu.memory_space<vmem>> -> memref<128xi32, #tpu.memory_space<vmem>>
      %dma_start3A_1058 = arith.constant 0 : i32
      %dma_start3A_1059 = arith.constant 0 : i32
      %dma_start3A_1060 = tpu.memref_slice %arg2[%dma_start3A_1058, %dma_start3A_1059] : memref<4000x128xf32, #tpu.memory_space<hbm>> -> memref<4000x128xf32, #tpu.memory_space<hbm>>
      tpu.enqueue_indirect_dma source(%dma_start3A_1060 : memref<4000x128xf32, #tpu.memory_space<hbm>>) target(%dma_start3A_1055 : memref<128x128xf32, #tpu.memory_space<vmem>>) offsets(%dma_start3A_1057 : memref<128xi32, #tpu.memory_space<vmem>>) semaphore(%arg12 : memref<!tpu.dma_semaphore, #tpu.memory_space<semaphore_mem>>) {add = true}
      %ge3A_1061 = arith.constant 1 : i32
      %ge3A_1062 = arith.cmpi sge, %add3A_605, %ge3A_1061 : i32
      %convert_element_type3A_1063 = arith.extui %ge3A_1062 : i1 to i32
      %cond3A_1064 = arith.constant 0 : i32
      %cond3A_1065 = arith.cmpi ne, %convert_element_type3A_1063, %cond3A_1064 : i32
      scf.if %cond3A_1065 {
        %sub3A_1067 = arith.constant 1 : i32
        %sub3A_1068 = arith.subi %add3A_605, %sub3A_1067 : i32
        %jit3A_1069 = arith.constant 10 : i32
        %div3A_1070 = arith.divsi %sub3A_1068, %jit3A_1069 : i32
        %sign3A_1071 = arith.constant 0 : i32
        %sign3A_1072 = arith.cmpi sgt, %sub3A_1068, %sign3A_1071 : i32
        %sign3A_1073 = arith.extui %sign3A_1072 : i1 to i32
        %sign3A_1074 = arith.constant 0 : i32
        %sign3A_1075 = arith.cmpi slt, %sub3A_1068, %sign3A_1074 : i32
        %sign3A_1076 = arith.extui %sign3A_1075 : i1 to i32
        %sign3A_1077 = arith.subi %sign3A_1073, %sign3A_1076 : i32
        %sign3A_1078 = arith.constant 0 : i32
        %sign3A_1079 = arith.cmpi sgt, %jit3A_1069, %sign3A_1078 : i32
        %sign3A_1080 = arith.extui %sign3A_1079 : i1 to i32
        %sign3A_1081 = arith.constant 0 : i32
        %sign3A_1082 = arith.cmpi slt, %jit3A_1069, %sign3A_1081 : i32
        %sign3A_1083 = arith.extui %sign3A_1082 : i1 to i32
        %sign3A_1084 = arith.subi %sign3A_1080, %sign3A_1083 : i32
        %ne3A_1085 = arith.cmpi ne, %sign3A_1077, %sign3A_1084 : i32
        %rem3A_1086 = arith.remsi %sub3A_1068, %jit3A_1069 : i32
        %ne3A_1087 = arith.constant 0 : i32
        %ne3A_1088 = arith.cmpi ne, %rem3A_1086, %ne3A_1087 : i32
        %and3A_1089 = arith.andi %ne3A_1085, %ne3A_1088 : i1
        %sub3A_1090 = arith.constant 1 : i32
        %sub3A_1091 = arith.subi %div3A_1070, %sub3A_1090 : i32
        %select_n3A_1092 = arith.select %and3A_1089, %sub3A_1091, %div3A_1070 : i32
        %jit3A_1093 = arith.constant 2 : i32
        %eq3A_1094 = arith.constant 0 : i32
        %eq3A_1095 = arith.cmpi eq, %jit3A_1093, %eq3A_1094 : i32
        %jit3A_1096 = arith.constant 1 : i32
        %select_n3A_1097 = arith.select %eq3A_1095, %jit3A_1096, %jit3A_1093 : i32
        %rem3A_1098 = arith.remsi %select_n3A_1092, %select_n3A_1097 : i32
        %ne3A_1099 = arith.constant 0 : i32
        %ne3A_1100 = arith.cmpi ne, %rem3A_1098, %ne3A_1099 : i32
        %lt3A_1101 = arith.constant 0 : i32
        %lt3A_1102 = arith.cmpi slt, %rem3A_1098, %lt3A_1101 : i32
        %lt3A_1103 = arith.constant 0 : i32
        %lt3A_1104 = arith.cmpi slt, %select_n3A_1097, %lt3A_1103 : i32
        %ne3A_1105 = arith.xori %lt3A_1102, %lt3A_1104 : i1
        %and3A_1106 = arith.andi %ne3A_1105, %ne3A_1100 : i1
        %add3A_1107 = arith.addi %rem3A_1098, %select_n3A_1097 : i32
        %select_n3A_1108 = arith.select %and3A_1106, %add3A_1107, %rem3A_1098 : i32
        %jit3A_1109 = arith.constant 10 : i32
        %eq3A_1110 = arith.constant 0 : i32
        %eq3A_1111 = arith.cmpi eq, %jit3A_1109, %eq3A_1110 : i32
        %jit3A_1112 = arith.constant 1 : i32
        %select_n3A_1113 = arith.select %eq3A_1111, %jit3A_1112, %jit3A_1109 : i32
        %rem3A_1114 = arith.remsi %sub3A_1068, %select_n3A_1113 : i32
        %ne3A_1115 = arith.constant 0 : i32
        %ne3A_1116 = arith.cmpi ne, %rem3A_1114, %ne3A_1115 : i32
        %lt3A_1117 = arith.constant 0 : i32
        %lt3A_1118 = arith.cmpi slt, %rem3A_1114, %lt3A_1117 : i32
        %lt3A_1119 = arith.constant 0 : i32
        %lt3A_1120 = arith.cmpi slt, %select_n3A_1113, %lt3A_1119 : i32
        %ne3A_1121 = arith.xori %lt3A_1118, %lt3A_1120 : i1
        %and3A_1122 = arith.andi %ne3A_1121, %ne3A_1116 : i1
        %add3A_1123 = arith.addi %rem3A_1114, %select_n3A_1113 : i32
        %select_n3A_1124 = arith.select %and3A_1122, %add3A_1123, %rem3A_1114 : i32
        %mul3A_1125 = arith.constant 128 : i32
        %mul3A_1126 = arith.muli %select_n3A_1124, %mul3A_1125 : i32
        %add3A_1127 = arith.constant 0 : i32
        %add3A_1128 = arith.addi %add3A_1127, %mul3A_1126 : i32
        %dma_wait3A_1129 = arith.constant 0 : i32
        %dma_wait3A_1130 = arith.constant 0 : i32
        %dma_wait3A_1131 = arith.constant 0 : i32
        %dma_wait3A_1132 = tpu.memref_slice %arg9[%dma_wait3A_1129, %dma_wait3A_1130, %dma_wait3A_1131] : memref<2x128x128xf32, #tpu.memory_space<vmem>> -> memref<1x128x128xf32, #tpu.memory_space<vmem>>
        %dma_wait3A_1133 = tpu.memref_squeeze %dma_wait3A_1132 : memref<1x128x128xf32, #tpu.memory_space<vmem>> -> memref<128x128xf32, #tpu.memory_space<vmem>>
        %dma_wait3A_1134 = tpu.memref_slice %arg7[%select_n3A_1108, %add3A_1128] : memref<2x5120xi32, #tpu.memory_space<vmem>> -> memref<1x128xi32, #tpu.memory_space<vmem>>
        %dma_wait3A_1135 = tpu.memref_squeeze %dma_wait3A_1134 : memref<1x128xi32, #tpu.memory_space<vmem>> -> memref<128xi32, #tpu.memory_space<vmem>>
        %dma_wait3A_1136 = arith.constant 0 : i32
        %dma_wait3A_1137 = arith.constant 0 : i32
        %dma_wait3A_1138 = tpu.memref_slice %arg2[%dma_wait3A_1136, %dma_wait3A_1137] : memref<4000x128xf32, #tpu.memory_space<hbm>> -> memref<4000x128xf32, #tpu.memory_space<hbm>>
        tpu.wait_indirect_dma semaphore(%arg11 : memref<!tpu.dma_semaphore, #tpu.memory_space<semaphore_mem>>) src(%dma_wait3A_1138 : memref<4000x128xf32, #tpu.memory_space<hbm>>) dst(%dma_wait3A_1133 : memref<128x128xf32, #tpu.memory_space<vmem>>)
        %add3A_1139 = arith.constant 1280 : i32
        %add3A_1140 = arith.addi %add3A_1139, %mul3A_1126 : i32
        %dma_wait3A_1141 = arith.constant 0 : i32
        %dma_wait3A_1142 = arith.constant 0 : i32
        %dma_wait3A_1143 = arith.constant 0 : i32
        %dma_wait3A_1144 = tpu.memref_slice %arg9[%dma_wait3A_1141, %dma_wait3A_1142, %dma_wait3A_1143] : memref<2x128x128xf32, #tpu.memory_space<vmem>> -> memref<1x128x128xf32, #tpu.memory_space<vmem>>
        %dma_wait3A_1145 = tpu.memref_squeeze %dma_wait3A_1144 : memref<1x128x128xf32, #tpu.memory_space<vmem>> -> memref<128x128xf32, #tpu.memory_space<vmem>>
        %dma_wait3A_1146 = tpu.memref_slice %arg7[%select_n3A_1108, %add3A_1140] : memref<2x5120xi32, #tpu.memory_space<vmem>> -> memref<1x128xi32, #tpu.memory_space<vmem>>
        %dma_wait3A_1147 = tpu.memref_squeeze %dma_wait3A_1146 : memref<1x128xi32, #tpu.memory_space<vmem>> -> memref<128xi32, #tpu.memory_space<vmem>>
        %dma_wait3A_1148 = arith.constant 0 : i32
        %dma_wait3A_1149 = arith.constant 0 : i32
        %dma_wait3A_1150 = tpu.memref_slice %arg2[%dma_wait3A_1148, %dma_wait3A_1149] : memref<4000x128xf32, #tpu.memory_space<hbm>> -> memref<4000x128xf32, #tpu.memory_space<hbm>>
        tpu.wait_indirect_dma semaphore(%arg11 : memref<!tpu.dma_semaphore, #tpu.memory_space<semaphore_mem>>) src(%dma_wait3A_1150 : memref<4000x128xf32, #tpu.memory_space<hbm>>) dst(%dma_wait3A_1145 : memref<128x128xf32, #tpu.memory_space<vmem>>)
        %add3A_1151 = arith.constant 2560 : i32
        %add3A_1152 = arith.addi %add3A_1151, %mul3A_1126 : i32
        %dma_wait3A_1153 = arith.constant 0 : i32
        %dma_wait3A_1154 = arith.constant 0 : i32
        %dma_wait3A_1155 = arith.constant 0 : i32
        %dma_wait3A_1156 = tpu.memref_slice %arg9[%dma_wait3A_1153, %dma_wait3A_1154, %dma_wait3A_1155] : memref<2x128x128xf32, #tpu.memory_space<vmem>> -> memref<1x128x128xf32, #tpu.memory_space<vmem>>
        %dma_wait3A_1157 = tpu.memref_squeeze %dma_wait3A_1156 : memref<1x128x128xf32, #tpu.memory_space<vmem>> -> memref<128x128xf32, #tpu.memory_space<vmem>>
        %dma_wait3A_1158 = tpu.memref_slice %arg7[%select_n3A_1108, %add3A_1152] : memref<2x5120xi32, #tpu.memory_space<vmem>> -> memref<1x128xi32, #tpu.memory_space<vmem>>
        %dma_wait3A_1159 = tpu.memref_squeeze %dma_wait3A_1158 : memref<1x128xi32, #tpu.memory_space<vmem>> -> memref<128xi32, #tpu.memory_space<vmem>>
        %dma_wait3A_1160 = arith.constant 0 : i32
        %dma_wait3A_1161 = arith.constant 0 : i32
        %dma_wait3A_1162 = tpu.memref_slice %arg2[%dma_wait3A_1160, %dma_wait3A_1161] : memref<4000x128xf32, #tpu.memory_space<hbm>> -> memref<4000x128xf32, #tpu.memory_space<hbm>>
        tpu.wait_indirect_dma semaphore(%arg11 : memref<!tpu.dma_semaphore, #tpu.memory_space<semaphore_mem>>) src(%dma_wait3A_1162 : memref<4000x128xf32, #tpu.memory_space<hbm>>) dst(%dma_wait3A_1157 : memref<128x128xf32, #tpu.memory_space<vmem>>)
        %add3A_1163 = arith.constant 3840 : i32
        %add3A_1164 = arith.addi %add3A_1163, %mul3A_1126 : i32
        %dma_wait3A_1165 = arith.constant 0 : i32
        %dma_wait3A_1166 = arith.constant 0 : i32
        %dma_wait3A_1167 = arith.constant 0 : i32
        %dma_wait3A_1168 = tpu.memref_slice %arg9[%dma_wait3A_1165, %dma_wait3A_1166, %dma_wait3A_1167] : memref<2x128x128xf32, #tpu.memory_space<vmem>> -> memref<1x128x128xf32, #tpu.memory_space<vmem>>
        %dma_wait3A_1169 = tpu.memref_squeeze %dma_wait3A_1168 : memref<1x128x128xf32, #tpu.memory_space<vmem>> -> memref<128x128xf32, #tpu.memory_space<vmem>>
        %dma_wait3A_1170 = tpu.memref_slice %arg7[%select_n3A_1108, %add3A_1164] : memref<2x5120xi32, #tpu.memory_space<vmem>> -> memref<1x128xi32, #tpu.memory_space<vmem>>
        %dma_wait3A_1171 = tpu.memref_squeeze %dma_wait3A_1170 : memref<1x128xi32, #tpu.memory_space<vmem>> -> memref<128xi32, #tpu.memory_space<vmem>>
        %dma_wait3A_1172 = arith.constant 0 : i32
        %dma_wait3A_1173 = arith.constant 0 : i32
        %dma_wait3A_1174 = tpu.memref_slice %arg2[%dma_wait3A_1172, %dma_wait3A_1173] : memref<4000x128xf32, #tpu.memory_space<hbm>> -> memref<4000x128xf32, #tpu.memory_space<hbm>>
        tpu.wait_indirect_dma semaphore(%arg11 : memref<!tpu.dma_semaphore, #tpu.memory_space<semaphore_mem>>) src(%dma_wait3A_1174 : memref<4000x128xf32, #tpu.memory_space<hbm>>) dst(%dma_wait3A_1169 : memref<128x128xf32, #tpu.memory_space<vmem>>)
        %mul3A_1175 = arith.constant 50 : i32
        %mul3A_1176 = arith.muli %add3A, %mul3A_1175 : i32
        %add3A_1177 = arith.addi %mul3A_1176, %add3A_605 : i32
        %sub3A_1178 = arith.constant 1 : i32
        %sub3A_1179 = arith.subi %add3A_1177, %sub3A_1178 : i32
        %dma_start3A_1180 = arith.constant 0 : i32
        %dma_start3A_1181 = arith.constant 0 : i32
        %dma_start3A_1182 = arith.constant 0 : i32
        %dma_start3A_1183 = tpu.memref_slice %arg9[%dma_start3A_1180, %dma_start3A_1181, %dma_start3A_1182] : memref<2x128x128xf32, #tpu.memory_space<vmem>> -> memref<1x128x128xf32, #tpu.memory_space<vmem>>
        %dma_start3A_1184 = tpu.memref_squeeze %dma_start3A_1183 : memref<1x128x128xf32, #tpu.memory_space<vmem>> -> memref<128x128xf32, #tpu.memory_space<vmem>>
        %dma_start3A_1185 = arith.constant 0 : i32
        %dma_start3A_1186 = arith.constant 0 : i32
        %dma_start3A_1187 = tpu.memref_slice %arg6[%sub3A_1179, %dma_start3A_1185, %dma_start3A_1186] : memref<1600x128x128xf32, #tpu.memory_space<hbm>> -> memref<1x128x128xf32, #tpu.memory_space<hbm>>
        %dma_start3A_1188 = tpu.memref_squeeze %dma_start3A_1187 : memref<1x128x128xf32, #tpu.memory_space<hbm>> -> memref<128x128xf32, #tpu.memory_space<hbm>>
        %dma_start3A_1189 = arith.constant 0 : i32
        %dma_start3A_1190 = arith.constant 0 : i32
        %dma_start3A_1191 = tpu.memref_slice %arg6[%sub3A_1179, %dma_start3A_1189, %dma_start3A_1190] : memref<1600x128x128xf32, #tpu.memory_space<hbm>> -> memref<1x128x128xf32, #tpu.memory_space<hbm>>
        %dma_start3A_1192 = tpu.memref_squeeze %dma_start3A_1191 : memref<1x128x128xf32, #tpu.memory_space<hbm>> -> memref<128x128xf32, #tpu.memory_space<hbm>>
        %dma_start3A_1193 = arith.constant 0 : i32
        %dma_start3A_1194 = arith.constant 0 : i32
        %dma_start3A_1195 = tpu.memref_slice %arg9[%dma_start3A_1180, %dma_start3A_1193, %dma_start3A_1194] : memref<2x128x128xf32, #tpu.memory_space<vmem>> -> memref<1x128x128xf32, #tpu.memory_space<vmem>>
        %dma_start3A_1196 = tpu.memref_squeeze %dma_start3A_1195 : memref<1x128x128xf32, #tpu.memory_space<vmem>> -> memref<128x128xf32, #tpu.memory_space<vmem>>
        tpu.enqueue_dma source(%dma_start3A_1196 : memref<128x128xf32, #tpu.memory_space<vmem>>) target(%dma_start3A_1192 : memref<128x128xf32, #tpu.memory_space<hbm>>) target_semaphore(%arg13 : memref<!tpu.dma_semaphore, #tpu.memory_space<semaphore_mem>>)
      } else {
      }
      %scan3A_1066 = arith.constant 0 : i32
      scf.yield %scan3A_1066 : i32
    }
    %scan3A_45 = arith.constant 25 : i32
    %dma_wait3A = arith.constant 0 : i32
    %dma_wait3A_46 = arith.constant 1 : i32
    %dma_wait3A_47 = arith.constant 0 : i32
    %dma_wait3A_48 = arith.constant 0 : i32
    %dma_wait3A_49 = tpu.memref_slice %arg9[%dma_wait3A_46, %dma_wait3A_47, %dma_wait3A_48] : memref<2x128x128xf32, #tpu.memory_space<vmem>> -> memref<1x128x128xf32, #tpu.memory_space<vmem>>
    %dma_wait3A_50 = tpu.memref_squeeze %dma_wait3A_49 : memref<1x128x128xf32, #tpu.memory_space<vmem>> -> memref<128x128xf32, #tpu.memory_space<vmem>>
    %dma_wait3A_51 = arith.constant 1152 : i32
    %dma_wait3A_52 = tpu.memref_slice %arg7[%dma_wait3A, %dma_wait3A_51] : memref<2x5120xi32, #tpu.memory_space<vmem>> -> memref<1x128xi32, #tpu.memory_space<vmem>>
    %dma_wait3A_53 = tpu.memref_squeeze %dma_wait3A_52 : memref<1x128xi32, #tpu.memory_space<vmem>> -> memref<128xi32, #tpu.memory_space<vmem>>
    %dma_wait3A_54 = arith.constant 0 : i32
    %dma_wait3A_55 = arith.constant 0 : i32
    %dma_wait3A_56 = tpu.memref_slice %arg2[%dma_wait3A_54, %dma_wait3A_55] : memref<4000x128xf32, #tpu.memory_space<hbm>> -> memref<4000x128xf32, #tpu.memory_space<hbm>>
    tpu.wait_indirect_dma semaphore(%arg12 : memref<!tpu.dma_semaphore, #tpu.memory_space<semaphore_mem>>) src(%dma_wait3A_56 : memref<4000x128xf32, #tpu.memory_space<hbm>>) dst(%dma_wait3A_50 : memref<128x128xf32, #tpu.memory_space<vmem>>)
    %dma_wait3A_57 = arith.constant 0 : i32
    %dma_wait3A_58 = arith.constant 1 : i32
    %dma_wait3A_59 = arith.constant 0 : i32
    %dma_wait3A_60 = arith.constant 0 : i32
    %dma_wait3A_61 = tpu.memref_slice %arg9[%dma_wait3A_58, %dma_wait3A_59, %dma_wait3A_60] : memref<2x128x128xf32, #tpu.memory_space<vmem>> -> memref<1x128x128xf32, #tpu.memory_space<vmem>>
    %dma_wait3A_62 = tpu.memref_squeeze %dma_wait3A_61 : memref<1x128x128xf32, #tpu.memory_space<vmem>> -> memref<128x128xf32, #tpu.memory_space<vmem>>
    %dma_wait3A_63 = arith.constant 2432 : i32
    %dma_wait3A_64 = tpu.memref_slice %arg7[%dma_wait3A_57, %dma_wait3A_63] : memref<2x5120xi32, #tpu.memory_space<vmem>> -> memref<1x128xi32, #tpu.memory_space<vmem>>
    %dma_wait3A_65 = tpu.memref_squeeze %dma_wait3A_64 : memref<1x128xi32, #tpu.memory_space<vmem>> -> memref<128xi32, #tpu.memory_space<vmem>>
    %dma_wait3A_66 = arith.constant 0 : i32
    %dma_wait3A_67 = arith.constant 0 : i32
    %dma_wait3A_68 = tpu.memref_slice %arg2[%dma_wait3A_66, %dma_wait3A_67] : memref<4000x128xf32, #tpu.memory_space<hbm>> -> memref<4000x128xf32, #tpu.memory_space<hbm>>
    tpu.wait_indirect_dma semaphore(%arg12 : memref<!tpu.dma_semaphore, #tpu.memory_space<semaphore_mem>>) src(%dma_wait3A_68 : memref<4000x128xf32, #tpu.memory_space<hbm>>) dst(%dma_wait3A_62 : memref<128x128xf32, #tpu.memory_space<vmem>>)
    %dma_wait3A_69 = arith.constant 0 : i32
    %dma_wait3A_70 = arith.constant 1 : i32
    %dma_wait3A_71 = arith.constant 0 : i32
    %dma_wait3A_72 = arith.constant 0 : i32
    %dma_wait3A_73 = tpu.memref_slice %arg9[%dma_wait3A_70, %dma_wait3A_71, %dma_wait3A_72] : memref<2x128x128xf32, #tpu.memory_space<vmem>> -> memref<1x128x128xf32, #tpu.memory_space<vmem>>
    %dma_wait3A_74 = tpu.memref_squeeze %dma_wait3A_73 : memref<1x128x128xf32, #tpu.memory_space<vmem>> -> memref<128x128xf32, #tpu.memory_space<vmem>>
    %dma_wait3A_75 = arith.constant 3712 : i32
    %dma_wait3A_76 = tpu.memref_slice %arg7[%dma_wait3A_69, %dma_wait3A_75] : memref<2x5120xi32, #tpu.memory_space<vmem>> -> memref<1x128xi32, #tpu.memory_space<vmem>>
    %dma_wait3A_77 = tpu.memref_squeeze %dma_wait3A_76 : memref<1x128xi32, #tpu.memory_space<vmem>> -> memref<128xi32, #tpu.memory_space<vmem>>
    %dma_wait3A_78 = arith.constant 0 : i32
    %dma_wait3A_79 = arith.constant 0 : i32
    %dma_wait3A_80 = tpu.memref_slice %arg2[%dma_wait3A_78, %dma_wait3A_79] : memref<4000x128xf32, #tpu.memory_space<hbm>> -> memref<4000x128xf32, #tpu.memory_space<hbm>>
    tpu.wait_indirect_dma semaphore(%arg12 : memref<!tpu.dma_semaphore, #tpu.memory_space<semaphore_mem>>) src(%dma_wait3A_80 : memref<4000x128xf32, #tpu.memory_space<hbm>>) dst(%dma_wait3A_74 : memref<128x128xf32, #tpu.memory_space<vmem>>)
    %dma_wait3A_81 = arith.constant 0 : i32
    %dma_wait3A_82 = arith.constant 1 : i32
    %dma_wait3A_83 = arith.constant 0 : i32
    %dma_wait3A_84 = arith.constant 0 : i32
    %dma_wait3A_85 = tpu.memref_slice %arg9[%dma_wait3A_82, %dma_wait3A_83, %dma_wait3A_84] : memref<2x128x128xf32, #tpu.memory_space<vmem>> -> memref<1x128x128xf32, #tpu.memory_space<vmem>>
    %dma_wait3A_86 = tpu.memref_squeeze %dma_wait3A_85 : memref<1x128x128xf32, #tpu.memory_space<vmem>> -> memref<128x128xf32, #tpu.memory_space<vmem>>
    %dma_wait3A_87 = arith.constant 4992 : i32
    %dma_wait3A_88 = tpu.memref_slice %arg7[%dma_wait3A_81, %dma_wait3A_87] : memref<2x5120xi32, #tpu.memory_space<vmem>> -> memref<1x128xi32, #tpu.memory_space<vmem>>
    %dma_wait3A_89 = tpu.memref_squeeze %dma_wait3A_88 : memref<1x128xi32, #tpu.memory_space<vmem>> -> memref<128xi32, #tpu.memory_space<vmem>>
    %dma_wait3A_90 = arith.constant 0 : i32
    %dma_wait3A_91 = arith.constant 0 : i32
    %dma_wait3A_92 = tpu.memref_slice %arg2[%dma_wait3A_90, %dma_wait3A_91] : memref<4000x128xf32, #tpu.memory_space<hbm>> -> memref<4000x128xf32, #tpu.memory_space<hbm>>
    tpu.wait_indirect_dma semaphore(%arg12 : memref<!tpu.dma_semaphore, #tpu.memory_space<semaphore_mem>>) src(%dma_wait3A_92 : memref<4000x128xf32, #tpu.memory_space<hbm>>) dst(%dma_wait3A_86 : memref<128x128xf32, #tpu.memory_space<vmem>>)
    %mul3A_93 = arith.constant 50 : i32
    %mul3A_94 = arith.muli %add3A, %mul3A_93 : i32
    %add3A_95 = arith.constant 50 : i32
    %add3A_96 = arith.addi %mul3A_94, %add3A_95 : i32
    %sub3A = arith.constant 1 : i32
    %sub3A_97 = arith.subi %add3A_96, %sub3A : i32
    %dma_start3A = arith.constant 1 : i32
    %dma_start3A_98 = arith.constant 0 : i32
    %dma_start3A_99 = arith.constant 0 : i32
    %dma_start3A_100 = tpu.memref_slice %arg9[%dma_start3A, %dma_start3A_98, %dma_start3A_99] : memref<2x128x128xf32, #tpu.memory_space<vmem>> -> memref<1x128x128xf32, #tpu.memory_space<vmem>>
    %dma_start3A_101 = tpu.memref_squeeze %dma_start3A_100 : memref<1x128x128xf32, #tpu.memory_space<vmem>> -> memref<128x128xf32, #tpu.memory_space<vmem>>
    %dma_start3A_102 = arith.constant 0 : i32
    %dma_start3A_103 = arith.constant 0 : i32
    %dma_start3A_104 = tpu.memref_slice %arg6[%sub3A_97, %dma_start3A_102, %dma_start3A_103] : memref<1600x128x128xf32, #tpu.memory_space<hbm>> -> memref<1x128x128xf32, #tpu.memory_space<hbm>>
    %dma_start3A_105 = tpu.memref_squeeze %dma_start3A_104 : memref<1x128x128xf32, #tpu.memory_space<hbm>> -> memref<128x128xf32, #tpu.memory_space<hbm>>
    %dma_start3A_106 = arith.constant 0 : i32
    %dma_start3A_107 = arith.constant 0 : i32
    %dma_start3A_108 = tpu.memref_slice %arg6[%sub3A_97, %dma_start3A_106, %dma_start3A_107] : memref<1600x128x128xf32, #tpu.memory_space<hbm>> -> memref<1x128x128xf32, #tpu.memory_space<hbm>>
    %dma_start3A_109 = tpu.memref_squeeze %dma_start3A_108 : memref<1x128x128xf32, #tpu.memory_space<hbm>> -> memref<128x128xf32, #tpu.memory_space<hbm>>
    %dma_start3A_110 = arith.constant 0 : i32
    %dma_start3A_111 = arith.constant 0 : i32
    %dma_start3A_112 = tpu.memref_slice %arg9[%dma_start3A, %dma_start3A_110, %dma_start3A_111] : memref<2x128x128xf32, #tpu.memory_space<vmem>> -> memref<1x128x128xf32, #tpu.memory_space<vmem>>
    %dma_start3A_113 = tpu.memref_squeeze %dma_start3A_112 : memref<1x128x128xf32, #tpu.memory_space<vmem>> -> memref<128x128xf32, #tpu.memory_space<vmem>>
    tpu.enqueue_dma source(%dma_start3A_113 : memref<128x128xf32, #tpu.memory_space<vmem>>) target(%dma_start3A_109 : memref<128x128xf32, #tpu.memory_space<hbm>>) target_semaphore(%arg14 : memref<!tpu.dma_semaphore, #tpu.memory_space<semaphore_mem>>)
    %dma_wait3A_114 = arith.constant 0 : i32
    %dma_wait3A_115 = arith.constant 0 : i32
    %dma_wait3A_116 = arith.constant 0 : i32
    %dma_wait3A_117 = arith.constant 0 : i32
    %dma_wait3A_118 = tpu.memref_slice %arg9[%dma_wait3A_114, %dma_wait3A_116, %dma_wait3A_117] : memref<2x128x128xf32, #tpu.memory_space<vmem>> -> memref<1x128x128xf32, #tpu.memory_space<vmem>>
    %dma_wait3A_119 = tpu.memref_squeeze %dma_wait3A_118 : memref<1x128x128xf32, #tpu.memory_space<vmem>> -> memref<128x128xf32, #tpu.memory_space<vmem>>
    %dma_wait3A_120 = arith.constant 0 : i32
    %dma_wait3A_121 = arith.constant 0 : i32
    %dma_wait3A_122 = tpu.memref_slice %arg6[%dma_wait3A_115, %dma_wait3A_120, %dma_wait3A_121] : memref<1600x128x128xf32, #tpu.memory_space<hbm>> -> memref<1x128x128xf32, #tpu.memory_space<hbm>>
    %dma_wait3A_123 = tpu.memref_squeeze %dma_wait3A_122 : memref<1x128x128xf32, #tpu.memory_space<hbm>> -> memref<128x128xf32, #tpu.memory_space<hbm>>
    %dma_wait3A_124 = arith.constant 0 : i32
    %dma_wait3A_125 = arith.constant 0 : i32
    %dma_wait3A_126 = tpu.memref_slice %arg6[%dma_wait3A_115, %dma_wait3A_124, %dma_wait3A_125] : memref<1600x128x128xf32, #tpu.memory_space<hbm>> -> memref<1x128x128xf32, #tpu.memory_space<hbm>>
    %dma_wait3A_127 = tpu.memref_squeeze %dma_wait3A_126 : memref<1x128x128xf32, #tpu.memory_space<hbm>> -> memref<128x128xf32, #tpu.memory_space<hbm>>
    %dma_wait3A_128 = arith.constant 0 : i32
    %dma_wait3A_129 = arith.constant 0 : i32
    %dma_wait3A_130 = tpu.memref_slice %arg9[%dma_wait3A_114, %dma_wait3A_128, %dma_wait3A_129] : memref<2x128x128xf32, #tpu.memory_space<vmem>> -> memref<1x128x128xf32, #tpu.memory_space<vmem>>
    %dma_wait3A_131 = tpu.memref_squeeze %dma_wait3A_130 : memref<1x128x128xf32, #tpu.memory_space<vmem>> -> memref<128x128xf32, #tpu.memory_space<vmem>>
    tpu.wait_dma2 semaphore(%arg13 : memref<!tpu.dma_semaphore, #tpu.memory_space<semaphore_mem>>) src(%dma_wait3A_131 : memref<128x128xf32, #tpu.memory_space<vmem>>) dst(%dma_wait3A_127 : memref<128x128xf32, #tpu.memory_space<hbm>>)
    %dma_wait3A_132 = arith.constant 1 : i32
    %dma_wait3A_133 = arith.constant 0 : i32
    %dma_wait3A_134 = arith.constant 0 : i32
    %dma_wait3A_135 = arith.constant 0 : i32
    %dma_wait3A_136 = tpu.memref_slice %arg9[%dma_wait3A_132, %dma_wait3A_134, %dma_wait3A_135] : memref<2x128x128xf32, #tpu.memory_space<vmem>> -> memref<1x128x128xf32, #tpu.memory_space<vmem>>
    %dma_wait3A_137 = tpu.memref_squeeze %dma_wait3A_136 : memref<1x128x128xf32, #tpu.memory_space<vmem>> -> memref<128x128xf32, #tpu.memory_space<vmem>>
    %dma_wait3A_138 = arith.constant 0 : i32
    %dma_wait3A_139 = arith.constant 0 : i32
    %dma_wait3A_140 = tpu.memref_slice %arg6[%dma_wait3A_133, %dma_wait3A_138, %dma_wait3A_139] : memref<1600x128x128xf32, #tpu.memory_space<hbm>> -> memref<1x128x128xf32, #tpu.memory_space<hbm>>
    %dma_wait3A_141 = tpu.memref_squeeze %dma_wait3A_140 : memref<1x128x128xf32, #tpu.memory_space<hbm>> -> memref<128x128xf32, #tpu.memory_space<hbm>>
    %dma_wait3A_142 = arith.constant 0 : i32
    %dma_wait3A_143 = arith.constant 0 : i32
    %dma_wait3A_144 = tpu.memref_slice %arg6[%dma_wait3A_133, %dma_wait3A_142, %dma_wait3A_143] : memref<1600x128x128xf32, #tpu.memory_space<hbm>> -> memref<1x128x128xf32, #tpu.memory_space<hbm>>
    %dma_wait3A_145 = tpu.memref_squeeze %dma_wait3A_144 : memref<1x128x128xf32, #tpu.memory_space<hbm>> -> memref<128x128xf32, #tpu.memory_space<hbm>>
    %dma_wait3A_146 = arith.constant 0 : i32
    %dma_wait3A_147 = arith.constant 0 : i32
    %dma_wait3A_148 = tpu.memref_slice %arg9[%dma_wait3A_132, %dma_wait3A_146, %dma_wait3A_147] : memref<2x128x128xf32, #tpu.memory_space<vmem>> -> memref<1x128x128xf32, #tpu.memory_space<vmem>>
    %dma_wait3A_149 = tpu.memref_squeeze %dma_wait3A_148 : memref<1x128x128xf32, #tpu.memory_space<vmem>> -> memref<128x128xf32, #tpu.memory_space<vmem>>
    tpu.wait_dma2 semaphore(%arg14 : memref<!tpu.dma_semaphore, #tpu.memory_space<semaphore_mem>>) src(%dma_wait3A_149 : memref<128x128xf32, #tpu.memory_space<vmem>>) dst(%dma_wait3A_145 : memref<128x128xf32, #tpu.memory_space<hbm>>)
    return
  }
}

</mosaic_0001>

<sc_bundles>
// kernel: _sc_encode.3.cloned.1.call-start
scs
__scs_entry_jumppad:
0x0: {  	(pc) =	sbr.rel $0x88, $3  }
0x1: {  	(tag) =	ssettag $0x0;
	lr =	simm.s32 $0x1  }
0x2: {  	[smem:$0x3F9D] =	sst lr;
	_ =	strace $0xD0000000  }
0x3: {  	_ = 	snop  }
0x4: {  	_ = 	snop  }
0x5: {  	_ = 	snop  }
0x6: {  	_ = 	snop  }
0x7: {  	_ = 	snop  }
__scs_overlays_trampoline_lowered:
0x8: {  	[smem:$0x3FAC] =	sst s0  }
0x9: {  	[smem:$0x3FAD] =	sst s1  }
0xa: {  	[smem:$0x3FAE] =	sst s2  }
0xb: {  	[smem:$0x3FAF] =	sst s3  }
0xc: {  	[smem:$0x3FB0] =	sst s4  }
0xd: {  	[smem:$0x3FB1] =	sst s5  }
0xe: {  	[smem:$0x3FB2] =	sst s6  }
0xf: {  	[smem:$0x3FB3] =	sst s7  }
0x10: {  	[smem:$0x3FB4] =	sst s8  }
0x11: {  	[smem:$0x3FB5] =	sst s9;
	s0 =	simm.s32 @!p0 $0x0  }
0x12: {  	s1 =	sld [smem:$0x3F9B];
	s0 =	simm.s32 @p0 $0x1  }
0x13: {  	[smem:$0x3FB6] =	sst s0;
	s0 =	simm.s32 @!p1 $0x0  }
0x14: {  	s2 =	sld [smem:$0x3F9A];
	s0 =	simm.s32 @p1 $0x1  }
0x15: {  	[smem:$0x3FB7] =	sst s0;
	s0 =	simm.s32 @!p2 $0x0  }
0x16: {  	s3 =	sld [smem:$0x3FDB];
	s0 =	simm.s32 @p2 $0x1  }
0x17: {  	s4 =	simm.s32 $0x1BF5;
	[smem:$0x3FB9] =	sst s0  }
0x18: {  	s0 =	sld [smem:$0x3F9C];
	_ =	swait.ge [sflag:s4], $0x0  }
0x19: {  	s7 =	sld [smem:$0x3F9D]  }
0x1a: {  	s8 =	sadd.s32 $0xFFFFE003, lr  }
0x1b: {  	s9 =	sadd.s32 $0xFFFFFEF7, lr;
	s5 =	simm.s32 $0xFFFFFFFF;
	p2 =	slt.u32 s8, $0xFFFFF086  }
0x1c: {  	p1 =	slt.u32 s9, $0xF7A;
	s5 =	simm.s32 @!p2 $0x0  }
0x1d: {  	s5 =	simm.s32 @p1 $0x1;
	p0 =	seq.s32 s7, s2  }
0x1e: {  	s7 =	smul.u32 @!p0 $0xF7A, s2;
	p2 =	seq.s32 @!p0 s5, $0x0  }
0x1f: {  	s9 =	smul.u32 $0xF7A, s1;
	s8 =	simm.s32 @!p0 $0x1BF5;
	p2 =	por !p2, p0  }
0x20: {  	[sflag:s8] =	ssyncset.s32 @!p0 $0xFFFFF086;
	s6 =	sadd.s32 @!p0 s3, s7;
	s7 =	simm.s32 @!p0 $0x108  }
0x21: {  	s3 =	sadd.s32 s3, s9;
	s6 =	sadd.s32 @!p0 $0x88, s6;
	s7 =	simm.s32 @p2 $0x1082  }
0x22: {  	[simem:s7], [sflag:s8] =	dma.local @!p0 [hbm:s6], $0xF7A  }
0x23: {  	s9 =	sor.u32 $0xD0000000, s2;
	s6 =	simm.s32 $0x108;
	_ =	swait.ge @!p0 [sflag:s8], $0x0  }
0x24: {  	s3 =	sadd.s32 $0x88, s3;
	s6 =	simm.s32 @!p1 $0x1082;
	[sflag:s4] =	ssyncset.s32 $0xFFFFF086  }
0x25: {  	[simem:s6], [sflag:s4] =	dma.local [hbm:s3], $0xF7A  }
0x26: {  	[smem:$0x3F9D] =	sst s1;
	(tag) =	ssettag s2;
	_ =	strace s9  }
0x27: {  	s1 =	sld [smem:$0x3FAD]  }
0x28: {  	s2 =	sld [smem:$0x3FAE]  }
0x29: {  	s4 =	sld [smem:$0x3FB0]  }
0x2a: {  	p0 =	seq.s32 s5, $0x0;
	s5 =	sld [smem:$0x3FB1]  }
0x2b: {  	s6 =	sld [smem:$0x3FB2]  }
0x2c: {  	s7 =	sld [smem:$0x3FB3]  }
0x2d: {  	s3 =	simm.s32 $0x108;
	s8 =	sld [smem:$0x3FB4]  }
0x2e: {  	s3 =	simm.s32 @!p0 $0x1082;
	s9 =	sld [smem:$0x3FB5]  }
0x2f: {  	lr =	sadd.s32 s0, s3;
	s0 =	sld [smem:$0x3FAC]  }
0x30: {  	s3 =	sld [smem:$0x3FAF]  }
0x31: {  	[smem:$0x3FB8] =	sst s10  }
0x32: {  	s10 =	sld [smem:$0x3FB6];
	_ =	sdelay $0x3  }
0x33: {  	p0 =	seq.s32 s10, $0x1;
	s10 =	sld [smem:$0x3FB8];
	_ =	sdelay $0x3  }
0x34: {  	[smem:$0x3FB8] =	sst s10  }
0x35: {  	s10 =	sld [smem:$0x3FB7];
	_ =	sdelay $0x3  }
0x36: {  	p1 =	seq.s32 s10, $0x1;
	s10 =	sld [smem:$0x3FB8];
	_ =	sdelay $0x3  }
0x37: {  	[smem:$0x3FB8] =	sst s10  }
0x38: {  	s10 =	sld [smem:$0x3FB9]  }
0x39: {  	_ = 	snop;
	(pc) =	sbr.ind lr, $3  }
0x3a: {  	_ = 	snop  }
0x3b: {  	_ = 	snop  }
0x3c: {  	p2 =	seq.s32 s10, $0x1;
	s10 =	sld [smem:$0x3FB8]  }
0x3d: {  	_ =	shalt  }
0x3e: {  	_ =	shalt  }
0x3f: {  	_ =	shalt  }
0x40: {  	_ =	shalt  }
0x41: {  	_ =	shalt  }
0x42: {  	_ =	shalt  }
0x43: {  	_ =	shalt  }
0x44: {  	_ =	shalt  }
0x45: {  	_ =	shalt  }
0x46: {  	_ =	shalt  }
0x47: {  	_ =	shalt  }
0x48: {  	_ =	shalt  }
0x49: {  	_ =	shalt  }
0x4a: {  	_ =	shalt  }
0x4b: {  	_ =	shalt  }
0x4c: {  	_ =	shalt  }
0x4d: {  	_ =	shalt  }
0x4e: {  	_ =	shalt  }
0x4f: {  	_ =	shalt  }
0x50: {  	_ =	shalt  }
0x51: {  	_ =	shalt  }
0x52: {  	_ =	shalt  }
0x53: {  	_ =	shalt  }
0x54: {  	_ =	shalt  }
0x55: {  	_ =	shalt  }
0x56: {  	_ =	shalt  }
0x57: {  	_ =	shalt  }
0x58: {  	_ =	shalt  }
0x59: {  	_ =	shalt  }
0x5a: {  	_ =	shalt  }
0x5b: {  	_ =	shalt  }
0x5c: {  	_ =	shalt  }
0x5d: {  	_ =	shalt  }
0x5e: {  	_ =	shalt  }
0x5f: {  	_ =	shalt  }
0x60: {  	_ =	shalt  }
0x61: {  	_ =	shalt  }
0x62: {  	_ =	shalt  }
0x63: {  	_ =	shalt  }
0x64: {  	_ =	shalt  }
0x65: {  	_ =	shalt  }
0x66: {  	_ =	shalt  }
0x67: {  	_ =	shalt  }
0x68: {  	_ =	shalt  }
0x69: {  	_ =	shalt  }
0x6a: {  	_ =	shalt  }
0x6b: {  	_ =	shalt  }
0x6c: {  	_ =	shalt  }
0x6d: {  	_ =	shalt  }
0x6e: {  	_ =	shalt  }
0x6f: {  	_ =	shalt  }
0x70: {  	_ =	shalt  }
0x71: {  	_ =	shalt  }
0x72: {  	_ =	shalt  }
0x73: {  	_ =	shalt  }
0x74: {  	_ =	shalt  }
0x75: {  	_ =	shalt  }
0x76: {  	_ =	shalt  }
0x77: {  	_ =	shalt  }
0x78: {  	_ =	shalt  }
0x79: {  	_ =	shalt  }
0x7a: {  	_ =	shalt  }
0x7b: {  	_ =	shalt  }
0x7c: {  	_ =	shalt  }
0x7d: {  	_ =	shalt  }
0x7e: {  	_ =	shalt  }
0x7f: {  	_ =	shalt  }
0x80: {  	_ =	shalt  }
0x81: {  	_ =	shalt  }
0x82: {  	_ =	shalt  }
0x83: {  	_ =	shalt  }
0x84: {  	_ =	shalt  }
0x85: {  	_ =	shalt  }
0x86: {  	_ =	shalt  }
0x87: {  	_ =	shalt  }
.Lfunc_end0:
.L_simem_size_0:
called_computation_lowered:
.L_overlay_start_0:
0x88: {  	s2 =	sld [smem:$0x3FD9]  }
0x89: {  	s3 =	sld [smem:$0x3FFE];
	_ =	sdelay $0x1  }
0x8a: {  	s1 =	srdreg.scid  }
0x8b: {  	s0 =	sand.u32 $0x1, s1  }
0x8c: {  	s18 =	sshll.u32 s0, $0xA;
	s2 =	sadd.s32 s3, s2  }
0x8d: {  	s2 =	sadd.s32 s2, s18  }
0x8e: {  	[smem:$0x3FC4] =	sst s2  }
0x8f: {  	_ = 	snop  }
0x90: {  	s2 =	sld [smem:$0x3FC9]  }
0x91: {  	s19 =	sld [smem:$0x3FC8]  }
0x92: {  	s4 =	sld [smem:$0x3FC7]  }
0x93: {  	s5 =	sld [smem:$0x3FC6]  }
0x94: {  	s6 =	sld [smem:$0x3FD0];
	(tm) =	ssettm $0x1  }
0x95: {  	s7 =	sld [smem:$0x3FFB];
	_ =	sdelay $0x3  }
0x96: {  	_ =	strace s7  }
0x97: {  	s7 =	sld [smem:$0x3FFC];
	_ =	sdelay $0x3  }
0x98: {  	_ =	strace s7  }
0x99: {  	s7 =	sld [smem:$0x3FFD];
	_ =	sdelay $0x3  }
0x9a: {  	_ =	strace s7  }
0x9b: {  	_ =	strace $0x8FFFFFFF  }
0x9c: {  	s20 =	sld [smem:$0x3FDB];
	_ =	sdelay $0x1  }
0x9d: {  	s8 =	simm.s32 $_scs_section_size  }
0x9e: {  	s9 =	simm.s32 $_size__tile_overlayer_lowered;
	s10 =	simm.s32 $_tile_overlayer_lowered  }
0x9f: {  	s23 =	simm.s32 $0x1BFF;
	s22 =	sshll.u32 s10, $0x1;
	s7 =	sadd.s32 s8, s20  }
0xa0: {  	s11 =	simm.s32 $0x0;
	s21 =	sshll.u32 s9, $0x1;
	s9 =	sadd.s32 s22, s7  }
0xa1: {  	[timem:s11], [sflag:s23] =	dma.local [hbm:s9], s21  }
0xa2: {  	_ =	swait.ge [sflag:s23], s21  }
0xa3: {  	s8 =	ssub.s32 $0x0, s21;
	[sflag:s23] =	ssyncset.done $0x0  }
0xa4: {  	[sflag:s23] =	ssyncadd.s32 s8;
	_ =	sdelay $0x1  }
0xa5: {  	s24 =	simm.s32 $0x1B8B  }
0xa6: {  	_ =	swait.ge [sflag:s24], $0x1  }
0xa7: {  	[sflag:s24] =	ssyncset.done $0x0  }
0xa8: {  	s25 =	simm.s32 $0x1B8E;
	[sflag:s24] =	ssyncadd.s32 $0xFFFFFFFF  }
0xa9: {  	s26 =	simm.s32 $execute0_lowered;
	[smem:$0x3FD2] =	sst s25  }
0xaa: {  	s8 =	sshll.u32 s26, $0x1;
	_ =	strace $0x80000046;
	[dreg:$0x1] =	wrdreg $0xFFFFFFFF  }
0xab: {  	s28 =	simm.s32 $_size_execute0_lowered;
	s7 =	sadd.s32 s7, s8;
	[dreg:$0x0] =	wrdreg $0x0  }
0xac: {  	s8 =	sshll.u32 s28, $0x1;
	[dreg:$0x2] =	wrdreg s7  }
0xad: {  	[dreg:$0x3] =	wrdreg s8  }
0xae: {  	[dreg:$0x4] =	wrdreg $0xC0  }
0xaf: {  	_ =	task [dreg:s11], $0x5FFFF  }
0xb0: {  	[dreg:$0x1] =	wrdreg $0xFFFFFFFF  }
0xb1: {  	[dreg:$0x0] =	wrdreg $0x60  }
0xb2: {  	[dreg:$0x2] =	wrdreg s2  }
0xb3: {  	[dreg:$0x3] =	wrdreg s19  }
0xb4: {  	[dreg:$0x4] =	wrdreg s4  }
0xb5: {  	[dreg:$0x5] =	wrdreg s5  }
0xb6: {  	[dreg:$0x6] =	wrdreg s6  }
0xb7: {  	[dreg:$0x7] =	wrdreg $0x9  }
0xb8: {  	_ =	task.clear_ibuf [dreg:s11], $0x8FFFF;
	_ =	strace $0x90000046  }
0xb9: {  	s29 =	simm.s32 $0x9;
	_ =	strace $0x80000048  }
0xba: {  	_ =	swait.ge [sflag:s29], $0x1  }
0xbb: {  	[sflag:s29] =	ssyncadd.s32 $0xFFFFFFFF  }
0xbc: {  	_ =	strace $0x90000048  }
0xbd: {  	_ =	sfence  }
0xbe: {  	s30 =	sld [smem:$0x0];
	_ =	sdelay $0x2  }
0xbf: {  	s31 =	sshll.u32 s1, $0xD;
	s1 =	sshrl.u32 s1, $0x2  }
0xc0: {  	s3 =	sand.u32 $0x4000, s31;
	s1 =	sadd.s32 s1, s30  }
0xc1: {  	s0 =	sor.u32 s3, s0;
	s1 =	sshll.u32 s1, $0x11  }
0xc2: {  	s0 =	sor.u32 s1, s0  }
0xc3: {  	s0 =	sadd.s32 $0x8F2B, s0  }
0xc4: {  	[sflag:s0] =	ssyncadd.remote.s32 $0x1  }
0xc5: {  	_ =	sfence.sel $0xFFFF  }
0xc6: {  	[dreg:$0x0] =	wrdreg $0xFFFFFFFF;
	(pc) =	sbr.abs _section_cstart, $3  }
0xc7: {  	[dreg:$0x1] =	wrdreg $0xFFFFFFFF  }
0xc8: {  	_ =	task.clear_ibuf [dreg:s11], $0x2FFFF;
	_ =	strace $0x9FFFFFFF  }
0xc9: {  	(tm) =	ssettm $0x7FFFFFFF  }
tec
execute0_lowered:
.L_overlay_start_1:
0x0: {  	(tag) =	ssettag $0x1  }
0x1: {  	s1 =	rddreg [dreg:$0x0]  }
0x2: {  	s2 =	rddreg [dreg:$0x1]  }
0x3: {  	s0 =	srdreg.scid;
	s3 =	stileid.u32  }
0x4: {  	s10 =	rddreg [dreg:$0x2];
	s0 =	sand.u32 $0x1, s0;
	s3 =	sshll.u32 s3, $0x1  }
0x5: {  	s6 =	rddreg [dreg:$0x4];
	s7 =	simm.s32 $0x0;
	s3 =	sor.u32 s0, s3  }
0x6: {  	s30 =	simm.s32 $0x3;
	s31 =	simm.s32 $0x80;
	s9 =	smul.u32 $0x1900, s3  }
0x7: {  	[smem:$0x7FF] =	sst s7;
	s0 =	ssub.s32 $0x2, s0;
	s12 =	smul.u32 $0xC800, s3  }
0x8: {  	_ =	strace $0x80000047;
	s4 =	sshrl.u32 s0, $0x1;
	s20 =	smul.u32 $0xC8000, s3  }
0x9: {  	s0 =	ssub.s32 s0, s4;
	s5 =	sshrl.u32 s9, $0x3;
	s18 =	sadd.s32 $0x32000, s9  }
0xa: {  	s19 =	sadd.s32 $0x64000, s9;
	[dreg:$0x9] =	wrdreg s9;
	s8 =	sadd.s32 $0x96000, s9  }
0xb: {  	s23 =	sshrl.u32 s12, $0x3;
	s24 =	sshrl.u32 s20, $0x3;
	[dreg:$0x7] =	wrdreg s18  }
0xc: {  	s0 =	smax.u32 s0, $0x1;
	s11 =	sadd.s32 s2, s5;
	[dreg:$0x8] =	wrdreg s19  }
0xd: {  	s4 =	sshrl.u32 s18, $0x3;
	s5 =	sshrl.u32 s19, $0x3;
	[dreg:$0xa] =	wrdreg s8  }
0xe: {  	s22 =	sshrl.u32 s8, $0x3;
	s8 =	smov.u32 s12;
	[dreg:$0xf] =	wrdreg s0  }
0xf: {  	s17 =	sadd.s32 s10, s23;
	s4 =	sadd.s32 s2, s4;
	[dreg:$0x6] =	wrdreg s11  }
0x10: {  	s25 =	sadd.s32 s6, s24;
	s21 =	sadd.s32 s2, s5;
	[dreg:$0xb] =	wrdreg s4  }
0x11: {  	s18 =	smul.u32 $0x32, s3;
	s3 =	sadd.s32 $0x18800, s25;
	[dreg:$0xc] =	wrdreg s21  }
.Ltmp0:
0x12: {  	s26 =	sadd.s32 $0x10, s11;
	[dreg:$0xe] =	wrdreg s3;
	(pc) =	sbr.rel .LBB2_1-.Ltmp0, $4  }
0x13: {  	s0 =	simm.s32 $0x1;
	s28 =	sadd.s32 $0x20, s11;
	[dreg:$0x10] =	wrdreg s26  }
0x14: {  	s10 =	simm.s32 $0x0;
	s29 =	sadd.s32 $0x30, s11;
	[dreg:$0x11] =	wrdreg s28  }
0x15: {  	s5 =	simm.s32 $0xB800;
	s4 =	sadd.s32 s2, s22;
	[dreg:$0x12] =	wrdreg s29  }
0x16: {  	s22 =	simm.s32 $0x5;
	[dreg:$0xd] =	wrdreg s4;
	s4 =	simm.s32 $0x7800  }
.LBB2_32:
0x17: {  	s3 =	simm.s32 $0x2  }
0x18: {  	_ =	swait.ge [sflag:s3], $0x4000  }
0x19: {  	[sflag:s3] =	ssyncset.done $0x0  }
0x1a: {  	[sflag:s3] =	ssyncadd.s32 $0xFFFFC000  }
0x1b: {  	_ =	swait.ge [sflag:s3], $0x4000  }
0x1c: {  	[sflag:s3] =	ssyncset.done $0x0  }
0x1d: {  	[sflag:s3] =	ssyncadd.s32 $0xFFFFC000  }
0x1e: {  	_ =	swait.ge [sflag:s3], $0x4000  }
0x1f: {  	[sflag:s3] =	ssyncset.done $0x0  }
0x20: {  	[sflag:s3] =	ssyncadd.s32 $0xFFFFC000  }
0x21: {  	_ =	swait.ge [sflag:s3], $0x4000  }
0x22: {  	[sflag:s3] =	ssyncset.done $0x0  }
0x23: {  	s28 =	rddreg [dreg:$0xe];
	[sflag:s3] =	ssyncadd.s32 $0xFFFFC000  }
0x24: {  	[hbm4b:s28+s7] =	stream.linear.scatter [tilespmem:s5], [sflag:$0x4], $0x4000, $0x38;
	[tilespmem:$0xFC00] =	vst v63  }
0x25: {  	_ =	swait.ge [sflag:s30], $0x4000  }
0x26: {  	[sflag:s30] =	ssyncset.done $0x0  }
0x27: {  	s9 =	simm.s32 $0x4;
	[sflag:s30] =	ssyncadd.s32 $0xFFFFC000  }
0x28: {  	_ =	swait.ge [sflag:s9], $0x4000  }
0x29: {  	s10 =	rddreg [dreg:$0x13]  }
0x2a: {  	s29 =	rddreg [dreg:$0xf];
	s10 =	sadd.s32 $0x1, s10  }
0x2b: {  	p0 =	sne.s32 s10, s29  }
.Ltmp1:
0x2c: {  	_ = 	snop;
	(pc) =	sbr.rel @!p0 .LBB2_33-.Ltmp1, $3  }
0x2d: {  	_ =	sdelay $0x1  }
0x2e: {  	[sflag:s9] =	ssyncset.done $0x0  }
0x2f: {  	[sflag:s9] =	ssyncadd.s32 $0xFFFFC000  }
.LBB2_1:
0x30: {  	[dreg:$0x13] =	wrdreg s10  }
0x31: {  	s3 =	rddreg [dreg:$0x3];
	s9 =	simm.s32 $0xF800  }
0x32: {  	[tilespmem:s9], [sflag:$0x5] =	stream.linear.gather [hbm4b:s3+s7], $0x400, $0x38;
	[tilespmem:$0xFC00] =	vst v63  }
0x33: {  	_ =	swait.ge [sflag:s22], $0x400  }
0x34: {  	[sflag:s22] =	ssyncset.done $0x0  }
0x35: {  	s9 =	rddreg [dreg:$0x6];
	[sflag:s22] =	ssyncadd.s32 $0xFFFFFC00  }
0x36: {  	[tilespmem:s7], [sflag:$0x5] =	stream.linear.gather [hbm4b:s9+s7], $0x80, $0x38;
	[tilespmem:$0xFC00] =	vst v63  }
0x37: {  	s13 =	simm.s32 $0x100;
	s12 =	rddreg [dreg:$0x10]  }
0x38: {  	[tilespmem:s13], [sflag:$0x5] =	stream.linear.gather [hbm4b:s12+s7], $0x80, $0x38;
	[tilespmem:$0xFC00] =	vst v63  }
0x39: {  	s15 =	simm.s32 $0x200;
	s14 =	rddreg [dreg:$0x11]  }
0x3a: {  	[tilespmem:s15], [sflag:$0x5] =	stream.linear.gather [hbm4b:s14+s7], $0x80, $0x38;
	[tilespmem:$0xFC00] =	vst v63  }
0x3b: {  	s19 =	simm.s32 $0x300;
	s16 =	rddreg [dreg:$0x12]  }
0x3c: {  	[tilespmem:s19], [sflag:$0x5] =	stream.linear.gather [hbm4b:s16+s7], $0x80, $0x38;
	[tilespmem:$0xFC00] =	vst v63  }
0x3d: {  	s21 =	simm.s32 $0x400;
	s20 =	sadd.s32 $0x40, s9  }
0x3e: {  	[tilespmem:s21], [sflag:$0x5] =	stream.linear.gather [hbm4b:s20+s7], $0x80, $0x38;
	[tilespmem:$0xFC00] =	vst v63  }
0x3f: {  	s24 =	simm.s32 $0x500;
	s23 =	sadd.s32 $0x50, s9  }
0x40: {  	[tilespmem:s24], [sflag:$0x5] =	stream.linear.gather [hbm4b:s23+s7], $0x80, $0x38;
	[tilespmem:$0xFC00] =	vst v63  }
0x41: {  	s26 =	simm.s32 $0x600;
	s25 =	sadd.s32 $0x60, s9  }
0x42: {  	[tilespmem:s26], [sflag:$0x5] =	stream.linear.gather [hbm4b:s25+s7], $0x80, $0x38;
	[tilespmem:$0xFC00] =	vst v63  }
0x43: {  	s29 =	simm.s32 $0x700;
	s28 =	sadd.s32 $0x70, s9  }
0x44: {  	[tilespmem:s29], [sflag:$0x5] =	stream.linear.gather [hbm4b:s28+s7], $0x80, $0x38;
	[tilespmem:$0xFC00] =	vst v63  }
0x45: {  	s11 =	sadd.s32 $0x80, s9;
	s12 =	simm.s32 $0x800  }
0x46: {  	[tilespmem:s12], [sflag:$0x5] =	stream.linear.gather [hbm4b:s11+s7], $0x80, $0x38;
	[tilespmem:$0xFC00] =	vst v63  }
0x47: {  	s13 =	sadd.s32 $0x90, s9;
	s14 =	simm.s32 $0x900  }
0x48: {  	[tilespmem:s14], [sflag:$0x5] =	stream.linear.gather [hbm4b:s13+s7], $0x80, $0x38;
	[tilespmem:$0xFC00] =	vst v63  }
0x49: {  	_ =	swait.ge [sflag:s22], $0x500  }
0x4a: {  	[sflag:s22] =	ssyncset.done $0x0  }
0x4b: {  	s15 =	simm.s32 $0xA00;
	s9 =	rddreg [dreg:$0xb];
	[sflag:s22] =	ssyncadd.s32 $0xFFFFFB00  }
0x4c: {  	[tilespmem:s15], [sflag:$0x5] =	stream.linear.gather [hbm4b:s9+s7], $0x80, $0x38;
	[tilespmem:$0xFC00] =	vst v63  }
0x4d: {  	s19 =	simm.s32 $0xB00;
	s16 =	sadd.s32 $0x10, s9  }
0x4e: {  	[tilespmem:s19], [sflag:$0x5] =	stream.linear.gather [hbm4b:s16+s7], $0x80, $0x38;
	[tilespmem:$0xFC00] =	vst v63  }
0x4f: {  	s21 =	simm.s32 $0xC00;
	s20 =	sadd.s32 $0x20, s9  }
0x50: {  	[tilespmem:s21], [sflag:$0x5] =	stream.linear.gather [hbm4b:s20+s7], $0x80, $0x38;
	[tilespmem:$0xFC00] =	vst v63  }
0x51: {  	s24 =	simm.s32 $0xD00;
	s23 =	sadd.s32 $0x30, s9  }
0x52: {  	[tilespmem:s24], [sflag:$0x5] =	stream.linear.gather [hbm4b:s23+s7], $0x80, $0x38;
	[tilespmem:$0xFC00] =	vst v63  }
0x53: {  	s26 =	simm.s32 $0xE00;
	s25 =	sadd.s32 $0x40, s9  }
0x54: {  	[tilespmem:s26], [sflag:$0x5] =	stream.linear.gather [hbm4b:s25+s7], $0x80, $0x38;
	[tilespmem:$0xFC00] =	vst v63  }
0x55: {  	s29 =	simm.s32 $0xF00;
	s28 =	sadd.s32 $0x50, s9  }
0x56: {  	[tilespmem:s29], [sflag:$0x5] =	stream.linear.gather [hbm4b:s28+s7], $0x80, $0x38;
	[tilespmem:$0xFC00] =	vst v63  }
0x57: {  	s12 =	simm.s32 $0x1000;
	s11 =	sadd.s32 $0x60, s9  }
0x58: {  	[tilespmem:s12], [sflag:$0x5] =	stream.linear.gather [hbm4b:s11+s7], $0x80, $0x38;
	[tilespmem:$0xFC00] =	vst v63  }
0x59: {  	s14 =	simm.s32 $0x1100;
	s13 =	sadd.s32 $0x70, s9  }
0x5a: {  	[tilespmem:s14], [sflag:$0x5] =	stream.linear.gather [hbm4b:s13+s7], $0x80, $0x38;
	[tilespmem:$0xFC00] =	vst v63  }
0x5b: {  	s15 =	sadd.s32 $0x80, s9;
	s16 =	simm.s32 $0x1200  }
0x5c: {  	[tilespmem:s16], [sflag:$0x5] =	stream.linear.gather [hbm4b:s15+s7], $0x80, $0x38;
	[tilespmem:$0xFC00] =	vst v63  }
0x5d: {  	s19 =	sadd.s32 $0x90, s9;
	s20 =	simm.s32 $0x1300  }
0x5e: {  	[tilespmem:s20], [sflag:$0x5] =	stream.linear.gather [hbm4b:s19+s7], $0x80, $0x38;
	[tilespmem:$0xFC00] =	vst v63  }
0x5f: {  	_ =	swait.ge [sflag:s22], $0x500  }
0x60: {  	[sflag:s22] =	ssyncset.done $0x0  }
0x61: {  	s21 =	simm.s32 $0x1400;
	s9 =	rddreg [dreg:$0xc];
	[sflag:s22] =	ssyncadd.s32 $0xFFFFFB00  }
0x62: {  	[tilespmem:s21], [sflag:$0x5] =	stream.linear.gather [hbm4b:s9+s7], $0x80, $0x38;
	[tilespmem:$0xFC00] =	vst v63  }
0x63: {  	s24 =	simm.s32 $0x1500;
	s23 =	sadd.s32 $0x10, s9  }
0x64: {  	[tilespmem:s24], [sflag:$0x5] =	stream.linear.gather [hbm4b:s23+s7], $0x80, $0x38;
	[tilespmem:$0xFC00] =	vst v63  }
0x65: {  	s26 =	simm.s32 $0x1600;
	s25 =	sadd.s32 $0x20, s9  }
0x66: {  	[tilespmem:s26], [sflag:$0x5] =	stream.linear.gather [hbm4b:s25+s7], $0x80, $0x38;
	[tilespmem:$0xFC00] =	vst v63  }
0x67: {  	s29 =	simm.s32 $0x1700;
	s28 =	sadd.s32 $0x30, s9  }
0x68: {  	[tilespmem:s29], [sflag:$0x5] =	stream.linear.gather [hbm4b:s28+s7], $0x80, $0x38;
	[tilespmem:$0xFC00] =	vst v63  }
0x69: {  	s12 =	simm.s32 $0x1800;
	s11 =	sadd.s32 $0x40, s9  }
0x6a: {  	[tilespmem:s12], [sflag:$0x5] =	stream.linear.gather [hbm4b:s11+s7], $0x80, $0x38;
	[tilespmem:$0xFC00] =	vst v63  }
0x6b: {  	s14 =	simm.s32 $0x1900;
	s13 =	sadd.s32 $0x50, s9  }
0x6c: {  	[tilespmem:s14], [sflag:$0x5] =	stream.linear.gather [hbm4b:s13+s7], $0x80, $0x38;
	[tilespmem:$0xFC00] =	vst v63  }
0x6d: {  	s16 =	simm.s32 $0x1A00;
	s15 =	sadd.s32 $0x60, s9  }
0x6e: {  	[tilespmem:s16], [sflag:$0x5] =	stream.linear.gather [hbm4b:s15+s7], $0x80, $0x38;
	[tilespmem:$0xFC00] =	vst v63  }
0x6f: {  	s20 =	simm.s32 $0x1B00;
	s19 =	sadd.s32 $0x70, s9  }
0x70: {  	[tilespmem:s20], [sflag:$0x5] =	stream.linear.gather [hbm4b:s19+s7], $0x80, $0x38;
	[tilespmem:$0xFC00] =	vst v63  }
0x71: {  	s21 =	sadd.s32 $0x80, s9;
	s23 =	simm.s32 $0x1C00  }
0x72: {  	[tilespmem:s23], [sflag:$0x5] =	stream.linear.gather [hbm4b:s21+s7], $0x80, $0x38;
	[tilespmem:$0xFC00] =	vst v63  }
0x73: {  	s24 =	sadd.s32 $0x90, s9;
	s25 =	simm.s32 $0x1D00  }
0x74: {  	[tilespmem:s25], [sflag:$0x5] =	stream.linear.gather [hbm4b:s24+s7], $0x80, $0x38;
	[tilespmem:$0xFC00] =	vst v63  }
0x75: {  	_ =	swait.ge [sflag:s22], $0x500  }
0x76: {  	[sflag:s22] =	ssyncset.done $0x0  }
0x77: {  	s26 =	simm.s32 $0x1E00;
	s9 =	rddreg [dreg:$0xd];
	[sflag:s22] =	ssyncadd.s32 $0xFFFFFB00  }
0x78: {  	[tilespmem:s26], [sflag:$0x5] =	stream.linear.gather [hbm4b:s9+s7], $0x80, $0x38;
	[tilespmem:$0xFC00] =	vst v63  }
0x79: {  	s29 =	simm.s32 $0x1F00;
	s28 =	sadd.s32 $0x10, s9  }
0x7a: {  	[tilespmem:s29], [sflag:$0x5] =	stream.linear.gather [hbm4b:s28+s7], $0x80, $0x38;
	[tilespmem:$0xFC00] =	vst v63  }
0x7b: {  	s11 =	simm.s32 $0x2000;
	s10 =	sadd.s32 $0x20, s9  }
0x7c: {  	[tilespmem:s11], [sflag:$0x5] =	stream.linear.gather [hbm4b:s10+s7], $0x80, $0x38;
	[tilespmem:$0xFC00] =	vst v63  }
0x7d: {  	s13 =	simm.s32 $0x2100;
	s12 =	sadd.s32 $0x30, s9  }
0x7e: {  	[tilespmem:s13], [sflag:$0x5] =	stream.linear.gather [hbm4b:s12+s7], $0x80, $0x38;
	[tilespmem:$0xFC00] =	vst v63  }
0x7f: {  	s15 =	simm.s32 $0x2200;
	s14 =	sadd.s32 $0x40, s9  }
0x80: {  	[tilespmem:s15], [sflag:$0x5] =	stream.linear.gather [hbm4b:s14+s7], $0x80, $0x38;
	[tilespmem:$0xFC00] =	vst v63  }
0x81: {  	s19 =	simm.s32 $0x2300;
	s16 =	sadd.s32 $0x50, s9  }
0x82: {  	[tilespmem:s19], [sflag:$0x5] =	stream.linear.gather [hbm4b:s16+s7], $0x80, $0x38;
	[tilespmem:$0xFC00] =	vst v63  }
0x83: {  	s21 =	simm.s32 $0x2400;
	s20 =	sadd.s32 $0x60, s9  }
0x84: {  	[tilespmem:s21], [sflag:$0x5] =	stream.linear.gather [hbm4b:s20+s7], $0x80, $0x38;
	[tilespmem:$0xFC00] =	vst v63  }
0x85: {  	s24 =	simm.s32 $0x2500;
	s23 =	sadd.s32 $0x70, s9  }
0x86: {  	[tilespmem:s24], [sflag:$0x5] =	stream.linear.gather [hbm4b:s23+s7], $0x80, $0x38;
	[tilespmem:$0xFC00] =	vst v63  }
0x87: {  	s25 =	sadd.s32 $0x80, s9;
	s26 =	simm.s32 $0x2600  }
0x88: {  	[tilespmem:s26], [sflag:$0x5] =	stream.linear.gather [hbm4b:s25+s7], $0x80, $0x38;
	[tilespmem:$0xFC00] =	vst v63  }
0x89: {  	s28 =	sadd.s32 $0x90, s9;
	s29 =	simm.s32 $0x2700  }
0x8a: {  	[tilespmem:s29], [sflag:$0x5] =	stream.linear.gather [hbm4b:s28+s7], $0x80, $0x38;
	[tilespmem:$0xFC00] =	vst v63  }
0x8b: {  	_ =	swait.ge [sflag:s22], $0x500  }
0x8c: {  	s3 =	simm.s32 $0x2800;
	s9 =	simm.s32 $0x10;
	[sflag:s22] =	ssyncset.done $0x0  }
0x8d: {  	s15 =	sadd.s32 $0x0, s17;
	s14 =	simm.s32 $0x2900;
	[sflag:s22] =	ssyncadd.s32 $0xFFFFFB00  }
.LBB2_2:
0x8e: {  	[tilespmem:s3], [sflag:$0x5] =	stream.linear.gather [hbm4b:s15+s7], $0x80, $0x38;
	[tilespmem:$0xFC00] =	vst v63  }
0x8f: {  	s15 =	smov.u32 s9;
	s3 =	smov.u32 s14;
	p0 =	sne.s32 s9, $0x4F0  }
.Ltmp2:
0x90: {  	s9 =	sadd.s32 $0x10, s9;
	(pc) =	sbr.rel @p0 .LBB2_2-.Ltmp2, $2  }
0x91: {  	_ =	sdelay $0x2  }
0x92: {  	s14 =	sadd.s32 $0x100, s14;
	s15 =	sadd.s32 s15, s17  }
0x93: {  	[tilespmem:s3], [sflag:$0x5] =	stream.linear.gather [hbm4b:s15+s7], $0x80, $0x38;
	[tilespmem:$0xFC00] =	vst v63  }
0x94: {  	_ =	swait.ge [sflag:s22], $0x2800  }
0x95: {  	[sflag:s22] =	ssyncset.done $0x0  }
0x96: {  	s9 =	simm.s32 $0xA70;
	[sflag:s22] =	ssyncadd.s32 $0xFFFFD800  }
0x97: {  	v3 =	vld [tilespmem:s9+$0x0]  }
0x98: {  	v4 =	vld [tilespmem:s9+$0xFFFFFFA0]  }
0x99: {  	v5 =	vld [tilespmem:s9+$0xFFFFFFB0]  }
0x9a: {  	v2 =	vld [tilespmem:s9+$0xFFFFFFC0]  }
0x9b: {  	v1 =	vld [tilespmem:s9+$0xFFFFFFD0]  }
0x9c: {  	v0 =	vld [tilespmem:s9+$0xFFFFFFE0];
	v6 =	vadd.s32 $0x3E8, v3  }
0x9d: {  	v7 =	vadd.s32 $0x3E8, v4;
	v3 =	vld [tilespmem:s9+$0xFFFFFFF0];
	[tilespmem:s9+$0x0] =	vst v6  }
0x9e: {  	s14 =	simm.s32 $0x0;
	s3 =	simm.s32 $0x1470;
	s15 =	simm.s32 $0xB70;
	v4 =	vld [tilespmem:s9+$0xFFFFFF90];
	v5 =	vadd.s32 $0x3E8, v5;
	[tilespmem:s9+$0xFFFFFFA0] =	vst v7  }
.LBB2_4:
0x9f: {  	v6 =	vld [tilespmem:s15+$0x0];
	s14 =	sadd.s32 $0x8, s14;
	[tilespmem:s9+$0xFFFFFFB0] =	vst v5;
	v2 =	vadd.s32 $0x3E8, v2  }
0xa0: {  	v5 =	vld [tilespmem:s15+$0xFFFFFFA0];
	p0 =	slt.u32 s14, $0x48;
	[tilespmem:s9+$0xFFFFFFC0] =	vst v2;
	v1 =	vadd.s32 $0x3E8, v1  }
0xa1: {  	v7 =	vld [tilespmem:s15+$0xFFFFFFB0];
	[tilespmem:s9+$0xFFFFFFD0] =	vst v1;
	v0 =	vadd.s32 $0x3E8, v0  }
.Ltmp3:
0xa2: {  	v2 =	vld [tilespmem:s15+$0xFFFFFFC0];
	[tilespmem:s9+$0xFFFFFFE0] =	vst v0;
	v0 =	vadd.s32 $0x3E8, v3;
	(pc) =	sbr.rel @p0 .LBB2_4-.Ltmp3, $4  }
0xa3: {  	v1 =	vld [tilespmem:s15+$0xFFFFFFD0];
	v3 =	vadd.s32 $0x3E8, v4;
	[tilespmem:s9+$0xFFFFFFF0] =	vst v0  }
0xa4: {  	v0 =	vld [tilespmem:s15+$0xFFFFFFE0];
	v4 =	vadd.s32 $0x3E8, v6;
	[tilespmem:s9+$0xFFFFFF90] =	vst v3;
	s9 =	smov.u32 s15  }
0xa5: {  	v5 =	vadd.s32 $0x3E8, v5;
	v3 =	vld [tilespmem:s15+$0xFFFFFFF0];
	[tilespmem:s15+$0x0] =	vst v4  }
0xa6: {  	s15 =	sadd.s32 $0x100, s15;
	v4 =	vld [tilespmem:s9+$0xFFFFFF90];
	[tilespmem:s9+$0xFFFFFFA0] =	vst v5;
	v5 =	vadd.s32 $0x3E8, v7  }
0xa7: {  	[tilespmem:s9+$0xFFFFFFB0] =	vst v5;
	v2 =	vadd.s32 $0x3E8, v2  }
0xa8: {  	[tilespmem:s9+$0xFFFFFFC0] =	vst v2;
	v1 =	vadd.s32 $0x3E8, v1  }
0xa9: {  	[tilespmem:s9+$0xFFFFFFD0] =	vst v1;
	v0 =	vadd.s32 $0x3E8, v0  }
0xaa: {  	[tilespmem:s9+$0xFFFFFFE0] =	vst v0;
	v0 =	vadd.s32 $0x3E8, v3  }
0xab: {  	v1 =	vadd.s32 $0x3E8, v4;
	[tilespmem:s9+$0xFFFFFFF0] =	vst v0  }
0xac: {  	[tilespmem:s9+$0xFFFFFF90] =	vst v1  }
0xad: {  	v3 =	vld [tilespmem:s3+$0x0]  }
0xae: {  	v4 =	vld [tilespmem:s3+$0xFFFFFFA0]  }
0xaf: {  	v5 =	vld [tilespmem:s3+$0xFFFFFFB0]  }
0xb0: {  	v2 =	vld [tilespmem:s3+$0xFFFFFFC0]  }
0xb1: {  	v1 =	vld [tilespmem:s3+$0xFFFFFFD0]  }
0xb2: {  	v0 =	vld [tilespmem:s3+$0xFFFFFFE0];
	v6 =	vadd.s32 $0x7D0, v3  }
0xb3: {  	v7 =	vadd.s32 $0x7D0, v4;
	v3 =	vld [tilespmem:s3+$0xFFFFFFF0];
	[tilespmem:s3+$0x0] =	vst v6  }
0xb4: {  	s14 =	simm.s32 $0x0;
	s15 =	simm.s32 $0x1570;
	s9 =	simm.s32 $0x1E70;
	v4 =	vld [tilespmem:s3+$0xFFFFFF90];
	v5 =	vadd.s32 $0x7D0, v5;
	[tilespmem:s3+$0xFFFFFFA0] =	vst v7  }
.LBB2_6:
0xb5: {  	v6 =	vld [tilespmem:s15+$0x0];
	s14 =	sadd.s32 $0x8, s14;
	[tilespmem:s3+$0xFFFFFFB0] =	vst v5;
	v2 =	vadd.s32 $0x7D0, v2  }
0xb6: {  	v5 =	vld [tilespmem:s15+$0xFFFFFFA0];
	p0 =	slt.u32 s14, $0x48;
	[tilespmem:s3+$0xFFFFFFC0] =	vst v2;
	v1 =	vadd.s32 $0x7D0, v1  }
0xb7: {  	v7 =	vld [tilespmem:s15+$0xFFFFFFB0];
	[tilespmem:s3+$0xFFFFFFD0] =	vst v1;
	v0 =	vadd.s32 $0x7D0, v0  }
.Ltmp4:
0xb8: {  	v2 =	vld [tilespmem:s15+$0xFFFFFFC0];
	[tilespmem:s3+$0xFFFFFFE0] =	vst v0;
	v0 =	vadd.s32 $0x7D0, v3;
	(pc) =	sbr.rel @p0 .LBB2_6-.Ltmp4, $4  }
0xb9: {  	v1 =	vld [tilespmem:s15+$0xFFFFFFD0];
	v3 =	vadd.s32 $0x7D0, v4;
	[tilespmem:s3+$0xFFFFFFF0] =	vst v0  }
0xba: {  	v0 =	vld [tilespmem:s15+$0xFFFFFFE0];
	v4 =	vadd.s32 $0x7D0, v6;
	[tilespmem:s3+$0xFFFFFF90] =	vst v3;
	s3 =	smov.u32 s15  }
0xbb: {  	v5 =	vadd.s32 $0x7D0, v5;
	v3 =	vld [tilespmem:s15+$0xFFFFFFF0];
	[tilespmem:s15+$0x0] =	vst v4  }
0xbc: {  	s15 =	sadd.s32 $0x100, s15;
	v4 =	vld [tilespmem:s3+$0xFFFFFF90];
	[tilespmem:s3+$0xFFFFFFA0] =	vst v5;
	v5 =	vadd.s32 $0x7D0, v7  }
0xbd: {  	[tilespmem:s3+$0xFFFFFFB0] =	vst v5;
	v2 =	vadd.s32 $0x7D0, v2  }
0xbe: {  	[tilespmem:s3+$0xFFFFFFC0] =	vst v2;
	v1 =	vadd.s32 $0x7D0, v1  }
0xbf: {  	[tilespmem:s3+$0xFFFFFFD0] =	vst v1;
	v0 =	vadd.s32 $0x7D0, v0  }
0xc0: {  	[tilespmem:s3+$0xFFFFFFE0] =	vst v0;
	v0 =	vadd.s32 $0x7D0, v3  }
0xc1: {  	v1 =	vadd.s32 $0x7D0, v4;
	[tilespmem:s3+$0xFFFFFFF0] =	vst v0  }
0xc2: {  	[tilespmem:s3+$0xFFFFFF90] =	vst v1  }
0xc3: {  	v3 =	vld [tilespmem:s9+$0x0]  }
0xc4: {  	v4 =	vld [tilespmem:s9+$0xFFFFFFA0]  }
0xc5: {  	v5 =	vld [tilespmem:s9+$0xFFFFFFB0]  }
0xc6: {  	v2 =	vld [tilespmem:s9+$0xFFFFFFC0]  }
0xc7: {  	v1 =	vld [tilespmem:s9+$0xFFFFFFD0]  }
0xc8: {  	v0 =	vld [tilespmem:s9+$0xFFFFFFE0];
	v6 =	vadd.s32 $0xBB8, v3  }
0xc9: {  	v7 =	vadd.s32 $0xBB8, v4;
	v3 =	vld [tilespmem:s9+$0xFFFFFFF0];
	[tilespmem:s9+$0x0] =	vst v6  }
0xca: {  	s14 =	simm.s32 $0x1F70;
	s3 =	simm.s32 $0x0;
	v4 =	vld [tilespmem:s9+$0xFFFFFF90];
	v5 =	vadd.s32 $0xBB8, v5;
	[tilespmem:s9+$0xFFFFFFA0] =	vst v7  }
.LBB2_8:
0xcb: {  	v6 =	vld [tilespmem:s14+$0x0];
	s3 =	sadd.s32 $0x8, s3;
	[tilespmem:s9+$0xFFFFFFB0] =	vst v5;
	v2 =	vadd.s32 $0xBB8, v2  }
0xcc: {  	v5 =	vld [tilespmem:s14+$0xFFFFFFA0];
	p0 =	slt.u32 s3, $0x48;
	[tilespmem:s9+$0xFFFFFFC0] =	vst v2;
	v1 =	vadd.s32 $0xBB8, v1  }
0xcd: {  	v7 =	vld [tilespmem:s14+$0xFFFFFFB0];
	[tilespmem:s9+$0xFFFFFFD0] =	vst v1;
	v0 =	vadd.s32 $0xBB8, v0  }
.Ltmp5:
0xce: {  	v2 =	vld [tilespmem:s14+$0xFFFFFFC0];
	[tilespmem:s9+$0xFFFFFFE0] =	vst v0;
	v0 =	vadd.s32 $0xBB8, v3;
	(pc) =	sbr.rel @p0 .LBB2_8-.Ltmp5, $4  }
0xcf: {  	v1 =	vld [tilespmem:s14+$0xFFFFFFD0];
	v3 =	vadd.s32 $0xBB8, v4;
	[tilespmem:s9+$0xFFFFFFF0] =	vst v0  }
0xd0: {  	v0 =	vld [tilespmem:s14+$0xFFFFFFE0];
	v4 =	vadd.s32 $0xBB8, v6;
	[tilespmem:s9+$0xFFFFFF90] =	vst v3;
	s9 =	smov.u32 s14  }
0xd1: {  	s29 =	simm.s32 $0x0;
	v5 =	vadd.s32 $0xBB8, v5;
	v3 =	vld [tilespmem:s14+$0xFFFFFFF0];
	[tilespmem:s14+$0x0] =	vst v4  }
0xd2: {  	s14 =	sadd.s32 $0x100, s14;
	v4 =	vld [tilespmem:s9+$0xFFFFFF90];
	[tilespmem:s9+$0xFFFFFFA0] =	vst v5;
	v5 =	vadd.s32 $0xBB8, v7  }
0xd3: {  	[tilespmem:s9+$0xFFFFFFB0] =	vst v5;
	v2 =	vadd.s32 $0xBB8, v2  }
0xd4: {  	[tilespmem:s9+$0xFFFFFFC0] =	vst v2;
	v1 =	vadd.s32 $0xBB8, v1  }
0xd5: {  	[tilespmem:s9+$0xFFFFFFD0] =	vst v1;
	v0 =	vadd.s32 $0xBB8, v0  }
0xd6: {  	[tilespmem:s9+$0xFFFFFFE0] =	vst v0;
	v62 =	vadd.s32 $0xBB8, v3  }
0xd7: {  	v63 =	vadd.s32 $0xBB8, v4;
	[tilespmem:s9+$0xFFFFFFF0] =	vst v62  }
0xd8: {  	s19 =	simm.s32 $0x0;
	s20 =	simm.s32 $0x0;
	[tilespmem:s9+$0xFFFFFF90] =	vst v63  }
.LBB2_10:
0xd9: {  	s3 =	smul.u32 $0x19A, s20;
	_ =	sdelay $0x1  }
0xda: {  	s3 =	sshrl.u32 s3, $0xB  }
0xdb: {  	s3 =	sand.u32 $0x1F, s3  }
0xdc: {  	s3 =	smul.u32 $0xA, s3  }
0xdd: {  	s25 =	sshll.u32 s20, $0x1  }
0xde: {  	p0 =	seq.s32 s20, $0x0;
	s28 =	ssub.s32 s25, s3  }
0xdf: {  	s9 =	sand.u32 @!p0 $0xFF, s28  }
0xe0: {  	p1 =	sne.s32 @!p0 s9, $0x0  }
0xe1: {  	p1 =	por p0, p1  }
.Ltmp6:
0xe2: {  	_ = 	snop;
	(pc) =	sbr.rel @p1 .LBB2_21-.Ltmp6, $3  }
0xe3: {  	s26 =	smulhi.u32 $0xCCCCCCCD, s20;
	_ =	sdelay $0x1  }
0xe4: {  	s3 =	sshll.u32 s26, $0x5  }
0xe5: {  	s23 =	sand.u32 $0x80, s3  }
0xe6: {  	s14 =	smul.u32 $0xCD, s20;
	_ =	sdelay $0x1  }
0xe7: {  	s3 =	sshrl.u32 s14, $0xA  }
0xe8: {  	s9 =	sand.u32 $0x3F, s3  }
0xe9: {  	s3 =	smul.u32 $0x500, s9  }
0xea: {  	s10 =	rddreg [dreg:$0x9]  }
0xeb: {  	s15 =	sadd.s32 s10, s3  }
0xec: {  	s14 =	sshrl.u32 s14, $0x3;
	s16 =	sshrl.u32 s15, $0x3  }
0xed: {  	s15 =	sand.u32 $0x80, s14;
	s14 =	simm.s32 $0x0;
	s16 =	sadd.s32 s2, s16  }
0xee: {  	[tilespmem:s15], [sflag:$0x5] =	stream.linear.gather [hbm4b:s16+s14], $0x80, $0x38;
	[tilespmem:$0xFC00] =	vst v63  }
0xef: {  	s24 =	sor.u32 $0x100, s15;
	s21 =	sadd.s32 $0x10, s16  }
0xf0: {  	[tilespmem:s24], [sflag:$0x5] =	stream.linear.gather [hbm4b:s21+s14], $0x80, $0x38;
	[tilespmem:$0xFC00] =	vst v63  }
0xf1: {  	s13 =	sor.u32 $0x200, s15;
	s12 =	sadd.s32 $0x20, s16  }
0xf2: {  	[tilespmem:s13], [sflag:$0x5] =	stream.linear.gather [hbm4b:s12+s14], $0x80, $0x38;
	[tilespmem:$0xFC00] =	vst v63  }
0xf3: {  	s26 =	sor.u32 $0x300, s15;
	s24 =	sadd.s32 $0x30, s16  }
0xf4: {  	[tilespmem:s26], [sflag:$0x5] =	stream.linear.gather [hbm4b:s24+s14], $0x80, $0x38;
	[tilespmem:$0xFC00] =	vst v63  }
0xf5: {  	s11 =	sor.u32 $0x400, s15;
	s10 =	sadd.s32 $0x40, s16  }
0xf6: {  	[tilespmem:s11], [sflag:$0x5] =	stream.linear.gather [hbm4b:s10+s14], $0x80, $0x38;
	[tilespmem:$0xFC00] =	vst v63  }
0xf7: {  	s12 =	sadd.s32 $0x50, s16;
	s13 =	sor.u32 $0x500, s15  }
0xf8: {  	[tilespmem:s13], [sflag:$0x5] =	stream.linear.gather [hbm4b:s12+s14], $0x80, $0x38;
	[tilespmem:$0xFC00] =	vst v63  }
0xf9: {  	s24 =	sadd.s32 $0x60, s16;
	s26 =	sor.u32 $0x600, s15  }
0xfa: {  	[tilespmem:s26], [sflag:$0x5] =	stream.linear.gather [hbm4b:s24+s14], $0x80, $0x38;
	[tilespmem:$0xFC00] =	vst v63  }
0xfb: {  	s10 =	sadd.s32 $0x70, s16;
	s11 =	sor.u32 $0x700, s15  }
0xfc: {  	[tilespmem:s11], [sflag:$0x5] =	stream.linear.gather [hbm4b:s10+s14], $0x80, $0x38;
	[tilespmem:$0xFC00] =	vst v63  }
0xfd: {  	s12 =	sadd.s32 $0x80, s16;
	s13 =	sor.u32 $0x800, s15  }
0xfe: {  	[tilespmem:s13], [sflag:$0x5] =	stream.linear.gather [hbm4b:s12+s14], $0x80, $0x38;
	[tilespmem:$0xFC00] =	vst v63  }
0xff: {  	s16 =	sadd.s32 $0x90, s16;
	s24 =	sor.u32 $0x900, s15  }
0x100: {  	[tilespmem:s24], [sflag:$0x5] =	stream.linear.gather [hbm4b:s16+s14], $0x80, $0x38;
	[tilespmem:$0xFC00] =	vst v63  }
0x101: {  	_ =	swait.ge [sflag:s22], $0x500  }
0x102: {  	s26 =	rddreg [dreg:$0x7]  }
0x103: {  	s10 =	sadd.s32 s26, s3  }
0x104: {  	[sflag:s22] =	ssyncset.done $0x0;
	s16 =	sshrl.u32 s10, $0x3  }
0x105: {  	s11 =	sor.u32 $0xA00, s15;
	[sflag:s22] =	ssyncadd.s32 $0xFFFFFB00;
	s16 =	sadd.s32 s2, s16  }
0x106: {  	[tilespmem:s11], [sflag:$0x5] =	stream.linear.gather [hbm4b:s16+s14], $0x80, $0x38;
	[tilespmem:$0xFC00] =	vst v63  }
0x107: {  	s13 =	sor.u32 $0xB00, s15;
	s12 =	sadd.s32 $0x10, s16  }
0x108: {  	[tilespmem:s13], [sflag:$0x5] =	stream.linear.gather [hbm4b:s12+s14], $0x80, $0x38;
	[tilespmem:$0xFC00] =	vst v63  }
0x109: {  	s26 =	sor.u32 $0xC00, s15;
	s24 =	sadd.s32 $0x20, s16  }
0x10a: {  	[tilespmem:s26], [sflag:$0x5] =	stream.linear.gather [hbm4b:s24+s14], $0x80, $0x38;
	[tilespmem:$0xFC00] =	vst v63  }
0x10b: {  	s10 =	sadd.s32 $0x30, s16;
	s11 =	sor.u32 $0xD00, s15  }
0x10c: {  	[tilespmem:s11], [sflag:$0x5] =	stream.linear.gather [hbm4b:s10+s14], $0x80, $0x38;
	[tilespmem:$0xFC00] =	vst v63  }
0x10d: {  	s12 =	sadd.s32 $0x40, s16;
	s13 =	sor.u32 $0xE00, s15  }
0x10e: {  	[tilespmem:s13], [sflag:$0x5] =	stream.linear.gather [hbm4b:s12+s14], $0x80, $0x38;
	[tilespmem:$0xFC00] =	vst v63  }
0x10f: {  	s24 =	sadd.s32 $0x50, s16;
	s26 =	sor.u32 $0xF00, s15  }
0x110: {  	[tilespmem:s26], [sflag:$0x5] =	stream.linear.gather [hbm4b:s24+s14], $0x80, $0x38;
	[tilespmem:$0xFC00] =	vst v63  }
0x111: {  	s10 =	sadd.s32 $0x60, s16;
	s11 =	sor.u32 $0x1000, s15  }
0x112: {  	[tilespmem:s11], [sflag:$0x5] =	stream.linear.gather [hbm4b:s10+s14], $0x80, $0x38;
	[tilespmem:$0xFC00] =	vst v63  }
0x113: {  	s12 =	sadd.s32 $0x70, s16;
	s13 =	sor.u32 $0x1100, s15  }
0x114: {  	[tilespmem:s13], [sflag:$0x5] =	stream.linear.gather [hbm4b:s12+s14], $0x80, $0x38;
	[tilespmem:$0xFC00] =	vst v63  }
0x115: {  	s24 =	sadd.s32 $0x80, s16;
	s26 =	sor.u32 $0x1200, s15  }
0x116: {  	[tilespmem:s26], [sflag:$0x5] =	stream.linear.gather [hbm4b:s24+s14], $0x80, $0x38;
	[tilespmem:$0xFC00] =	vst v63  }
0x117: {  	s16 =	sadd.s32 $0x90, s16;
	s10 =	sor.u32 $0x1300, s15  }
0x118: {  	[tilespmem:s10], [sflag:$0x5] =	stream.linear.gather [hbm4b:s16+s14], $0x80, $0x38;
	[tilespmem:$0xFC00] =	vst v63  }
0x119: {  	_ =	swait.ge [sflag:s22], $0x500  }
0x11a: {  	s11 =	rddreg [dreg:$0x8]  }
0x11b: {  	s12 =	sadd.s32 s11, s3  }
0x11c: {  	[sflag:s22] =	ssyncset.done $0x0;
	s16 =	sshrl.u32 s12, $0x3  }
0x11d: {  	s13 =	sor.u32 $0x1400, s15;
	[sflag:s22] =	ssyncadd.s32 $0xFFFFFB00;
	s16 =	sadd.s32 s2, s16  }
0x11e: {  	[tilespmem:s13], [sflag:$0x5] =	stream.linear.gather [hbm4b:s16+s14], $0x80, $0x38;
	[tilespmem:$0xFC00] =	vst v63  }
0x11f: {  	s26 =	sor.u32 $0x1500, s15;
	s24 =	sadd.s32 $0x10, s16  }
0x120: {  	[tilespmem:s26], [sflag:$0x5] =	stream.linear.gather [hbm4b:s24+s14], $0x80, $0x38;
	[tilespmem:$0xFC00] =	vst v63  }
0x121: {  	s11 =	sor.u32 $0x1600, s15;
	s10 =	sadd.s32 $0x20, s16  }
0x122: {  	[tilespmem:s11], [sflag:$0x5] =	stream.linear.gather [hbm4b:s10+s14], $0x80, $0x38;
	[tilespmem:$0xFC00] =	vst v63  }
0x123: {  	s12 =	sadd.s32 $0x30, s16;
	s13 =	sor.u32 $0x1700, s15  }
0x124: {  	[tilespmem:s13], [sflag:$0x5] =	stream.linear.gather [hbm4b:s12+s14], $0x80, $0x38;
	[tilespmem:$0xFC00] =	vst v63  }
0x125: {  	s24 =	sadd.s32 $0x40, s16;
	s26 =	sor.u32 $0x1800, s15  }
0x126: {  	[tilespmem:s26], [sflag:$0x5] =	stream.linear.gather [hbm4b:s24+s14], $0x80, $0x38;
	[tilespmem:$0xFC00] =	vst v63  }
0x127: {  	s10 =	sadd.s32 $0x50, s16;
	s11 =	sor.u32 $0x1900, s15  }
0x128: {  	[tilespmem:s11], [sflag:$0x5] =	stream.linear.gather [hbm4b:s10+s14], $0x80, $0x38;
	[tilespmem:$0xFC00] =	vst v63  }
0x129: {  	s12 =	sadd.s32 $0x60, s16;
	s13 =	sor.u32 $0x1A00, s15  }
0x12a: {  	[tilespmem:s13], [sflag:$0x5] =	stream.linear.gather [hbm4b:s12+s14], $0x80, $0x38;
	[tilespmem:$0xFC00] =	vst v63  }
0x12b: {  	s26 =	sadd.s32 $0x70, s16;
	s10 =	sor.u32 $0x1B00, s15  }
0x12c: {  	[tilespmem:s10], [sflag:$0x5] =	stream.linear.gather [hbm4b:s26+s14], $0x80, $0x38;
	[tilespmem:$0xFC00] =	vst v63  }
0x12d: {  	s11 =	sadd.s32 $0x80, s16;
	s12 =	sor.u32 $0x1C00, s15  }
0x12e: {  	[tilespmem:s12], [sflag:$0x5] =	stream.linear.gather [hbm4b:s11+s14], $0x80, $0x38;
	[tilespmem:$0xFC00] =	vst v63  }
0x12f: {  	s16 =	sadd.s32 $0x90, s16;
	s13 =	sor.u32 $0x1D00, s15  }
0x130: {  	[tilespmem:s13], [sflag:$0x5] =	stream.linear.gather [hbm4b:s16+s14], $0x80, $0x38;
	[tilespmem:$0xFC00] =	vst v63  }
0x131: {  	_ =	swait.ge [sflag:s22], $0x500  }
0x132: {  	s21 =	rddreg [dreg:$0xa]  }
0x133: {  	s3 =	sadd.s32 s21, s3  }
0x134: {  	[sflag:s22] =	ssyncset.done $0x0;
	s3 =	sshrl.u32 s3, $0x3  }
0x135: {  	s24 =	sor.u32 $0x1E00, s15;
	[sflag:s22] =	ssyncadd.s32 $0xFFFFFB00;
	s21 =	sadd.s32 s2, s3  }
0x136: {  	[tilespmem:s24], [sflag:$0x5] =	stream.linear.gather [hbm4b:s21+s14], $0x80, $0x38;
	[tilespmem:$0xFC00] =	vst v63  }
0x137: {  	s26 =	sor.u32 $0x1F00, s15;
	s3 =	sadd.s32 $0x10, s21  }
0x138: {  	[tilespmem:s26], [sflag:$0x5] =	stream.linear.gather [hbm4b:s3+s14], $0x80, $0x38;
	[tilespmem:$0xFC00] =	vst v63  }
0x139: {  	s11 =	sor.u32 $0x2000, s15;
	s10 =	sadd.s32 $0x20, s21  }
0x13a: {  	[tilespmem:s11], [sflag:$0x5] =	stream.linear.gather [hbm4b:s10+s14], $0x80, $0x38;
	[tilespmem:$0xFC00] =	vst v63  }
0x13b: {  	s13 =	sor.u32 $0x2100, s15;
	s12 =	sadd.s32 $0x30, s21  }
0x13c: {  	[tilespmem:s13], [sflag:$0x5] =	stream.linear.gather [hbm4b:s12+s14], $0x80, $0x38;
	[tilespmem:$0xFC00] =	vst v63  }
0x13d: {  	s24 =	sadd.s32 $0x40, s21;
	s26 =	sor.u32 $0x2200, s15  }
0x13e: {  	[tilespmem:s26], [sflag:$0x5] =	stream.linear.gather [hbm4b:s24+s14], $0x80, $0x38;
	[tilespmem:$0xFC00] =	vst v63  }
0x13f: {  	s10 =	sadd.s32 $0x50, s21;
	s11 =	sor.u32 $0x2300, s15  }
0x140: {  	[tilespmem:s11], [sflag:$0x5] =	stream.linear.gather [hbm4b:s10+s14], $0x80, $0x38;
	[tilespmem:$0xFC00] =	vst v63  }
0x141: {  	s12 =	sadd.s32 $0x60, s21;
	s13 =	sor.u32 $0x2400, s15  }
0x142: {  	[tilespmem:s13], [sflag:$0x5] =	stream.linear.gather [hbm4b:s12+s14], $0x80, $0x38;
	[tilespmem:$0xFC00] =	vst v63  }
0x143: {  	s24 =	sadd.s32 $0x70, s21;
	s26 =	sor.u32 $0x2500, s15  }
0x144: {  	[tilespmem:s26], [sflag:$0x5] =	stream.linear.gather [hbm4b:s24+s14], $0x80, $0x38;
	[tilespmem:$0xFC00] =	vst v63  }
0x145: {  	s10 =	sadd.s32 $0x80, s21;
	s11 =	sor.u32 $0x2600, s15  }
0x146: {  	[tilespmem:s11], [sflag:$0x5] =	stream.linear.gather [hbm4b:s10+s14], $0x80, $0x38;
	[tilespmem:$0xFC00] =	vst v63  }
0x147: {  	s15 =	sor.u32 $0x2700, s15;
	s12 =	sadd.s32 $0x90, s21  }
0x148: {  	[tilespmem:s15], [sflag:$0x5] =	stream.linear.gather [hbm4b:s12+s14], $0x80, $0x38;
	[tilespmem:$0xFC00] =	vst v63  }
0x149: {  	s13 =	smul.u32 $0x2800, s9;
	_ =	swait.ge [sflag:s22], $0x500  }
0x14a: {  	[sflag:s22] =	ssyncset.done $0x0  }
0x14b: {  	s3 =	sor.u32 $0x1E70, s23;
	s21 =	sadd.s32 s8, s13;
	[sflag:s22] =	ssyncadd.s32 $0xFFFFFB00  }
0x14c: {  	s9 =	sor.u32 $0x1470, s23;
	s24 =	sshrl.u32 s21, $0x3;
	s26 =	rddreg [dreg:$0x2]  }
0x14d: {  	s21 =	simm.s32 $0x10;
	s15 =	sor.u32 $0x2800, s23;
	s16 =	sadd.s32 s26, s24  }
0x14e: {  	s14 =	sor.u32 $0xA70, s23;
	s24 =	sadd.s32 $0x100, s15;
	s26 =	sadd.s32 $0x0, s16  }
.LBB2_12:
0x14f: {  	[tilespmem:s15], [sflag:$0x5] =	stream.linear.gather [hbm4b:s26+s7], $0x80, $0x38;
	[tilespmem:$0xFC00] =	vst v63  }
0x150: {  	s26 =	smov.u32 s21;
	s15 =	smov.u32 s24;
	p0 =	sne.s32 s21, $0x4F0  }
.Ltmp7:
0x151: {  	s21 =	sadd.s32 $0x10, s21;
	(pc) =	sbr.rel @p0 .LBB2_12-.Ltmp7, $2  }
0x152: {  	_ =	sdelay $0x2  }
0x153: {  	s24 =	sadd.s32 $0x100, s24;
	s26 =	sadd.s32 s26, s16  }
0x154: {  	[tilespmem:s15], [sflag:$0x5] =	stream.linear.gather [hbm4b:s26+s7], $0x80, $0x38;
	[tilespmem:$0xFC00] =	vst v63  }
0x155: {  	_ =	swait.ge [sflag:s22], $0x2800  }
0x156: {  	[sflag:s22] =	ssyncset.done $0x0  }
0x157: {  	[sflag:s22] =	ssyncadd.s32 $0xFFFFD800  }
0x158: {  	v3 =	vld [tilespmem:s14+$0x0]  }
0x159: {  	v4 =	vld [tilespmem:s14+$0xFFFFFFA0]  }
0x15a: {  	v5 =	vld [tilespmem:s14+$0xFFFFFFB0]  }
0x15b: {  	v2 =	vld [tilespmem:s14+$0xFFFFFFC0]  }
0x15c: {  	v1 =	vld [tilespmem:s14+$0xFFFFFFD0]  }
0x15d: {  	v0 =	vld [tilespmem:s14+$0xFFFFFFE0];
	v6 =	vadd.s32 $0x3E8, v3  }
0x15e: {  	v7 =	vadd.s32 $0x3E8, v4;
	v3 =	vld [tilespmem:s14+$0xFFFFFFF0];
	[tilespmem:s14+$0x0] =	vst v6  }
0x15f: {  	s15 =	simm.s32 $0x0;
	s16 =	sadd.s32 $0x100, s14;
	v4 =	vld [tilespmem:s14+$0xFFFFFF90];
	v5 =	vadd.s32 $0x3E8, v5;
	[tilespmem:s14+$0xFFFFFFA0] =	vst v7  }
.LBB2_14:
0x160: {  	v6 =	vld [tilespmem:s16+$0x0];
	s15 =	sadd.s32 $0x8, s15;
	[tilespmem:s14+$0xFFFFFFB0] =	vst v5;
	v2 =	vadd.s32 $0x3E8, v2  }
0x161: {  	v5 =	vld [tilespmem:s16+$0xFFFFFFA0];
	p0 =	slt.u32 s15, $0x48;
	[tilespmem:s14+$0xFFFFFFC0] =	vst v2;
	v1 =	vadd.s32 $0x3E8, v1  }
0x162: {  	v7 =	vld [tilespmem:s16+$0xFFFFFFB0];
	[tilespmem:s14+$0xFFFFFFD0] =	vst v1;
	v0 =	vadd.s32 $0x3E8, v0  }
.Ltmp8:
0x163: {  	v2 =	vld [tilespmem:s16+$0xFFFFFFC0];
	[tilespmem:s14+$0xFFFFFFE0] =	vst v0;
	v0 =	vadd.s32 $0x3E8, v3;
	(pc) =	sbr.rel @p0 .LBB2_14-.Ltmp8, $4  }
0x164: {  	v1 =	vld [tilespmem:s16+$0xFFFFFFD0];
	v3 =	vadd.s32 $0x3E8, v4;
	[tilespmem:s14+$0xFFFFFFF0] =	vst v0  }
0x165: {  	v0 =	vld [tilespmem:s16+$0xFFFFFFE0];
	v4 =	vadd.s32 $0x3E8, v6;
	[tilespmem:s14+$0xFFFFFF90] =	vst v3;
	s14 =	smov.u32 s16  }
0x166: {  	v5 =	vadd.s32 $0x3E8, v5;
	v3 =	vld [tilespmem:s16+$0xFFFFFFF0];
	[tilespmem:s16+$0x0] =	vst v4  }
0x167: {  	s16 =	sadd.s32 $0x100, s16;
	v4 =	vld [tilespmem:s14+$0xFFFFFF90];
	[tilespmem:s14+$0xFFFFFFA0] =	vst v5;
	v5 =	vadd.s32 $0x3E8, v7  }
0x168: {  	[tilespmem:s14+$0xFFFFFFB0] =	vst v5;
	v2 =	vadd.s32 $0x3E8, v2  }
0x169: {  	[tilespmem:s14+$0xFFFFFFC0] =	vst v2;
	v1 =	vadd.s32 $0x3E8, v1  }
0x16a: {  	[tilespmem:s14+$0xFFFFFFD0] =	vst v1;
	v0 =	vadd.s32 $0x3E8, v0  }
0x16b: {  	[tilespmem:s14+$0xFFFFFFE0] =	vst v0;
	v0 =	vadd.s32 $0x3E8, v3  }
0x16c: {  	v1 =	vadd.s32 $0x3E8, v4;
	[tilespmem:s14+$0xFFFFFFF0] =	vst v0  }
0x16d: {  	[tilespmem:s14+$0xFFFFFF90] =	vst v1  }
0x16e: {  	v3 =	vld [tilespmem:s9+$0x0]  }
0x16f: {  	v4 =	vld [tilespmem:s9+$0xFFFFFFA0]  }
0x170: {  	v5 =	vld [tilespmem:s9+$0xFFFFFFB0]  }
0x171: {  	v2 =	vld [tilespmem:s9+$0xFFFFFFC0]  }
0x172: {  	v1 =	vld [tilespmem:s9+$0xFFFFFFD0]  }
0x173: {  	v0 =	vld [tilespmem:s9+$0xFFFFFFE0];
	v6 =	vadd.s32 $0x7D0, v3  }
0x174: {  	v7 =	vadd.s32 $0x7D0, v4;
	v3 =	vld [tilespmem:s9+$0xFFFFFFF0];
	[tilespmem:s9+$0x0] =	vst v6  }
0x175: {  	s15 =	sadd.s32 $0x100, s9;
	s14 =	simm.s32 $0x0;
	v4 =	vld [tilespmem:s9+$0xFFFFFF90];
	v5 =	vadd.s32 $0x7D0, v5;
	[tilespmem:s9+$0xFFFFFFA0] =	vst v7  }
.LBB2_16:
0x176: {  	v6 =	vld [tilespmem:s15+$0x0];
	s14 =	sadd.s32 $0x8, s14;
	[tilespmem:s9+$0xFFFFFFB0] =	vst v5;
	v2 =	vadd.s32 $0x7D0, v2  }
0x177: {  	v5 =	vld [tilespmem:s15+$0xFFFFFFA0];
	p0 =	slt.u32 s14, $0x48;
	[tilespmem:s9+$0xFFFFFFC0] =	vst v2;
	v1 =	vadd.s32 $0x7D0, v1  }
0x178: {  	v7 =	vld [tilespmem:s15+$0xFFFFFFB0];
	[tilespmem:s9+$0xFFFFFFD0] =	vst v1;
	v0 =	vadd.s32 $0x7D0, v0  }
.Ltmp9:
0x179: {  	v2 =	vld [tilespmem:s15+$0xFFFFFFC0];
	[tilespmem:s9+$0xFFFFFFE0] =	vst v0;
	v0 =	vadd.s32 $0x7D0, v3;
	(pc) =	sbr.rel @p0 .LBB2_16-.Ltmp9, $4  }
0x17a: {  	v1 =	vld [tilespmem:s15+$0xFFFFFFD0];
	v3 =	vadd.s32 $0x7D0, v4;
	[tilespmem:s9+$0xFFFFFFF0] =	vst v0  }
0x17b: {  	v0 =	vld [tilespmem:s15+$0xFFFFFFE0];
	v4 =	vadd.s32 $0x7D0, v6;
	[tilespmem:s9+$0xFFFFFF90] =	vst v3;
	s9 =	smov.u32 s15  }
0x17c: {  	v5 =	vadd.s32 $0x7D0, v5;
	v3 =	vld [tilespmem:s15+$0xFFFFFFF0];
	[tilespmem:s15+$0x0] =	vst v4  }
0x17d: {  	s15 =	sadd.s32 $0x100, s15;
	v4 =	vld [tilespmem:s9+$0xFFFFFF90];
	[tilespmem:s9+$0xFFFFFFA0] =	vst v5;
	v5 =	vadd.s32 $0x7D0, v7  }
0x17e: {  	[tilespmem:s9+$0xFFFFFFB0] =	vst v5;
	v2 =	vadd.s32 $0x7D0, v2  }
0x17f: {  	[tilespmem:s9+$0xFFFFFFC0] =	vst v2;
	v1 =	vadd.s32 $0x7D0, v1  }
0x180: {  	[tilespmem:s9+$0xFFFFFFD0] =	vst v1;
	v0 =	vadd.s32 $0x7D0, v0  }
0x181: {  	[tilespmem:s9+$0xFFFFFFE0] =	vst v0;
	v0 =	vadd.s32 $0x7D0, v3  }
0x182: {  	v1 =	vadd.s32 $0x7D0, v4;
	[tilespmem:s9+$0xFFFFFFF0] =	vst v0  }
0x183: {  	[tilespmem:s9+$0xFFFFFF90] =	vst v1  }
0x184: {  	v3 =	vld [tilespmem:s3+$0x0]  }
0x185: {  	v4 =	vld [tilespmem:s3+$0xFFFFFFA0]  }
0x186: {  	v5 =	vld [tilespmem:s3+$0xFFFFFFB0]  }
0x187: {  	v2 =	vld [tilespmem:s3+$0xFFFFFFC0]  }
0x188: {  	v1 =	vld [tilespmem:s3+$0xFFFFFFD0]  }
0x189: {  	v0 =	vld [tilespmem:s3+$0xFFFFFFE0];
	v6 =	vadd.s32 $0xBB8, v3  }
0x18a: {  	v7 =	vadd.s32 $0xBB8, v4;
	v3 =	vld [tilespmem:s3+$0xFFFFFFF0];
	[tilespmem:s3+$0x0] =	vst v6  }
0x18b: {  	s14 =	sadd.s32 $0x100, s3;
	s9 =	simm.s32 $0x0;
	v4 =	vld [tilespmem:s3+$0xFFFFFF90];
	v5 =	vadd.s32 $0xBB8, v5;
	[tilespmem:s3+$0xFFFFFFA0] =	vst v7  }
.LBB2_18:
0x18c: {  	v6 =	vld [tilespmem:s14+$0x0];
	s9 =	sadd.s32 $0x8, s9;
	[tilespmem:s3+$0xFFFFFFB0] =	vst v5;
	v2 =	vadd.s32 $0xBB8, v2  }
0x18d: {  	v5 =	vld [tilespmem:s14+$0xFFFFFFA0];
	p0 =	slt.u32 s9, $0x48;
	[tilespmem:s3+$0xFFFFFFC0] =	vst v2;
	v1 =	vadd.s32 $0xBB8, v1  }
0x18e: {  	v7 =	vld [tilespmem:s14+$0xFFFFFFB0];
	[tilespmem:s3+$0xFFFFFFD0] =	vst v1;
	v0 =	vadd.s32 $0xBB8, v0  }
.Ltmp10:
0x18f: {  	v2 =	vld [tilespmem:s14+$0xFFFFFFC0];
	[tilespmem:s3+$0xFFFFFFE0] =	vst v0;
	v0 =	vadd.s32 $0xBB8, v3;
	(pc) =	sbr.rel @p0 .LBB2_18-.Ltmp10, $4  }
0x190: {  	v1 =	vld [tilespmem:s14+$0xFFFFFFD0];
	v3 =	vadd.s32 $0xBB8, v4;
	[tilespmem:s3+$0xFFFFFFF0] =	vst v0  }
0x191: {  	v0 =	vld [tilespmem:s14+$0xFFFFFFE0];
	v4 =	vadd.s32 $0xBB8, v6;
	[tilespmem:s3+$0xFFFFFF90] =	vst v3;
	s3 =	smov.u32 s14  }
0x192: {  	v5 =	vadd.s32 $0xBB8, v5;
	v3 =	vld [tilespmem:s14+$0xFFFFFFF0];
	[tilespmem:s14+$0x0] =	vst v4  }
0x193: {  	s14 =	sadd.s32 $0x100, s14;
	v4 =	vld [tilespmem:s3+$0xFFFFFF90];
	[tilespmem:s3+$0xFFFFFFA0] =	vst v5;
	v5 =	vadd.s32 $0xBB8, v7  }
0x194: {  	[tilespmem:s3+$0xFFFFFFB0] =	vst v5;
	v2 =	vadd.s32 $0xBB8, v2  }
.Ltmp11:
0x195: {  	[tilespmem:s3+$0xFFFFFFC0] =	vst v2;
	v1 =	vadd.s32 $0xBB8, v1;
	(pc) =	sbr.rel .LBB2_20-.Ltmp11, $4  }
0x196: {  	[tilespmem:s3+$0xFFFFFFD0] =	vst v1;
	v0 =	vadd.s32 $0xBB8, v0  }
0x197: {  	[tilespmem:s3+$0xFFFFFFE0] =	vst v0;
	v62 =	vadd.s32 $0xBB8, v3  }
0x198: {  	v63 =	vadd.s32 $0xBB8, v4;
	[tilespmem:s3+$0xFFFFFFF0] =	vst v62  }
0x199: {  	[tilespmem:s3+$0xFFFFFF90] =	vst v63  }
.LBB2_21:
.Ltmp12:
0x19a: {  	(pc) =	sbr.rel @p0 .LBB2_22-.Ltmp12, $1  }
0x19b: {  	_ =	sdelay $0x3  }
.LBB2_20:
0x19c: {  	_ =	swait.ge [sflag:s30], $0x4000  }
0x19d: {  	[sflag:s30] =	ssyncset.done $0x0  }
0x19e: {  	p0 =	por $0x0, $0x0;
	[sflag:s30] =	ssyncadd.s32 $0xFFFFC000  }
.LBB2_23:
0x19f: {  	s3 =	smulhi.u32 $0xCCCCCCCD, s29;
	_ =	sdelay $0x1  }
0x1a0: {  	s3 =	sshrl.u32 s3, $0x3  }
0x1a1: {  	s3 =	smul.u32 $0x5000, s3  }
0x1a2: {  	v8 =	vmov s23;
	v2 =	vld [tilespmem:$0xF930]  }
0x1a3: {  	v41 =	vld [tilespmem:$0xF830];
	s24 =	ssub.s32 s19, s3  }
0x1a4: {  	s15 =	simm.s32 $0x10;
	v40 =	vld [tilespmem:$0xF8B0];
	s9 =	sadd.s32 $0x20, s24  }
0x1a5: {  	v59 =	vld [tilespmem:$0xF9B0];
	s3 =	sand.u32 $0x70, s15;
	s9 =	sand.u32 $0x7700, s9  }
0x1a6: {  	s3 =	sor.u32 s3, s9  }
0x1a7: {  	v0 =	vld.idx.msk [tilespmem:v8+s3+$0x2800 ss:$0x1], $0xffff;
	[tilespmem:$0x1FC20] =	vst v2  }
0x1a8: {  	[tilespmem:$0x1FC40] =	vst v41  }
0x1a9: {  	s16 =	simm.s32 $0x0;
	[tilespmem:$0x1FC80] =	vst v40  }
0x1aa: {  	s21 =	sand.u32 $0x7700, s24;
	s3 =	sand.u32 $0x60, s16;
	[tilespmem:$0x1FCC0] =	vst v59  }
0x1ab: {  	[tilespmem:$0x1FC10] =	vst v8;
	s3 =	sor.u32 s3, s21  }
0x1ac: {  	v9 =	vld.idx.msk [tilespmem:v8+s3+$0x2800 ss:$0x1], $0xffff  }
0x1ad: {  	v28 =	vbroadcast v0, $0x8;
	v26 =	vbroadcast v0, $0x9;
	_ =	sdelay $0x1  }
0x1ae: {  	v1 =	vmul.f32 v28, v41;
	v3 =	vmul.f32 v26, v40;
	_ =	sdelay $0x1  }
0x1af: {  	v31 =	vadd.f32 v3, v1;
	v1 =	vbroadcast v9, $0x8  }
0x1b0: {  	v15 =	vbroadcast v0, $0xA  }
0x1b1: {  	v43 =	vld [tilespmem:$0xFA30];
	v5 =	vbroadcast v0, $0xB;
	[tilespmem:$0x1FCF0] =	vst v1;
	v1 =	vbroadcast v9, $0x9  }
0x1b2: {  	v21 =	vld [tilespmem:$0xFAB0];
	v6 =	vbroadcast v0, $0xC;
	v17 =	vbroadcast v0, $0xD  }
0x1b3: {  	v42 =	vld [tilespmem:$0xFB30];
	v23 =	vbroadcast v0, $0xE;
	[tilespmem:$0x1FD10] =	vst v1;
	v1 =	vbroadcast v9, $0xA  }
0x1b4: {  	v46 =	vld [tilespmem:$0xFBB0];
	v24 =	vbroadcast v0, $0xF;
	v22 =	vbroadcast v0, $0x0  }
0x1b5: {  	v37 =	vld [tilespmem:$0xF800];
	v29 =	vbroadcast v0, $0x1;
	[tilespmem:$0x1FD30] =	vst v1;
	v1 =	vbroadcast v9, $0xB  }
0x1b6: {  	v38 =	vld [tilespmem:$0xF810];
	v4 =	vmul.f32 v15, v2;
	v7 =	vmul.f32 v5, v59  }
0x1b7: {  	v56 =	vld [tilespmem:$0xF880];
	v8 =	vmul.f32 v6, v43;
	[tilespmem:$0x1FD50] =	vst v1;
	v1 =	vbroadcast v9, $0xC  }
0x1b8: {  	v54 =	vld [tilespmem:$0xF900];
	v18 =	vmul.f32 v17, v21;
	v19 =	vmul.f32 v23, v42  }
0x1b9: {  	v53 =	vld [tilespmem:$0xF980];
	v20 =	vmul.f32 v24, v46;
	[tilespmem:$0x1FD70] =	vst v1;
	v1 =	vbroadcast v9, $0xD  }
0x1ba: {  	v60 =	vld [tilespmem:$0xFA00];
	v30 =	vbroadcast v0, $0x2;
	v33 =	vbroadcast v0, $0x3;
	v32 =	vadd.f32 v7, v4  }
0x1bb: {  	v51 =	vld [tilespmem:$0xFA80];
	v18 =	vadd.f32 v18, v8;
	v19 =	vadd.f32 v20, v19;
	[tilespmem:$0x1FD90] =	vst v1;
	v1 =	vbroadcast v9, $0xE  }
0x1bc: {  	v44 =	vld [tilespmem:$0xFB00];
	v34 =	vbroadcast v0, $0x4;
	v35 =	vbroadcast v0, $0x5  }
0x1bd: {  	v47 =	vld [tilespmem:$0xFB80];
	v20 =	vadd.f32 v32, v31;
	v18 =	vadd.f32 v19, v18;
	[tilespmem:$0x1FDB0] =	vst v1;
	v1 =	vbroadcast v9, $0xF  }
0x1be: {  	v61 =	vld [tilespmem:$0xF820];
	v36 =	vbroadcast v0, $0x6;
	v0 =	vbroadcast v0, $0x7  }
0x1bf: {  	v2 =	vld [tilespmem:$0xF890];
	v19 =	vmul.f32 v22, v37;
	v31 =	vmul.f32 v29, v56;
	[tilespmem:$0x1FDD0] =	vst v1;
	v1 =	vadd.f32 v18, v20  }
0x1c0: {  	v14 =	vld [tilespmem:$0xF910];
	v18 =	vmul.f32 v34, v60;
	v20 =	vmul.f32 v35, v51  }
0x1c1: {  	v62 =	vld [tilespmem:$0xF990];
	v55 =	vmul.f32 v33, v53;
	v32 =	vmul.f32 v30, v54;
	[tilespmem:$0x1FFB0] =	vst v1;
	v1 =	vadd.f32 v31, v19  }
0x1c2: {  	v57 =	vld [tilespmem:$0xFA10];
	v19 =	vmul.f32 v36, v44;
	v31 =	vmul.f32 v0, v47;
	v3 =	vadd.f32 v20, v18  }
0x1c3: {  	v48 =	vld [tilespmem:$0xFA90];
	[tilespmem:$0x1FF00] =	vst v1;
	v1 =	vadd.f32 v55, v32  }
0x1c4: {  	v50 =	vld [tilespmem:$0xFB10];
	v18 =	vmul.f32 v29, v2;
	v32 =	vmul.f32 v22, v38;
	[tilespmem:$0x1FF30] =	vst v3;
	v3 =	vadd.f32 v31, v19  }
0x1c5: {  	v10 =	vld [tilespmem:$0xFB90]  }
0x1c6: {  	v20 =	vmul.f32 v33, v62;
	v19 =	vmul.f32 v30, v14;
	[tilespmem:$0x1FF40] =	vst v3;
	v3 =	vadd.f32 v18, v32  }
0x1c7: {  	v39 =	vld [tilespmem:$0xF8A0];
	v7 =	vmovc v37;
	v37 =	vmul.f32 v22, v61;
	[tilespmem:$0x1FF10] =	vst v1;
	v18 =	vmul.f32 v34, v57;
	v1 =	vmov v38  }
0x1c8: {  	v63 =	vld [tilespmem:$0xF920];
	v38 =	vmul.f32 v22, v41;
	[tilespmem:$0x1FF50] =	vst v3;
	v22 =	vmul.f32 v35, v48;
	v3 =	vadd.f32 v20, v19  }
0x1c9: {  	v58 =	vld [tilespmem:$0xF9A0]  }
0x1ca: {  	v49 =	vld [tilespmem:$0xFAA0];
	v19 =	vmul.f32 v36, v50;
	v20 =	vmul.f32 v0, v10;
	[tilespmem:$0x1FF60] =	vst v3;
	v3 =	vadd.f32 v22, v18  }
0x1cb: {  	v55 =	vld [tilespmem:$0xFA20]  }
0x1cc: {  	v18 =	vmul.f32 v29, v39;
	[tilespmem:$0x1FF70] =	vst v3;
	v3 =	vadd.f32 v20, v19  }
0x1cd: {  	v32 =	vmov v39  }
0x1ce: {  	v8 =	vld [tilespmem:$0xFB20];
	v39 =	vmul.f32 v33, v58;
	v19 =	vmul.f32 v30, v63;
	[tilespmem:$0x1FF80] =	vst v3;
	v3 =	vadd.f32 v18, v37  }
0x1cf: {  	v27 =	vbroadcast v9, $0x0;
	v4 =	vld [tilespmem:$0xFBA0];
	v29 =	vmul.f32 v29, v40  }
0x1d0: {  	v40 =	vmul.f32 v35, v49;
	v37 =	vmul.f32 v34, v55;
	[tilespmem:$0x1FF90] =	vst v3;
	v3 =	vadd.f32 v39, v19  }
0x1d1: {  	v25 =	vbroadcast v9, $0x1;
	v45 =	vbroadcast v9, $0x2  }
0x1d2: {  	v52 =	vbroadcast v9, $0x3;
	v12 =	vbroadcast v9, $0x4;
	[tilespmem:$0x1FFA0] =	vst v3;
	v3 =	vadd.f32 v40, v37  }
0x1d3: {  	v13 =	vbroadcast v9, $0x5;
	v11 =	vbroadcast v9, $0x6  }
0x1d4: {  	v41 =	vmul.f32 v0, v4;
	v39 =	vmul.f32 v36, v8;
	[tilespmem:$0x1FFC0] =	vst v3;
	v3 =	vld [tilespmem:$0x1FC20]  }
0x1d5: {  	[tilespmem:$0x1FCD0] =	vst v46;
	v16 =	vbroadcast v9, $0x7;
	v46 =	vmul.f32 v0, v46  }
0x1d6: {  	v33 =	vmul.f32 v33, v59;
	v35 =	vmul.f32 v35, v21;
	v18 =	vadd.f32 v41, v39  }
0x1d7: {  	v59 =	vmov v43;
	v34 =	vmul.f32 v34, v43;
	v43 =	vmul.f32 v5, v53  }
0x1d8: {  	v39 =	vmul.f32 v28, v1;
	[tilespmem:$0x1FFD0] =	vst v18;
	v18 =	vadd.f32 v29, v38;
	v29 =	vmul.f32 v36, v42  }
0x1d9: {  	v34 =	vadd.f32 v35, v34;
	v37 =	vmul.f32 v5, v62;
	v30 =	vmul.f32 v30, v3  }
0x1da: {  	v5 =	vmul.f32 v5, v58;
	[tilespmem:$0x1FFE0] =	vst v18;
	v18 =	vadd.f32 v46, v29;
	v29 =	vmul.f32 v15, v54  }
0x1db: {  	v9 =	vmovc v42;
	v42 =	vmul.f32 v26, v56;
	v0 =	vadd.f32 v33, v30;
	v30 =	vmul.f32 v28, v7  }
0x1dc: {  	[tilespmem:$0x1FC30] =	vst v18;
	v18 =	vadd.f32 v43, v29;
	v29 =	vmul.f32 v23, v44;
	v33 =	vmul.f32 v24, v47  }
0x1dd: {  	v46 =	vmul.f32 v17, v51;
	v35 =	vadd.f32 v42, v30;
	v30 =	vmul.f32 v6, v60  }
0x1de: {  	v38 =	vmul.f32 v17, v48;
	v20 =	vadd.f32 v33, v29;
	v29 =	vmul.f32 v15, v14  }
0x1df: {  	v17 =	vmul.f32 v17, v49;
	v28 =	vmul.f32 v28, v61;
	v19 =	vadd.f32 v46, v30  }
0x1e0: {  	[tilespmem:$0x1FE00] =	vst v2;
	v30 =	vmul.f32 v26, v2;
	v22 =	vadd.f32 v37, v29;
	v29 =	vmul.f32 v23, v50  }
0x1e1: {  	[tilespmem:$0x1FFF0] =	vst v0;
	v0 =	vmov v2;
	v46 =	vmul.f32 v24, v10;
	v2 =	vmul.f32 v15, v63  }
0x1e2: {  	v31 =	vmovc v21;
	v23 =	vmul.f32 v23, v8;
	v24 =	vmul.f32 v24, v4;
	v21 =	vadd.f32 v30, v39  }
0x1e3: {  	v30 =	vmul.f32 v6, v57;
	v37 =	vadd.f32 v46, v29;
	v6 =	vmul.f32 v6, v55  }
0x1e4: {  	v39 =	vadd.f32 v5, v2;
	v2 =	vmul.f32 v27, v7;
	v5 =	vmul.f32 v25, v56  }
0x1e5: {  	v41 =	vadd.f32 v24, v23;
	v23 =	vmul.f32 v12, v60;
	v24 =	vmul.f32 v13, v51  }
0x1e6: {  	v36 =	vadd.f32 v38, v30;
	v40 =	vadd.f32 v17, v6;
	v6 =	vmul.f32 v45, v54  }
0x1e7: {  	v17 =	vmul.f32 v52, v53;
	v42 =	vadd.f32 v5, v2;
	v2 =	vmul.f32 v11, v44  }
0x1e8: {  	v5 =	vmul.f32 v16, v47;
	v46 =	vadd.f32 v24, v23;
	v24 =	vmul.f32 v25, v0  }
0x1e9: {  	v43 =	vadd.f32 v17, v6;
	v6 =	vmul.f32 v27, v1;
	v17 =	vmul.f32 v27, v61  }
0x1ea: {  	v30 =	vmovc v61;
	v61 =	vadd.f32 v5, v2;
	v2 =	vmul.f32 v45, v14;
	v5 =	vmul.f32 v52, v62  }
0x1eb: {  	[tilespmem:$0x1FDE0] =	vst v1;
	v1 =	vld [tilespmem:$0x1FC80];
	v6 =	vadd.f32 v24, v6  }
0x1ec: {  	v2 =	vadd.f32 v5, v2  }
0x1ed: {  	v24 =	vmul.f32 v13, v48;
	[tilespmem:$0x1FC50] =	vst v6;
	v6 =	vmul.f32 v12, v57  }
0x1ee: {  	v5 =	vmul.f32 v16, v10;
	[tilespmem:$0x1FC60] =	vst v2;
	v2 =	vmul.f32 v11, v50  }
0x1ef: {  	v6 =	vadd.f32 v24, v6  }
0x1f0: {  	v24 =	vmul.f32 v25, v1;
	v2 =	vadd.f32 v5, v2;
	v5 =	vmul.f32 v45, v63  }
0x1f1: {  	[tilespmem:$0x1FC70] =	vst v6;
	v6 =	vmul.f32 v25, v32;
	v25 =	vmul.f32 v52, v58;
	_ =	sdelay $0x1  }
0x1f2: {  	v0 =	vadd.f32 v25, v5  }
0x1f3: {  	v33 =	vld [tilespmem:$0x1FC40]  }
0x1f4: {  	[tilespmem:$0x1FCB0] =	vst v0;
	v0 =	vld [tilespmem:$0x1FCC0];
	_ =	sdelay $0x4  }
0x1f5: {  	v23 =	vmul.f32 v27, v33;
	v27 =	vmul.f32 v52, v0;
	v52 =	vld [tilespmem:$0x1FD10];
	_ =	sdelay $0x4  }
0x1f6: {  	[tilespmem:$0x1FD00] =	vst v56;
	v5 =	vadd.f32 v24, v23;
	v23 =	vmul.f32 v52, v56;
	v56 =	vld [tilespmem:$0x1FD30];
	_ =	sdelay $0x3  }
0x1f7: {  	v26 =	vmul.f32 v26, v32;
	[tilespmem:$0x1FC90] =	vst v2;
	v2 =	vadd.f32 v6, v17;
	v6 =	vmul.f32 v12, v55  }
0x1f8: {  	[tilespmem:$0x1FD20] =	vst v54;
	v17 =	vmul.f32 v13, v49;
	v24 =	vmul.f32 v56, v54;
	v54 =	vld [tilespmem:$0x1FD50]  }
0x1f9: {  	v38 =	vadd.f32 v26, v28;
	v26 =	vmul.f32 v16, v4;
	v25 =	vmul.f32 v11, v8  }
0x1fa: {  	v13 =	vmul.f32 v13, v31;
	[tilespmem:$0x1FCA0] =	vst v2;
	v2 =	vadd.f32 v17, v6  }
0x1fb: {  	v17 =	vmul.f32 v45, v3;
	v45 =	vadd.f32 v26, v25;
	v25 =	vmul.f32 v12, v59  }
0x1fc: {  	v15 =	vmul.f32 v11, v9;
	v11 =	vld [tilespmem:$0x1FCD0]  }
0x1fd: {  	[tilespmem:$0x1FD40] =	vst v53;
	v13 =	vadd.f32 v13, v25;
	v25 =	vmul.f32 v54, v53;
	v53 =	vld [tilespmem:$0x1FD70]  }
0x1fe: {  	[tilespmem:$0x1FE70] =	vst v32;
	v32 =	vmov v63;
	v63 =	vmov v31;
	v31 =	vld [tilespmem:$0x1FD90]  }
0x1ff: {  	v6 =	vld [tilespmem:$0x1FCF0];
	_ =	sdelay $0x2  }
0x200: {  	[tilespmem:$0x1FD60] =	vst v60;
	v26 =	vmul.f32 v53, v60;
	v60 =	vld [tilespmem:$0x1FDE0]  }
0x201: {  	[tilespmem:$0x1FD80] =	vst v51;
	v12 =	vadd.f32 v27, v17;
	v27 =	vmul.f32 v31, v51;
	v51 =	vld [tilespmem:$0x1FDB0]  }
0x202: {  	[tilespmem:$0x1FCE0] =	vst v7;
	v16 =	vmul.f32 v16, v11;
	v17 =	vmul.f32 v6, v7;
	v7 =	vld [tilespmem:$0x1FDD0];
	_ =	sdelay $0x1  }
0x203: {  	[tilespmem:$0x1FDF0] =	vst v30;
	v15 =	vadd.f32 v16, v15;
	v30 =	vmul.f32 v6, v30;
	v33 =	vmul.f32 v6, v33  }
0x204: {  	v16 =	vadd.f32 v23, v17;
	v17 =	vadd.f32 v25, v24;
	v25 =	vmul.f32 v6, v60;
	v6 =	vld [tilespmem:$0x1FE00]  }
0x205: {  	[tilespmem:$0x1FE10] =	vst v14  }
0x206: {  	[tilespmem:$0x1FDA0] =	vst v44;
	v28 =	vmul.f32 v51, v44;
	v29 =	vmul.f32 v7, v47  }
0x207: {  	[tilespmem:$0x1FDC0] =	vst v47  }
0x208: {  	[tilespmem:$0x1FE20] =	vst v62;
	v44 =	vmul.f32 v7, v10;
	v24 =	vadd.f32 v29, v28;
	v28 =	vmul.f32 v54, v62  }
0x209: {  	[tilespmem:$0x1FE40] =	vst v48;
	v29 =	vmul.f32 v31, v48;
	v23 =	vadd.f32 v27, v26;
	v26 =	vmul.f32 v52, v6;
	v6 =	vld [tilespmem:$0x1FE10]  }
0x20a: {  	[tilespmem:$0x1FED0] =	vst v4;
	v47 =	vmovc v54;
	v48 =	vmov v51;
	v62 =	vmul.f32 v7, v4;
	v4 =	vmul.f32 v56, v3  }
0x20b: {  	[tilespmem:$0x1FEC0] =	vst v8;
	v60 =	vmul.f32 v48, v8;
	v8 =	vmov v7;
	v7 =	vmul.f32 v47, v0  }
0x20c: {  	[tilespmem:$0x1FE90] =	vst v58;
	v0 =	vld [tilespmem:$0x1FF00]  }
0x20d: {  	v14 =	vmovc v59;
	v59 =	vmul.f32 v31, v49;
	v58 =	vmul.f32 v54, v58;
	v54 =	vadd.f32 v7, v4;
	v4 =	vld [tilespmem:$0x1FF10]  }
0x20e: {  	v1 =	vmul.f32 v52, v1;
	v27 =	vmul.f32 v56, v6  }
0x20f: {  	v25 =	vadd.f32 v26, v25;
	v26 =	vmul.f32 v53, v57;
	v6 =	vmovc v53;
	v53 =	vmul.f32 v53, v55  }
0x210: {  	[tilespmem:$0x1FE50] =	vst v50;
	v3 =	vmul.f32 v31, v63;
	v27 =	vadd.f32 v28, v27;
	v28 =	vmul.f32 v51, v50;
	v50 =	vld [tilespmem:$0x1FE70]  }
0x211: {  	v51 =	vadd.f32 v59, v53;
	v53 =	vadd.f32 v1, v33;
	v1 =	vmul.f32 v6, v14  }
0x212: {  	[tilespmem:$0x1FE30] =	vst v57;
	v57 =	vmul.f32 v56, v32;
	v56 =	vadd.f32 v4, v0;
	v0 =	vld [tilespmem:$0x1FF30]  }
0x213: {  	[tilespmem:$0x1FEA0] =	vst v55;
	v55 =	vadd.f32 v3, v1;
	v1 =	vld [tilespmem:$0x1FF40];
	_ =	sdelay $0x1  }
0x214: {  	v26 =	vadd.f32 v29, v26;
	v29 =	vmul.f32 v52, v50;
	_ =	sdelay $0x1  }
0x215: {  	v3 =	vld [tilespmem:$0x1FF60];
	v29 =	vadd.f32 v29, v30  }
0x216: {  	v30 =	vadd.f32 v58, v57;
	v57 =	vadd.f32 v1, v0;
	v0 =	vld [tilespmem:$0x1FF50];
	_ =	sdelay $0x2  }
0x217: {  	v7 =	vmul.f32 v8, v11;
	v4 =	vmul.f32 v48, v9;
	_ =	sdelay $0x1  }
0x218: {  	v1 =	vadd.f32 v7, v4;
	v4 =	vadd.f32 v3, v0;
	v0 =	vld [tilespmem:$0x1FF70]  }
0x219: {  	v3 =	vld [tilespmem:$0x1FF80];
	_ =	sdelay $0x4  }
0x21a: {  	v7 =	vadd.f32 v3, v0;
	v0 =	vld [tilespmem:$0x1FF90]  }
0x21b: {  	v3 =	vld [tilespmem:$0x1FFA0];
	_ =	sdelay $0x3  }
0x21c: {  	[tilespmem:$0x1FE60] =	vst v10  }
0x21d: {  	[tilespmem:$0x1FEB0] =	vst v49;
	v3 =	vadd.f32 v3, v0;
	v0 =	vld [tilespmem:$0x1FFB0]  }
0x21e: {  	[tilespmem:$0x1FF20] =	vst v9  }
0x21f: {  	[tilespmem:$0x1FEE0] =	vst v14  }
0x220: {  	[tilespmem:$0x1FE80] =	vst v32  }
0x221: {  	s14 =	simm.s32 $0x7900;
	[tilespmem:$0x1FEF0] =	vst v63  }
0x222: {  	[tilespmem:s14+$0xB0] =	vst v0  }
0x223: {  	v0 =	vld [tilespmem:$0x1FFC0]  }
0x224: {  	v6 =	vld [tilespmem:$0x1FFD0];
	_ =	sdelay $0x4  }
0x225: {  	v8 =	vadd.f32 v6, v0;
	v0 =	vld [tilespmem:$0x1FFE0]  }
0x226: {  	v6 =	vld [tilespmem:$0x1FFF0];
	_ =	sdelay $0x2  }
0x227: {  	s26 =	sand.u32 $0xFE, s28  }
0x228: {  	s28 =	sshll.u32 s26, $0xA;
	s26 =	simm.s32 $0x7900;
	v28 =	vadd.f32 v44, v28  }
0x229: {  	s15 =	simm.s32 $0x0;
	s16 =	simm.s32 $0x20;
	s3 =	sadd.s32 $0x40, s24;
	v52 =	vadd.f32 v62, v60;
	v0 =	vadd.f32 v6, v0  }
.LBB2_24:
0x22a: {  	v6 =	vld [tilespmem:$0x1FC30];
	_ =	sdelay $0x3  }
0x22b: {  	v10 =	vld [tilespmem:$0x1FC60]  }
0x22c: {  	v9 =	vadd.f32 v6, v34;
	v6 =	vld [tilespmem:$0x1FC50];
	_ =	sdelay $0x1  }
0x22d: {  	v31 =	vld [tilespmem:$0x1FC10];
	_ =	sdelay $0x1  }
0x22e: {  	v14 =	vadd.f32 v18, v35;
	v18 =	vadd.f32 v20, v19  }
0x22f: {  	v20 =	vadd.f32 v37, v36;
	v37 =	vadd.f32 v10, v6;
	v6 =	vld [tilespmem:$0x1FC70]  }
0x230: {  	v23 =	vadd.f32 v24, v23;
	v10 =	vld [tilespmem:$0x1FC90]  }
0x231: {  	s11 =	sadd.s32 $0x10, s16;
	s12 =	sadd.s32 $0x20, s3;
	v24 =	vadd.f32 v27, v25;
	v27 =	vadd.f32 v52, v51;
	v52 =	vld [tilespmem:$0x1FC40]  }
0x232: {  	v11 =	vld [tilespmem:$0x1FC20];
	s11 =	sand.u32 $0x70, s11;
	s12 =	sand.u32 $0x7700, s12  }
0x233: {  	v47 =	vadd.f32 v12, v5;
	v12 =	vld [tilespmem:$0x1FCC0];
	s11 =	sor.u32 s11, s12  }
0x234: {  	v19 =	vadd.f32 v22, v21;
	v22 =	vld.idx.msk [tilespmem:v31+s11+$0x2800 ss:$0x1], $0xffff  }
0x235: {  	v21 =	vadd.f32 v39, v38;
	v38 =	vadd.f32 v10, v6;
	v6 =	vld [tilespmem:$0x1FCA0]  }
0x236: {  	v10 =	vld [tilespmem:$0x1FCB0]  }
0x237: {  	v48 =	vadd.f32 v15, v13;
	v49 =	vadd.f32 v17, v16;
	v15 =	vld [tilespmem:$0x1FEE0]  }
0x238: {  	v16 =	vld [tilespmem:$0x1FEF0];
	v4 =	vadd.f32 v7, v4;
	v34 =	vadd.f32 v41, v40  }
0x239: {  	v7 =	vld [tilespmem:$0x1FF20];
	v40 =	vadd.f32 v45, v2;
	v41 =	vbroadcast v22, $0x8;
	v2 =	vbroadcast v22, $0x9  }
0x23a: {  	v17 =	vld [tilespmem:$0x1FCD0];
	v33 =	vadd.f32 v43, v42;
	v42 =	vbroadcast v22, $0xA;
	v5 =	vbroadcast v22, $0xB  }
0x23b: {  	v45 =	vbroadcast v22, $0xC;
	v43 =	vbroadcast v22, $0xD;
	v39 =	vadd.f32 v10, v6;
	v10 =	vld [tilespmem:$0x1FC80]  }
0x23c: {  	v36 =	vadd.f32 v61, v46;
	v46 =	vbroadcast v22, $0xE;
	v44 =	vbroadcast v22, $0xF  }
0x23d: {  	v11 =	vmul.f32 v42, v11;
	v12 =	vmul.f32 v5, v12  }
0x23e: {  	v15 =	vmul.f32 v45, v15;
	v16 =	vmul.f32 v43, v16  }
0x23f: {  	v7 =	vmul.f32 v46, v7;
	v17 =	vmul.f32 v44, v17  }
0x240: {  	v3 =	vadd.f32 v8, v3;
	v6 =	vmul.f32 v41, v52;
	v10 =	vmul.f32 v2, v10  }
0x241: {  	[tilespmem:s14+$0x10] =	vst v4;
	v8 =	vadd.f32 v12, v11;
	v4 =	vadd.f32 v16, v15  }
0x242: {  	v7 =	vadd.f32 v17, v7;
	v6 =	vadd.f32 v10, v6  }
0x243: {  	s10 =	sand.u32 $0x7700, s3;
	s13 =	sand.u32 $0x60, s16;
	v13 =	vadd.f32 v57, v56;
	v0 =	vadd.f32 v9, v0  }
0x244: {  	s10 =	sor.u32 s13, s10;
	[tilespmem:s14+$0x20] =	vst v3;
	v4 =	vadd.f32 v7, v4;
	v3 =	vadd.f32 v8, v6  }
0x245: {  	v35 =	vld.idx.msk [tilespmem:v31+s10+$0x2800 ss:$0x1], $0xffff;
	[tilespmem:s14+$0x30] =	vst v0;
	v0 =	vadd.f32 v18, v14  }
0x246: {  	[tilespmem:s14+$0x0] =	vst v13;
	v3 =	vadd.f32 v4, v3  }
0x247: {  	s14 =	sadd.s32 $0x200, s14;
	[tilespmem:s26+$0x80] =	vst v0;
	v4 =	vadd.f32 v36, v33  }
0x248: {  	v0 =	vadd.f32 v20, v19;
	[tilespmem:s14+$0xB0] =	vst v3  }
0x249: {  	v3 =	vadd.f32 v34, v21;
	[tilespmem:s26+$0xFFFFFF00] =	vst v4  }
0x24a: {  	v4 =	vbroadcast v35, $0xB;
	[tilespmem:s26+$0x90] =	vst v0  }
0x24b: {  	v0 =	vbroadcast v35, $0x8;
	[tilespmem:s26+$0xA0] =	vst v3  }
0x24c: {  	v3 =	vbroadcast v35, $0x9;
	[tilespmem:$0x1FA90] =	vst v4  }
0x24d: {  	v32 =	vld [tilespmem:$0x1FD00];
	v4 =	vbroadcast v35, $0xC;
	[tilespmem:$0x1FA60] =	vst v0  }
0x24e: {  	v25 =	vadd.f32 v28, v26;
	v31 =	vld [tilespmem:$0x1FCE0];
	v0 =	vadd.f32 v38, v37;
	[tilespmem:$0x1FA70] =	vst v3  }
0x24f: {  	v26 =	vadd.f32 v30, v29;
	v29 =	vbroadcast v22, $0x0;
	v36 =	vld [tilespmem:$0x1FD40];
	v3 =	vbroadcast v35, $0xA;
	[tilespmem:$0x1FAA0] =	vst v4  }
0x250: {  	v28 =	vadd.f32 v54, v53;
	v30 =	vbroadcast v22, $0x1;
	v34 =	vld [tilespmem:$0x1FD20];
	v4 =	vbroadcast v35, $0xD;
	[tilespmem:s26+$0xFFFFFF10] =	vst v0  }
0x251: {  	v50 =	vbroadcast v22, $0x2;
	v59 =	vbroadcast v22, $0x3;
	v38 =	vld [tilespmem:$0x1FD60];
	v0 =	vadd.f32 v48, v47;
	[tilespmem:$0x1FA80] =	vst v3  }
0x252: {  	v60 =	vbroadcast v22, $0x4;
	v61 =	vbroadcast v22, $0x5;
	v3 =	vadd.f32 v40, v39;
	[tilespmem:$0x1FAB0] =	vst v4;
	v39 =	vld [tilespmem:$0x1FD80]  }
0x253: {  	v7 =	vmul.f32 v30, v32;
	v47 =	vld [tilespmem:$0x1FDC0];
	v4 =	vmul.f32 v29, v31;
	[tilespmem:s26+$0xFFFFFF30] =	vst v0;
	v0 =	vadd.f32 v25, v24  }
0x254: {  	v63 =	vbroadcast v22, $0x6;
	v56 =	vbroadcast v35, $0x0;
	v40 =	vld [tilespmem:$0x1FDA0];
	[tilespmem:s26+$0xFFFFFF20] =	vst v3;
	v3 =	vadd.f32 v23, v49  }
0x255: {  	v9 =	vmul.f32 v59, v36;
	v8 =	vmul.f32 v50, v34;
	[tilespmem:s26+$0xFFFFFF90] =	vst v0;
	v0 =	vadd.f32 v7, v4  }
0x256: {  	v22 =	vbroadcast v22, $0x7;
	v54 =	vbroadcast v35, $0x1;
	[tilespmem:s26+$0xFFFFFF80] =	vst v3;
	v3 =	vadd.f32 v27, v26  }
0x257: {  	v14 =	vmul.f32 v60, v38;
	v18 =	vmul.f32 v61, v39;
	[tilespmem:$0x1FB30] =	vst v0;
	v0 =	vadd.f32 v9, v8  }
0x258: {  	v1 =	vadd.f32 v1, v55;
	v55 =	vbroadcast v35, $0x2;
	v53 =	vbroadcast v35, $0x3;
	v10 =	vld [tilespmem:$0x1FDE0];
	[tilespmem:s26+$0xFFFFFFA0] =	vst v3  }
0x259: {  	v6 =	vld [tilespmem:$0x1FE60];
	v19 =	vmul.f32 v63, v40;
	v3 =	vmul.f32 v22, v47;
	[tilespmem:$0x1FB40] =	vst v0;
	v0 =	vadd.f32 v18, v14  }
0x25a: {  	v13 =	vbroadcast v35, $0x4;
	v51 =	vbroadcast v35, $0x6;
	v33 =	vld [tilespmem:$0x1FE00]  }
0x25b: {  	v57 =	vbroadcast v35, $0xE;
	v58 =	vbroadcast v35, $0xF;
	v37 =	vld [tilespmem:$0x1FE20];
	[tilespmem:$0x1FB50] =	vst v0;
	v0 =	vadd.f32 v3, v19  }
0x25c: {  	v15 =	vbroadcast v35, $0x5;
	v17 =	vbroadcast v35, $0x7;
	v35 =	vld [tilespmem:$0x1FE10]  }
0x25d: {  	[tilespmem:$0x1FB60] =	vst v0;
	v0 =	vld [tilespmem:$0x1FE50]  }
0x25e: {  	v48 =	vld [tilespmem:$0x1FE30]  }
0x25f: {  	v1 =	vadd.f32 v1, v28;
	v49 =	vld [tilespmem:$0x1FE40];
	v4 =	vmul.f32 v29, v10;
	v7 =	vmul.f32 v30, v33;
	_ =	sdelay $0x1  }
0x260: {  	[tilespmem:s26+$0xFFFFFFB0] =	vst v1;
	v8 =	vmul.f32 v50, v35;
	v9 =	vmul.f32 v59, v37;
	v1 =	vadd.f32 v7, v4  }
0x261: {  	v20 =	vmul.f32 v22, v6;
	v19 =	vmul.f32 v63, v0  }
0x262: {  	[tilespmem:$0x1FB70] =	vst v1;
	v1 =	vadd.f32 v9, v8  }
0x263: {  	v62 =	vld [tilespmem:$0x1FE70];
	v14 =	vmul.f32 v60, v48;
	v18 =	vmul.f32 v61, v49;
	v4 =	vadd.f32 v20, v19  }
0x264: {  	[tilespmem:$0x1FB80] =	vst v1;
	v1 =	vld [tilespmem:$0x1FDF0]  }
0x265: {  	v3 =	vadd.f32 v18, v14;
	[tilespmem:$0x1FBA0] =	vst v4;
	v4 =	vld [tilespmem:$0x1FE90];
	_ =	sdelay $0x1  }
0x266: {  	[tilespmem:$0x1FB90] =	vst v3;
	v3 =	vld [tilespmem:$0x1FE80];
	_ =	sdelay $0x1  }
0x267: {  	v7 =	vld [tilespmem:$0x1FEA0];
	v14 =	vmul.f32 v30, v62  }
0x268: {  	v8 =	vld [tilespmem:$0x1FEB0];
	v21 =	vmul.f32 v29, v1;
	v19 =	vmul.f32 v59, v4  }
0x269: {  	v9 =	vld [tilespmem:$0x1FEC0]  }
0x26a: {  	v18 =	vmul.f32 v50, v3;
	v11 =	vadd.f32 v14, v21;
	v14 =	vld [tilespmem:$0x1FED0];
	_ =	sdelay $0x1  }
0x26b: {  	v25 =	vmul.f32 v29, v52;
	[tilespmem:$0x1FBB0] =	vst v11;
	v11 =	vadd.f32 v19, v18;
	v19 =	vmov v52;
	v52 =	vld [tilespmem:$0x1FC80]  }
0x26c: {  	v23 =	vmul.f32 v61, v8;
	v20 =	vmul.f32 v60, v7;
	_ =	sdelay $0x1  }
0x26d: {  	v12 =	vld [tilespmem:$0x1FC20];
	v24 =	vmul.f32 v63, v9;
	v21 =	vmul.f32 v22, v14;
	[tilespmem:$0x1FBC0] =	vst v11;
	v11 =	vadd.f32 v23, v20;
	_ =	sdelay $0x1  }
0x26e: {  	[tilespmem:$0x1FBD0] =	vst v11;
	v11 =	vadd.f32 v21, v24;
	v21 =	vld [tilespmem:$0x1FCC0];
	v23 =	vmul.f32 v30, v52;
	_ =	sdelay $0x1  }
0x26f: {  	v16 =	vld [tilespmem:$0x1FF20];
	[tilespmem:$0x1FBE0] =	vst v11;
	v11 =	vadd.f32 v23, v25  }
0x270: {  	v26 =	vmul.f32 v50, v12;
	v50 =	vld [tilespmem:$0x1FEE0]  }
0x271: {  	[tilespmem:$0x1FBF0] =	vst v11;
	v11 =	vld [tilespmem:$0x1FCD0]  }
0x272: {  	v24 =	vmul.f32 v59, v21;
	v59 =	vld [tilespmem:$0x1FEF0];
	_ =	sdelay $0x2  }
0x273: {  	v29 =	vmul.f32 v63, v16  }
0x274: {  	v27 =	vmul.f32 v60, v50;
	v18 =	vadd.f32 v24, v26;
	v23 =	vmul.f32 v22, v11  }
0x275: {  	v25 =	vmul.f32 v2, v32;
	v28 =	vmul.f32 v61, v59  }
0x276: {  	v24 =	vmul.f32 v41, v31;
	v26 =	vmul.f32 v42, v34;
	[tilespmem:$0x1FC00] =	vst v18;
	v18 =	vadd.f32 v23, v29  }
0x277: {  	v30 =	vadd.f32 v28, v27;
	v27 =	vmul.f32 v45, v38;
	v28 =	vmul.f32 v43, v39  }
0x278: {  	v23 =	vmul.f32 v5, v36;
	v29 =	vmul.f32 v46, v40;
	[tilespmem:$0x1FC30] =	vst v18;
	v18 =	vadd.f32 v25, v24  }
0x279: {  	v24 =	vmul.f32 v44, v47;
	v25 =	vmul.f32 v2, v33  }
0x27a: {  	v2 =	vmul.f32 v2, v62;
	[tilespmem:$0x1FAC0] =	vst v18;
	v18 =	vadd.f32 v23, v26;
	v23 =	vmul.f32 v41, v10  }
0x27b: {  	v26 =	vmul.f32 v42, v35;
	v20 =	vadd.f32 v24, v29;
	v24 =	vmul.f32 v5, v37  }
0x27c: {  	v29 =	vmul.f32 v46, v0;
	v5 =	vmul.f32 v5, v4  }
0x27d: {  	[tilespmem:$0x1FAD0] =	vst v18;
	v18 =	vadd.f32 v28, v27;
	v27 =	vmul.f32 v45, v48;
	v22 =	vadd.f32 v25, v23  }
0x27e: {  	v28 =	vmul.f32 v43, v49;
	v23 =	vmul.f32 v44, v6  }
0x27f: {  	v25 =	vmul.f32 v42, v3;
	[tilespmem:$0x1FB00] =	vst v22;
	v22 =	vadd.f32 v24, v26;
	v24 =	vmul.f32 v41, v1  }
0x280: {  	v28 =	vadd.f32 v28, v27;
	v29 =	vadd.f32 v23, v29;
	v23 =	vmul.f32 v45, v7  }
0x281: {  	v27 =	vmul.f32 v46, v9;
	v60 =	vadd.f32 v2, v24;
	v24 =	vmul.f32 v44, v14  }
0x282: {  	v26 =	vmul.f32 v43, v8;
	v2 =	vmul.f32 v56, v31  }
0x283: {  	v44 =	vadd.f32 v5, v25;
	v5 =	vmul.f32 v54, v32;
	v24 =	vadd.f32 v24, v27  }
0x284: {  	v25 =	vmul.f32 v55, v34;
	v63 =	vadd.f32 v26, v23;
	v23 =	vmul.f32 v53, v36  }
0x285: {  	v26 =	vmul.f32 v13, v38;
	v2 =	vadd.f32 v5, v2;
	[tilespmem:$0x1FB20] =	vst v24;
	v24 =	vmul.f32 v15, v39  }
0x286: {  	v5 =	vadd.f32 v23, v25  }
0x287: {  	[tilespmem:$0x1FAE0] =	vst v2;
	v23 =	vadd.f32 v24, v26  }
0x288: {  	v27 =	vmul.f32 v51, v40;
	v2 =	vmul.f32 v17, v47;
	[tilespmem:$0x1FAF0] =	vst v5  }
0x289: {  	v5 =	vmul.f32 v56, v10;
	[tilespmem:$0x1FB10] =	vst v23;
	v23 =	vmul.f32 v54, v33  }
0x28a: {  	v24 =	vmul.f32 v55, v35;
	v61 =	vadd.f32 v2, v27;
	v2 =	vmul.f32 v53, v37  }
0x28b: {  	v25 =	vmul.f32 v13, v48;
	v26 =	vmul.f32 v15, v49;
	v5 =	vadd.f32 v23, v5  }
0x28c: {  	v2 =	vadd.f32 v2, v24  }
0x28d: {  	v27 =	vmul.f32 v51, v0;
	v23 =	vadd.f32 v26, v25;
	[tilespmem:$0x1FC50] =	vst v5;
	v5 =	vmul.f32 v17, v6  }
0x28e: {  	[tilespmem:$0x1FC60] =	vst v2;
	v2 =	vmul.f32 v56, v1;
	v26 =	vmul.f32 v15, v8  }
0x28f: {  	v15 =	vmul.f32 v15, v59;
	[tilespmem:$0x1FC70] =	vst v23;
	v23 =	vmul.f32 v54, v62;
	v5 =	vadd.f32 v5, v27  }
0x290: {  	v46 =	vmovc v59;
	v59 =	vmov v16;
	v16 =	vmul.f32 v51, v16;
	v27 =	vmul.f32 v51, v9;
	v51 =	vld [tilespmem:$0x1FA60]  }
0x291: {  	v24 =	vmul.f32 v55, v3;
	v2 =	vadd.f32 v23, v2;
	[tilespmem:$0x1FC90] =	vst v5;
	v5 =	vmul.f32 v53, v4  }
0x292: {  	v23 =	vmul.f32 v17, v14  }
0x293: {  	v25 =	vmul.f32 v13, v7;
	[tilespmem:$0x1FCA0] =	vst v2;
	v2 =	vadd.f32 v5, v24;
	v24 =	vmul.f32 v56, v19;
	v56 =	vld [tilespmem:$0x1FA80]  }
0x294: {  	v41 =	vmov v11;
	v17 =	vmul.f32 v17, v11;
	v11 =	vld [tilespmem:$0x1FA90];
	v45 =	vadd.f32 v23, v27  }
0x295: {  	v23 =	vmul.f32 v51, v31;
	v31 =	vld [tilespmem:$0x1FA70];
	[tilespmem:$0x1FCB0] =	vst v2;
	v2 =	vadd.f32 v26, v25;
	v25 =	vmul.f32 v54, v52  }
0x296: {  	v43 =	vmov v12;
	v26 =	vmul.f32 v55, v12;
	v12 =	vmul.f32 v53, v21;
	v53 =	vld [tilespmem:$0x1FAB0]  }
0x297: {  	v13 =	vmul.f32 v13, v50  }
0x298: {  	v5 =	vadd.f32 v25, v24;
	v25 =	vmul.f32 v56, v34;
	v34 =	vmov v30;
	v30 =	vld [tilespmem:$0x1FAA0]  }
0x299: {  	v13 =	vadd.f32 v15, v13;
	v15 =	vadd.f32 v17, v16;
	v17 =	vmul.f32 v11, v36  }
0x29a: {  	v36 =	vmov v28;
	v28 =	vmul.f32 v57, v40;
	v24 =	vmul.f32 v31, v32  }
0x29b: {  	v27 =	vmul.f32 v53, v39;
	v17 =	vadd.f32 v17, v25;
	v25 =	vmul.f32 v51, v10  }
0x29c: {  	v10 =	vmovc v31;
	v55 =	vmul.f32 v53, v8;
	v16 =	vadd.f32 v24, v23;
	v24 =	vmul.f32 v58, v47  }
0x29d: {  	v12 =	vadd.f32 v12, v26;
	v32 =	vmul.f32 v10, v52;
	v26 =	vmul.f32 v30, v38  }
0x29e: {  	v24 =	vadd.f32 v24, v28;
	v28 =	vmul.f32 v11, v37;
	v37 =	vmovc v29;
	v29 =	vmul.f32 v30, v48  }
0x29f: {  	v47 =	vmov v30;
	v30 =	vmul.f32 v53, v49;
	v49 =	vmul.f32 v58, v6  }
0x2a0: {  	v23 =	vadd.f32 v27, v26;
	v26 =	vmul.f32 v31, v33;
	v27 =	vmul.f32 v56, v35  }
0x2a1: {  	v39 =	vmov v44;
	v31 =	vmul.f32 v57, v0;
	v0 =	vmul.f32 v51, v1  }
0x2a2: {  	v44 =	vmovc v56;
	v25 =	vadd.f32 v26, v25;
	v26 =	vadd.f32 v30, v29;
	v29 =	vmul.f32 v10, v62  }
0x2a3: {  	v48 =	vmul.f32 v44, v43;
	v56 =	vmul.f32 v57, v9  }
0x2a4: {  	v27 =	vadd.f32 v28, v27;
	v29 =	vadd.f32 v29, v0;
	v0 =	vmul.f32 v58, v14  }
0x2a5: {  	v30 =	vmul.f32 v44, v3;
	v28 =	vadd.f32 v49, v31;
	v31 =	vmul.f32 v11, v4  }
0x2a6: {  	v54 =	vmul.f32 v47, v7;
	v52 =	vadd.f32 v0, v56;
	v0 =	vmul.f32 v11, v21  }
0x2a7: {  	v42 =	vmov v19;
	v3 =	vld [tilespmem:$0x1FB40];
	v30 =	vadd.f32 v31, v30  }
0x2a8: {  	v31 =	vmul.f32 v51, v42;
	v51 =	vadd.f32 v55, v54;
	v54 =	vadd.f32 v0, v48;
	v0 =	vld [tilespmem:$0x1FB30];
	_ =	sdelay $0x4  }
0x2a9: {  	v56 =	vadd.f32 v3, v0;
	v0 =	vld [tilespmem:$0x1FB50]  }
0x2aa: {  	v3 =	vld [tilespmem:$0x1FB60];
	_ =	sdelay $0x4  }
0x2ab: {  	v1 =	vmul.f32 v57, v59;
	v57 =	vadd.f32 v3, v0;
	v0 =	vld [tilespmem:$0x1FB70]  }
0x2ac: {  	v3 =	vld [tilespmem:$0x1FB80];
	_ =	sdelay $0x4  }
0x2ad: {  	v4 =	vadd.f32 v3, v0;
	v0 =	vld [tilespmem:$0x1FB90]  }
0x2ae: {  	v3 =	vld [tilespmem:$0x1FBA0];
	_ =	sdelay $0x4  }
0x2af: {  	v7 =	vadd.f32 v3, v0;
	v0 =	vld [tilespmem:$0x1FBB0]  }
0x2b0: {  	v3 =	vld [tilespmem:$0x1FBC0];
	_ =	sdelay $0x3  }
0x2b1: {  	v6 =	vld [tilespmem:$0x1FBE0]  }
0x2b2: {  	v3 =	vadd.f32 v3, v0;
	v0 =	vld [tilespmem:$0x1FBD0];
	_ =	sdelay $0x2  }
0x2b3: {  	v19 =	vmov v18;
	v18 =	vld [tilespmem:$0x1FAD0]  }
0x2b4: {  	v43 =	vld [tilespmem:$0x1FAF0]  }
0x2b5: {  	s15 =	sadd.s32 $0x2, s15;
	v8 =	vadd.f32 v6, v0;
	v0 =	vld [tilespmem:$0x1FBF0]  }
0x2b6: {  	p1 =	slt.u32 s15, $0x3E;
	v6 =	vld [tilespmem:$0x1FC00]  }
.Ltmp13:
0x2b7: {  	v35 =	vld [tilespmem:$0x1FAC0];
	(pc) =	sbr.rel @p1 .LBB2_24-.Ltmp13, $4  }
0x2b8: {  	v49 =	vmul.f32 v47, v50;
	v50 =	vmul.f32 v53, v46;
	v46 =	vld [tilespmem:$0x1FB10]  }
0x2b9: {  	v42 =	vld [tilespmem:$0x1FAE0];
	v53 =	vadd.f32 v32, v31;
	v31 =	vmul.f32 v58, v41  }
0x2ba: {  	v55 =	vadd.f32 v50, v49;
	v21 =	vld [tilespmem:$0x1FB00]  }
0x2bb: {  	s16 =	sadd.s32 $0x20, s16;
	s3 =	sadd.s32 $0x40, s3;
	s26 =	smov.u32 s14;
	v40 =	vmovc v63;
	v38 =	vmov v60;
	v41 =	vld [tilespmem:$0x1FB20];
	v1 =	vadd.f32 v31, v1;
	v0 =	vadd.f32 v6, v0  }
0x2bc: {  	v6 =	vld [tilespmem:$0x1FC30];
	_ =	sdelay $0x3  }
0x2bd: {  	v10 =	vld [tilespmem:$0x1FC60]  }
0x2be: {  	v9 =	vadd.f32 v6, v34;
	v6 =	vld [tilespmem:$0x1FC50];
	_ =	sdelay $0x4  }
0x2bf: {  	v33 =	vadd.f32 v10, v6;
	v6 =	vld [tilespmem:$0x1FC70]  }
0x2c0: {  	v10 =	vld [tilespmem:$0x1FC90]  }
0x2c1: {  	v14 =	vadd.f32 v18, v35;
	v18 =	vadd.f32 v20, v19  }
0x2c2: {  	v20 =	vadd.f32 v37, v36;
	v62 =	vadd.f32 v57, v56  }
0x2c3: {  	v4 =	vadd.f32 v7, v4;
	v2 =	vadd.f32 v45, v2  }
0x2c4: {  	v3 =	vadd.f32 v8, v3;
	v7 =	vadd.f32 v17, v16  }
0x2c5: {  	v32 =	vadd.f32 v61, v46;
	v61 =	vadd.f32 v10, v6;
	v6 =	vld [tilespmem:$0x1FCA0]  }
0x2c6: {  	v8 =	vadd.f32 v24, v23;
	v1 =	vadd.f32 v1, v55;
	v10 =	vld [tilespmem:$0x1FCB0];
	[tilespmem:s14+$0x0] =	vst v62  }
0x2c7: {  	v19 =	vadd.f32 v22, v21;
	v0 =	vadd.f32 v9, v0;
	[tilespmem:s14+$0x10] =	vst v4  }
0x2c8: {  	v21 =	vadd.f32 v39, v38;
	[tilespmem:s14+$0x20] =	vst v3;
	v3 =	vadd.f32 v18, v14  }
0x2c9: {  	v31 =	vadd.f32 v41, v40;
	[tilespmem:s14+$0x30] =	vst v0;
	v0 =	vadd.f32 v20, v19  }
0x2ca: {  	v22 =	vadd.f32 v43, v42;
	v9 =	vadd.f32 v27, v25;
	[tilespmem:s26+$0x80] =	vst v3  }
0x2cb: {  	v3 =	vadd.f32 v31, v21;
	[tilespmem:s26+$0x90] =	vst v0;
	v0 =	vadd.f32 v28, v26  }
0x2cc: {  	v4 =	vadd.f32 v15, v13;
	v11 =	vadd.f32 v61, v33  }
0x2cd: {  	[tilespmem:s26+$0xA0] =	vst v3;
	v0 =	vadd.f32 v0, v9;
	v63 =	vadd.f32 v10, v6  }
0x2ce: {  	[tilespmem:s26+$0xFFFFFF10] =	vst v11;
	v6 =	vadd.f32 v12, v5;
	v10 =	vadd.f32 v32, v22  }
0x2cf: {  	v3 =	vadd.f32 v30, v29;
	[tilespmem:s26+$0xFFFFFF90] =	vst v0;
	v2 =	vadd.f32 v2, v63  }
0x2d0: {  	[tilespmem:s26+$0xFFFFFF00] =	vst v10;
	v4 =	vadd.f32 v4, v6;
	v6 =	vadd.f32 v54, v53  }
0x2d1: {  	v5 =	vadd.f32 v52, v51;
	[tilespmem:s26+$0xFFFFFF20] =	vst v2;
	v2 =	vadd.f32 v8, v7  }
0x2d2: {  	[tilespmem:s26+$0xFFFFFF30] =	vst v4;
	v0 =	vadd.f32 v1, v6  }
0x2d3: {  	[tilespmem:s26+$0xFFFFFF80] =	vst v2;
	v2 =	vadd.f32 v5, v3  }
0x2d4: {  	[tilespmem:s26+$0xFFFFFFB0] =	vst v0  }
0x2d5: {  	[tilespmem:s26+$0xFFFFFFA0] =	vst v2  }
0x2d6: {  	v8 =	vld [tilespmem:$0x1FC10];
	_ =	sdelay $0x4  }
0x2d7: {  	s3 =	simm.s32 $0x10  }
0x2d8: {  	s3 =	sand.u32 $0x70, s3;
	v38 =	vld [tilespmem:$0xF870]  }
0x2d9: {  	s3 =	sor.u32 s3, s9;
	v9 =	vld [tilespmem:$0xF9F0]  }
0x2da: {  	v0 =	vld.idx.msk [tilespmem:v8+s3+$0x2800 ss:$0x1], $0xffff  }
0x2db: {  	v40 =	vld [tilespmem:$0xF8F0];
	_ =	sdelay $0x2  }
0x2dc: {  	s26 =	simm.s32 $0x0;
	[tilespmem:$0x1F680] =	vst v9  }
0x2dd: {  	s3 =	sand.u32 $0x60, s26;
	[tilespmem:$0x1F6A0] =	vst v38;
	v5 =	vbroadcast v0, $0xB  }
0x2de: {  	[tilespmem:$0x1F6E0] =	vst v40;
	s3 =	sor.u32 s3, s21  }
0x2df: {  	v6 =	vmul.f32 v5, v9;
	v9 =	vld.idx.msk [tilespmem:v8+s3+$0x2800 ss:$0x1], $0xffff  }
0x2e0: {  	v28 =	vbroadcast v0, $0x8;
	v26 =	vbroadcast v0, $0x9;
	_ =	sdelay $0x1  }
0x2e1: {  	v1 =	vmul.f32 v28, v38;
	v3 =	vmul.f32 v26, v40  }
0x2e2: {  	v60 =	vld [tilespmem:$0xF970]  }
0x2e3: {  	v46 =	vld [tilespmem:$0xFA70];
	v2 =	vbroadcast v0, $0xA;
	v31 =	vadd.f32 v3, v1;
	v1 =	vbroadcast v9, $0x8  }
0x2e4: {  	v43 =	vld [tilespmem:$0xFAF0];
	v7 =	vbroadcast v0, $0xC;
	v17 =	vbroadcast v0, $0xD  }
0x2e5: {  	v21 =	vld [tilespmem:$0xFB70];
	v24 =	vbroadcast v0, $0xE;
	[tilespmem:$0x1F760] =	vst v1;
	v1 =	vbroadcast v9, $0x9  }
0x2e6: {  	v42 =	vld [tilespmem:$0xFBF0];
	v25 =	vbroadcast v0, $0xF;
	v22 =	vbroadcast v0, $0x0  }
0x2e7: {  	v59 =	vld [tilespmem:$0xF840];
	v29 =	vbroadcast v0, $0x1;
	[tilespmem:$0x1F780] =	vst v1;
	v1 =	vbroadcast v9, $0xA  }
0x2e8: {  	v14 =	vld [tilespmem:$0xF850];
	v30 =	vbroadcast v0, $0x2;
	v33 =	vbroadcast v0, $0x3  }
0x2e9: {  	v51 =	vld [tilespmem:$0xF860];
	v34 =	vbroadcast v0, $0x4;
	[tilespmem:$0x1F7A0] =	vst v1;
	v1 =	vbroadcast v9, $0xB  }
0x2ea: {  	v56 =	vld [tilespmem:$0xF940];
	v35 =	vbroadcast v0, $0x5;
	v4 =	vmul.f32 v2, v60  }
0x2eb: {  	v54 =	vld [tilespmem:$0xF9C0];
	v8 =	vmul.f32 v7, v46;
	[tilespmem:$0x1F7C0] =	vst v1;
	v1 =	vbroadcast v9, $0xC  }
0x2ec: {  	v58 =	vld [tilespmem:$0xF8C0];
	v18 =	vmul.f32 v17, v43;
	v19 =	vmul.f32 v24, v21  }
0x2ed: {  	v61 =	vld [tilespmem:$0xF8D0];
	v20 =	vmul.f32 v25, v42;
	[tilespmem:$0x1F7E0] =	vst v1;
	v1 =	vbroadcast v9, $0xD  }
0x2ee: {  	v52 =	vld [tilespmem:$0xFA40];
	v36 =	vbroadcast v0, $0x6;
	v0 =	vbroadcast v0, $0x7;
	v37 =	vadd.f32 v6, v4  }
0x2ef: {  	v50 =	vld [tilespmem:$0xFAC0];
	v18 =	vadd.f32 v18, v8;
	v19 =	vadd.f32 v20, v19;
	[tilespmem:$0x1F800] =	vst v1;
	v1 =	vbroadcast v9, $0xE  }
0x2f0: {  	v47 =	vld [tilespmem:$0xFBC0];
	v41 =	vmul.f32 v30, v56;
	v44 =	vmul.f32 v33, v54;
	v20 =	vadd.f32 v37, v31  }
0x2f1: {  	v6 =	vld [tilespmem:$0xFB40];
	v18 =	vadd.f32 v19, v18;
	v19 =	vmul.f32 v22, v59;
	[tilespmem:$0x1F820] =	vst v1;
	v1 =	vbroadcast v9, $0xF  }
0x2f2: {  	v39 =	vld [tilespmem:$0xF8E0];
	v31 =	vmul.f32 v29, v58;
	v27 =	vbroadcast v9, $0x0  }
0x2f3: {  	v49 =	vld [tilespmem:$0xF950];
	v23 =	vbroadcast v9, $0x1;
	v45 =	vbroadcast v9, $0x2;
	[tilespmem:$0x1F840] =	vst v1;
	v1 =	vadd.f32 v18, v20  }
0x2f4: {  	v63 =	vld [tilespmem:$0xF960];
	v18 =	vmul.f32 v34, v52;
	v20 =	vmul.f32 v35, v50  }
0x2f5: {  	v62 =	vld [tilespmem:$0xF9D0];
	v53 =	vbroadcast v9, $0x3;
	v12 =	vbroadcast v9, $0x4;
	[tilespmem:$0x1FA10] =	vst v1;
	v1 =	vadd.f32 v31, v19  }
0x2f6: {  	v55 =	vld [tilespmem:$0xFA50];
	v19 =	vmul.f32 v36, v6;
	v31 =	vmul.f32 v0, v47;
	v3 =	vadd.f32 v20, v18  }
0x2f7: {  	v48 =	vld [tilespmem:$0xFAD0];
	v13 =	vbroadcast v9, $0x5;
	v18 =	vmul.f32 v29, v61;
	[tilespmem:$0x1F960] =	vst v1  }
0x2f8: {  	v8 =	vld [tilespmem:$0xFBD0];
	v1 =	vadd.f32 v44, v41;
	v41 =	vmul.f32 v22, v14;
	[tilespmem:$0x1F990] =	vst v3;
	v3 =	vadd.f32 v31, v19  }
0x2f9: {  	v15 =	vbroadcast v9, $0x6;
	v16 =	vbroadcast v9, $0x7;
	v9 =	vld [tilespmem:$0xFB50]  }
0x2fa: {  	v11 =	vld [tilespmem:$0xFAE0];
	v20 =	vmul.f32 v33, v62;
	v19 =	vmul.f32 v30, v49;
	[tilespmem:$0x1F9A0] =	vst v3;
	v3 =	vadd.f32 v18, v41  }
0x2fb: {  	v57 =	vld [tilespmem:$0xF9E0];
	v38 =	vmul.f32 v22, v38;
	v37 =	vmul.f32 v22, v51  }
0x2fc: {  	v10 =	vld [tilespmem:$0x1F680];
	v22 =	vmul.f32 v35, v48;
	v18 =	vmul.f32 v34, v55;
	[tilespmem:$0x1F9B0] =	vst v3;
	v3 =	vadd.f32 v20, v19  }
0x2fd: {  	[tilespmem:$0x1F970] =	vst v1;
	v1 =	vmov v14;
	v14 =	vld [tilespmem:$0xFBE0]  }
0x2fe: {  	v44 =	vld [tilespmem:$0xFA60];
	v19 =	vmul.f32 v36, v9;
	v20 =	vmul.f32 v0, v8;
	[tilespmem:$0x1F9C0] =	vst v3;
	v3 =	vadd.f32 v22, v18  }
0x2ff: {  	v32 =	vmul.f32 v35, v11;
	v4 =	vld [tilespmem:$0xFB60];
	v35 =	vmul.f32 v35, v43;
	v31 =	vmov v39  }
0x300: {  	v18 =	vmul.f32 v29, v39;
	v39 =	vmul.f32 v33, v57;
	[tilespmem:$0x1F9D0] =	vst v3;
	v3 =	vadd.f32 v20, v19  }
0x301: {  	v33 =	vmul.f32 v33, v10;
	v19 =	vmul.f32 v30, v63  }
0x302: {  	v30 =	vmul.f32 v30, v60;
	v41 =	vmul.f32 v0, v14;
	[tilespmem:$0x1F9E0] =	vst v3;
	v3 =	vadd.f32 v18, v37  }
0x303: {  	[tilespmem:$0x1F720] =	vst v46;
	v37 =	vmul.f32 v34, v44;
	v34 =	vmul.f32 v34, v46  }
0x304: {  	v46 =	vmul.f32 v0, v42;
	[tilespmem:$0x1F9F0] =	vst v3;
	v3 =	vadd.f32 v39, v19;
	v39 =	vmul.f32 v36, v4  }
0x305: {  	[tilespmem:$0x1F740] =	vst v42;
	v0 =	vadd.f32 v33, v30;
	v30 =	vmul.f32 v28, v59;
	v42 =	vmul.f32 v26, v58  }
0x306: {  	[tilespmem:$0x1F730] =	vst v43;
	v43 =	vmul.f32 v5, v54;
	v29 =	vmul.f32 v29, v40;
	v18 =	vadd.f32 v41, v39  }
0x307: {  	v33 =	vmul.f32 v25, v47;
	v34 =	vadd.f32 v35, v34;
	v35 =	vadd.f32 v42, v30  }
0x308: {  	v30 =	vmul.f32 v7, v52;
	[tilespmem:$0x1FA30] =	vst v18;
	v18 =	vadd.f32 v29, v38;
	v29 =	vmul.f32 v36, v21  }
0x309: {  	[tilespmem:$0x1FA00] =	vst v3;
	v3 =	vadd.f32 v32, v37;
	v39 =	vmul.f32 v28, v1;
	v37 =	vmul.f32 v5, v62  }
0x30a: {  	v5 =	vmul.f32 v5, v57;
	[tilespmem:$0x1FA40] =	vst v18;
	v18 =	vadd.f32 v46, v29;
	v29 =	vmul.f32 v2, v56  }
0x30b: {  	v38 =	vmul.f32 v17, v48;
	v46 =	vmul.f32 v17, v50  }
0x30c: {  	v17 =	vmul.f32 v17, v11;
	[tilespmem:$0x1F690] =	vst v18;
	v18 =	vadd.f32 v43, v29;
	v29 =	vmul.f32 v24, v6  }
0x30d: {  	v19 =	vadd.f32 v46, v30;
	v30 =	vmul.f32 v26, v61;
	v46 =	vmul.f32 v25, v8  }
0x30e: {  	[tilespmem:$0x1F980] =	vst v21;
	v25 =	vmul.f32 v25, v14;
	v20 =	vadd.f32 v33, v29;
	v29 =	vmul.f32 v2, v49  }
0x30f: {  	v32 =	vmovc v21;
	v21 =	vadd.f32 v30, v39;
	v30 =	vmul.f32 v7, v55;
	v2 =	vmul.f32 v2, v63  }
0x310: {  	v7 =	vmul.f32 v7, v44;
	v22 =	vadd.f32 v37, v29;
	v29 =	vmul.f32 v24, v9  }
0x311: {  	v24 =	vmul.f32 v24, v4;
	v39 =	vadd.f32 v5, v2;
	v2 =	vmul.f32 v27, v59  }
0x312: {  	v5 =	vmul.f32 v23, v58;
	v40 =	vadd.f32 v17, v7;
	v7 =	vmul.f32 v45, v56  }
0x313: {  	v17 =	vmul.f32 v53, v54;
	v37 =	vadd.f32 v46, v29;
	v41 =	vadd.f32 v25, v24  }
0x314: {  	v24 =	vmul.f32 v12, v52;
	v25 =	vmul.f32 v13, v50;
	v42 =	vadd.f32 v5, v2  }
0x315: {  	v2 =	vmul.f32 v15, v6;
	v5 =	vmul.f32 v16, v47;
	v43 =	vadd.f32 v17, v7  }
0x316: {  	v7 =	vmul.f32 v27, v1;
	v46 =	vadd.f32 v25, v24;
	v25 =	vmul.f32 v23, v61  }
0x317: {  	[tilespmem:$0x1F870] =	vst v61;
	v61 =	vadd.f32 v5, v2  }
0x318: {  	v2 =	vmul.f32 v45, v49;
	v5 =	vmul.f32 v53, v62;
	v7 =	vadd.f32 v25, v7;
	_ =	sdelay $0x1  }
0x319: {  	v33 =	vld [tilespmem:$0x1F6A0];
	v25 =	vmul.f32 v13, v48;
	v2 =	vadd.f32 v5, v2;
	[tilespmem:$0x1F6B0] =	vst v7;
	v7 =	vmul.f32 v12, v55  }
0x31a: {  	[tilespmem:$0x1FA20] =	vst v3;
	v3 =	vmov v60;
	v60 =	vmov v1;
	v1 =	vld [tilespmem:$0x1F6E0]  }
0x31b: {  	v5 =	vmul.f32 v16, v8;
	[tilespmem:$0x1F6C0] =	vst v2;
	v2 =	vmul.f32 v15, v9;
	v7 =	vadd.f32 v25, v7  }
0x31c: {  	v28 =	vmul.f32 v28, v51;
	v36 =	vadd.f32 v38, v30;
	v17 =	vmul.f32 v27, v51;
	v30 =	vmovc v51;
	v51 =	vld [tilespmem:$0x1F780]  }
0x31d: {  	v2 =	vadd.f32 v5, v2;
	[tilespmem:$0x1F6D0] =	vst v7;
	v7 =	vmul.f32 v23, v31  }
0x31e: {  	v24 =	vmul.f32 v27, v33;
	v5 =	vmul.f32 v45, v63  }
0x31f: {  	v25 =	vmul.f32 v53, v57;
	v23 =	vmul.f32 v23, v1;
	[tilespmem:$0x1F6F0] =	vst v2;
	v2 =	vadd.f32 v7, v17  }
0x320: {  	[tilespmem:$0x1F770] =	vst v58  }
0x321: {  	[tilespmem:$0x1F700] =	vst v2;
	v2 =	vadd.f32 v25, v5;
	v5 =	vadd.f32 v23, v24;
	v23 =	vmul.f32 v51, v58;
	v58 =	vld [tilespmem:$0x1F7A0];
	_ =	sdelay $0x1  }
0x322: {  	[tilespmem:$0x1F8E0] =	vst v31;
	v26 =	vmul.f32 v26, v31;
	v27 =	vmul.f32 v53, v10;
	v31 =	vmov v10;
	v10 =	vld [tilespmem:$0x1F730]  }
0x323: {  	v53 =	vld [tilespmem:$0x1F720]  }
0x324: {  	v7 =	vmul.f32 v12, v44;
	v17 =	vmul.f32 v13, v11  }
0x325: {  	[tilespmem:$0x1F790] =	vst v56;
	v38 =	vadd.f32 v26, v28;
	v24 =	vmul.f32 v58, v56;
	v56 =	vld [tilespmem:$0x1F7C0]  }
0x326: {  	v26 =	vmul.f32 v16, v14;
	v25 =	vmul.f32 v15, v4;
	[tilespmem:$0x1F710] =	vst v2;
	v2 =	vadd.f32 v17, v7;
	v7 =	vld [tilespmem:$0x1F740]  }
0x327: {  	[tilespmem:$0x1FA50] =	vst v0;
	v0 =	vld [tilespmem:$0x1F760];
	v13 =	vmul.f32 v13, v10  }
0x328: {  	v17 =	vmul.f32 v45, v3;
	v45 =	vadd.f32 v26, v25;
	v25 =	vmul.f32 v12, v53;
	_ =	sdelay $0x1  }
0x329: {  	[tilespmem:$0x1F7B0] =	vst v54;
	v13 =	vadd.f32 v13, v25;
	v25 =	vmul.f32 v56, v54;
	v54 =	vld [tilespmem:$0x1F7E0]  }
0x32a: {  	v15 =	vmul.f32 v15, v32;
	v16 =	vmul.f32 v16, v7  }
0x32b: {  	[tilespmem:$0x1F880] =	vst v49;
	v32 =	vld [tilespmem:$0x1F800];
	v12 =	vadd.f32 v27, v17;
	v17 =	vmul.f32 v0, v59  }
0x32c: {  	[tilespmem:$0x1F860] =	vst v30;
	v30 =	vmul.f32 v0, v30;
	v49 =	vld [tilespmem:$0x1F840];
	v33 =	vmul.f32 v0, v33;
	v15 =	vadd.f32 v16, v15  }
0x32d: {  	v16 =	vadd.f32 v23, v17;
	v17 =	vadd.f32 v25, v24;
	v25 =	vmul.f32 v0, v60;
	v0 =	vld [tilespmem:$0x1F870]  }
0x32e: {  	[tilespmem:$0x1F7D0] =	vst v52;
	v26 =	vmul.f32 v54, v52;
	v52 =	vld [tilespmem:$0x1F820];
	_ =	sdelay $0x1  }
0x32f: {  	[tilespmem:$0x1F750] =	vst v59;
	v27 =	vmul.f32 v32, v50  }
0x330: {  	[tilespmem:$0x1F890] =	vst v62  }
0x331: {  	[tilespmem:$0x1F8A0] =	vst v55;
	v23 =	vadd.f32 v27, v26;
	v26 =	vmul.f32 v51, v0;
	v0 =	vld [tilespmem:$0x1F880]  }
0x332: {  	[tilespmem:$0x1F8B0] =	vst v48;
	v29 =	vmul.f32 v49, v47;
	v59 =	vld [tilespmem:$0x1F8E0];
	v28 =	vmul.f32 v52, v6  }
0x333: {  	[tilespmem:$0x1F810] =	vst v6;
	v25 =	vadd.f32 v26, v25;
	v26 =	vmul.f32 v54, v55;
	v6 =	vmul.f32 v56, v31  }
0x334: {  	v24 =	vadd.f32 v29, v28;
	v28 =	vmul.f32 v56, v62;
	v29 =	vmul.f32 v32, v48;
	v48 =	vmovc v52  }
0x335: {  	[tilespmem:$0x1F930] =	vst v4;
	v62 =	vmul.f32 v48, v4;
	v4 =	vmul.f32 v58, v3  }
0x336: {  	[tilespmem:$0x1F8D0] =	vst v8;
	v55 =	vmul.f32 v49, v8;
	v27 =	vmul.f32 v58, v0;
	v0 =	vld [tilespmem:$0x1F960];
	v26 =	vadd.f32 v29, v26  }
0x337: {  	v8 =	vmovc v54;
	v29 =	vmul.f32 v51, v59;
	v59 =	vmul.f32 v54, v44;
	v54 =	vadd.f32 v6, v4;
	v4 =	vld [tilespmem:$0x1F970];
	_ =	sdelay $0x4  }
0x338: {  	[tilespmem:$0x1F900] =	vst v57;
	v1 =	vmul.f32 v51, v1;
	v57 =	vmul.f32 v56, v57;
	v56 =	vadd.f32 v4, v0;
	v0 =	vld [tilespmem:$0x1F980]  }
0x339: {  	[tilespmem:$0x1F950] =	vst v3;
	v3 =	vmul.f32 v32, v10;
	v27 =	vadd.f32 v28, v27  }
0x33a: {  	v28 =	vmul.f32 v52, v9;
	v52 =	vadd.f32 v1, v33;
	v1 =	vmul.f32 v8, v53;
	_ =	sdelay $0x1  }
0x33b: {  	v28 =	vadd.f32 v55, v28;
	v55 =	vadd.f32 v3, v1;
	v1 =	vld [tilespmem:$0x1F9A0]  }
0x33c: {  	v4 =	vmul.f32 v48, v0;
	v0 =	vld [tilespmem:$0x1F990];
	_ =	sdelay $0x2  }
0x33d: {  	[tilespmem:$0x1F830] =	vst v47;
	v47 =	vmul.f32 v58, v63  }
0x33e: {  	v29 =	vadd.f32 v29, v30;
	v3 =	vld [tilespmem:$0x1F9C0]  }
0x33f: {  	v30 =	vadd.f32 v57, v47;
	v57 =	vadd.f32 v1, v0;
	v0 =	vld [tilespmem:$0x1F9B0];
	_ =	sdelay $0x2  }
0x340: {  	v6 =	vmul.f32 v49, v7;
	_ =	sdelay $0x1  }
0x341: {  	v1 =	vadd.f32 v6, v4;
	v4 =	vadd.f32 v3, v0;
	v0 =	vld [tilespmem:$0x1F9D0]  }
0x342: {  	v3 =	vld [tilespmem:$0x1F9E0];
	_ =	sdelay $0x4  }
0x343: {  	v6 =	vadd.f32 v3, v0;
	v0 =	vld [tilespmem:$0x1F9F0]  }
0x344: {  	v3 =	vld [tilespmem:$0x1FA00];
	_ =	sdelay $0x2  }
0x345: {  	[tilespmem:$0x1F7F0] =	vst v50  }
0x346: {  	[tilespmem:$0x1F8F0] =	vst v63  }
0x347: {  	[tilespmem:$0x1F920] =	vst v11;
	v3 =	vadd.f32 v3, v0;
	v0 =	vld [tilespmem:$0x1FA10]  }
0x348: {  	[tilespmem:$0x1F8C0] =	vst v9  }
0x349: {  	[tilespmem:$0x1F910] =	vst v44  }
0x34a: {  	[tilespmem:$0x1F940] =	vst v14  }
0x34b: {  	s14 =	simm.s32 $0x7940;
	[tilespmem:$0x1F850] =	vst v60  }
0x34c: {  	[tilespmem:s14+$0xB0] =	vst v0  }
0x34d: {  	v0 =	vld [tilespmem:$0x1FA20]  }
0x34e: {  	v7 =	vld [tilespmem:$0x1FA30];
	_ =	sdelay $0x4  }
0x34f: {  	v8 =	vadd.f32 v7, v0;
	v0 =	vld [tilespmem:$0x1FA40]  }
0x350: {  	v7 =	vld [tilespmem:$0x1FA50];
	_ =	sdelay $0x1  }
0x351: {  	v63 =	vmul.f32 v49, v14  }
0x352: {  	v60 =	vmul.f32 v32, v11  }
0x353: {  	s15 =	simm.s32 $0x0;
	v51 =	vadd.f32 v63, v62  }
0x354: {  	s16 =	simm.s32 $0x20;
	s9 =	simm.s32 $0x7940;
	s3 =	sadd.s32 $0x40, s24;
	v50 =	vadd.f32 v60, v59;
	v0 =	vadd.f32 v7, v0  }
.LBB2_26:
0x355: {  	v7 =	vld [tilespmem:$0x1F690];
	_ =	sdelay $0x3  }
0x356: {  	v10 =	vld [tilespmem:$0x1F6C0]  }
0x357: {  	v9 =	vadd.f32 v7, v34;
	v7 =	vld [tilespmem:$0x1F6B0];
	_ =	sdelay $0x1  }
0x358: {  	v31 =	vld [tilespmem:$0x1FC10];
	_ =	sdelay $0x1  }
0x359: {  	v14 =	vadd.f32 v18, v35;
	v18 =	vadd.f32 v20, v19  }
0x35a: {  	v20 =	vadd.f32 v37, v36;
	v37 =	vadd.f32 v10, v7;
	v7 =	vld [tilespmem:$0x1F6D0]  }
0x35b: {  	v23 =	vadd.f32 v24, v23;
	v10 =	vld [tilespmem:$0x1F6F0]  }
0x35c: {  	s11 =	sadd.s32 $0x10, s16;
	s12 =	sadd.s32 $0x20, s3;
	v24 =	vadd.f32 v27, v25;
	v27 =	vadd.f32 v51, v50;
	v51 =	vld [tilespmem:$0x1F6A0]  }
0x35d: {  	v11 =	vld [tilespmem:$0x1F950];
	s11 =	sand.u32 $0x70, s11;
	s12 =	sand.u32 $0x7700, s12  }
0x35e: {  	v47 =	vadd.f32 v12, v5;
	v12 =	vld [tilespmem:$0x1F680];
	s11 =	sor.u32 s11, s12  }
0x35f: {  	v19 =	vadd.f32 v22, v21;
	v22 =	vld.idx.msk [tilespmem:v31+s11+$0x2800 ss:$0x1], $0xffff  }
0x360: {  	v21 =	vadd.f32 v39, v38;
	v38 =	vadd.f32 v10, v7;
	v7 =	vld [tilespmem:$0x1F700]  }
0x361: {  	v10 =	vld [tilespmem:$0x1F710]  }
0x362: {  	v48 =	vadd.f32 v15, v13;
	v49 =	vadd.f32 v17, v16;
	v15 =	vld [tilespmem:$0x1F720]  }
0x363: {  	v16 =	vld [tilespmem:$0x1F730];
	v4 =	vadd.f32 v6, v4;
	v34 =	vadd.f32 v41, v40  }
0x364: {  	v6 =	vld [tilespmem:$0x1F980];
	v40 =	vadd.f32 v45, v2;
	v41 =	vbroadcast v22, $0x8;
	v2 =	vbroadcast v22, $0x9  }
0x365: {  	v17 =	vld [tilespmem:$0x1F740];
	v33 =	vadd.f32 v43, v42;
	v42 =	vbroadcast v22, $0xA;
	v5 =	vbroadcast v22, $0xB  }
0x366: {  	v45 =	vbroadcast v22, $0xC;
	v43 =	vbroadcast v22, $0xD;
	v39 =	vadd.f32 v10, v7;
	v10 =	vld [tilespmem:$0x1F6E0]  }
0x367: {  	v36 =	vadd.f32 v61, v46;
	v46 =	vbroadcast v22, $0xE;
	v44 =	vbroadcast v22, $0xF  }
0x368: {  	v11 =	vmul.f32 v42, v11;
	v12 =	vmul.f32 v5, v12  }
0x369: {  	v15 =	vmul.f32 v45, v15;
	v16 =	vmul.f32 v43, v16  }
0x36a: {  	v6 =	vmul.f32 v46, v6;
	v17 =	vmul.f32 v44, v17  }
0x36b: {  	v3 =	vadd.f32 v8, v3;
	v7 =	vmul.f32 v41, v51;
	v10 =	vmul.f32 v2, v10  }
0x36c: {  	[tilespmem:s14+$0x10] =	vst v4;
	v8 =	vadd.f32 v12, v11;
	v4 =	vadd.f32 v16, v15  }
0x36d: {  	v6 =	vadd.f32 v17, v6;
	v7 =	vadd.f32 v10, v7  }
0x36e: {  	s10 =	sand.u32 $0x7700, s3;
	s13 =	sand.u32 $0x60, s16;
	v13 =	vadd.f32 v57, v56;
	v0 =	vadd.f32 v9, v0  }
0x36f: {  	s10 =	sor.u32 s13, s10;
	[tilespmem:s14+$0x20] =	vst v3;
	v4 =	vadd.f32 v6, v4;
	v3 =	vadd.f32 v8, v7  }
0x370: {  	v35 =	vld.idx.msk [tilespmem:v31+s10+$0x2800 ss:$0x1], $0xffff;
	[tilespmem:s14+$0x30] =	vst v0;
	v0 =	vadd.f32 v18, v14  }
0x371: {  	[tilespmem:s14+$0x0] =	vst v13;
	v3 =	vadd.f32 v4, v3  }
0x372: {  	s14 =	sadd.s32 $0x200, s14;
	[tilespmem:s9+$0x80] =	vst v0;
	v4 =	vadd.f32 v36, v33  }
0x373: {  	v0 =	vadd.f32 v20, v19;
	[tilespmem:s14+$0xB0] =	vst v3  }
0x374: {  	v3 =	vadd.f32 v34, v21;
	[tilespmem:s9+$0xFFFFFF00] =	vst v4  }
0x375: {  	v4 =	vbroadcast v35, $0xB;
	[tilespmem:s9+$0x90] =	vst v0  }
0x376: {  	v25 =	vadd.f32 v28, v26;
	v0 =	vbroadcast v35, $0x8;
	[tilespmem:s9+$0xA0] =	vst v3  }
0x377: {  	v26 =	vadd.f32 v30, v29;
	v32 =	vld [tilespmem:$0x1F770];
	v29 =	vbroadcast v22, $0x0;
	v3 =	vbroadcast v35, $0x9;
	[tilespmem:$0x1F500] =	vst v4  }
0x378: {  	v31 =	vld [tilespmem:$0x1F750];
	v30 =	vbroadcast v22, $0x1;
	v4 =	vbroadcast v35, $0xC;
	[tilespmem:$0x1F4D0] =	vst v0  }
0x379: {  	v53 =	vbroadcast v22, $0x2;
	v59 =	vbroadcast v22, $0x3;
	v10 =	vld [tilespmem:$0x1F850];
	v0 =	vadd.f32 v38, v37;
	[tilespmem:$0x1F4E0] =	vst v3  }
0x37a: {  	v28 =	vadd.f32 v54, v52;
	v60 =	vbroadcast v22, $0x4;
	v36 =	vld [tilespmem:$0x1F7B0];
	v3 =	vbroadcast v35, $0xA;
	[tilespmem:$0x1F510] =	vst v4  }
0x37b: {  	v1 =	vadd.f32 v1, v55;
	v61 =	vbroadcast v22, $0x5;
	v34 =	vld [tilespmem:$0x1F790];
	v4 =	vbroadcast v35, $0xD;
	[tilespmem:s9+$0xFFFFFF10] =	vst v0  }
0x37c: {  	v63 =	vbroadcast v22, $0x6;
	v56 =	vbroadcast v35, $0x0;
	v38 =	vld [tilespmem:$0x1F7D0];
	v0 =	vadd.f32 v48, v47;
	[tilespmem:$0x1F4F0] =	vst v3  }
0x37d: {  	v22 =	vbroadcast v22, $0x7;
	v54 =	vbroadcast v35, $0x1;
	v3 =	vadd.f32 v40, v39;
	[tilespmem:$0x1F520] =	vst v4;
	v39 =	vld [tilespmem:$0x1F7F0]  }
0x37e: {  	v6 =	vmul.f32 v30, v32;
	v47 =	vld [tilespmem:$0x1F830];
	v4 =	vmul.f32 v29, v31;
	[tilespmem:s9+$0xFFFFFF30] =	vst v0;
	v0 =	vadd.f32 v25, v24  }
0x37f: {  	v55 =	vbroadcast v35, $0x2;
	v52 =	vbroadcast v35, $0x3;
	v40 =	vld [tilespmem:$0x1F810];
	[tilespmem:s9+$0xFFFFFF20] =	vst v3;
	v3 =	vadd.f32 v23, v49  }
0x380: {  	v33 =	vld [tilespmem:$0x1F870];
	v9 =	vmul.f32 v59, v36;
	v8 =	vmul.f32 v53, v34;
	[tilespmem:s9+$0xFFFFFF90] =	vst v0;
	v0 =	vadd.f32 v6, v4  }
0x381: {  	v13 =	vbroadcast v35, $0x4;
	v50 =	vbroadcast v35, $0x6;
	[tilespmem:s9+$0xFFFFFF80] =	vst v3;
	v3 =	vadd.f32 v27, v26  }
0x382: {  	v14 =	vmul.f32 v60, v38;
	v18 =	vmul.f32 v61, v39;
	[tilespmem:$0x1F5A0] =	vst v0;
	v0 =	vadd.f32 v9, v8  }
0x383: {  	v57 =	vbroadcast v35, $0xE;
	v58 =	vbroadcast v35, $0xF;
	[tilespmem:s9+$0xFFFFFFA0] =	vst v3  }
0x384: {  	v19 =	vmul.f32 v63, v40;
	v3 =	vmul.f32 v22, v47;
	[tilespmem:$0x1F5B0] =	vst v0;
	v0 =	vadd.f32 v18, v14  }
0x385: {  	v1 =	vadd.f32 v1, v28;
	v37 =	vld [tilespmem:$0x1F890];
	v4 =	vmul.f32 v29, v10;
	v6 =	vmul.f32 v30, v33  }
0x386: {  	v15 =	vbroadcast v35, $0x5;
	v17 =	vbroadcast v35, $0x7;
	v35 =	vld [tilespmem:$0x1F880];
	[tilespmem:$0x1F5C0] =	vst v0;
	v0 =	vadd.f32 v3, v19  }
0x387: {  	[tilespmem:s9+$0xFFFFFFB0] =	vst v1;
	v1 =	vadd.f32 v6, v4;
	v6 =	vld [tilespmem:$0x1F8D0]  }
0x388: {  	[tilespmem:$0x1F5D0] =	vst v0;
	v0 =	vld [tilespmem:$0x1F8C0]  }
0x389: {  	v48 =	vld [tilespmem:$0x1F8A0]  }
0x38a: {  	v49 =	vld [tilespmem:$0x1F8B0];
	_ =	sdelay $0x1  }
0x38b: {  	v8 =	vmul.f32 v53, v35;
	v9 =	vmul.f32 v59, v37  }
0x38c: {  	v20 =	vmul.f32 v22, v6;
	v19 =	vmul.f32 v63, v0  }
0x38d: {  	[tilespmem:$0x1F5E0] =	vst v1;
	v1 =	vadd.f32 v9, v8  }
0x38e: {  	v62 =	vld [tilespmem:$0x1F8E0];
	v14 =	vmul.f32 v60, v48;
	v18 =	vmul.f32 v61, v49;
	v4 =	vadd.f32 v20, v19  }
0x38f: {  	[tilespmem:$0x1F5F0] =	vst v1;
	v1 =	vld [tilespmem:$0x1F860]  }
0x390: {  	v3 =	vadd.f32 v18, v14;
	[tilespmem:$0x1F610] =	vst v4;
	v4 =	vld [tilespmem:$0x1F900];
	_ =	sdelay $0x1  }
0x391: {  	[tilespmem:$0x1F600] =	vst v3;
	v3 =	vld [tilespmem:$0x1F8F0];
	_ =	sdelay $0x1  }
0x392: {  	v7 =	vld [tilespmem:$0x1F920];
	v14 =	vmul.f32 v30, v62  }
0x393: {  	v9 =	vld [tilespmem:$0x1F910];
	v21 =	vmul.f32 v29, v1;
	v19 =	vmul.f32 v59, v4  }
0x394: {  	v8 =	vld [tilespmem:$0x1F930]  }
0x395: {  	v18 =	vmul.f32 v53, v3;
	v11 =	vadd.f32 v14, v21;
	v14 =	vld [tilespmem:$0x1F940];
	_ =	sdelay $0x1  }
0x396: {  	v25 =	vmul.f32 v29, v51;
	[tilespmem:$0x1F620] =	vst v11;
	v11 =	vadd.f32 v19, v18;
	v19 =	vmov v51;
	v51 =	vld [tilespmem:$0x1F6E0]  }
0x397: {  	v23 =	vmul.f32 v61, v7;
	v20 =	vmul.f32 v60, v9;
	_ =	sdelay $0x1  }
0x398: {  	v12 =	vld [tilespmem:$0x1F950];
	v24 =	vmul.f32 v63, v8;
	v21 =	vmul.f32 v22, v14;
	[tilespmem:$0x1F630] =	vst v11;
	v11 =	vadd.f32 v23, v20;
	_ =	sdelay $0x1  }
0x399: {  	[tilespmem:$0x1F640] =	vst v11;
	v11 =	vadd.f32 v21, v24;
	v21 =	vld [tilespmem:$0x1F680];
	v23 =	vmul.f32 v30, v51;
	_ =	sdelay $0x1  }
0x39a: {  	v16 =	vld [tilespmem:$0x1F980];
	[tilespmem:$0x1F650] =	vst v11;
	v11 =	vadd.f32 v23, v25  }
0x39b: {  	v26 =	vmul.f32 v53, v12;
	v53 =	vld [tilespmem:$0x1F720]  }
0x39c: {  	[tilespmem:$0x1F660] =	vst v11;
	v11 =	vld [tilespmem:$0x1F740]  }
0x39d: {  	v24 =	vmul.f32 v59, v21;
	v59 =	vld [tilespmem:$0x1F730];
	_ =	sdelay $0x2  }
0x39e: {  	v29 =	vmul.f32 v63, v16  }
0x39f: {  	v27 =	vmul.f32 v60, v53;
	v18 =	vadd.f32 v24, v26;
	v23 =	vmul.f32 v22, v11  }
0x3a0: {  	v25 =	vmul.f32 v2, v32;
	v28 =	vmul.f32 v61, v59  }
0x3a1: {  	v24 =	vmul.f32 v41, v31;
	v26 =	vmul.f32 v42, v34;
	[tilespmem:$0x1F670] =	vst v18;
	v18 =	vadd.f32 v23, v29  }
0x3a2: {  	v30 =	vadd.f32 v28, v27;
	v27 =	vmul.f32 v45, v38;
	v28 =	vmul.f32 v43, v39  }
0x3a3: {  	v23 =	vmul.f32 v5, v36;
	v29 =	vmul.f32 v46, v40;
	[tilespmem:$0x1F690] =	vst v18;
	v18 =	vadd.f32 v25, v24  }
0x3a4: {  	v24 =	vmul.f32 v44, v47;
	v25 =	vmul.f32 v2, v33  }
0x3a5: {  	v2 =	vmul.f32 v2, v62;
	[tilespmem:$0x1F530] =	vst v18;
	v18 =	vadd.f32 v23, v26;
	v23 =	vmul.f32 v41, v10  }
0x3a6: {  	v26 =	vmul.f32 v42, v35;
	v20 =	vadd.f32 v24, v29;
	v24 =	vmul.f32 v5, v37  }
0x3a7: {  	v29 =	vmul.f32 v46, v0;
	v5 =	vmul.f32 v5, v4  }
0x3a8: {  	[tilespmem:$0x1F540] =	vst v18;
	v18 =	vadd.f32 v28, v27;
	v27 =	vmul.f32 v45, v48;
	v22 =	vadd.f32 v25, v23  }
0x3a9: {  	v28 =	vmul.f32 v43, v49;
	v23 =	vmul.f32 v44, v6  }
0x3aa: {  	v25 =	vmul.f32 v42, v3;
	[tilespmem:$0x1F570] =	vst v22;
	v22 =	vadd.f32 v24, v26;
	v24 =	vmul.f32 v41, v1  }
0x3ab: {  	v28 =	vadd.f32 v28, v27;
	v29 =	vadd.f32 v23, v29;
	v23 =	vmul.f32 v45, v9  }
0x3ac: {  	v27 =	vmul.f32 v46, v8;
	v60 =	vadd.f32 v2, v24;
	v24 =	vmul.f32 v44, v14  }
0x3ad: {  	v26 =	vmul.f32 v43, v7;
	v2 =	vmul.f32 v56, v31  }
0x3ae: {  	v44 =	vadd.f32 v5, v25;
	v5 =	vmul.f32 v54, v32;
	v24 =	vadd.f32 v24, v27  }
0x3af: {  	v25 =	vmul.f32 v55, v34;
	v63 =	vadd.f32 v26, v23;
	v23 =	vmul.f32 v52, v36  }
0x3b0: {  	v26 =	vmul.f32 v13, v38;
	v2 =	vadd.f32 v5, v2;
	[tilespmem:$0x1F590] =	vst v24;
	v24 =	vmul.f32 v15, v39  }
0x3b1: {  	v5 =	vadd.f32 v23, v25  }
0x3b2: {  	[tilespmem:$0x1F550] =	vst v2;
	v23 =	vadd.f32 v24, v26  }
0x3b3: {  	v27 =	vmul.f32 v50, v40;
	v2 =	vmul.f32 v17, v47;
	[tilespmem:$0x1F560] =	vst v5  }
0x3b4: {  	v5 =	vmul.f32 v56, v10;
	[tilespmem:$0x1F580] =	vst v23;
	v23 =	vmul.f32 v54, v33  }
0x3b5: {  	v24 =	vmul.f32 v55, v35;
	v61 =	vadd.f32 v2, v27;
	v2 =	vmul.f32 v52, v37  }
0x3b6: {  	v25 =	vmul.f32 v13, v48;
	v26 =	vmul.f32 v15, v49;
	v5 =	vadd.f32 v23, v5  }
0x3b7: {  	v2 =	vadd.f32 v2, v24  }
0x3b8: {  	v27 =	vmul.f32 v50, v0;
	v23 =	vadd.f32 v26, v25;
	[tilespmem:$0x1F6B0] =	vst v5;
	v5 =	vmul.f32 v17, v6  }
0x3b9: {  	[tilespmem:$0x1F6C0] =	vst v2;
	v2 =	vmul.f32 v56, v1;
	v26 =	vmul.f32 v15, v7  }
0x3ba: {  	v15 =	vmul.f32 v15, v59;
	[tilespmem:$0x1F6D0] =	vst v23;
	v23 =	vmul.f32 v54, v62;
	v5 =	vadd.f32 v5, v27  }
0x3bb: {  	v46 =	vmovc v59;
	v59 =	vmov v16;
	v16 =	vmul.f32 v50, v16;
	v27 =	vmul.f32 v50, v8;
	v50 =	vld [tilespmem:$0x1F4D0]  }
0x3bc: {  	v24 =	vmul.f32 v55, v3;
	v2 =	vadd.f32 v23, v2;
	[tilespmem:$0x1F6F0] =	vst v5;
	v5 =	vmul.f32 v52, v4  }
0x3bd: {  	v23 =	vmul.f32 v17, v14  }
0x3be: {  	v25 =	vmul.f32 v13, v9;
	[tilespmem:$0x1F700] =	vst v2;
	v2 =	vadd.f32 v5, v24;
	v24 =	vmul.f32 v56, v19;
	v56 =	vld [tilespmem:$0x1F4F0]  }
0x3bf: {  	v41 =	vmov v11;
	v17 =	vmul.f32 v17, v11;
	v11 =	vld [tilespmem:$0x1F500];
	v45 =	vadd.f32 v23, v27  }
0x3c0: {  	v23 =	vmul.f32 v50, v31;
	v31 =	vld [tilespmem:$0x1F4E0];
	[tilespmem:$0x1F710] =	vst v2;
	v2 =	vadd.f32 v26, v25;
	v25 =	vmul.f32 v54, v51  }
0x3c1: {  	v43 =	vmov v12;
	v26 =	vmul.f32 v55, v12;
	v12 =	vmul.f32 v52, v21;
	v52 =	vld [tilespmem:$0x1F520]  }
0x3c2: {  	v13 =	vmul.f32 v13, v53  }
0x3c3: {  	v5 =	vadd.f32 v25, v24;
	v25 =	vmul.f32 v56, v34;
	v34 =	vmov v30;
	v30 =	vld [tilespmem:$0x1F510]  }
0x3c4: {  	v13 =	vadd.f32 v15, v13;
	v15 =	vadd.f32 v17, v16;
	v17 =	vmul.f32 v11, v36  }
0x3c5: {  	v36 =	vmov v28;
	v28 =	vmul.f32 v57, v40;
	v24 =	vmul.f32 v31, v32  }
0x3c6: {  	v27 =	vmul.f32 v52, v39;
	v17 =	vadd.f32 v17, v25;
	v25 =	vmul.f32 v50, v10  }
0x3c7: {  	v10 =	vmovc v31;
	v55 =	vmul.f32 v52, v7;
	v16 =	vadd.f32 v24, v23;
	v24 =	vmul.f32 v58, v47  }
0x3c8: {  	v12 =	vadd.f32 v12, v26;
	v32 =	vmul.f32 v10, v51;
	v26 =	vmul.f32 v30, v38  }
0x3c9: {  	v24 =	vadd.f32 v24, v28;
	v28 =	vmul.f32 v11, v37;
	v37 =	vmovc v29;
	v29 =	vmul.f32 v30, v48  }
0x3ca: {  	v47 =	vmov v30;
	v30 =	vmul.f32 v52, v49;
	v49 =	vmul.f32 v58, v6  }
0x3cb: {  	v23 =	vadd.f32 v27, v26;
	v26 =	vmul.f32 v31, v33;
	v27 =	vmul.f32 v56, v35  }
0x3cc: {  	v31 =	vmul.f32 v57, v0;
	v0 =	vmul.f32 v50, v1  }
0x3cd: {  	v25 =	vadd.f32 v26, v25;
	v26 =	vadd.f32 v30, v29;
	v29 =	vmul.f32 v10, v62  }
0x3ce: {  	v39 =	vmovc v44;
	v44 =	vmov v56;
	v54 =	vmul.f32 v47, v9;
	v56 =	vmul.f32 v57, v8  }
0x3cf: {  	v27 =	vadd.f32 v28, v27;
	v29 =	vadd.f32 v29, v0;
	v0 =	vmul.f32 v58, v14  }
0x3d0: {  	v30 =	vmul.f32 v44, v3;
	v28 =	vadd.f32 v49, v31;
	v31 =	vmul.f32 v11, v4  }
0x3d1: {  	v33 =	vmul.f32 v44, v43;
	v51 =	vadd.f32 v0, v56;
	v0 =	vmul.f32 v11, v21  }
0x3d2: {  	v42 =	vmov v19;
	v3 =	vld [tilespmem:$0x1F5B0];
	v30 =	vadd.f32 v31, v30  }
0x3d3: {  	v31 =	vmul.f32 v50, v42;
	v50 =	vadd.f32 v55, v54;
	v54 =	vadd.f32 v0, v33;
	v0 =	vld [tilespmem:$0x1F5A0];
	_ =	sdelay $0x4  }
0x3d4: {  	v56 =	vadd.f32 v3, v0;
	v0 =	vld [tilespmem:$0x1F5C0]  }
0x3d5: {  	v3 =	vld [tilespmem:$0x1F5D0];
	_ =	sdelay $0x4  }
0x3d6: {  	v1 =	vmul.f32 v57, v59;
	v57 =	vadd.f32 v3, v0;
	v0 =	vld [tilespmem:$0x1F5E0]  }
0x3d7: {  	v3 =	vld [tilespmem:$0x1F5F0];
	_ =	sdelay $0x4  }
0x3d8: {  	v4 =	vadd.f32 v3, v0;
	v0 =	vld [tilespmem:$0x1F600]  }
0x3d9: {  	v3 =	vld [tilespmem:$0x1F610];
	_ =	sdelay $0x4  }
0x3da: {  	v6 =	vadd.f32 v3, v0;
	v0 =	vld [tilespmem:$0x1F620]  }
0x3db: {  	v3 =	vld [tilespmem:$0x1F630];
	_ =	sdelay $0x3  }
0x3dc: {  	v7 =	vld [tilespmem:$0x1F650]  }
0x3dd: {  	v3 =	vadd.f32 v3, v0;
	v0 =	vld [tilespmem:$0x1F640];
	_ =	sdelay $0x2  }
0x3de: {  	v19 =	vmov v18;
	v18 =	vld [tilespmem:$0x1F540]  }
0x3df: {  	v35 =	vld [tilespmem:$0x1F530]  }
0x3e0: {  	s15 =	sadd.s32 $0x2, s15;
	v8 =	vadd.f32 v7, v0;
	v0 =	vld [tilespmem:$0x1F660]  }
0x3e1: {  	p1 =	slt.u32 s15, $0x3E;
	v7 =	vld [tilespmem:$0x1F670]  }
.Ltmp14:
0x3e2: {  	v43 =	vld [tilespmem:$0x1F560];
	(pc) =	sbr.rel @p1 .LBB2_26-.Ltmp14, $4  }
0x3e3: {  	v48 =	vmul.f32 v47, v53;
	v49 =	vmul.f32 v52, v46;
	v46 =	vld [tilespmem:$0x1F580]  }
0x3e4: {  	v42 =	vld [tilespmem:$0x1F550];
	v52 =	vadd.f32 v32, v31;
	v31 =	vmul.f32 v58, v41  }
0x3e5: {  	v55 =	vadd.f32 v49, v48;
	v21 =	vld [tilespmem:$0x1F570]  }
0x3e6: {  	s16 =	sadd.s32 $0x20, s16;
	s3 =	sadd.s32 $0x40, s3;
	s9 =	smov.u32 s14;
	v40 =	vmovc v63;
	v38 =	vmov v60;
	v41 =	vld [tilespmem:$0x1F590];
	v1 =	vadd.f32 v31, v1;
	v0 =	vadd.f32 v7, v0  }
0x3e7: {  	v7 =	vld [tilespmem:$0x1F690];
	_ =	sdelay $0x3  }
0x3e8: {  	v10 =	vld [tilespmem:$0x1F6C0]  }
0x3e9: {  	v9 =	vadd.f32 v7, v34;
	v7 =	vld [tilespmem:$0x1F6B0];
	_ =	sdelay $0x4  }
0x3ea: {  	v33 =	vadd.f32 v10, v7;
	v7 =	vld [tilespmem:$0x1F6D0]  }
0x3eb: {  	v14 =	vadd.f32 v18, v35;
	v18 =	vadd.f32 v20, v19;
	v10 =	vld [tilespmem:$0x1F6F0]  }
0x3ec: {  	v20 =	vadd.f32 v37, v36;
	v62 =	vadd.f32 v57, v56  }
0x3ed: {  	v4 =	vadd.f32 v6, v4;
	v2 =	vadd.f32 v45, v2  }
0x3ee: {  	v3 =	vadd.f32 v8, v3;
	v6 =	vadd.f32 v12, v5  }
0x3ef: {  	v8 =	vadd.f32 v24, v23;
	v5 =	vadd.f32 v51, v50  }
0x3f0: {  	v32 =	vadd.f32 v61, v46;
	v61 =	vadd.f32 v10, v7;
	v7 =	vld [tilespmem:$0x1F700]  }
0x3f1: {  	v1 =	vadd.f32 v1, v55;
	v19 =	vadd.f32 v22, v21;
	v10 =	vld [tilespmem:$0x1F710];
	[tilespmem:s14+$0x0] =	vst v62  }
0x3f2: {  	v21 =	vadd.f32 v39, v38;
	v0 =	vadd.f32 v9, v0;
	[tilespmem:s14+$0x10] =	vst v4  }
0x3f3: {  	v31 =	vadd.f32 v41, v40;
	[tilespmem:s14+$0x20] =	vst v3;
	v3 =	vadd.f32 v18, v14  }
0x3f4: {  	v9 =	vadd.f32 v27, v25;
	[tilespmem:s14+$0x30] =	vst v0;
	v0 =	vadd.f32 v20, v19  }
0x3f5: {  	v4 =	vadd.f32 v15, v13;
	[tilespmem:s9+$0x80] =	vst v3;
	v3 =	vadd.f32 v31, v21  }
0x3f6: {  	[tilespmem:s9+$0x90] =	vst v0;
	v0 =	vadd.f32 v28, v26;
	v11 =	vadd.f32 v61, v33  }
0x3f7: {  	v4 =	vadd.f32 v4, v6;
	[tilespmem:s9+$0xA0] =	vst v3;
	v63 =	vadd.f32 v10, v7  }
0x3f8: {  	v22 =	vadd.f32 v43, v42;
	[tilespmem:s9+$0xFFFFFF10] =	vst v11;
	v0 =	vadd.f32 v0, v9  }
0x3f9: {  	[tilespmem:s9+$0xFFFFFF30] =	vst v4;
	v7 =	vadd.f32 v17, v16;
	v2 =	vadd.f32 v2, v63  }
0x3fa: {  	v6 =	vadd.f32 v54, v52;
	v10 =	vadd.f32 v32, v22;
	[tilespmem:s9+$0xFFFFFF90] =	vst v0  }
0x3fb: {  	v3 =	vadd.f32 v30, v29;
	[tilespmem:s9+$0xFFFFFF20] =	vst v2;
	v2 =	vadd.f32 v8, v7  }
0x3fc: {  	v0 =	vadd.f32 v1, v6;
	[tilespmem:s9+$0xFFFFFF00] =	vst v10  }
0x3fd: {  	[tilespmem:s9+$0xFFFFFF80] =	vst v2;
	v2 =	vadd.f32 v5, v3  }
0x3fe: {  	s3 =	sshrl.u32 s28, $0x2;
	[tilespmem:s9+$0xFFFFFFB0] =	vst v0  }
0x3ff: {  	s3 =	sadd.s32 s23, s3;
	[tilespmem:s9+$0xFFFFFFA0] =	vst v2  }
0x400: {  	[tilespmem:s4], [sflag:$0x1] =	stream.indirect.gather.add.f32 [hbm:s1], $0x80, s3, s31, $0xb8;
	[tilespmem:$0xFC00] =	vst v63  }
0x401: {  	s11 =	sadd.s32 $0xA00, s3  }
0x402: {  	[tilespmem:s4], [sflag:$0x1] =	stream.indirect.gather.add.f32 [hbm:s1], $0x80, s11, s31, $0xb8;
	[tilespmem:$0xFC00] =	vst v63  }
0x403: {  	s12 =	sadd.s32 $0x1400, s3  }
0x404: {  	[tilespmem:s4], [sflag:$0x1] =	stream.indirect.gather.add.f32 [hbm:s1], $0x80, s12, s31, $0xb8;
	[tilespmem:$0xFC00] =	vst v63  }
0x405: {  	s3 =	sadd.s32 $0x1E00, s3  }
0x406: {  	[tilespmem:s4], [sflag:$0x1] =	stream.indirect.gather.add.f32 [hbm:s1], $0x80, s3, s31, $0xb8;
	[tilespmem:$0xFC00] =	vst v63  }
0x407: {  	s3 =	simm.s32 @!p0 $0x2  }
0x408: {  	_ =	swait.ge @!p0 [sflag:s3], $0x4000  }
0x409: {  	[sflag:s3] =	ssyncset.done @!p0 $0x0  }
0x40a: {  	[sflag:s3] =	ssyncadd.s32 @!p0 $0xFFFFC000  }
0x40b: {  	_ =	swait.ge @!p0 [sflag:s3], $0x4000  }
0x40c: {  	[sflag:s3] =	ssyncset.done @!p0 $0x0  }
0x40d: {  	[sflag:s3] =	ssyncadd.s32 @!p0 $0xFFFFC000  }
0x40e: {  	_ =	swait.ge @!p0 [sflag:s3], $0x4000  }
0x40f: {  	s9 =	sadd.s32 @!p0 s18, s25;
	[sflag:s3] =	ssyncset.done @!p0 $0x0  }
0x410: {  	s25 =	sor.u32 @!p0 $0x1, s25;
	s9 =	sshll.u32 @!p0 s9, $0xE;
	[sflag:s3] =	ssyncadd.s32 @!p0 $0xFFFFC000  }
0x411: {  	s10 =	smulhi.u32 @!p0 $0x66666667, s25;
	s9 =	sadd.s32 @!p0 $0xFFFFC000, s9;
	_ =	swait.ge @!p0 [sflag:s3], $0x4000  }
0x412: {  	s9 =	sshrl.u32 @!p0 s9, $0x3;
	[sflag:s3] =	ssyncset.done @!p0 $0x0  }
0x413: {  	[sflag:s3] =	ssyncadd.s32 @!p0 $0xFFFFC000;
	s3 =	sadd.s32 @!p0 s6, s9;
	s9 =	sshrl.u32 @!p0 s10, $0x2  }
0x414: {  	s11 =	simm.s32 @!p0 $0xB800;
	s10 =	simm.s32 @!p0 $0x0;
	s9 =	smul.u32 @!p0 $0xA, s9  }
0x415: {  	[hbm4b:s3+s10] =	stream.linear.scatter @!p0 [tilespmem:s11], [sflag:$0x4], $0x4000, $0x38;
	[tilespmem:$0xFC00] =	vst v63  }
0x416: {  	s3 =	ssub.s32 @!p0 s25, s9  }
0x417: {  	s28 =	sshll.u32 @!p0 s3, $0xA;
	s3 =	simm.s32 @!p0 $0x4  }
0x418: {  	_ =	swait.ge @!p0 [sflag:s3], $0x4000  }
0x419: {  	v10 =	vld [tilespmem:$0x1FC10]  }
0x41a: {  	[sflag:s3] =	ssyncset.done @!p0 $0x0  }
0x41b: {  	s28 =	simm.s32 @p0 $0x400;
	[sflag:s3] =	ssyncadd.s32 @!p0 $0xFFFFC000  }
0x41c: {  	s13 =	sshll.u32 s28, $0x1;
	v5 =	vld [tilespmem:$0xFAB0]  }
0x41d: {  	s24 =	sadd.s32 $0x20, s13;
	v59 =	vld [tilespmem:$0xF930]  }
0x41e: {  	s14 =	simm.s32 $0x0;
	s15 =	sadd.s32 $0xFFFFFFE0, s24;
	v63 =	vld [tilespmem:$0xF9B0]  }
0x41f: {  	s16 =	sand.u32 $0x60, s14;
	v43 =	vld [tilespmem:$0xFA30];
	s21 =	sand.u32 $0x7F00, s15  }
0x420: {  	s3 =	sor.u32 s16, s21  }
0x421: {  	v0 =	vld.idx.msk [tilespmem:v10+s3+$0x2800 ss:$0x1], $0xffff;
	[tilespmem:$0x1F3E0] =	vst v5  }
0x422: {  	s26 =	simm.s32 $0x10;
	v38 =	vld [tilespmem:$0xF830];
	[tilespmem:$0x1F180] =	vst v59  }
0x423: {  	v40 =	vld [tilespmem:$0xF8B0];
	s9 =	sand.u32 $0x7F00, s24;
	s3 =	sand.u32 $0x70, s26;
	[tilespmem:$0x1F190] =	vst v63  }
0x424: {  	[tilespmem:$0x1F1A0] =	vst v43;
	s3 =	sor.u32 s3, s9  }
0x425: {  	v17 =	vld.idx.msk [tilespmem:v10+s3+$0x2800 ss:$0x1], $0xffff  }
0x426: {  	v28 =	vbroadcast v0, $0x8;
	v26 =	vbroadcast v0, $0x9;
	_ =	sdelay $0x1  }
0x427: {  	v1 =	vmul.f32 v28, v38;
	v3 =	vmul.f32 v26, v40;
	_ =	sdelay $0x1  }
0x428: {  	v22 =	vadd.f32 v3, v1;
	v1 =	vbroadcast v17, $0x8;
	_ =	sdelay $0x1  }
0x429: {  	[tilespmem:$0x1F1D0] =	vst v1;
	v1 =	vbroadcast v17, $0x9  }
0x42a: {  	v14 =	vbroadcast v0, $0xA;
	v15 =	vbroadcast v0, $0xB  }
0x42b: {  	v42 =	vld [tilespmem:$0xFB30];
	v6 =	vbroadcast v0, $0xC;
	[tilespmem:$0x1F1F0] =	vst v1;
	v1 =	vbroadcast v17, $0xA  }
0x42c: {  	v41 =	vld [tilespmem:$0xFBB0];
	v18 =	vbroadcast v0, $0xD;
	v23 =	vbroadcast v0, $0xE  }
0x42d: {  	v24 =	vbroadcast v0, $0xF;
	[tilespmem:$0x1F210] =	vst v1;
	v1 =	vbroadcast v17, $0xB  }
0x42e: {  	v44 =	vld [tilespmem:$0xF800];
	v4 =	vmul.f32 v14, v59;
	v7 =	vmul.f32 v15, v63  }
0x42f: {  	v2 =	vld [tilespmem:$0xF810];
	v8 =	vmul.f32 v6, v43;
	[tilespmem:$0x1F230] =	vst v1;
	v1 =	vbroadcast v17, $0xC  }
0x430: {  	v39 =	vld [tilespmem:$0xF820];
	v9 =	vmul.f32 v18, v5;
	v12 =	vmul.f32 v23, v42  }
0x431: {  	v56 =	vld [tilespmem:$0xF880];
	v19 =	vmul.f32 v24, v41;
	[tilespmem:$0x1F250] =	vst v1;
	v1 =	vbroadcast v17, $0xD  }
0x432: {  	v53 =	vld [tilespmem:$0xF900];
	v31 =	vadd.f32 v7, v4  }
0x433: {  	v49 =	vld [tilespmem:$0xF980];
	v37 =	vadd.f32 v9, v8;
	v19 =	vadd.f32 v19, v12;
	[tilespmem:$0x1F270] =	vst v1;
	v1 =	vbroadcast v17, $0xE  }
0x434: {  	v50 =	vld [tilespmem:$0xFA00];
	v20 =	vbroadcast v0, $0x0;
	v21 =	vbroadcast v0, $0x1  }
0x435: {  	v52 =	vld [tilespmem:$0xFA80];
	v22 =	vadd.f32 v31, v22;
	v19 =	vadd.f32 v19, v37;
	[tilespmem:$0x1F290] =	vst v1;
	v1 =	vbroadcast v17, $0xF  }
0x436: {  	v47 =	vld [tilespmem:$0xFB00];
	v29 =	vbroadcast v0, $0x2;
	v30 =	vbroadcast v0, $0x3  }
0x437: {  	v5 =	vld [tilespmem:$0xF8A0];
	v57 =	vmul.f32 v21, v56;
	v31 =	vmul.f32 v20, v44;
	[tilespmem:$0x1F2B0] =	vst v1;
	v1 =	vadd.f32 v19, v22  }
0x438: {  	v48 =	vld [tilespmem:$0xFB80];
	v33 =	vbroadcast v0, $0x4;
	v34 =	vbroadcast v0, $0x5  }
0x439: {  	v11 =	vld [tilespmem:$0xF890];
	v58 =	vmul.f32 v29, v53;
	v61 =	vmul.f32 v30, v49;
	[tilespmem:$0x1F480] =	vst v1;
	v1 =	vadd.f32 v57, v31  }
0x43a: {  	v60 =	vld [tilespmem:$0xF910];
	v35 =	vbroadcast v0, $0x6;
	v0 =	vbroadcast v0, $0x7  }
0x43b: {  	v54 =	vld [tilespmem:$0xF990];
	v19 =	vmul.f32 v33, v50;
	v22 =	vmul.f32 v34, v52;
	[tilespmem:$0x1F3C0] =	vst v1;
	v1 =	vadd.f32 v61, v58  }
0x43c: {  	v51 =	vld [tilespmem:$0xFA10];
	[tilespmem:$0x1F100] =	vst v5  }
0x43d: {  	v32 =	vmul.f32 v0, v48;
	v5 =	vld [tilespmem:$0xF920];
	v31 =	vmul.f32 v35, v47;
	[tilespmem:$0x1F3D0] =	vst v1;
	v1 =	vadd.f32 v22, v19  }
0x43e: {  	v9 =	vld [tilespmem:$0xFA90]  }
0x43f: {  	v36 =	vmul.f32 v20, v2;
	v19 =	vmul.f32 v21, v11;
	[tilespmem:$0x1F400] =	vst v1;
	v1 =	vadd.f32 v32, v31  }
0x440: {  	[tilespmem:$0x1F3A0] =	vst v38;
	v37 =	vmul.f32 v20, v39;
	v3 =	vmov v38;
	v38 =	vmul.f32 v20, v38  }
0x441: {  	v20 =	vmul.f32 v29, v60;
	v22 =	vmul.f32 v30, v54;
	[tilespmem:$0x1F410] =	vst v1;
	v1 =	vadd.f32 v19, v36  }
0x442: {  	v10 =	vld [tilespmem:$0xFB10];
	[tilespmem:$0x1F110] =	vst v5;
	v5 =	vbroadcast v17, $0x4  }
0x443: {  	v4 =	vld [tilespmem:$0xFB90];
	v32 =	vmul.f32 v34, v9;
	v19 =	vmul.f32 v33, v51;
	[tilespmem:$0x1F420] =	vst v1;
	v1 =	vadd.f32 v22, v20  }
0x444: {  	v27 =	vbroadcast v17, $0x0  }
0x445: {  	v25 =	vbroadcast v17, $0x1;
	v46 =	vbroadcast v17, $0x2;
	[tilespmem:$0x1F430] =	vst v1;
	v1 =	vadd.f32 v32, v19;
	v32 =	vld [tilespmem:$0x1F100]  }
0x446: {  	v55 =	vld [tilespmem:$0xF9A0];
	v45 =	vbroadcast v17, $0x3;
	v62 =	vbroadcast v17, $0x5  }
0x447: {  	v13 =	vbroadcast v17, $0x6;
	v16 =	vbroadcast v17, $0x7;
	[tilespmem:$0x1F120] =	vst v5;
	v5 =	vmov v2;
	v2 =	vld [tilespmem:$0x1F110]  }
0x448: {  	v17 =	vmov v39;
	v39 =	vmul.f32 v0, v4;
	v61 =	vld [tilespmem:$0xFA20];
	v20 =	vmul.f32 v35, v10  }
0x449: {  	v58 =	vld [tilespmem:$0xFAA0]  }
0x44a: {  	v12 =	vld [tilespmem:$0xFBA0];
	[tilespmem:$0x1F440] =	vst v1;
	v1 =	vadd.f32 v39, v20;
	v19 =	vmul.f32 v21, v32  }
0x44b: {  	v7 =	vmov v40;
	v57 =	vld [tilespmem:$0xFB20];
	v36 =	vmul.f32 v21, v40  }
0x44c: {  	v40 =	vmul.f32 v30, v55;
	v39 =	vmul.f32 v29, v2;
	[tilespmem:$0x1F450] =	vst v1;
	v1 =	vadd.f32 v19, v37;
	_ =	sdelay $0x1  }
0x44d: {  	v19 =	vmul.f32 v33, v61;
	v37 =	vmul.f32 v34, v58;
	[tilespmem:$0x1F460] =	vst v1;
	v1 =	vadd.f32 v40, v39;
	_ =	sdelay $0x1  }
0x44e: {  	v39 =	vmul.f32 v35, v57;
	v40 =	vmul.f32 v0, v12;
	[tilespmem:$0x1F470] =	vst v1;
	v1 =	vadd.f32 v37, v19;
	_ =	sdelay $0x1  }
0x44f: {  	v30 =	vmul.f32 v30, v63;
	v63 =	vmul.f32 v18, v52;
	[tilespmem:$0x1F490] =	vst v1;
	v1 =	vadd.f32 v40, v39  }
0x450: {  	v29 =	vmul.f32 v29, v59;
	v33 =	vmul.f32 v33, v43  }
0x451: {  	v43 =	vmul.f32 v15, v49;
	v35 =	vmul.f32 v35, v42;
	[tilespmem:$0x1F4A0] =	vst v1;
	v1 =	vld [tilespmem:$0x1F3E0]  }
0x452: {  	[tilespmem:$0x1F1B0] =	vst v42;
	v42 =	vmul.f32 v14, v53;
	v37 =	vmul.f32 v15, v54  }
0x453: {  	v19 =	vadd.f32 v36, v38;
	v38 =	vmul.f32 v23, v10;
	v40 =	vmul.f32 v0, v41  }
0x454: {  	v0 =	vadd.f32 v30, v29;
	v29 =	vmul.f32 v28, v44;
	v30 =	vmul.f32 v28, v5  }
0x455: {  	v8 =	vmov v41;
	[tilespmem:$0x1F340] =	vst v17;
	v28 =	vmul.f32 v28, v17;
	v41 =	vmul.f32 v26, v56  }
0x456: {  	v59 =	vmovc v17;
	v17 =	vadd.f32 v43, v42;
	v42 =	vmul.f32 v23, v47;
	v34 =	vmul.f32 v34, v1  }
0x457: {  	v43 =	vmul.f32 v24, v48;
	v39 =	vmul.f32 v24, v4  }
0x458: {  	[tilespmem:$0x1F2C0] =	vst v5;
	v23 =	vmul.f32 v23, v57;
	v24 =	vmul.f32 v24, v12;
	v33 =	vadd.f32 v34, v33  }
0x459: {  	v31 =	vmovc v5;
	v34 =	vadd.f32 v40, v35;
	v35 =	vadd.f32 v41, v29;
	v29 =	vmul.f32 v6, v50  }
0x45a: {  	[tilespmem:$0x1F4B0] =	vst v19;
	v5 =	vmul.f32 v15, v55;
	v19 =	vadd.f32 v43, v42;
	v42 =	vadd.f32 v24, v23  }
0x45b: {  	v24 =	vmul.f32 v62, v52;
	v36 =	vadd.f32 v63, v29;
	v29 =	vmul.f32 v26, v11  }
0x45c: {  	[tilespmem:$0x1F4C0] =	vst v0;
	v0 =	vmov v2;
	v2 =	vmul.f32 v14, v2;
	v63 =	vmul.f32 v14, v60  }
0x45d: {  	v26 =	vmul.f32 v26, v32;
	v14 =	vld [tilespmem:$0x1F120];
	v20 =	vadd.f32 v29, v30;
	v29 =	vmul.f32 v6, v51  }
0x45e: {  	v30 =	vmul.f32 v18, v9;
	v21 =	vadd.f32 v37, v63;
	v37 =	vadd.f32 v39, v38  }
0x45f: {  	v6 =	vmul.f32 v6, v61;
	v18 =	vmul.f32 v18, v58;
	v38 =	vadd.f32 v26, v28  }
0x460: {  	v39 =	vadd.f32 v5, v2;
	v2 =	vmul.f32 v27, v44;
	v5 =	vmul.f32 v25, v56  }
0x461: {  	v40 =	vadd.f32 v18, v6;
	v6 =	vmul.f32 v46, v53;
	v18 =	vmul.f32 v45, v49  }
0x462: {  	v43 =	vadd.f32 v5, v2;
	v2 =	vmul.f32 v13, v47;
	v23 =	vmul.f32 v14, v50  }
0x463: {  	v28 =	vmovc v44;
	v5 =	vmul.f32 v16, v48;
	v44 =	vadd.f32 v18, v6;
	v6 =	vmul.f32 v27, v31  }
0x464: {  	v18 =	vmul.f32 v27, v59;
	v59 =	vadd.f32 v24, v23;
	v24 =	vmul.f32 v25, v11  }
0x465: {  	v63 =	vadd.f32 v5, v2  }
0x466: {  	v2 =	vmul.f32 v46, v60;
	v5 =	vmul.f32 v45, v54;
	v6 =	vadd.f32 v24, v6;
	_ =	sdelay $0x1  }
0x467: {  	v2 =	vadd.f32 v5, v2;
	v24 =	vmul.f32 v62, v9;
	[tilespmem:$0x1F130] =	vst v6;
	v6 =	vmul.f32 v14, v51;
	_ =	sdelay $0x1  }
0x468: {  	v5 =	vmul.f32 v16, v4;
	[tilespmem:$0x1F140] =	vst v2;
	v2 =	vmul.f32 v13, v10;
	v6 =	vadd.f32 v24, v6;
	_ =	sdelay $0x1  }
0x469: {  	v2 =	vadd.f32 v5, v2;
	[tilespmem:$0x1F150] =	vst v6;
	v6 =	vmul.f32 v25, v32;
	_ =	sdelay $0x1  }
0x46a: {  	[tilespmem:$0x1F160] =	vst v2;
	v2 =	vadd.f32 v6, v18;
	v6 =	vmul.f32 v14, v61;
	v18 =	vmul.f32 v62, v58;
	_ =	sdelay $0x1  }
0x46b: {  	[tilespmem:$0x1F170] =	vst v2;
	v2 =	vadd.f32 v18, v6;
	v6 =	vld [tilespmem:$0x1F180]  }
0x46c: {  	v22 =	vadd.f32 v30, v29;
	v30 =	vmov v11;
	v11 =	vld [tilespmem:$0x1F1A0];
	v5 =	vmul.f32 v46, v0  }
0x46d: {  	v24 =	vmul.f32 v25, v7;
	v25 =	vmul.f32 v45, v55;
	_ =	sdelay $0x1  }
0x46e: {  	v26 =	vmul.f32 v16, v12;
	v5 =	vadd.f32 v25, v5;
	v25 =	vmul.f32 v13, v57  }
0x46f: {  	v18 =	vmul.f32 v46, v6  }
0x470: {  	v46 =	vadd.f32 v26, v25;
	v25 =	vmul.f32 v14, v11;
	v14 =	vmul.f32 v62, v1;
	v62 =	vld [tilespmem:$0x1F1F0];
	_ =	sdelay $0x2  }
0x471: {  	v23 =	vmul.f32 v27, v3;
	_ =	sdelay $0x1  }
0x472: {  	[tilespmem:$0x1F1E0] =	vst v56;
	v41 =	vadd.f32 v24, v23;
	v23 =	vmul.f32 v62, v56;
	v56 =	vld [tilespmem:$0x1F210];
	_ =	sdelay $0x4  }
0x473: {  	[tilespmem:$0x1F200] =	vst v53;
	v24 =	vmul.f32 v56, v53;
	v53 =	vld [tilespmem:$0x1F230];
	_ =	sdelay $0x1  }
0x474: {  	v3 =	vld [tilespmem:$0x1F190];
	_ =	sdelay $0x2  }
0x475: {  	[tilespmem:$0x1F220] =	vst v49;
	v14 =	vadd.f32 v14, v25;
	v25 =	vmul.f32 v53, v49;
	v49 =	vld [tilespmem:$0x1F250]  }
0x476: {  	v31 =	vmov v0;
	v0 =	vld [tilespmem:$0x1F1D0]  }
0x477: {  	v27 =	vmul.f32 v45, v3;
	v45 =	vld [tilespmem:$0x1F1B0];
	_ =	sdelay $0x2  }
0x478: {  	[tilespmem:$0x1F240] =	vst v50;
	v26 =	vmul.f32 v49, v50;
	v50 =	vld [tilespmem:$0x1F270];
	_ =	sdelay $0x1  }
0x479: {  	v15 =	vmul.f32 v13, v45;
	v13 =	vadd.f32 v27, v18;
	v18 =	vmul.f32 v0, v28  }
0x47a: {  	v1 =	vld [tilespmem:$0x1F2B0]  }
0x47b: {  	v18 =	vadd.f32 v23, v18;
	v23 =	vld [tilespmem:$0x1F2C0]  }
0x47c: {  	[tilespmem:$0x1F260] =	vst v52;
	v27 =	vmul.f32 v50, v52;
	v52 =	vld [tilespmem:$0x1F290];
	_ =	sdelay $0x1  }
0x47d: {  	v16 =	vmul.f32 v16, v8  }
0x47e: {  	[tilespmem:$0x1F300] =	vst v51  }
0x47f: {  	[tilespmem:$0x1F2D0] =	vst v30;
	v15 =	vadd.f32 v16, v15;
	v29 =	vmul.f32 v1, v48;
	v30 =	vmul.f32 v62, v30  }
0x480: {  	[tilespmem:$0x1F1C0] =	vst v28;
	v16 =	vadd.f32 v25, v24;
	v25 =	vmul.f32 v0, v23;
	v28 =	vmul.f32 v52, v47  }
0x481: {  	[tilespmem:$0x1F310] =	vst v9;
	v23 =	vadd.f32 v27, v26;
	v26 =	vmul.f32 v56, v60;
	v27 =	vmul.f32 v53, v54  }
0x482: {  	[tilespmem:$0x1F330] =	vst v4;
	v24 =	vadd.f32 v29, v28;
	v28 =	vmul.f32 v49, v51;
	v29 =	vmul.f32 v50, v9  }
0x483: {  	v25 =	vadd.f32 v30, v25;
	v30 =	vmul.f32 v52, v10;
	v9 =	vmovc v50;
	v50 =	vmul.f32 v1, v4  }
0x484: {  	[tilespmem:$0x1F360] =	vst v61;
	v27 =	vadd.f32 v27, v26;
	v4 =	vld [tilespmem:$0x1F340];
	v26 =	vadd.f32 v29, v28  }
0x485: {  	v51 =	vmovc v1;
	v28 =	vadd.f32 v50, v30;
	v50 =	vmul.f32 v49, v61;
	v61 =	vmul.f32 v1, v12;
	v1 =	vld [tilespmem:$0x1F3A0];
	_ =	sdelay $0x3  }
0x486: {  	[tilespmem:$0x1F3B0] =	vst v7;
	v7 =	vmul.f32 v62, v7  }
0x487: {  	[tilespmem:$0x1F320] =	vst v10;
	v10 =	vmov v52;
	v52 =	vmul.f32 v0, v4;
	v4 =	vmul.f32 v0, v1  }
0x488: {  	v0 =	vld [tilespmem:$0x1F3C0]  }
0x489: {  	[tilespmem:$0x1F2A0] =	vst v48;
	v48 =	vmov v53;
	v53 =	vadd.f32 v7, v4;
	v4 =	vld [tilespmem:$0x1F3D0];
	_ =	sdelay $0x1  }
0x48a: {  	[tilespmem:$0x1F350] =	vst v55;
	v55 =	vmul.f32 v48, v55  }
0x48b: {  	[tilespmem:$0x1F2E0] =	vst v60;
	v60 =	vmul.f32 v62, v32;
	v32 =	vmul.f32 v56, v31;
	_ =	sdelay $0x1  }
0x48c: {  	v30 =	vadd.f32 v55, v32;
	v55 =	vadd.f32 v4, v0;
	v0 =	vld [tilespmem:$0x1F3E0]  }
0x48d: {  	[tilespmem:$0x1F280] =	vst v47;
	v47 =	vmov v56  }
0x48e: {  	v3 =	vmul.f32 v48, v3;
	v1 =	vmul.f32 v47, v6;
	_ =	sdelay $0x1  }
0x48f: {  	[tilespmem:$0x1F2F0] =	vst v54;
	v54 =	vadd.f32 v3, v1;
	v1 =	vld [tilespmem:$0x1F410]  }
0x490: {  	v7 =	vmul.f32 v9, v0;
	v0 =	vld [tilespmem:$0x1F400];
	_ =	sdelay $0x2  }
0x491: {  	v56 =	vmul.f32 v9, v58  }
0x492: {  	v4 =	vmul.f32 v49, v11  }
0x493: {  	v50 =	vadd.f32 v56, v50;
	v56 =	vadd.f32 v1, v0;
	v0 =	vld [tilespmem:$0x1F420]  }
0x494: {  	v1 =	vadd.f32 v7, v4;
	v4 =	vld [tilespmem:$0x1F430];
	_ =	sdelay $0x4  }
0x495: {  	v7 =	vadd.f32 v4, v0;
	v0 =	vld [tilespmem:$0x1F440]  }
0x496: {  	v4 =	vld [tilespmem:$0x1F450];
	_ =	sdelay $0x2  }
0x497: {  	[tilespmem:$0x1F3F0] =	vst v8;
	v8 =	vmul.f32 v51, v8;
	v3 =	vmul.f32 v10, v45;
	_ =	sdelay $0x1  }
0x498: {  	v3 =	vadd.f32 v8, v3;
	v8 =	vadd.f32 v4, v0;
	v0 =	vld [tilespmem:$0x1F460]  }
0x499: {  	v4 =	vld [tilespmem:$0x1F470];
	_ =	sdelay $0x4  }
0x49a: {  	v4 =	vadd.f32 v4, v0;
	v0 =	vld [tilespmem:$0x1F480];
	_ =	sdelay $0x1  }
0x49b: {  	[tilespmem:$0x1F390] =	vst v12  }
0x49c: {  	[tilespmem:$0x1F380] =	vst v57  }
0x49d: {  	s14 =	simm.s32 $0xB9B0;
	[tilespmem:$0x1F370] =	vst v58  }
0x49e: {  	[tilespmem:s14+$0xFFFFFF00] =	vst v0  }
0x49f: {  	v0 =	vld [tilespmem:$0x1F490]  }
0x4a0: {  	v6 =	vld [tilespmem:$0x1F4A0];
	_ =	sdelay $0x4  }
0x4a1: {  	v9 =	vadd.f32 v6, v0;
	v0 =	vld [tilespmem:$0x1F4B0]  }
0x4a2: {  	v6 =	vld [tilespmem:$0x1F4C0];
	_ =	sdelay $0x2  }
0x4a3: {  	v29 =	vadd.f32 v60, v52;
	v60 =	vmul.f32 v10, v57  }
0x4a4: {  	s25 =	simm.s32 @p0 $0x1;
	s15 =	simm.s32 $0x0  }
0x4a5: {  	s16 =	sadd.s32 $0x40, s24;
	s26 =	simm.s32 $0xB9B0;
	s3 =	simm.s32 $0x30;
	v52 =	vadd.f32 v61, v60;
	v0 =	vadd.f32 v6, v0  }
.LBB2_28:
0x4a6: {  	v6 =	vld [tilespmem:$0x1F130]  }
0x4a7: {  	v10 =	vld [tilespmem:$0x1F140]  }
0x4a8: {  	v31 =	vld [tilespmem:$0x1FC10];
	_ =	sdelay $0x2  }
0x4a9: {  	v20 =	vadd.f32 v21, v20;
	v21 =	vadd.f32 v37, v22  }
0x4aa: {  	v22 =	vadd.f32 v39, v38;
	v38 =	vadd.f32 v10, v6;
	v6 =	vld [tilespmem:$0x1F150]  }
0x4ab: {  	s10 =	sadd.s32 $0xFFFFFFF0, s3;
	s11 =	sadd.s32 $0xFFFFFFE0, s16;
	v23 =	vadd.f32 v24, v23;
	v24 =	vadd.f32 v27, v25;
	v10 =	vld [tilespmem:$0x1F160]  }
0x4ac: {  	v25 =	vadd.f32 v28, v26;
	v28 =	vadd.f32 v54, v53;
	v53 =	vld [tilespmem:$0x1F3B0];
	s10 =	sand.u32 $0x60, s10;
	s11 =	sand.u32 $0x7F00, s11  }
0x4ad: {  	v11 =	vld [tilespmem:$0x1F190];
	s10 =	sor.u32 s10, s11  }
0x4ae: {  	v12 =	vadd.f32 v34, v33;
	v33 =	vld.idx.msk [tilespmem:v31+s10+$0x2800 ss:$0x1], $0xffff  }
0x4af: {  	v47 =	vadd.f32 v46, v2;
	v49 =	vadd.f32 v15, v14;
	v14 =	vld [tilespmem:$0x1F1A0]  }
0x4b0: {  	v48 =	vadd.f32 v13, v41;
	v39 =	vadd.f32 v10, v6;
	v6 =	vld [tilespmem:$0x1F170]  }
0x4b1: {  	v51 =	vadd.f32 v16, v18;
	v15 =	vld [tilespmem:$0x1F3E0];
	v7 =	vadd.f32 v8, v7  }
0x4b2: {  	v1 =	vadd.f32 v3, v1;
	v3 =	vld [tilespmem:$0x1F180];
	v17 =	vadd.f32 v17, v35  }
0x4b3: {  	v8 =	vld [tilespmem:$0x1F1B0];
	v34 =	vadd.f32 v42, v40;
	v41 =	vbroadcast v33, $0x8;
	v2 =	vbroadcast v33, $0x9  }
0x4b4: {  	v16 =	vld [tilespmem:$0x1F3F0];
	v35 =	vadd.f32 v44, v43;
	v42 =	vbroadcast v33, $0xA;
	v45 =	vbroadcast v33, $0xC  }
0x4b5: {  	v43 =	vbroadcast v33, $0xD;
	v46 =	vbroadcast v33, $0xE;
	v40 =	vadd.f32 v5, v6;
	v6 =	vld [tilespmem:$0x1F3A0]  }
0x4b6: {  	v44 =	vbroadcast v33, $0xF;
	v5 =	vbroadcast v33, $0xB  }
0x4b7: {  	v10 =	vmul.f32 v2, v53;
	v3 =	vmul.f32 v42, v3  }
0x4b8: {  	v14 =	vmul.f32 v45, v14;
	v15 =	vmul.f32 v43, v15  }
0x4b9: {  	v4 =	vadd.f32 v9, v4;
	v8 =	vmul.f32 v46, v8;
	v16 =	vmul.f32 v44, v16  }
0x4ba: {  	s12 =	sand.u32 $0x70, s3;
	s13 =	sand.u32 $0x7F00, s16;
	v19 =	vadd.f32 v19, v36;
	v11 =	vmul.f32 v5, v11;
	v6 =	vmul.f32 v41, v6  }
0x4bb: {  	s13 =	sor.u32 s12, s13;
	[tilespmem:s14+$0xFFFFFE60] =	vst v7;
	v7 =	vadd.f32 v15, v14;
	v8 =	vadd.f32 v16, v8  }
0x4bc: {  	v36 =	vld.idx.msk [tilespmem:v31+s13+$0x2800 ss:$0x1], $0xffff;
	v3 =	vadd.f32 v11, v3;
	v6 =	vadd.f32 v10, v6  }
0x4bd: {  	v13 =	vadd.f32 v56, v55;
	v0 =	vadd.f32 v12, v0  }
0x4be: {  	[tilespmem:s14+$0xFFFFFE70] =	vst v4;
	v4 =	vadd.f32 v8, v7;
	v3 =	vadd.f32 v3, v6  }
0x4bf: {  	[tilespmem:s14+$0xFFFFFE80] =	vst v0;
	v0 =	vadd.f32 v19, v17  }
0x4c0: {  	[tilespmem:s14+$0xFFFFFE50] =	vst v13;
	v3 =	vadd.f32 v4, v3  }
0x4c1: {  	s14 =	sadd.s32 $0x200, s14;
	[tilespmem:s26+$0xFFFFFED0] =	vst v0;
	v4 =	vbroadcast v36, $0x8  }
0x4c2: {  	v0 =	vadd.f32 v21, v20;
	[tilespmem:s14+$0xFFFFFF00] =	vst v3  }
0x4c3: {  	v37 =	vadd.f32 v63, v59;
	v3 =	vadd.f32 v34, v22;
	[tilespmem:$0x1EF40] =	vst v4  }
0x4c4: {  	v4 =	vbroadcast v36, $0x9;
	[tilespmem:s26+$0xFFFFFEE0] =	vst v0  }
0x4c5: {  	v0 =	vadd.f32 v37, v35;
	[tilespmem:s26+$0xFFFFFEF0] =	vst v3  }
0x4c6: {  	[tilespmem:$0x1EF50] =	vst v4;
	v4 =	vbroadcast v36, $0xA  }
0x4c7: {  	v3 =	vadd.f32 v39, v38;
	[tilespmem:s26+$0xFFFFFF50] =	vst v0  }
0x4c8: {  	v32 =	vld [tilespmem:$0x1F1C0];
	[tilespmem:$0x1EF60] =	vst v4;
	v4 =	vbroadcast v36, $0xB  }
0x4c9: {  	v35 =	vld [tilespmem:$0x1F200];
	v0 =	vadd.f32 v47, v40;
	[tilespmem:s26+$0xFFFFFF60] =	vst v3  }
0x4ca: {  	v26 =	vadd.f32 v30, v29;
	v29 =	vbroadcast v33, $0x0;
	v37 =	vld [tilespmem:$0x1F220];
	[tilespmem:$0x1EF70] =	vst v4;
	v4 =	vbroadcast v36, $0xC  }
0x4cb: {  	v62 =	vld [tilespmem:$0x1F1E0];
	v30 =	vbroadcast v33, $0x1;
	v59 =	vbroadcast v33, $0x2;
	v3 =	vadd.f32 v49, v48;
	[tilespmem:s26+$0xFFFFFF70] =	vst v0  }
0x4cc: {  	v27 =	vadd.f32 v52, v50;
	v60 =	vbroadcast v33, $0x3;
	v39 =	vld [tilespmem:$0x1F240];
	[tilespmem:$0x1EF80] =	vst v4;
	v4 =	vbroadcast v36, $0xD  }
0x4cd: {  	v61 =	vbroadcast v33, $0x4;
	v63 =	vbroadcast v33, $0x5;
	v40 =	vld [tilespmem:$0x1F260];
	v0 =	vadd.f32 v23, v51;
	[tilespmem:s26+$0xFFFFFF80] =	vst v3  }
0x4ce: {  	v31 =	vbroadcast v33, $0x6;
	v47 =	vld [tilespmem:$0x1F280];
	[tilespmem:$0x1EF90] =	vst v4;
	v4 =	vbroadcast v36, $0xE  }
0x4cf: {  	v48 =	vld [tilespmem:$0x1F2A0];
	v8 =	vmul.f32 v59, v35;
	v9 =	vmul.f32 v60, v37;
	[tilespmem:s26+$0xFFFFFFD0] =	vst v0;
	v0 =	vadd.f32 v27, v26  }
0x4d0: {  	v7 =	vmul.f32 v30, v62;
	v3 =	vadd.f32 v25, v24;
	[tilespmem:$0x1EFA0] =	vst v4;
	v4 =	vmul.f32 v29, v32  }
0x4d1: {  	v50 =	vbroadcast v36, $0x0;
	v33 =	vbroadcast v33, $0x7;
	[tilespmem:s26+$0xFFFFFFF0] =	vst v0;
	v0 =	vadd.f32 v9, v8  }
0x4d2: {  	v12 =	vmul.f32 v61, v39;
	[tilespmem:s26+$0xFFFFFFE0] =	vst v3;
	v3 =	vmul.f32 v63, v40;
	v4 =	vadd.f32 v7, v4  }
0x4d3: {  	v57 =	vbroadcast v36, $0x1;
	v52 =	vbroadcast v36, $0x2;
	v11 =	vld [tilespmem:$0x1F2C0];
	[tilespmem:$0x1F010] =	vst v0  }
0x4d4: {  	v34 =	vld [tilespmem:$0x1F2D0];
	v17 =	vmul.f32 v31, v47;
	v0 =	vadd.f32 v3, v12;
	[tilespmem:$0x1F000] =	vst v4;
	v4 =	vmul.f32 v33, v48  }
0x4d5: {  	v56 =	vbroadcast v36, $0x3;
	v55 =	vbroadcast v36, $0x4;
	v38 =	vld [tilespmem:$0x1F2F0]  }
0x4d6: {  	v54 =	vbroadcast v36, $0x6;
	v18 =	vbroadcast v36, $0x7;
	v51 =	vld [tilespmem:$0x1F300];
	[tilespmem:$0x1F040] =	vst v0;
	v0 =	vadd.f32 v4, v17  }
0x4d7: {  	v58 =	vbroadcast v36, $0xF;
	v15 =	vbroadcast v36, $0x5;
	v36 =	vld [tilespmem:$0x1F2E0]  }
0x4d8: {  	[tilespmem:$0x1F050] =	vst v0;
	v0 =	vld [tilespmem:$0x1F310];
	_ =	sdelay $0x1  }
0x4d9: {  	v1 =	vadd.f32 v1, v28;
	v8 =	vmul.f32 v30, v34;
	v7 =	vmul.f32 v29, v11;
	_ =	sdelay $0x1  }
0x4da: {  	[tilespmem:s26+$0x0] =	vst v1;
	v12 =	vmul.f32 v60, v38;
	v9 =	vmul.f32 v59, v36;
	v1 =	vadd.f32 v8, v7  }
0x4db: {  	v17 =	vmul.f32 v61, v51;
	v19 =	vmul.f32 v63, v0  }
0x4dc: {  	v6 =	vld [tilespmem:$0x1F320];
	[tilespmem:$0x1F060] =	vst v1;
	v1 =	vadd.f32 v12, v9  }
0x4dd: {  	v7 =	vld [tilespmem:$0x1F330];
	v3 =	vadd.f32 v19, v17  }
0x4de: {  	[tilespmem:$0x1F070] =	vst v1;
	v1 =	vld [tilespmem:$0x1F340]  }
0x4df: {  	[tilespmem:$0x1F080] =	vst v3;
	v3 =	vld [tilespmem:$0x1F100];
	_ =	sdelay $0x2  }
0x4e0: {  	v20 =	vmul.f32 v31, v6;
	v21 =	vmul.f32 v33, v7  }
0x4e1: {  	v49 =	vld [tilespmem:$0x1F350]  }
0x4e2: {  	v4 =	vld [tilespmem:$0x1F110];
	v8 =	vadd.f32 v21, v20;
	v12 =	vmul.f32 v29, v1;
	v17 =	vmul.f32 v30, v3  }
0x4e3: {  	v9 =	vld [tilespmem:$0x1F370]  }
0x4e4: {  	[tilespmem:$0x1F090] =	vst v8;
	v8 =	vld [tilespmem:$0x1F360];
	v12 =	vadd.f32 v17, v12  }
0x4e5: {  	v10 =	vld [tilespmem:$0x1F380]  }
0x4e6: {  	[tilespmem:$0x1F0A0] =	vst v12;
	v12 =	vld [tilespmem:$0x1F390];
	_ =	sdelay $0x1  }
0x4e7: {  	v20 =	vmul.f32 v60, v49;
	v19 =	vmul.f32 v59, v4  }
0x4e8: {  	v22 =	vmul.f32 v63, v9;
	v21 =	vmul.f32 v61, v8  }
0x4e9: {  	v16 =	vadd.f32 v20, v19;
	v20 =	vld [tilespmem:$0x1F180]  }
0x4ea: {  	v23 =	vmul.f32 v31, v10;
	v14 =	vadd.f32 v22, v21;
	v17 =	vld [tilespmem:$0x1F3A0];
	v24 =	vmul.f32 v33, v12  }
0x4eb: {  	v19 =	vld [tilespmem:$0x1F3E0]  }
0x4ec: {  	v13 =	vmov v53;
	v21 =	vmul.f32 v30, v53;
	v53 =	vld [tilespmem:$0x1F190];
	[tilespmem:$0x1F0C0] =	vst v14;
	v14 =	vadd.f32 v24, v23;
	_ =	sdelay $0x1  }
0x4ed: {  	[tilespmem:$0x1F0D0] =	vst v14;
	v14 =	vld [tilespmem:$0x1F1A0]  }
0x4ee: {  	[tilespmem:$0x1F0B0] =	vst v16;
	v16 =	vld [tilespmem:$0x1F1B0];
	v25 =	vmul.f32 v29, v17  }
0x4ef: {  	v26 =	vmul.f32 v63, v19;
	v63 =	vld [tilespmem:$0x1F3F0]  }
0x4f0: {  	v22 =	vmul.f32 v59, v20;
	v21 =	vadd.f32 v21, v25;
	v23 =	vmul.f32 v60, v53;
	_ =	sdelay $0x1  }
0x4f1: {  	[tilespmem:$0x1F0E0] =	vst v21;
	v21 =	vadd.f32 v23, v22;
	v24 =	vmul.f32 v61, v14  }
0x4f2: {  	v28 =	vmul.f32 v43, v40  }
0x4f3: {  	v27 =	vmul.f32 v31, v16;
	v25 =	vmul.f32 v33, v63;
	[tilespmem:$0x1F0F0] =	vst v21;
	v21 =	vadd.f32 v26, v24  }
0x4f4: {  	v23 =	vmul.f32 v41, v32;
	v24 =	vmul.f32 v2, v62  }
0x4f5: {  	v26 =	vmul.f32 v42, v35;
	[tilespmem:$0x1F030] =	vst v21;
	v21 =	vadd.f32 v25, v27;
	v25 =	vmul.f32 v5, v37  }
0x4f6: {  	v29 =	vmul.f32 v46, v47;
	v27 =	vmul.f32 v45, v39  }
0x4f7: {  	v31 =	vadd.f32 v24, v23;
	v23 =	vmul.f32 v44, v48;
	[tilespmem:$0x1EFB0] =	vst v21;
	v21 =	vadd.f32 v25, v26  }
0x4f8: {  	v24 =	vmul.f32 v41, v11;
	v33 =	vadd.f32 v28, v27;
	v25 =	vmul.f32 v2, v34  }
0x4f9: {  	v26 =	vmul.f32 v42, v36;
	v27 =	vmul.f32 v45, v51;
	[tilespmem:$0x1EFC0] =	vst v21;
	v21 =	vadd.f32 v23, v29  }
0x4fa: {  	v28 =	vmul.f32 v43, v0;
	v2 =	vmul.f32 v2, v3  }
0x4fb: {  	v23 =	vmul.f32 v5, v38;
	v29 =	vmul.f32 v46, v6;
	[tilespmem:$0x1F020] =	vst v21;
	v21 =	vadd.f32 v25, v24  }
0x4fc: {  	v5 =	vmul.f32 v5, v49;
	v24 =	vmul.f32 v44, v7  }
0x4fd: {  	v25 =	vmul.f32 v42, v4;
	[tilespmem:$0x1EFE0] =	vst v21;
	v21 =	vadd.f32 v23, v26;
	v23 =	vmul.f32 v41, v1  }
0x4fe: {  	v29 =	vadd.f32 v24, v29;
	v24 =	vmul.f32 v45, v8;
	v26 =	vmul.f32 v43, v9  }
0x4ff: {  	v60 =	vadd.f32 v5, v25;
	v5 =	vmul.f32 v50, v32;
	[tilespmem:$0x1EFD0] =	vst v21;
	v21 =	vadd.f32 v28, v27  }
0x500: {  	v27 =	vmul.f32 v46, v10;
	v30 =	vadd.f32 v2, v23;
	v2 =	vmul.f32 v44, v12  }
0x501: {  	v25 =	vmul.f32 v55, v39;
	v61 =	vadd.f32 v26, v24;
	v23 =	vmul.f32 v57, v62  }
0x502: {  	v24 =	vmul.f32 v52, v35;
	v26 =	vmul.f32 v15, v40;
	v42 =	vadd.f32 v2, v27  }
0x503: {  	v2 =	vmul.f32 v56, v37;
	v27 =	vmul.f32 v54, v47;
	v43 =	vadd.f32 v23, v5  }
0x504: {  	v5 =	vmul.f32 v18, v48;
	v59 =	vadd.f32 v26, v25;
	v23 =	vmul.f32 v57, v34  }
0x505: {  	v25 =	vmul.f32 v55, v51;
	v44 =	vadd.f32 v2, v24;
	v2 =	vmul.f32 v50, v11  }
0x506: {  	v26 =	vmul.f32 v15, v0;
	v24 =	vmul.f32 v52, v36  }
0x507: {  	v45 =	vadd.f32 v5, v27;
	v5 =	vmul.f32 v56, v38;
	v2 =	vadd.f32 v23, v2  }
0x508: {  	[tilespmem:$0x1EFF0] =	vst v21;
	v27 =	vmul.f32 v54, v6  }
0x509: {  	v21 =	vadd.f32 v26, v25;
	v5 =	vadd.f32 v5, v24;
	[tilespmem:$0x1F130] =	vst v2;
	v2 =	vmul.f32 v18, v7  }
0x50a: {  	v25 =	vmul.f32 v56, v49  }
0x50b: {  	v23 =	vmul.f32 v57, v3;
	[tilespmem:$0x1F140] =	vst v5;
	v5 =	vmul.f32 v50, v1;
	v2 =	vadd.f32 v2, v27  }
0x50c: {  	v26 =	vmul.f32 v55, v8;
	[tilespmem:$0x1F150] =	vst v21;
	v24 =	vmul.f32 v52, v4  }
0x50d: {  	v21 =	vmov v14;
	v14 =	vmul.f32 v55, v14;
	[tilespmem:$0x1F160] =	vst v2;
	v2 =	vadd.f32 v23, v5  }
0x50e: {  	v27 =	vmul.f32 v15, v9;
	v15 =	vmul.f32 v15, v19  }
0x50f: {  	v55 =	vld [tilespmem:$0x1EF70];
	v23 =	vmul.f32 v18, v12;
	v18 =	vmul.f32 v18, v63;
	[tilespmem:$0x1F170] =	vst v2  }
0x510: {  	v2 =	vadd.f32 v27, v26;
	v26 =	vmul.f32 v52, v20;
	v52 =	vmovc v20;
	v20 =	vmovc v19;
	v19 =	vmov v63;
	v63 =	vld [tilespmem:$0x1EF40]  }
0x511: {  	v5 =	vadd.f32 v25, v24;
	v25 =	vmul.f32 v57, v13;
	v57 =	vld [tilespmem:$0x1EF60]  }
0x512: {  	v22 =	vmov v16;
	v16 =	vmul.f32 v54, v16  }
0x513: {  	v28 =	vmul.f32 v54, v10;
	v54 =	vld [tilespmem:$0x1EFA0];
	v24 =	vmul.f32 v50, v17  }
0x514: {  	v14 =	vadd.f32 v15, v14;
	v15 =	vadd.f32 v18, v16;
	v16 =	vmul.f32 v55, v37;
	v37 =	vmovc v29;
	v29 =	vld [tilespmem:$0x1EF80]  }
0x515: {  	v46 =	vadd.f32 v23, v28;
	v23 =	vmul.f32 v63, v32;
	v32 =	vld [tilespmem:$0x1EF50]  }
0x516: {  	v41 =	vadd.f32 v25, v24;
	v25 =	vmul.f32 v57, v35;
	v35 =	vmov v31;
	v31 =	vld [tilespmem:$0x1EF90];
	_ =	sdelay $0x1  }
0x517: {  	v50 =	vmov v17;
	v17 =	vmov v13;
	v13 =	vmul.f32 v56, v53;
	_ =	sdelay $0x1  }
0x518: {  	v28 =	vmul.f32 v54, v47;
	v13 =	vadd.f32 v13, v26;
	v24 =	vmul.f32 v32, v62  }
0x519: {  	v26 =	vmul.f32 v29, v39;
	v16 =	vadd.f32 v16, v25;
	v27 =	vmul.f32 v31, v40  }
0x51a: {  	v25 =	vmul.f32 v63, v11;
	v18 =	vadd.f32 v24, v23;
	v24 =	vmul.f32 v58, v48  }
0x51b: {  	v23 =	vadd.f32 v27, v26;
	v26 =	vmul.f32 v32, v34;
	v48 =	vmovc v29;
	v29 =	vmul.f32 v29, v51  }
0x51c: {  	v24 =	vadd.f32 v24, v28;
	v28 =	vmul.f32 v55, v38;
	v38 =	vmovc v30;
	v30 =	vmul.f32 v31, v0  }
0x51d: {  	v11 =	vmov v32  }
0x51e: {  	v25 =	vadd.f32 v26, v25;
	v26 =	vadd.f32 v30, v29;
	v29 =	vmul.f32 v11, v3;
	v3 =	vld [tilespmem:$0x1F000]  }
0x51f: {  	v47 =	vmov v57;
	v0 =	vmul.f32 v63, v1;
	v30 =	vmul.f32 v57, v4;
	v4 =	vld [tilespmem:$0x1F010]  }
0x520: {  	v47 =	vmul.f32 v47, v52;
	v27 =	vmul.f32 v57, v36  }
0x521: {  	v57 =	vmul.f32 v54, v10;
	v29 =	vadd.f32 v29, v0;
	v0 =	vmul.f32 v58, v12  }
0x522: {  	v40 =	vmovc v61;
	v61 =	vmul.f32 v58, v7;
	v51 =	vmov v31;
	v31 =	vmul.f32 v54, v6  }
0x523: {  	v27 =	vadd.f32 v28, v27;
	v52 =	vadd.f32 v0, v57;
	v0 =	vmul.f32 v55, v53  }
0x524: {  	v28 =	vadd.f32 v61, v31;
	v31 =	vmul.f32 v55, v49;
	v55 =	vadd.f32 v4, v3;
	v3 =	vld [tilespmem:$0x1F050]  }
0x525: {  	v61 =	vmul.f32 v54, v22;
	v54 =	vadd.f32 v0, v47;
	v0 =	vld [tilespmem:$0x1F040];
	_ =	sdelay $0x2  }
0x526: {  	v56 =	vmul.f32 v51, v9;
	v49 =	vmul.f32 v48, v8  }
0x527: {  	v30 =	vadd.f32 v31, v30  }
0x528: {  	v31 =	vmul.f32 v63, v50;
	v50 =	vadd.f32 v56, v49;
	v56 =	vadd.f32 v3, v0;
	v0 =	vld [tilespmem:$0x1F060]  }
0x529: {  	v3 =	vld [tilespmem:$0x1F070];
	_ =	sdelay $0x3  }
0x52a: {  	v4 =	vld [tilespmem:$0x1F090]  }
0x52b: {  	v7 =	vadd.f32 v3, v0;
	v0 =	vld [tilespmem:$0x1F080];
	_ =	sdelay $0x4  }
0x52c: {  	v8 =	vadd.f32 v4, v0;
	v0 =	vld [tilespmem:$0x1F0A0]  }
0x52d: {  	v4 =	vld [tilespmem:$0x1F0B0];
	_ =	sdelay $0x3  }
0x52e: {  	v6 =	vld [tilespmem:$0x1F0D0]  }
0x52f: {  	v4 =	vadd.f32 v4, v0;
	v0 =	vld [tilespmem:$0x1F0C0];
	_ =	sdelay $0x2  }
0x530: {  	v34 =	vld [tilespmem:$0x1EFB0]  }
0x531: {  	v36 =	vmov v33;
	v33 =	vld [tilespmem:$0x1F030]  }
0x532: {  	s15 =	sadd.s32 $0x2, s15;
	v9 =	vadd.f32 v6, v0;
	v0 =	vld [tilespmem:$0x1F0E0]  }
0x533: {  	p0 =	slt.u32 s15, $0x3E;
	v6 =	vld [tilespmem:$0x1F0F0]  }
.Ltmp15:
0x534: {  	v1 =	vmul.f32 v51, v20;
	v20 =	vld [tilespmem:$0x1EFE0];
	v63 =	vmov v45;
	v45 =	vmul.f32 v11, v17;
	(pc) =	sbr.rel @p0 .LBB2_28-.Ltmp15, $4  }
0x535: {  	v22 =	vld [tilespmem:$0x1EFF0];
	v49 =	vmul.f32 v48, v21  }
0x536: {  	v17 =	vld [tilespmem:$0x1EFC0];
	v53 =	vadd.f32 v45, v31;
	v31 =	vmul.f32 v58, v19  }
0x537: {  	v21 =	vld [tilespmem:$0x1EFD0];
	v1 =	vadd.f32 v1, v49  }
0x538: {  	s16 =	sadd.s32 $0x40, s16;
	s3 =	sadd.s32 $0x20, s3;
	s26 =	smov.u32 s14;
	v39 =	vmov v60;
	v19 =	vld [tilespmem:$0x1F020];
	v3 =	vadd.f32 v31, v61;
	v0 =	vadd.f32 v6, v0  }
0x539: {  	v6 =	vld [tilespmem:$0x1F130]  }
0x53a: {  	v10 =	vld [tilespmem:$0x1F140];
	_ =	sdelay $0x4  }
0x53b: {  	v57 =	vadd.f32 v10, v6;
	v6 =	vld [tilespmem:$0x1F150]  }
0x53c: {  	v10 =	vld [tilespmem:$0x1F160]  }
0x53d: {  	v12 =	vadd.f32 v34, v33  }
0x53e: {  	v31 =	vadd.f32 v42, v40;
	v32 =	vadd.f32 v44, v43  }
0x53f: {  	v51 =	vadd.f32 v63, v59;
	v59 =	vadd.f32 v56, v55  }
0x540: {  	v4 =	vadd.f32 v9, v4;
	v9 =	vadd.f32 v24, v23  }
0x541: {  	v11 =	vadd.f32 v28, v26;
	v58 =	vadd.f32 v10, v6;
	v6 =	vld [tilespmem:$0x1F170]  }
0x542: {  	v1 =	vadd.f32 v3, v1;
	v17 =	vadd.f32 v17, v35  }
0x543: {  	v0 =	vadd.f32 v12, v0;
	v10 =	vadd.f32 v27, v25  }
0x544: {  	v20 =	vadd.f32 v21, v20;
	v21 =	vadd.f32 v37, v22;
	[tilespmem:s14+$0xFFFFFE50] =	vst v59  }
0x545: {  	v19 =	vadd.f32 v19, v36;
	[tilespmem:s14+$0xFFFFFE70] =	vst v4;
	v3 =	vadd.f32 v11, v10  }
0x546: {  	[tilespmem:s14+$0xFFFFFE80] =	vst v0;
	v60 =	vadd.f32 v5, v6;
	v5 =	vadd.f32 v8, v7  }
0x547: {  	v12 =	vadd.f32 v30, v29;
	v0 =	vadd.f32 v21, v20;
	[tilespmem:s26+$0xFFFFFFE0] =	vst v3  }
0x548: {  	v22 =	vadd.f32 v39, v38;
	v4 =	vadd.f32 v19, v17;
	[tilespmem:s14+$0xFFFFFE60] =	vst v5  }
0x549: {  	v6 =	vadd.f32 v46, v2;
	[tilespmem:s26+$0xFFFFFEE0] =	vst v0;
	v0 =	vadd.f32 v51, v32  }
0x54a: {  	v7 =	vadd.f32 v13, v41;
	[tilespmem:s26+$0xFFFFFED0] =	vst v4;
	v4 =	vadd.f32 v31, v22  }
0x54b: {  	v8 =	vadd.f32 v16, v18;
	[tilespmem:s26+$0xFFFFFF50] =	vst v0;
	v0 =	vadd.f32 v6, v60  }
0x54c: {  	v5 =	vadd.f32 v15, v14;
	[tilespmem:s26+$0xFFFFFEF0] =	vst v4;
	v4 =	vadd.f32 v58, v57  }
0x54d: {  	v2 =	vadd.f32 v52, v50;
	[tilespmem:s26+$0xFFFFFF70] =	vst v0;
	v0 =	vadd.f32 v9, v8  }
0x54e: {  	[tilespmem:s26+$0xFFFFFF60] =	vst v4;
	v4 =	vadd.f32 v5, v7;
	v5 =	vadd.f32 v54, v53  }
0x54f: {  	[tilespmem:s26+$0xFFFFFFD0] =	vst v0;
	v0 =	vadd.f32 v2, v12  }
0x550: {  	[tilespmem:s26+$0xFFFFFF80] =	vst v4;
	v1 =	vadd.f32 v1, v5  }
0x551: {  	[tilespmem:s26+$0xFFFFFFF0] =	vst v0  }
0x552: {  	[tilespmem:s26+$0x0] =	vst v1  }
0x553: {  	v10 =	vld [tilespmem:$0x1FC10];
	_ =	sdelay $0x4  }
0x554: {  	s3 =	simm.s32 $0x0  }
0x555: {  	s3 =	sand.u32 $0x60, s3;
	v38 =	vld [tilespmem:$0xF870]  }
0x556: {  	s3 =	sor.u32 s3, s21;
	v7 =	vld [tilespmem:$0xF970]  }
0x557: {  	v0 =	vld.idx.msk [tilespmem:v10+s3+$0x2800 ss:$0x1], $0xffff  }
0x558: {  	v44 =	vld [tilespmem:$0xF9F0]  }
0x559: {  	v42 =	vld [tilespmem:$0xFA70];
	_ =	sdelay $0x1  }
0x55a: {  	[tilespmem:$0x1EE20] =	vst v7  }
0x55b: {  	s26 =	simm.s32 $0x10;
	[tilespmem:$0x1EB80] =	vst v38;
	v28 =	vbroadcast v0, $0x8  }
0x55c: {  	s3 =	sand.u32 $0x70, s26;
	[tilespmem:$0x1EBE0] =	vst v44;
	v26 =	vbroadcast v0, $0x9;
	v14 =	vbroadcast v0, $0xA  }
0x55d: {  	[tilespmem:$0x1EBF0] =	vst v42;
	s3 =	sor.u32 s3, s9;
	v5 =	vbroadcast v0, $0xB;
	v15 =	vbroadcast v0, $0xC  }
0x55e: {  	v17 =	vld.idx.msk [tilespmem:v10+s3+$0x2800 ss:$0x1], $0xffff;
	v18 =	vbroadcast v0, $0xD;
	v23 =	vbroadcast v0, $0xE  }
0x55f: {  	v24 =	vbroadcast v0, $0xF;
	v20 =	vbroadcast v0, $0x0  }
0x560: {  	v22 =	vbroadcast v0, $0x1;
	v29 =	vbroadcast v0, $0x2  }
0x561: {  	v30 =	vbroadcast v0, $0x3;
	v33 =	vbroadcast v0, $0x4  }
0x562: {  	v34 =	vbroadcast v0, $0x5;
	v35 =	vbroadcast v0, $0x6  }
0x563: {  	v36 =	vbroadcast v0, $0x7;
	v0 =	vbroadcast v17, $0x4;
	_ =	sdelay $0x1  }
0x564: {  	[tilespmem:$0x1EB60] =	vst v0;
	v0 =	vbroadcast v17, $0x5;
	_ =	sdelay $0x1  }
0x565: {  	[tilespmem:$0x1EB70] =	vst v0;
	v0 =	vbroadcast v17, $0x8  }
0x566: {  	v40 =	vld [tilespmem:$0xF8F0]  }
0x567: {  	[tilespmem:$0x1EC20] =	vst v0;
	v0 =	vbroadcast v17, $0x9  }
0x568: {  	v43 =	vld [tilespmem:$0xFAF0]  }
0x569: {  	v45 =	vld [tilespmem:$0xFB70];
	[tilespmem:$0x1EC40] =	vst v0;
	v0 =	vbroadcast v17, $0xA  }
0x56a: {  	v41 =	vld [tilespmem:$0xFBF0];
	v1 =	vmul.f32 v28, v38  }
0x56b: {  	v32 =	vld [tilespmem:$0xF840];
	v3 =	vmul.f32 v26, v40;
	[tilespmem:$0x1EC60] =	vst v0;
	v0 =	vbroadcast v17, $0xB  }
0x56c: {  	v2 =	vld [tilespmem:$0xF850];
	v4 =	vmul.f32 v14, v7;
	v7 =	vmul.f32 v5, v44  }
0x56d: {  	v39 =	vld [tilespmem:$0xF860];
	v8 =	vmul.f32 v15, v42;
	[tilespmem:$0x1EC80] =	vst v0;
	v0 =	vbroadcast v17, $0xC  }
0x56e: {  	v57 =	vld [tilespmem:$0xF8C0];
	v9 =	vmul.f32 v18, v43;
	v12 =	vmul.f32 v23, v45  }
0x56f: {  	v58 =	vld [tilespmem:$0xF8D0];
	v19 =	vmul.f32 v24, v41;
	[tilespmem:$0x1ECA0] =	vst v0;
	v0 =	vbroadcast v17, $0xD  }
0x570: {  	v54 =	vld [tilespmem:$0xF940];
	v3 =	vadd.f32 v3, v1;
	v21 =	vadd.f32 v7, v4  }
0x571: {  	v52 =	vld [tilespmem:$0xF9C0];
	v31 =	vadd.f32 v9, v8;
	v19 =	vadd.f32 v19, v12;
	[tilespmem:$0x1ECC0] =	vst v0;
	v0 =	vbroadcast v17, $0xE  }
0x572: {  	v51 =	vld [tilespmem:$0xFA40]  }
0x573: {  	v50 =	vld [tilespmem:$0xFAC0];
	v3 =	vadd.f32 v21, v3;
	v19 =	vadd.f32 v19, v31;
	[tilespmem:$0x1ECE0] =	vst v0;
	v0 =	vbroadcast v17, $0xF  }
0x574: {  	v55 =	vld [tilespmem:$0xFB40]  }
0x575: {  	v47 =	vld [tilespmem:$0xFBC0];
	v21 =	vmul.f32 v20, v32;
	v31 =	vmul.f32 v22, v57;
	[tilespmem:$0x1ED00] =	vst v0;
	v0 =	vadd.f32 v19, v3  }
0x576: {  	v63 =	vld [tilespmem:$0xF9D0]  }
0x577: {  	v49 =	vld [tilespmem:$0xFA50];
	v61 =	vmul.f32 v29, v54;
	v62 =	vmul.f32 v30, v52;
	[tilespmem:$0x1EEF0] =	vst v0;
	v0 =	vadd.f32 v31, v21  }
0x578: {  	v53 =	vld [tilespmem:$0xFAD0];
	v27 =	vbroadcast v17, $0x0;
	v25 =	vbroadcast v17, $0x1  }
0x579: {  	v59 =	vld [tilespmem:$0xF950];
	v3 =	vmul.f32 v33, v51;
	v19 =	vmul.f32 v34, v50;
	[tilespmem:$0x1EE30] =	vst v0;
	v0 =	vadd.f32 v62, v61  }
0x57a: {  	v8 =	vmov v32;
	v21 =	vmul.f32 v35, v55;
	v31 =	vmul.f32 v36, v47  }
0x57b: {  	v60 =	vld [tilespmem:$0xF8E0];
	v32 =	vmul.f32 v20, v2;
	[tilespmem:$0x1EE40] =	vst v0;
	v0 =	vadd.f32 v19, v3;
	v19 =	vmul.f32 v22, v58  }
0x57c: {  	v10 =	vld [tilespmem:$0xFBD0];
	v37 =	vmul.f32 v20, v39;
	v1 =	vadd.f32 v31, v21;
	v21 =	vmul.f32 v30, v63  }
0x57d: {  	v4 =	vld [tilespmem:$0xFB50];
	v12 =	vadd.f32 v19, v32;
	v19 =	vmul.f32 v33, v49;
	v32 =	vmul.f32 v34, v53  }
0x57e: {  	v48 =	vld [tilespmem:$0xF960];
	v3 =	vmul.f32 v20, v38;
	v20 =	vmul.f32 v29, v59  }
0x57f: {  	v6 =	vld [tilespmem:$0xFA60];
	v46 =	vbroadcast v17, $0x2;
	v11 =	vbroadcast v17, $0x3;
	v19 =	vadd.f32 v32, v19  }
0x580: {  	v13 =	vbroadcast v17, $0x6;
	v16 =	vbroadcast v17, $0x7;
	v62 =	vld [tilespmem:$0xFAE0];
	v20 =	vadd.f32 v21, v20  }
0x581: {  	v56 =	vld [tilespmem:$0xF9E0];
	v38 =	vmul.f32 v22, v40;
	[tilespmem:$0x1EEB0] =	vst v19;
	v19 =	vmul.f32 v22, v60  }
0x582: {  	v7 =	vld [tilespmem:$0xFBE0];
	v17 =	vmov v39;
	v39 =	vmul.f32 v36, v10;
	[tilespmem:$0x1EEA0] =	vst v20;
	v20 =	vmul.f32 v35, v4  }
0x583: {  	v61 =	vld [tilespmem:$0xFB60];
	v3 =	vadd.f32 v38, v3;
	v19 =	vadd.f32 v19, v37  }
0x584: {  	[tilespmem:$0x1EE10] =	vst v40;
	v38 =	vmul.f32 v5, v63;
	v20 =	vadd.f32 v39, v20;
	v39 =	vmul.f32 v29, v48  }
0x585: {  	v31 =	vmov v48;
	v48 =	vmul.f32 v34, v62;
	[tilespmem:$0x1EED0] =	vst v19;
	v19 =	vmul.f32 v33, v6  }
0x586: {  	[tilespmem:$0x1EE90] =	vst v12;
	v32 =	vmov v40;
	v40 =	vmul.f32 v30, v56;
	v30 =	vmul.f32 v30, v44  }
0x587: {  	v34 =	vmul.f32 v34, v43;
	v12 =	vmovc v43;
	v43 =	vmul.f32 v23, v55;
	v19 =	vadd.f32 v48, v19;
	v48 =	vld [tilespmem:$0x1EE20]  }
0x588: {  	[tilespmem:$0x1EEC0] =	vst v20;
	v20 =	vadd.f32 v40, v39;
	v39 =	vmul.f32 v35, v61;
	v40 =	vmul.f32 v36, v7  }
0x589: {  	v35 =	vmul.f32 v35, v45;
	v36 =	vmul.f32 v36, v41  }
0x58a: {  	[tilespmem:$0x1EC00] =	vst v45;
	v45 =	vmul.f32 v26, v57;
	v37 =	vmul.f32 v14, v59  }
0x58b: {  	v9 =	vmov v41;
	v41 =	vmul.f32 v5, v52;
	v33 =	vmul.f32 v33, v42  }
0x58c: {  	[tilespmem:$0x1ED90] =	vst v17;
	v5 =	vmul.f32 v5, v56;
	v21 =	vadd.f32 v38, v37;
	v29 =	vmul.f32 v29, v48  }
0x58d: {  	v42 =	vmul.f32 v18, v50;
	v33 =	vadd.f32 v34, v33;
	[tilespmem:$0x1EF00] =	vst v19;
	v19 =	vadd.f32 v40, v39  }
0x58e: {  	[tilespmem:$0x1EF20] =	vst v3;
	v40 =	vmul.f32 v14, v54;
	v3 =	vadd.f32 v30, v29;
	v29 =	vmul.f32 v28, v8  }
0x58f: {  	[tilespmem:$0x1EE70] =	vst v0;
	v34 =	vadd.f32 v36, v35;
	v39 =	vmul.f32 v23, v4;
	v30 =	vmul.f32 v28, v2  }
0x590: {  	v0 =	vmovc v2;
	v28 =	vmul.f32 v28, v17;
	v35 =	vadd.f32 v45, v29;
	v29 =	vmul.f32 v15, v51  }
0x591: {  	v44 =	vmovc v17;
	v17 =	vadd.f32 v41, v40;
	v2 =	vmul.f32 v14, v31;
	v45 =	vmul.f32 v24, v47  }
0x592: {  	v14 =	vmovc v6;
	v6 =	vmul.f32 v15, v6;
	v36 =	vadd.f32 v42, v29;
	v29 =	vmul.f32 v26, v58  }
0x593: {  	[tilespmem:$0x1EF10] =	vst v19;
	v26 =	vmul.f32 v26, v60;
	v19 =	vadd.f32 v45, v43;
	v45 =	vmul.f32 v24, v10  }
0x594: {  	[tilespmem:$0x1EEE0] =	vst v20;
	v20 =	vadd.f32 v29, v30;
	v29 =	vmul.f32 v15, v49;
	v30 =	vmul.f32 v18, v53  }
0x595: {  	v37 =	vadd.f32 v45, v39;
	v18 =	vmul.f32 v18, v62;
	v38 =	vadd.f32 v26, v28;
	v15 =	vld [tilespmem:$0x1EB60]  }
0x596: {  	v39 =	vadd.f32 v5, v2;
	v2 =	vmul.f32 v27, v8;
	v28 =	vmovc v8;
	v5 =	vmul.f32 v25, v57;
	v8 =	vld [tilespmem:$0x1EB70]  }
0x597: {  	v40 =	vadd.f32 v18, v6;
	v6 =	vmul.f32 v46, v54;
	v18 =	vmul.f32 v11, v52  }
0x598: {  	[tilespmem:$0x1EDA0] =	vst v60;
	v42 =	vadd.f32 v5, v2;
	v2 =	vmul.f32 v13, v55;
	v5 =	vmul.f32 v16, v47  }
0x599: {  	[tilespmem:$0x1EE80] =	vst v1;
	v23 =	vmul.f32 v23, v61;
	v24 =	vmul.f32 v24, v7  }
0x59a: {  	v1 =	vmovc v60;
	v43 =	vadd.f32 v18, v6;
	v6 =	vmul.f32 v27, v0;
	v2 =	vadd.f32 v5, v2  }
0x59b: {  	v60 =	vmovc v63;
	v41 =	vadd.f32 v24, v23;
	v23 =	vmul.f32 v15, v51;
	v24 =	vmul.f32 v8, v50  }
0x59c: {  	v5 =	vmul.f32 v11, v60;
	[tilespmem:$0x1EB90] =	vst v2;
	v2 =	vmul.f32 v46, v59  }
0x59d: {  	v18 =	vmul.f32 v27, v44;
	v44 =	vadd.f32 v24, v23;
	v24 =	vmul.f32 v25, v58  }
0x59e: {  	v2 =	vadd.f32 v5, v2  }
0x59f: {  	v45 =	vadd.f32 v24, v6;
	v6 =	vmul.f32 v15, v49;
	v24 =	vmul.f32 v8, v53;
	_ =	sdelay $0x1  }
0x5a0: {  	v5 =	vmul.f32 v16, v10;
	[tilespmem:$0x1EBA0] =	vst v2;
	v2 =	vmul.f32 v13, v4;
	v6 =	vadd.f32 v24, v6;
	_ =	sdelay $0x1  }
0x5a1: {  	v2 =	vadd.f32 v5, v2;
	[tilespmem:$0x1EBB0] =	vst v6;
	v6 =	vmul.f32 v25, v1  }
0x5a2: {  	[tilespmem:$0x1EF30] =	vst v3  }
0x5a3: {  	v3 =	vld [tilespmem:$0x1EB80];
	[tilespmem:$0x1EBC0] =	vst v2;
	v2 =	vadd.f32 v6, v18;
	v6 =	vmul.f32 v15, v14;
	v18 =	vmul.f32 v8, v62  }
0x5a4: {  	v63 =	vmov v31;
	v31 =	vmov v59;
	v59 =	vld [tilespmem:$0x1EC40]  }
0x5a5: {  	[tilespmem:$0x1EBD0] =	vst v2;
	v2 =	vadd.f32 v18, v6;
	v6 =	vld [tilespmem:$0x1EBE0];
	_ =	sdelay $0x2  }
0x5a6: {  	v23 =	vmul.f32 v27, v3;
	v24 =	vmul.f32 v25, v32  }
0x5a7: {  	v25 =	vmul.f32 v11, v56  }
0x5a8: {  	[tilespmem:$0x1EC30] =	vst v57;
	v27 =	vmul.f32 v11, v6;
	v11 =	vadd.f32 v24, v23;
	v23 =	vmul.f32 v59, v57;
	v57 =	vld [tilespmem:$0x1EC60];
	_ =	sdelay $0x2  }
0x5a9: {  	v22 =	vadd.f32 v30, v29;
	v30 =	vmov v0;
	v0 =	vmov v8;
	v8 =	vld [tilespmem:$0x1EBF0]  }
0x5aa: {  	v5 =	vmul.f32 v46, v63  }
0x5ab: {  	[tilespmem:$0x1EC50] =	vst v54;
	v24 =	vmul.f32 v57, v54;
	v54 =	vld [tilespmem:$0x1EC80]  }
0x5ac: {  	v26 =	vmul.f32 v16, v7;
	v5 =	vadd.f32 v25, v5;
	v25 =	vmul.f32 v13, v61  }
0x5ad: {  	v32 =	vmov v63  }
0x5ae: {  	v1 =	vmovc v14;
	v14 =	vmul.f32 v0, v12;
	v63 =	vadd.f32 v26, v25;
	v25 =	vmul.f32 v15, v8;
	_ =	sdelay $0x1  }
0x5af: {  	[tilespmem:$0x1EC70] =	vst v52;
	v14 =	vadd.f32 v14, v25;
	v25 =	vmul.f32 v54, v52;
	v52 =	vld [tilespmem:$0x1ECA0];
	_ =	sdelay $0x3  }
0x5b0: {  	v18 =	vmul.f32 v46, v48;
	v46 =	vld [tilespmem:$0x1EC00]  }
0x5b1: {  	[tilespmem:$0x1EC90] =	vst v51;
	v26 =	vmul.f32 v52, v51;
	v51 =	vld [tilespmem:$0x1ECC0]  }
0x5b2: {  	v48 =	vld [tilespmem:$0x1EC20];
	_ =	sdelay $0x2  }
0x5b3: {  	[tilespmem:$0x1ECB0] =	vst v50;
	v16 =	vmul.f32 v16, v9;
	v0 =	vld [tilespmem:$0x1ED00]  }
0x5b4: {  	[tilespmem:$0x1ECD0] =	vst v55;
	v15 =	vmul.f32 v13, v46;
	v13 =	vadd.f32 v27, v18;
	v27 =	vmul.f32 v51, v50;
	v50 =	vld [tilespmem:$0x1ECE0]  }
0x5b5: {  	[tilespmem:$0x1ED20] =	vst v58;
	v18 =	vmul.f32 v48, v28  }
0x5b6: {  	[tilespmem:$0x1ED50] =	vst v49;
	v15 =	vadd.f32 v16, v15  }
0x5b7: {  	[tilespmem:$0x1ED40] =	vst v60;
	v18 =	vadd.f32 v23, v18;
	v23 =	vadd.f32 v27, v26;
	v27 =	vmul.f32 v54, v60;
	v60 =	vld [tilespmem:$0x1EDA0]  }
0x5b8: {  	[tilespmem:$0x1ED10] =	vst v30;
	v16 =	vadd.f32 v25, v24;
	v25 =	vmul.f32 v48, v30;
	v30 =	vmul.f32 v59, v58  }
0x5b9: {  	[tilespmem:$0x1EC10] =	vst v28;
	v29 =	vmul.f32 v0, v47;
	v28 =	vmul.f32 v50, v55  }
0x5ba: {  	[tilespmem:$0x1ED70] =	vst v4;
	v58 =	vmov v59;
	v25 =	vadd.f32 v30, v25  }
0x5bb: {  	v30 =	vmul.f32 v50, v4;
	v4 =	vld [tilespmem:$0x1ED90];
	v24 =	vadd.f32 v29, v28;
	v28 =	vmul.f32 v52, v49;
	v49 =	vmovc v52  }
0x5bc: {  	[tilespmem:$0x1EDD0] =	vst v1;
	v52 =	vmul.f32 v58, v60;
	v60 =	vmul.f32 v49, v1;
	v1 =	vld [tilespmem:$0x1EE10]  }
0x5bd: {  	[tilespmem:$0x1ED60] =	vst v53;
	v26 =	vmul.f32 v57, v31;
	v29 =	vmul.f32 v51, v53;
	v53 =	vmov v51  }
0x5be: {  	[tilespmem:$0x1ED80] =	vst v10;
	v55 =	vmovc v50;
	v50 =	vmul.f32 v0, v10;
	v10 =	vmov v0;
	v0 =	vmul.f32 v53, v62  }
0x5bf: {  	[tilespmem:$0x1EDE0] =	vst v62;
	v27 =	vadd.f32 v27, v26;
	v62 =	vmul.f32 v10, v7;
	v26 =	vadd.f32 v29, v28  }
0x5c0: {  	v28 =	vadd.f32 v50, v30;
	v51 =	vmul.f32 v48, v4;
	v50 =	vadd.f32 v0, v60;
	v0 =	vld [tilespmem:$0x1EE20]  }
0x5c1: {  	[tilespmem:$0x1EE00] =	vst v7;
	v4 =	vmul.f32 v48, v3;
	v7 =	vmul.f32 v58, v1  }
0x5c2: {  	v3 =	vld [tilespmem:$0x1EE30]  }
0x5c3: {  	v29 =	vadd.f32 v52, v51;
	v52 =	vadd.f32 v7, v4;
	v4 =	vld [tilespmem:$0x1EE40]  }
0x5c4: {  	[tilespmem:$0x1ECF0] =	vst v47;
	v47 =	vmov v54  }
0x5c5: {  	v1 =	vmul.f32 v47, v6;
	v0 =	vmul.f32 v57, v0;
	_ =	sdelay $0x1  }
0x5c6: {  	v0 =	vadd.f32 v1, v0;
	v1 =	vld [tilespmem:$0x1EE70]  }
0x5c7: {  	v54 =	vadd.f32 v4, v3;
	v3 =	vld [tilespmem:$0x1EE80];
	_ =	sdelay $0x1  }
0x5c8: {  	[tilespmem:$0x1EDC0] =	vst v56  }
0x5c9: {  	[tilespmem:$0x1EDB0] =	vst v32;
	v32 =	vmul.f32 v57, v32;
	v56 =	vmul.f32 v47, v56  }
0x5ca: {  	v7 =	vmul.f32 v53, v12;
	v4 =	vmul.f32 v49, v8  }
0x5cb: {  	v30 =	vadd.f32 v56, v32;
	v56 =	vadd.f32 v3, v1;
	v3 =	vld [tilespmem:$0x1EE90]  }
0x5cc: {  	v1 =	vadd.f32 v7, v4;
	v4 =	vld [tilespmem:$0x1EEA0];
	_ =	sdelay $0x3  }
0x5cd: {  	v6 =	vld [tilespmem:$0x1EEC0]  }
0x5ce: {  	[tilespmem:$0x1EDF0] =	vst v61;
	v61 =	vmul.f32 v55, v61;
	v8 =	vmul.f32 v55, v46;
	v55 =	vadd.f32 v4, v3;
	v3 =	vld [tilespmem:$0x1EEB0];
	_ =	sdelay $0x2  }
0x5cf: {  	[tilespmem:$0x1EE60] =	vst v9;
	v9 =	vmul.f32 v10, v9;
	_ =	sdelay $0x1  }
0x5d0: {  	v4 =	vadd.f32 v9, v8;
	v8 =	vadd.f32 v6, v3;
	v3 =	vld [tilespmem:$0x1EED0]  }
0x5d1: {  	v6 =	vld [tilespmem:$0x1EEE0];
	_ =	sdelay $0x4  }
0x5d2: {  	v7 =	vadd.f32 v6, v3;
	v3 =	vld [tilespmem:$0x1EEF0];
	_ =	sdelay $0x2  }
0x5d3: {  	[tilespmem:$0x1EE50] =	vst v12  }
0x5d4: {  	s14 =	simm.s32 $0xB9F0;
	[tilespmem:$0x1ED30] =	vst v31  }
0x5d5: {  	[tilespmem:s14+$0xFFFFFF00] =	vst v3  }
0x5d6: {  	v3 =	vld [tilespmem:$0x1EF00]  }
0x5d7: {  	v6 =	vld [tilespmem:$0x1EF10];
	_ =	sdelay $0x4  }
0x5d8: {  	v9 =	vadd.f32 v6, v3;
	v3 =	vld [tilespmem:$0x1EF20]  }
0x5d9: {  	v6 =	vld [tilespmem:$0x1EF30];
	_ =	sdelay $0x3  }
0x5da: {  	s15 =	simm.s32 $0x0  }
0x5db: {  	s16 =	sadd.s32 $0x40, s24;
	s9 =	simm.s32 $0xB9F0;
	s3 =	simm.s32 $0x30;
	v51 =	vadd.f32 v62, v61;
	v3 =	vadd.f32 v6, v3  }
.LBB2_30:
0x5dc: {  	v6 =	vld [tilespmem:$0x1EB90];
	_ =	sdelay $0x3  }
0x5dd: {  	v31 =	vld [tilespmem:$0x1FC10];
	v20 =	vadd.f32 v21, v20  }
0x5de: {  	v21 =	vadd.f32 v37, v22;
	v37 =	vadd.f32 v6, v44;
	v6 =	vld [tilespmem:$0x1EBA0];
	_ =	sdelay $0x3  }
0x5df: {  	v10 =	vld [tilespmem:$0x1EBC0]  }
0x5e0: {  	s10 =	sadd.s32 $0xFFFFFFF0, s3;
	s11 =	sadd.s32 $0xFFFFFFE0, s16;
	v22 =	vadd.f32 v39, v38;
	v38 =	vadd.f32 v6, v45;
	v6 =	vld [tilespmem:$0x1EBB0]  }
0x5e1: {  	v48 =	vadd.f32 v13, v11;
	v11 =	vld [tilespmem:$0x1EBE0];
	s10 =	sand.u32 $0x60, s10;
	s11 =	sand.u32 $0x7F00, s11  }
0x5e2: {  	v49 =	vadd.f32 v15, v14;
	v14 =	vld [tilespmem:$0x1EBF0];
	s10 =	sor.u32 s10, s11  }
0x5e3: {  	v12 =	vadd.f32 v34, v33;
	v33 =	vld.idx.msk [tilespmem:v31+s10+$0x2800 ss:$0x1], $0xffff  }
0x5e4: {  	v47 =	vadd.f32 v63, v2;
	v15 =	vld [tilespmem:$0x1EE50]  }
0x5e5: {  	v53 =	vadd.f32 v16, v18;
	v39 =	vadd.f32 v10, v6;
	v6 =	vld [tilespmem:$0x1EBD0]  }
0x5e6: {  	v23 =	vadd.f32 v24, v23;
	v1 =	vadd.f32 v4, v1;
	v4 =	vld [tilespmem:$0x1EE20]  }
0x5e7: {  	v24 =	vadd.f32 v27, v25;
	v16 =	vld [tilespmem:$0x1EC00];
	v17 =	vadd.f32 v17, v35  }
0x5e8: {  	v18 =	vld [tilespmem:$0x1EE60];
	v34 =	vadd.f32 v41, v40;
	v41 =	vbroadcast v33, $0x8;
	v2 =	vbroadcast v33, $0x9  }
0x5e9: {  	v35 =	vadd.f32 v43, v42;
	v42 =	vbroadcast v33, $0xA;
	v45 =	vbroadcast v33, $0xC;
	v10 =	vld [tilespmem:$0x1EE10]  }
0x5ea: {  	v43 =	vbroadcast v33, $0xD;
	v46 =	vbroadcast v33, $0xE;
	v40 =	vadd.f32 v5, v6;
	v6 =	vld [tilespmem:$0x1EB80]  }
0x5eb: {  	v25 =	vadd.f32 v28, v26;
	v44 =	vbroadcast v33, $0xF;
	v4 =	vmul.f32 v42, v4  }
0x5ec: {  	v13 =	vadd.f32 v56, v54;
	v14 =	vmul.f32 v45, v14;
	v15 =	vmul.f32 v43, v15  }
0x5ed: {  	s12 =	sand.u32 $0x70, s3;
	s13 =	sand.u32 $0x7F00, s16;
	v8 =	vadd.f32 v8, v55;
	v16 =	vmul.f32 v46, v16;
	v5 =	vbroadcast v33, $0xB  }
0x5ee: {  	v7 =	vadd.f32 v9, v7;
	v32 =	vld [tilespmem:$0x1EC30];
	s26 =	sor.u32 s12, s13;
	v18 =	vmul.f32 v44, v18;
	v10 =	vmul.f32 v2, v10  }
0x5ef: {  	v19 =	vadd.f32 v19, v36;
	v36 =	vld.idx.msk [tilespmem:v31+s26+$0x2800 ss:$0x1], $0xffff;
	v11 =	vmul.f32 v5, v11;
	v6 =	vmul.f32 v41, v6  }
0x5f0: {  	[tilespmem:s14+$0xFFFFFE60] =	vst v8;
	v31 =	vld [tilespmem:$0x1EC10];
	v8 =	vadd.f32 v15, v14;
	v9 =	vadd.f32 v18, v16  }
0x5f1: {  	v4 =	vadd.f32 v11, v4;
	v6 =	vadd.f32 v10, v6  }
0x5f2: {  	v26 =	vadd.f32 v30, v29;
	v3 =	vadd.f32 v12, v3;
	v28 =	vbroadcast v33, $0x0  }
0x5f3: {  	[tilespmem:s14+$0xFFFFFE50] =	vst v13;
	v29 =	vbroadcast v33, $0x1;
	v4 =	vadd.f32 v4, v6;
	v6 =	vadd.f32 v9, v8  }
0x5f4: {  	v0 =	vadd.f32 v0, v52;
	[tilespmem:s14+$0xFFFFFE80] =	vst v3;
	v3 =	vadd.f32 v19, v17  }
0x5f5: {  	[tilespmem:s14+$0xFFFFFE70] =	vst v7;
	v7 =	vmul.f32 v28, v31;
	v8 =	vmul.f32 v29, v32;
	v4 =	vadd.f32 v6, v4  }
0x5f6: {  	s14 =	sadd.s32 $0x200, s14;
	[tilespmem:s9+$0xFFFFFED0] =	vst v3;
	v6 =	vbroadcast v36, $0x8  }
0x5f7: {  	v1 =	vadd.f32 v1, v0;
	v0 =	vadd.f32 v8, v7;
	[tilespmem:s14+$0xFFFFFF00] =	vst v4  }
0x5f8: {  	v3 =	vadd.f32 v21, v20;
	[tilespmem:$0x1E970] =	vst v6  }
0x5f9: {  	v4 =	vadd.f32 v34, v22;
	[tilespmem:$0x1EA60] =	vst v0  }
0x5fa: {  	v6 =	vbroadcast v36, $0x9;
	[tilespmem:s9+$0xFFFFFEE0] =	vst v3  }
0x5fb: {  	v30 =	vbroadcast v33, $0x2;
	v59 =	vbroadcast v33, $0x3;
	v10 =	vld [tilespmem:$0x1ED10];
	v3 =	vadd.f32 v37, v35;
	[tilespmem:s9+$0xFFFFFEF0] =	vst v4  }
0x5fc: {  	v60 =	vbroadcast v33, $0x4;
	v34 =	vld [tilespmem:$0x1ED20];
	[tilespmem:$0x1E980] =	vst v6;
	v6 =	vbroadcast v36, $0xA  }
0x5fd: {  	v61 =	vbroadcast v33, $0x5;
	v55 =	vbroadcast v36, $0x0;
	v35 =	vld [tilespmem:$0x1EC50];
	v4 =	vadd.f32 v39, v38;
	[tilespmem:s9+$0xFFFFFF50] =	vst v3  }
0x5fe: {  	v57 =	vbroadcast v36, $0x1;
	v37 =	vld [tilespmem:$0x1EC70];
	[tilespmem:$0x1E990] =	vst v6;
	v6 =	vbroadcast v36, $0xB  }
0x5ff: {  	v56 =	vbroadcast v36, $0x2;
	v52 =	vbroadcast v36, $0x3;
	v39 =	vld [tilespmem:$0x1EC90];
	v3 =	vadd.f32 v47, v40;
	[tilespmem:s9+$0xFFFFFF60] =	vst v4  }
0x600: {  	v27 =	vadd.f32 v51, v50;
	v54 =	vbroadcast v36, $0x4;
	v40 =	vld [tilespmem:$0x1ECB0];
	[tilespmem:$0x1E9A0] =	vst v6;
	v6 =	vbroadcast v36, $0xC  }
0x601: {  	v50 =	vbroadcast v36, $0x5;
	v51 =	vbroadcast v36, $0x6;
	v38 =	vld [tilespmem:$0x1ED40];
	v4 =	vadd.f32 v49, v48;
	[tilespmem:s9+$0xFFFFFF70] =	vst v3  }
0x602: {  	v58 =	vbroadcast v36, $0xF;
	v47 =	vld [tilespmem:$0x1ECD0];
	[tilespmem:$0x1E9B0] =	vst v6;
	v6 =	vbroadcast v36, $0xD  }
0x603: {  	v48 =	vld [tilespmem:$0x1ECF0];
	[tilespmem:s9+$0xFFFFFF80] =	vst v4;
	v4 =	vadd.f32 v25, v24;
	v9 =	vmul.f32 v30, v35;
	v12 =	vmul.f32 v59, v37  }
0x604: {  	v18 =	vbroadcast v36, $0x7;
	v3 =	vadd.f32 v23, v53;
	[tilespmem:$0x1E9C0] =	vst v6;
	v6 =	vbroadcast v36, $0xE;
	v36 =	vld [tilespmem:$0x1ED30]  }
0x605: {  	v49 =	vld [tilespmem:$0x1ED50];
	v17 =	vmul.f32 v60, v39;
	[tilespmem:s9+$0xFFFFFFE0] =	vst v4;
	v4 =	vmul.f32 v61, v40;
	v0 =	vadd.f32 v12, v9  }
0x606: {  	v7 =	vmul.f32 v28, v10;
	v53 =	vld [tilespmem:$0x1ED60];
	[tilespmem:s9+$0xFFFFFFD0] =	vst v3  }
0x607: {  	v3 =	vadd.f32 v27, v26;
	[tilespmem:$0x1EA70] =	vst v0;
	v0 =	vadd.f32 v4, v17;
	v4 =	vmul.f32 v29, v34  }
0x608: {  	[tilespmem:s9+$0x0] =	vst v1;
	v63 =	vbroadcast v33, $0x6;
	v33 =	vbroadcast v33, $0x7  }
0x609: {  	v9 =	vmul.f32 v59, v38;
	[tilespmem:s9+$0xFFFFFFF0] =	vst v3;
	v1 =	vadd.f32 v4, v7;
	v8 =	vmul.f32 v30, v36  }
0x60a: {  	v19 =	vmul.f32 v63, v47;
	v3 =	vmul.f32 v33, v48;
	[tilespmem:$0x1E9D0] =	vst v6  }
0x60b: {  	v12 =	vmul.f32 v60, v49;
	v17 =	vmul.f32 v61, v53;
	[tilespmem:$0x1EAC0] =	vst v1;
	v1 =	vadd.f32 v9, v8  }
0x60c: {  	v62 =	vld [tilespmem:$0x1ED90];
	[tilespmem:$0x1EAA0] =	vst v0;
	v0 =	vadd.f32 v3, v19  }
0x60d: {  	v6 =	vld [tilespmem:$0x1ED80];
	[tilespmem:$0x1EAD0] =	vst v1;
	v1 =	vadd.f32 v17, v12  }
0x60e: {  	[tilespmem:$0x1EAB0] =	vst v0;
	v0 =	vld [tilespmem:$0x1ED70]  }
0x60f: {  	[tilespmem:$0x1EAE0] =	vst v1;
	v1 =	vld [tilespmem:$0x1EDA0];
	_ =	sdelay $0x3  }
0x610: {  	v20 =	vmul.f32 v33, v6;
	v19 =	vmul.f32 v63, v0  }
0x611: {  	v21 =	vmul.f32 v28, v62;
	v3 =	vld [tilespmem:$0x1EDB0];
	v12 =	vmul.f32 v29, v1  }
0x612: {  	v9 =	vld [tilespmem:$0x1EDF0];
	v4 =	vadd.f32 v20, v19  }
0x613: {  	v11 =	vadd.f32 v12, v21;
	v12 =	vld [tilespmem:$0x1EE00]  }
0x614: {  	[tilespmem:$0x1EAF0] =	vst v4;
	v4 =	vld [tilespmem:$0x1EDC0]  }
0x615: {  	v7 =	vld [tilespmem:$0x1EDD0]  }
0x616: {  	v8 =	vld [tilespmem:$0x1EDE0];
	_ =	sdelay $0x1  }
0x617: {  	v23 =	vmul.f32 v63, v9;
	v21 =	vmul.f32 v33, v12  }
0x618: {  	v17 =	vmul.f32 v30, v3;
	v19 =	vmul.f32 v59, v4  }
0x619: {  	v13 =	vadd.f32 v21, v23  }
0x61a: {  	v20 =	vmul.f32 v60, v7;
	v22 =	vmul.f32 v61, v8;
	[tilespmem:$0x1EB00] =	vst v11;
	v11 =	vadd.f32 v19, v17  }
0x61b: {  	[tilespmem:$0x1EB30] =	vst v13;
	v13 =	vld [tilespmem:$0x1EBE0]  }
0x61c: {  	[tilespmem:$0x1EB10] =	vst v11;
	v11 =	vadd.f32 v22, v20  }
0x61d: {  	v14 =	vld [tilespmem:$0x1EB80]  }
0x61e: {  	[tilespmem:$0x1EB20] =	vst v11;
	v11 =	vld [tilespmem:$0x1EE10];
	_ =	sdelay $0x1  }
0x61f: {  	v23 =	vmul.f32 v59, v13;
	v59 =	vld [tilespmem:$0x1EBF0];
	_ =	sdelay $0x2  }
0x620: {  	v15 =	vld [tilespmem:$0x1EE20];
	v24 =	vmul.f32 v28, v14;
	v22 =	vmul.f32 v29, v11;
	_ =	sdelay $0x1  }
0x621: {  	v17 =	vadd.f32 v22, v24;
	v26 =	vmul.f32 v60, v59;
	v60 =	vld [tilespmem:$0x1EE50]  }
0x622: {  	v16 =	vld [tilespmem:$0x1EC00]  }
0x623: {  	[tilespmem:$0x1EB40] =	vst v17;
	v17 =	vld [tilespmem:$0x1EE60]  }
0x624: {  	v25 =	vmul.f32 v30, v15;
	_ =	sdelay $0x1  }
0x625: {  	v19 =	vadd.f32 v23, v25;
	v27 =	vmul.f32 v61, v60;
	_ =	sdelay $0x1  }
0x626: {  	v28 =	vmul.f32 v63, v16;
	[tilespmem:$0x1EB50] =	vst v19;
	v24 =	vmul.f32 v33, v17;
	v19 =	vadd.f32 v27, v26;
	_ =	sdelay $0x1  }
0x627: {  	v26 =	vmul.f32 v42, v35;
	[tilespmem:$0x1EA90] =	vst v19;
	v19 =	vadd.f32 v24, v28;
	v24 =	vmul.f32 v5, v37  }
0x628: {  	v23 =	vmul.f32 v41, v31;
	v25 =	vmul.f32 v2, v32  }
0x629: {  	v27 =	vmul.f32 v45, v39;
	v28 =	vmul.f32 v43, v40;
	[tilespmem:$0x1E9E0] =	vst v19;
	v19 =	vadd.f32 v24, v26  }
0x62a: {  	v29 =	vmul.f32 v46, v47;
	v33 =	vadd.f32 v25, v23;
	v23 =	vmul.f32 v44, v48  }
0x62b: {  	v25 =	vmul.f32 v2, v34;
	v2 =	vmul.f32 v2, v1;
	[tilespmem:$0x1EA00] =	vst v19;
	v19 =	vadd.f32 v28, v27  }
0x62c: {  	v24 =	vmul.f32 v41, v10;
	v26 =	vmul.f32 v42, v36  }
0x62d: {  	v27 =	vmul.f32 v45, v49;
	[tilespmem:$0x1E9F0] =	vst v19;
	v19 =	vadd.f32 v23, v29;
	v23 =	vmul.f32 v5, v38  }
0x62e: {  	v28 =	vmul.f32 v43, v53;
	v20 =	vadd.f32 v25, v24;
	v24 =	vmul.f32 v44, v6  }
0x62f: {  	v25 =	vmul.f32 v42, v3;
	v29 =	vmul.f32 v46, v0;
	v21 =	vadd.f32 v23, v26  }
0x630: {  	v5 =	vmul.f32 v5, v4;
	v23 =	vmul.f32 v41, v62  }
0x631: {  	v29 =	vadd.f32 v24, v29;
	v24 =	vmul.f32 v45, v7;
	[tilespmem:$0x1EA20] =	vst v21;
	v21 =	vadd.f32 v28, v27  }
0x632: {  	v27 =	vmul.f32 v46, v9;
	v30 =	vadd.f32 v2, v23;
	v2 =	vmul.f32 v44, v12  }
0x633: {  	v45 =	vadd.f32 v5, v25;
	v5 =	vmul.f32 v55, v31;
	v23 =	vmul.f32 v57, v32  }
0x634: {  	v26 =	vmul.f32 v43, v8;
	v2 =	vadd.f32 v2, v27  }
0x635: {  	v5 =	vadd.f32 v23, v5  }
0x636: {  	v61 =	vadd.f32 v26, v24;
	v24 =	vmul.f32 v56, v35;
	[tilespmem:$0x1EA80] =	vst v2;
	v2 =	vmul.f32 v52, v37  }
0x637: {  	v27 =	vmul.f32 v51, v47;
	[tilespmem:$0x1EA50] =	vst v5;
	v5 =	vmul.f32 v18, v48  }
0x638: {  	v2 =	vadd.f32 v2, v24  }
0x639: {  	v25 =	vmul.f32 v54, v39;
	v5 =	vadd.f32 v5, v27  }
0x63a: {  	v23 =	vmul.f32 v57, v34;
	v24 =	vmul.f32 v56, v36;
	[tilespmem:$0x1EA10] =	vst v2  }
0x63b: {  	v2 =	vmul.f32 v55, v10;
	[tilespmem:$0x1EB90] =	vst v5;
	v5 =	vmul.f32 v52, v38  }
0x63c: {  	v26 =	vmul.f32 v50, v40;
	v27 =	vmul.f32 v51, v0  }
0x63d: {  	v46 =	vadd.f32 v23, v2;
	v2 =	vmul.f32 v18, v6;
	v5 =	vadd.f32 v5, v24  }
0x63e: {  	[tilespmem:$0x1EA40] =	vst v21;
	v21 =	vadd.f32 v26, v25;
	v25 =	vmul.f32 v54, v49;
	v26 =	vmul.f32 v50, v53  }
0x63f: {  	v23 =	vmul.f32 v57, v1;
	[tilespmem:$0x1EBA0] =	vst v5;
	v5 =	vmul.f32 v55, v62;
	v2 =	vadd.f32 v2, v27  }
0x640: {  	[tilespmem:$0x1EA30] =	vst v21;
	v21 =	vadd.f32 v26, v25  }
0x641: {  	v26 =	vmul.f32 v54, v7;
	v27 =	vmul.f32 v50, v8;
	[tilespmem:$0x1EBC0] =	vst v2;
	v2 =	vadd.f32 v23, v5  }
0x642: {  	v44 =	vmov v15  }
0x643: {  	[tilespmem:$0x1EBD0] =	vst v2;
	v2 =	vadd.f32 v27, v26;
	v26 =	vmul.f32 v56, v15;
	v15 =	vmul.f32 v50, v60;
	v50 =	vld [tilespmem:$0x1E970];
	_ =	sdelay $0x2  }
0x644: {  	v28 =	vmul.f32 v51, v9;
	v23 =	vmul.f32 v18, v12;
	_ =	sdelay $0x1  }
0x645: {  	v63 =	vadd.f32 v23, v28;
	v23 =	vmul.f32 v50, v31;
	v31 =	vld [tilespmem:$0x1E980]  }
0x646: {  	v25 =	vmul.f32 v52, v4;
	v24 =	vmul.f32 v56, v3;
	_ =	sdelay $0x1  }
0x647: {  	v5 =	vadd.f32 v25, v24;
	v24 =	vmul.f32 v55, v14;
	v25 =	vmul.f32 v57, v11;
	_ =	sdelay $0x1  }
0x648: {  	[tilespmem:$0x1EBB0] =	vst v21;
	v21 =	vmov v11;
	v11 =	vadd.f32 v25, v24;
	v24 =	vmul.f32 v31, v32;
	v32 =	vld [tilespmem:$0x1E990];
	_ =	sdelay $0x1  }
0x649: {  	v22 =	vmov v13;
	v13 =	vmul.f32 v52, v13;
	v52 =	vld [tilespmem:$0x1E9C0]  }
0x64a: {  	v57 =	vld [tilespmem:$0x1E9B0]  }
0x64b: {  	v43 =	vmov v14;
	v14 =	vmul.f32 v54, v59;
	v54 =	vld [tilespmem:$0x1E9D0]  }
0x64c: {  	v25 =	vmul.f32 v32, v35;
	v35 =	vmov v33;
	v33 =	vld [tilespmem:$0x1E9A0]  }
0x64d: {  	v42 =	vmovc v60;
	v18 =	vmul.f32 v18, v17;
	v60 =	vmov v16;
	v16 =	vmul.f32 v51, v16  }
0x64e: {  	v27 =	vmul.f32 v52, v40;
	v13 =	vadd.f32 v13, v26  }
0x64f: {  	v14 =	vadd.f32 v15, v14;
	v15 =	vadd.f32 v18, v16;
	v26 =	vmul.f32 v57, v39  }
0x650: {  	v28 =	vmul.f32 v54, v47;
	v18 =	vadd.f32 v24, v23;
	v24 =	vmul.f32 v58, v48  }
0x651: {  	v23 =	vadd.f32 v27, v26;
	v26 =	vmul.f32 v31, v34;
	v16 =	vmul.f32 v33, v37  }
0x652: {  	v24 =	vadd.f32 v24, v28;
	v37 =	vmovc v29;
	v28 =	vmul.f32 v33, v38;
	v29 =	vmul.f32 v57, v49  }
0x653: {  	v38 =	vmovc v30;
	v30 =	vmul.f32 v52, v53;
	v16 =	vadd.f32 v16, v25;
	v25 =	vmul.f32 v50, v10  }
0x654: {  	v10 =	vmov v31  }
0x655: {  	v47 =	vmovc v32;
	v25 =	vadd.f32 v26, v25;
	v26 =	vadd.f32 v30, v29;
	v29 =	vmul.f32 v10, v1;
	v1 =	vld [tilespmem:$0x1EA60]  }
0x656: {  	v30 =	vmul.f32 v47, v3;
	v3 =	vld [tilespmem:$0x1EA70];
	_ =	sdelay $0x3  }
0x657: {  	v40 =	vmovc v61;
	v39 =	vmov v45;
	v55 =	vmul.f32 v57, v7;
	v61 =	vmul.f32 v54, v60  }
0x658: {  	v45 =	vmovc v57;
	v57 =	vmul.f32 v54, v9;
	v31 =	vmul.f32 v54, v0;
	v54 =	vadd.f32 v3, v1;
	v1 =	vld [tilespmem:$0x1EAA0]  }
0x659: {  	v27 =	vmul.f32 v32, v36;
	v53 =	vmul.f32 v58, v6;
	v3 =	vld [tilespmem:$0x1EAB0];
	_ =	sdelay $0x1  }
0x65a: {  	v27 =	vadd.f32 v28, v27;
	v28 =	vadd.f32 v53, v31;
	v31 =	vmul.f32 v33, v4  }
0x65b: {  	v56 =	vmul.f32 v52, v8  }
0x65c: {  	v0 =	vmul.f32 v50, v62;
	v4 =	vld [tilespmem:$0x1EAD0];
	v30 =	vadd.f32 v31, v30  }
0x65d: {  	v31 =	vmul.f32 v50, v43;
	v50 =	vadd.f32 v56, v55;
	v56 =	vadd.f32 v3, v1;
	v3 =	vld [tilespmem:$0x1EAC0];
	_ =	sdelay $0x3  }
0x65e: {  	v6 =	vld [tilespmem:$0x1EAF0]  }
0x65f: {  	v55 =	vadd.f32 v4, v3;
	v3 =	vld [tilespmem:$0x1EAE0];
	_ =	sdelay $0x4  }
0x660: {  	v8 =	vadd.f32 v6, v3;
	v3 =	vld [tilespmem:$0x1EB00]  }
0x661: {  	v6 =	vld [tilespmem:$0x1EB10];
	_ =	sdelay $0x3  }
0x662: {  	v41 =	vmov v17;
	v17 =	vld [tilespmem:$0x1EA00]  }
0x663: {  	v7 =	vadd.f32 v6, v3;
	v3 =	vld [tilespmem:$0x1EB20]  }
0x664: {  	v6 =	vld [tilespmem:$0x1EB30]  }
0x665: {  	v34 =	vld [tilespmem:$0x1E9E0]  }
0x666: {  	v36 =	vld [tilespmem:$0x1E9F0]  }
0x667: {  	v49 =	vmul.f32 v52, v42;
	v42 =	vld [tilespmem:$0x1EA50]  }
0x668: {  	v32 =	vmul.f32 v10, v21;
	v21 =	vld [tilespmem:$0x1EA20]  }
0x669: {  	s15 =	sadd.s32 $0x2, s15;
	v9 =	vadd.f32 v6, v3;
	v3 =	vld [tilespmem:$0x1EB40]  }
0x66a: {  	p0 =	slt.u32 s15, $0x3E;
	v29 =	vadd.f32 v29, v0;
	v0 =	vmul.f32 v58, v12;
	v6 =	vld [tilespmem:$0x1EB50]  }
.Ltmp16:
0x66b: {  	v48 =	vmov v33;
	v33 =	vmul.f32 v47, v44;
	v44 =	vld [tilespmem:$0x1EA30];
	(pc) =	sbr.rel @p0 .LBB2_30-.Ltmp16, $4  }
0x66c: {  	v43 =	vld [tilespmem:$0x1EA10];
	v51 =	vadd.f32 v0, v57;
	v0 =	vmul.f32 v48, v22;
	v48 =	vmul.f32 v45, v59  }
0x66d: {  	v22 =	vld [tilespmem:$0x1EA40];
	v52 =	vadd.f32 v32, v31;
	v31 =	vmul.f32 v58, v41  }
0x66e: {  	v41 =	vld [tilespmem:$0x1EA80];
	v0 =	vadd.f32 v0, v33;
	v1 =	vadd.f32 v49, v48  }
0x66f: {  	s16 =	sadd.s32 $0x40, s16;
	s3 =	sadd.s32 $0x20, s3;
	s9 =	smov.u32 s14;
	v45 =	vmov v46;
	v33 =	vld [tilespmem:$0x1EA90];
	v4 =	vadd.f32 v31, v61;
	v3 =	vadd.f32 v6, v3  }
0x670: {  	v17 =	vadd.f32 v17, v35;
	v19 =	vadd.f32 v19, v36  }
0x671: {  	v20 =	vadd.f32 v21, v20;
	v57 =	vadd.f32 v39, v38  }
0x672: {  	v7 =	vadd.f32 v9, v7;
	v46 =	vadd.f32 v15, v14  }
0x673: {  	v6 =	vld [tilespmem:$0x1EB90];
	v48 =	vadd.f32 v16, v18;
	v0 =	vadd.f32 v0, v52  }
0x674: {  	v61 =	vld [tilespmem:$0x1EBB0];
	v32 =	vadd.f32 v43, v42;
	v43 =	vadd.f32 v8, v55  }
0x675: {  	v10 =	vld [tilespmem:$0x1EBC0];
	v1 =	vadd.f32 v4, v1;
	v53 =	vadd.f32 v37, v22  }
0x676: {  	v59 =	vld [tilespmem:$0x1EBA0];
	v31 =	vadd.f32 v41, v40;
	v40 =	vadd.f32 v56, v54  }
0x677: {  	v41 =	vld [tilespmem:$0x1EBD0];
	[tilespmem:s14+$0xFFFFFE60] =	vst v43;
	v0 =	vadd.f32 v1, v0;
	v12 =	vadd.f32 v34, v33  }
0x678: {  	[tilespmem:s14+$0xFFFFFE70] =	vst v7;
	v49 =	vadd.f32 v53, v20;
	v53 =	vadd.f32 v24, v23  }
0x679: {  	v55 =	vadd.f32 v27, v25;
	[tilespmem:s14+$0xFFFFFE50] =	vst v40;
	v3 =	vadd.f32 v12, v3  }
0x67a: {  	v62 =	vadd.f32 v10, v61;
	[tilespmem:s9+$0x0] =	vst v0;
	v61 =	vadd.f32 v53, v48  }
0x67b: {  	v47 =	vadd.f32 v19, v17;
	v58 =	vadd.f32 v6, v44;
	[tilespmem:s14+$0xFFFFFE80] =	vst v3  }
0x67c: {  	v60 =	vadd.f32 v59, v45;
	v44 =	vadd.f32 v63, v2;
	[tilespmem:s9+$0xFFFFFFD0] =	vst v61  }
0x67d: {  	v45 =	vadd.f32 v13, v11;
	v54 =	vadd.f32 v31, v57;
	[tilespmem:s9+$0xFFFFFED0] =	vst v47  }
0x67e: {  	v57 =	vadd.f32 v28, v26;
	v56 =	vadd.f32 v58, v32;
	[tilespmem:s9+$0xFFFFFEE0] =	vst v49  }
0x67f: {  	v59 =	vadd.f32 v30, v29;
	v58 =	vadd.f32 v62, v60;
	[tilespmem:s9+$0xFFFFFEF0] =	vst v54  }
0x680: {  	v60 =	vadd.f32 v51, v50;
	v62 =	vadd.f32 v57, v55;
	[tilespmem:s9+$0xFFFFFF50] =	vst v56  }
0x681: {  	v42 =	vadd.f32 v5, v41;
	v5 =	vadd.f32 v46, v45;
	[tilespmem:s9+$0xFFFFFF60] =	vst v58  }
0x682: {  	v63 =	vadd.f32 v60, v59;
	[tilespmem:s9+$0xFFFFFFE0] =	vst v62  }
0x683: {  	v2 =	vadd.f32 v44, v42;
	[tilespmem:s9+$0xFFFFFF80] =	vst v5  }
0x684: {  	s3 =	sshrl.u32 s28, $0x2;
	[tilespmem:s9+$0xFFFFFFF0] =	vst v63  }
0x685: {  	s3 =	sadd.s32 s23, s3;
	[tilespmem:s9+$0xFFFFFF70] =	vst v2  }
0x686: {  	[tilespmem:s5], [sflag:$0x2] =	stream.indirect.gather.add.f32 [hbm:s1], $0x80, s3, s31, $0xb8;
	[tilespmem:$0xFC00] =	vst v63  }
0x687: {  	s24 =	sadd.s32 $0xA00, s3  }
0x688: {  	[tilespmem:s5], [sflag:$0x2] =	stream.indirect.gather.add.f32 [hbm:s1], $0x80, s24, s31, $0xb8;
	[tilespmem:$0xFC00] =	vst v63  }
0x689: {  	s26 =	sadd.s32 $0x1400, s3  }
0x68a: {  	[tilespmem:s5], [sflag:$0x2] =	stream.indirect.gather.add.f32 [hbm:s1], $0x80, s26, s31, $0xb8;
	[tilespmem:$0xFC00] =	vst v63  }
0x68b: {  	s3 =	sadd.s32 $0x1E00, s3  }
0x68c: {  	[tilespmem:s5], [sflag:$0x2] =	stream.indirect.gather.add.f32 [hbm:s1], $0x80, s3, s31, $0xb8;
	[tilespmem:$0xFC00] =	vst v63  }
0x68d: {  	_ =	swait.ge [sflag:s0], $0x4000  }
0x68e: {  	[sflag:s0] =	ssyncset.done $0x0  }
0x68f: {  	[sflag:s0] =	ssyncadd.s32 $0xFFFFC000  }
0x690: {  	_ =	swait.ge [sflag:s0], $0x4000  }
0x691: {  	[sflag:s0] =	ssyncset.done $0x0  }
0x692: {  	[sflag:s0] =	ssyncadd.s32 $0xFFFFC000  }
0x693: {  	s20 =	sadd.s32 $0x1, s20;
	_ =	swait.ge [sflag:s0], $0x4000  }
0x694: {  	s28 =	sadd.s32 s18, s25;
	p0 =	sne.s32 s20, $0x19;
	[sflag:s0] =	ssyncset.done $0x0  }
.Ltmp17:
0x695: {  	s3 =	sshll.u32 s28, $0xE;
	[sflag:s0] =	ssyncadd.s32 $0xFFFFC000;
	(pc) =	sbr.rel @p0 .LBB2_10-.Ltmp17, $4  }
.Ltmp18:
0x696: {  	s3 =	sadd.s32 $0xFFFFC000, s3;
	_ =	swait.ge [sflag:s0], $0x4000;
	(pc) =	sbr.rel @!p0 .LBB2_32-.Ltmp18, $4  }
0x697: {  	s19 =	sadd.s32 $0x1000, s19;
	s3 =	sshrl.u32 s3, $0x3;
	[sflag:s0] =	ssyncset.done $0x0  }
0x698: {  	s29 =	sadd.s32 $0x2, s29;
	s3 =	sadd.s32 s6, s3;
	[sflag:s0] =	ssyncadd.s32 $0xFFFFC000  }
0x699: {  	[hbm4b:s3+s7] =	stream.linear.scatter [tilespmem:s4], [sflag:$0x3], $0x4000, $0x38;
	[tilespmem:$0xFC00] =	vst v63  }
0x69a: {  	_ = 	snop  }
.LBB2_22:
.Ltmp19:
0x69b: {  	(pc) =	sbr.rel .LBB2_23-.Ltmp19, $2  }
0x69c: {  	_ =	sdelay $0x2  }
0x69d: {  	p0 =	por $0x1, $0x1  }
.LBB2_33:
0x69e: {  	_ =	sfence.sel $0x180000  }
0x69f: {  	[bflag:$0x0] =	sbarrier.arrive $0xFFFF  }
0x6a0: {  	_ =	strace $0x90000047  }
0x6a1: {  	s0 =	stileid.u32;
	[bflag:$0x2] =	sbarrier.arrive $0xFFFF  }
0x6a2: {  	p0 =	sne.s32 s0, $0x0;
	s0 =	rddreg [dreg:$0x5]  }
0x6a3: {  	s0 =	sadd.s32 @!p0 $0x100000, s0  }
0x6a4: {  	[sflag:s0] =	ssyncadd.tile.s32 @!p0 $0x1;
	_ =	shalt  }
.Lfunc_end2:
_tile_overlayer_lowered:
.L_overlay_start_2:
0x6a5: {  	(tag) =	ssettag $0x2  }
0x6a6: {  	s0 =	rddreg [dreg:$0x0];
	s2 =	stileid.u32  }
0x6a7: {  	s1 =	rddreg [dreg:$0x1];
	p0 =	sne.s32 s2, $0x0  }
0x6a8: {  	s3 =	rddreg [dreg:$0x2];
	[bflag:$0x3] =	sbarrier.arrive $0xFFFF;
	s2 =	simm.s32 @!p0 $0x1C05  }
0x6a9: {  	[timem:s3], [sflag:s2] =	dma.local @!p0 [hbm:s0], s1  }
0x6aa: {  	s0 =	simm.s32 @!p0 $0x5  }
0x6ab: {  	_ =	swait.ge @!p0 [sflag:s0], s1  }
0x6ac: {  	s1 =	ssub.s32 @!p0 $0x0, s1;
	[sflag:s0] =	ssyncset.done @!p0 $0x0  }
0x6ad: {  	[sflag:s0] =	ssyncadd.s32 @!p0 s1  }
0x6ae: {  	[bflag:$0x3] =	sbarrier.arrive $0xFFFF  }
0x6af: {  	_ =	shalt  }

</sc_bundles>
